<compile_context>
chip_gen: v7x
topology: tpu7x:2x2x1
jax: 0.10.2.dev20260603
libtpu: 0.0.44.dev20260713+nightly
codegen_flags: <defaults>
</compile_context>

<pallas_src>
import functools

import jax
import jax.numpy as jnp
from jax import lax
from jax.experimental import pallas as pl
from jax.experimental.pallas import tpu as pltpu
from jax.experimental.pallas import tpu_sc as plsc

G = 8
N = 1024
NK = 20
T = G * N
E = NK * T
EPS = 1e-5
F32 = jnp.float32
I32 = jnp.int32
INT_MAX = 0x7FFFFFFF
HI = lax.Precision.HIGHEST


def _sortable_key(d2):
    b = lax.bitcast_convert_type(d2, I32)
    return b ^ lax.shift_right_arithmetic(b, 31) & INT_MAX


def _bn_apply(x, m, s, gg, tt):
    return (x - m) / s * gg + tt


def _ksel_body(hg_ref, hTr_ref, idx_ref):
    g = pl.program_id(0)
    hg = hg_ref[0]
    hTr = hTr_ref[0]
    sqg = jnp.sum(hg * hg, axis=1, keepdims=True)
    sqr = jnp.sum(hTr * hTr, axis=0, keepdims=True)
    d2 = sqg + sqr - 2.0 * jnp.dot(hg, hTr, preferred_element_type=F32)
    R = d2.shape[1]
    key = _sortable_key(d2)
    iota = lax.broadcasted_iota(I32, (N, R), 0)
    base = g * N
    for k in range(NK):
        m = jnp.min(key, axis=0, keepdims=True)
        idxv = jnp.min(jnp.where(key == m, iota, N), axis=0, keepdims=True)
        idx_ref[k] = idxv[0] + base
        key = jnp.where(iota == idxv, INT_MAX, key)


def _ksel_call(h3d, hT3d, R):
    D = h3d.shape[-1]
    return pl.pallas_call(
        _ksel_body,
        grid=(G, N // R),
        in_specs=[
            pl.BlockSpec((1, N, D), lambda g, t: (g, 0, 0)),
            pl.BlockSpec((1, D, R), lambda g, t: (g, 0, t)),
        ],
        out_specs=pl.BlockSpec((NK, R), lambda g, t: (0, g * (N // R) + t)),
        out_shape=jax.ShapeDtypeStruct((NK, T), I32),
    )(h3d, hT3d)


def _k3_body(xj_ref, xr_ref, w1_ref, b1_ref, r1_ref, st_ref):
    xi = xr_ref[:, :6]
    s_sum = jnp.zeros((1, 64), F32)
    for k in range(NK):
        e = jnp.concatenate([xi, xj_ref[k][:, :6] - xi], axis=1)
        u = jnp.maximum(
            jnp.dot(e, w1_ref[...], preferred_element_type=F32) + b1_ref[...], 0.0)
        r1_ref[k] = u
        s_sum = s_sum + jnp.sum(u, axis=0, keepdims=True)

    @pl.when(pl.program_id(0) == 0)
    def _():
        st_ref[...] = jnp.zeros_like(st_ref)

    st_ref[...] += s_sum


def _k3_call(xj, x16, w1, b1, R):
    return pl.pallas_call(
        _k3_body,
        grid=(T // R,),
        in_specs=[
            pl.BlockSpec((NK, R, 128), lambda i: (0, i, 0)),
            pl.BlockSpec((R, 16), lambda i: (i, 0)),
            pl.BlockSpec((12, 64), lambda i: (0, 0)),
            pl.BlockSpec((1, 64), lambda i: (0, 0)),
        ],
        out_specs=[
            pl.BlockSpec((NK, R, 64), lambda i: (0, i, 0)),
            pl.BlockSpec((1, 64), lambda i: (0, 0)),
        ],
        out_shape=[
            jax.ShapeDtypeStruct((NK, T, 64), F32),
            jax.ShapeDtypeStruct((1, 64), F32),
        ],
    )(xj, x16, w1, b1)


def _kv_body(r_ref, m_ref, acc_ref):
    c = r_ref[...] - m_ref[...]

    @pl.when(pl.program_id(0) == 0)
    def _():
        acc_ref[...] = jnp.zeros_like(acc_ref)

    acc_ref[...] += jnp.sum(c * c, axis=0, keepdims=True)


def _kv_call(r_flat, m, Re):
    C = r_flat.shape[-1]
    return pl.pallas_call(
        _kv_body,
        grid=(E // Re,),
        in_specs=[
            pl.BlockSpec((Re, C), lambda i: (i, 0)),
            pl.BlockSpec((1, C), lambda i: (0, 0)),
        ],
        out_specs=pl.BlockSpec((1, C), lambda i: (0, 0)),
        out_shape=jax.ShapeDtypeStruct((1, C), F32),
    )(r_flat, m)


def _k4_body(r1_ref, m_ref, s_ref, g_ref, t_ref, w_ref, b_ref, r2_ref, st_ref):
    y = _bn_apply(r1_ref[...], m_ref[...], s_ref[...], g_ref[...], t_ref[...])
    u = jnp.maximum(jnp.dot(y, w_ref[...], preferred_element_type=F32)
                    + b_ref[...], 0.0)
    r2_ref[...] = u

    @pl.when(pl.program_id(0) == 0)
    def _():
        st_ref[...] = jnp.zeros_like(st_ref)

    st_ref[...] += jnp.sum(u, axis=0, keepdims=True)


def _k4_call(r1_flat, m, s, gg, tt, w, b, Re):
    small = [pl.BlockSpec((1, 64), lambda i: (0, 0))] * 4
    return pl.pallas_call(
        _k4_body,
        grid=(E // Re,),
        in_specs=[pl.BlockSpec((Re, 64), lambda i: (i, 0))] + small + [
            pl.BlockSpec((64, 64), lambda i: (0, 0)),
            pl.BlockSpec((1, 64), lambda i: (0, 0)),
        ],
        out_specs=[
            pl.BlockSpec((Re, 64), lambda i: (i, 0)),
            pl.BlockSpec((1, 64), lambda i: (0, 0)),
        ],
        out_shape=[
            jax.ShapeDtypeStruct((E, 64), F32),
            jax.ShapeDtypeStruct((1, 64), F32),
        ],
    )(r1_flat, m, s, gg, tt, w, b)


def _k5_body(r2_ref, m_ref, s_ref, g_ref, t_ref, w_ref, b_ref,
             r3_ref, mx_ref, mn_ref, st_ref):
    s_sum = jnp.zeros((1, 64), F32)
    mx = None
    for k in range(NK):
        y = _bn_apply(r2_ref[k], m_ref[...], s_ref[...], g_ref[...], t_ref[...])
        u = jnp.maximum(jnp.dot(y, w_ref[...], preferred_element_type=F32)
                        + b_ref[...], 0.0)
        r3_ref[k] = u
        s_sum = s_sum + jnp.sum(u, axis=0, keepdims=True)
        if mx is None:
            mx, mn = u, u
        else:
            mx = jnp.maximum(mx, u)
            mn = jnp.minimum(mn, u)
    mx_ref[...] = mx
    mn_ref[...] = mn

    @pl.when(pl.program_id(0) == 0)
    def _():
        st_ref[...] = jnp.zeros_like(st_ref)

    st_ref[...] += s_sum


def _k5_call(r2, m, s, gg, tt, w, b, R):
    small = [pl.BlockSpec((1, 64), lambda i: (0, 0))] * 4
    return pl.pallas_call(
        _k5_body,
        grid=(T // R,),
        in_specs=[pl.BlockSpec((NK, R, 64), lambda i: (0, i, 0))] + small + [
            pl.BlockSpec((64, 64), lambda i: (0, 0)),
            pl.BlockSpec((1, 64), lambda i: (0, 0)),
        ],
        out_specs=[
            pl.BlockSpec((NK, R, 64), lambda i: (0, i, 0)),
            pl.BlockSpec((R, 64), lambda i: (i, 0)),
            pl.BlockSpec((R, 64), lambda i: (i, 0)),
            pl.BlockSpec((1, 64), lambda i: (0, 0)),
        ],
        out_shape=[
            jax.ShapeDtypeStruct((NK, T, 64), F32),
            jax.ShapeDtypeStruct((T, 64), F32),
            jax.ShapeDtypeStruct((T, 64), F32),
            jax.ShapeDtypeStruct((1, 64), F32),
        ],
    )(r2, m, s, gg, tt, w, b)


def _kp_body(x_ref, w11, b11, g11, t11, w12, b12, g12, t12,
             w21, b21, g21, t21, w22, b22, g22, t22, p1_ref, p2_ref):
    x3 = x_ref[:, :3]

    def block(h, w, b, gg, tt):
        u = jnp.dot(h, w[...], preferred_element_type=F32) + b[...]
        m = jnp.mean(u, axis=0, keepdims=True)
        c = u - m
        v = jnp.mean(c * c, axis=0, keepdims=True)
        return jnp.maximum(c / jnp.sqrt(v + EPS) * gg[...] + tt[...], 0.0)

    h = block(x3, w11, b11, g11, t11)
    p1_ref[...] = block(h, w12, b12, g12, t12)
    h = block(x3, w21, b21, g21, t21)
    p2_ref[...] = block(h, w22, b22, g22, t22)


def _kp_call(x16, pos1, pos2):
    args = [x16]
    for (w, b, gg, tt) in list(pos1) + list(pos2):
        args += [w, b.reshape(1, -1), gg.reshape(1, -1), tt.reshape(1, -1)]
    return pl.pallas_call(
        _kp_body,
        out_shape=[
            jax.ShapeDtypeStruct((T, 64), F32),
            jax.ShapeDtypeStruct((T, 256), F32),
        ],
    )(*args)


def _k6_body(mx_ref, mn_ref, pos1_ref, m_ref, s_ref, g_ref, t_ref,
             sw1, sb1, sw2, sb2, h_ref):
    sel = g_ref[...] >= 0.0
    r = jnp.where(sel, mx_ref[...], mn_ref[...])
    conv = _bn_apply(r, m_ref[...], s_ref[...], g_ref[...], t_ref[...])
    h = conv + pos1_ref[...]
    h3 = h.reshape(G, N, 64)
    avg = jnp.mean(h3, axis=1)
    a = jnp.maximum(jnp.dot(avg, sw1[...], preferred_element_type=F32) + sb1[...], 0.0)
    attn = jax.nn.sigmoid(jnp.dot(a, sw2[...], preferred_element_type=F32) + sb2[...])
    h_ref[...] = (h3 * attn[:, None, :]).reshape(T, 64)


def _k6_call(mx, mn, pos1, m, s, gg, tt, se1):
    sw1, sb1, sw2, sb2 = se1
    return pl.pallas_call(
        _k6_body,
        out_shape=jax.ShapeDtypeStruct((T, 64), F32),
    )(mx, mn, pos1, m, s, gg, tt, sw1, sb1.reshape(1, -1), sw2, sb2.reshape(1, -1))


_SC_CH = 512


def _sc_gather(table, idx_flat):
    info = plsc.get_sparse_core_info()
    nw = info.num_cores * info.num_subcores
    bpw = E // nw
    mesh = plsc.VectorSubcoreMesh(core_axis_name="c", subcore_axis_name="s")

    @functools.partial(
        pl.kernel,
        out_type=jax.ShapeDtypeStruct((E, 128), F32),
        mesh=mesh,
        scratch_types=[
            pltpu.VMEM((bpw,), I32),
            pltpu.VMEM((_SC_CH, 128), F32),
            pltpu.SemaphoreType.DMA,
        ],
    )
    def k8(tab_hbm, idx_hbm, out_hbm, idx_v, rows_v, sem):
        wid = lax.axis_index("s") * info.num_cores + lax.axis_index("c")
        base = wid * bpw
        pltpu.sync_copy(idx_hbm.at[pl.ds(base, bpw)], idx_v)

        def chunk(c, carry):
            pltpu.async_copy(
                tab_hbm.at[idx_v.at[pl.ds(c * _SC_CH, _SC_CH)]], rows_v, sem
            ).wait()
            pltpu.sync_copy(rows_v, out_hbm.at[pl.ds(base + c * _SC_CH, _SC_CH)])
            return carry

        lax.fori_loop(0, bpw // _SC_CH, chunk, 0)

    return k8(table, idx_flat)


def _k9_body(hj_ref, h_ref, w_ref, b_ref, mx_ref, mn_ref, st_ref):
    hi = h_ref[:, :64]
    s_sum = jnp.zeros((1, 256), F32)
    s_sq = jnp.zeros((1, 256), F32)
    mx = None
    for k in range(NK):
        e = jnp.concatenate([hi, hj_ref[k][:, :64] - hi], axis=1)
        t = jnp.maximum(jnp.dot(e, w_ref[...], preferred_element_type=F32)
                        + b_ref[...], 0.0)
        s_sum = s_sum + jnp.sum(t, axis=0, keepdims=True)
        s_sq = s_sq + jnp.sum(t * t, axis=0, keepdims=True)
        if mx is None:
            mx, mn = t, t
        else:
            mx = jnp.maximum(mx, t)
            mn = jnp.minimum(mn, t)
    mx_ref[...] = mx
    mn_ref[...] = mn

    @pl.when(pl.program_id(0) == 0)
    def _():
        st_ref[...] = jnp.zeros_like(st_ref)

    st_ref[...] += jnp.concatenate([s_sum, s_sq], axis=0)


def _k9_call(hj, h128, w, b, R):
    return pl.pallas_call(
        _k9_body,
        grid=(T // R,),
        in_specs=[
            pl.BlockSpec((NK, R, 128), lambda i: (0, i, 0)),
            pl.BlockSpec((R, 128), lambda i: (i, 0)),
            pl.BlockSpec((128, 256), lambda i: (0, 0)),
            pl.BlockSpec((1, 256), lambda i: (0, 0)),
        ],
        out_specs=[
            pl.BlockSpec((R, 256), lambda i: (i, 0)),
            pl.BlockSpec((R, 256), lambda i: (i, 0)),
            pl.BlockSpec((2, 256), lambda i: (0, 0)),
        ],
        out_shape=[
            jax.ShapeDtypeStruct((T, 256), F32),
            jax.ShapeDtypeStruct((T, 256), F32),
            jax.ShapeDtypeStruct((2, 256), F32),
        ],
    )(hj, h128, w, b)


def _k10_body(mx_ref, mn_ref, pos2_ref, m_ref, s_ref, g_ref, t_ref,
              sw1, sb1, sw2, sb2, g_out_ref):
    sel = g_ref[...] >= 0.0
    r = jnp.where(sel, mx_ref[...], mn_ref[...])
    h = _bn_apply(r, m_ref[...], s_ref[...], g_ref[...], t_ref[...]) + pos2_ref[...]
    h3 = h.reshape(G, N, 256)
    avg = jnp.mean(h3, axis=1)
    a = jnp.maximum(jnp.dot(avg, sw1[...], preferred_element_type=F32) + sb1[...], 0.0)
    attn = jax.nn.sigmoid(jnp.dot(a, sw2[...], preferred_element_type=F32) + sb2[...])
    g_out_ref[...] = jnp.max(h3 * attn[:, None, :], axis=1)


def _k10_call(mx, mn, pos2, m, s, gg, tt, se2):
    sw1, sb1, sw2, sb2 = se2
    return pl.pallas_call(
        _k10_body,
        out_shape=jax.ShapeDtypeStruct((G, 256), F32),
    )(mx, mn, pos2, m, s, gg, tt, sw1, sb1.reshape(1, -1), sw2, sb2.reshape(1, -1))


def _k11_body(g1_ref, g2_ref, w_ref, b_ref, gg_ref, tt_ref, wo_ref, bo_ref, o_ref):
    d = g2_ref[...] - g1_ref[...]
    u = jnp.maximum(jnp.dot(d, w_ref[...], preferred_element_type=F32) + b_ref[...], 0.0)
    m = jnp.mean(u, axis=0, keepdims=True)
    c = u - m
    v = jnp.mean(c * c, axis=0, keepdims=True)
    hb = c / jnp.sqrt(v + EPS) * gg_ref[...] + tt_ref[...]
    o = jnp.dot(hb, wo_ref[...], preferred_element_type=F32) + bo_ref[...]
    mo = jnp.max(o, axis=1, keepdims=True)
    z = o - mo
    o_ref[...] = z - jnp.log(jnp.sum(jnp.exp(z), axis=1, keepdims=True))


def _k11_call(g1, g2, l1, lout):
    w, b, gg, tt = l1
    wo, bo = lout
    return pl.pallas_call(
        _k11_body,
        out_shape=jax.ShapeDtypeStruct((G, 5), F32),
    )(g1, g2, w, b.reshape(1, -1), gg.reshape(1, -1), tt.reshape(1, -1),
      wo, bo.reshape(1, -1))


def _bn_ms(st, count):
    m = st[0:1] / count
    v = st[1:2] / count - m * m
    return m, jnp.sqrt(v + EPS)


def _bn_ms2(st, ssd, count):
    m = st[0:1] / count
    return m, jnp.sqrt(ssd / count + EPS)


def _branch_fast(xf, p):
    x16 = jnp.pad(xf, ((0, 0), (0, 10)))
    x3d = x16.reshape(G, N, 16)
    xT3d = jnp.transpose(x3d, (0, 2, 1))

    pos1, pos2 = _kp_call(x16, p['pos1'], p['pos2'])

    (w1, b1, g1, t1), (w2, b2, g2, t2), (w3, b3, g3, t3) = p['conv1']
    idx1 = _ksel_call(x3d, xT3d, 512)
    x128 = jnp.pad(x16, ((0, 0), (0, 112)))
    xj = _sc_gather(x128, idx1.reshape(E))
    r1, st1 = _k3_call(xj.reshape(NK, T, 128), x16, w1, b1.reshape(1, -1), 512)

    r1_flat = r1.reshape(E, 64)
    m1 = st1 / float(E)
    s1 = jnp.sqrt(_kv_call(r1_flat, m1, 4096) / float(E) + EPS)
    r2_flat, st2 = _k4_call(r1_flat, m1, s1, g1.reshape(1, -1),
                            t1.reshape(1, -1), w2, b2.reshape(1, -1), 4096)

    m2 = st2 / float(E)
    s2 = jnp.sqrt(_kv_call(r2_flat, m2, 4096) / float(E) + EPS)
    r3, mx3, mn3, st3 = _k5_call(r2_flat.reshape(NK, T, 64), m2, s2,
                                 g2.reshape(1, -1), t2.reshape(1, -1), w3,
                                 b3.reshape(1, -1), 512)

    m3 = st3 / float(E)
    s3 = jnp.sqrt(_kv_call(r3.reshape(E, 64), m3, 4096) / float(E) + EPS)
    h = _k6_call(mx3, mn3, pos1, m3, s3, g3.reshape(1, -1), t3.reshape(1, -1),
                 p['se1'])

    h3d = h.reshape(G, N, 64)
    hT3d = jnp.transpose(h3d, (0, 2, 1))
    idx2 = _ksel_call(h3d, hT3d, 512)

    h128 = jnp.pad(h, ((0, 0), (0, 64)))
    hj = _sc_gather(h128, idx2.reshape(E))

    (w2c, b2c, g2c, t2c), = p['conv2']
    mx2, mn2, st4 = _k9_call(hj.reshape(NK, T, 128), h128, w2c,
                             b2c.reshape(1, -1), 512)

    m4, s4 = _bn_ms(st4, float(E))
    return _k10_call(mx2, mn2, pos2, m4, s4, g2c.reshape(1, -1),
                     t2c.reshape(1, -1), p['se2'])


def kernel(x, x2, batch, batch2, y, params):
    del batch, batch2, y
    gA = _branch_fast(x, params)
    gB = _branch_fast(x2, params)
    return _k11_call(gA, gB, params['mlp2_l1'], params['mlp2_out'])

# --- scband reference (transcript-rebuilt; emitter-appended) ---
"""Pipeline reference for scband-net-gca-9096740733111 (READ-ONLY COPY).

The authoritative reference and input builder live on the scoring server;
editing this copy changes nothing except your own understanding.
"""

import jax, jax.numpy as jnp
import numpy as np

B, N, K = 8, 1024, 20
NUM_CLASS = 5


def _lin(x, W, b):
    return x @ W + b


def _bn(x, g, bt):
    axes = tuple(range(x.ndim - 1))
    m = jnp.mean(x, axis=axes, keepdims=True)
    v = jnp.var(x, axis=axes, keepdims=True)
    return (x - m) / jnp.sqrt(v + 1e-5) * g + bt


def _mlp(x, layers):
    # torch_geometric MLP: Linear -> ReLU -> BatchNorm per layer
    for (W, b, g, bt) in layers:
        x = _bn(jax.nn.relu(_lin(x, W, b)), g, bt)
    return x


def _pos(x, layers):
    # pos blocks: Linear -> BatchNorm -> ReLU
    for (W, b, g, bt) in layers:
        x = jax.nn.relu(_bn(_lin(x, W, b), g, bt))
    return x


def _dyn_edge_conv(x, layers):
    # x: [B, N, d]; dynamic kNN graph in feature space, EdgeConv with max aggr
    sq = jnp.sum(x * x, axis=-1)
    d2 = sq[:, :, None] + sq[:, None, :] - 2.0 * jnp.einsum('bnd,bmd->bnm', x, x)
    _, idx = jax.lax.top_k(-d2, K)  # [B, N, K] nearest neighbors (incl. self)
    xj = jax.vmap(lambda xb, ib: xb[ib])(x, idx)  # gather: [B, N, K, d]
    xi = jnp.broadcast_to(x[:, :, None, :], xj.shape)
    e = jnp.concatenate([xi, xj - xi], axis=-1)
    return jnp.max(_mlp(e, layers), axis=2)


def _se(x, p):
    W1, b1, W2, b2 = p
    avg = jnp.mean(x, axis=1)  # global_mean_pool per graph
    attn = jax.nn.sigmoid(_lin(jax.nn.relu(_lin(avg, W1, b1)), W2, b2))
    return x * attn[:, None, :]


def _branch(x, params):
    pos1 = _pos(x[..., :3], params['pos1'])
    h = _dyn_edge_conv(x, params['conv1']) + pos1
    h = _se(h, params['se1'])
    pos2 = _pos(x[..., :3], params['pos2'])
    h2 = _dyn_edge_conv(h, params['conv2']) + pos2
    h2 = _se(h2, params['se2'])
    return h2


def _make_params(key):
    def lin(k, i, o):
        kw, _ = jax.random.split(k)
        return (jax.random.normal(kw, (i, o), jnp.float32) * (1.0 / np.sqrt(i)), jnp.zeros((o,), jnp.float32))

    def layer(k, i, o):
        W, b = lin(k, i, o)
        return (W, b, jnp.ones((o,), jnp.float32), jnp.zeros((o,), jnp.float32))

    ks = jax.random.split(key, 16)
    return {
        'conv1': [layer(ks[0], 12, 64), layer(ks[1], 64, 64), layer(ks[2], 64, 64)],
        'conv2': [layer(ks[3], 128, 256)],
        'se1': lin(ks[4], 64, 16) + lin(ks[5], 16, 64),
        'se2': lin(ks[6], 256, 64) + lin(ks[7], 64, 256),
        'pos1': [layer(ks[8], 3, 32), layer(ks[9], 32, 64)],
        'pos2': [layer(ks[10], 3, 128), layer(ks[11], 128, 256)],
        'mlp2_l1': layer(ks[12], 256, 64),
        'mlp2_out': lin(ks[13], 64, NUM_CLASS),
    }


def setup_inputs(seed: int = 0):
    key = jax.random.key(seed)
    k1, k2, k3, kp = jax.random.split(key, 4)
    x = jax.random.normal(k1, (B * N, 6), jnp.float32)
    x2 = jax.random.normal(k2, (B * N, 6), jnp.float32)
    batch = jnp.repeat(jnp.arange(B, dtype=jnp.int32), N)
    batch2 = jnp.repeat(jnp.arange(B, dtype=jnp.int32), N)
    y = jax.random.randint(k3, (B,), 0, NUM_CLASS, jnp.int32)
    params = _make_params(kp)
    return {'x': x, 'x2': x2, 'batch': batch, 'batch2': batch2, 'y': y, 'params': params}


def reference(x, x2, batch, batch2, y, params):
    Bn = y.shape[0]
    xa = x.reshape(Bn, -1, 6)
    xb = x2.reshape(Bn, -1, 6)
    h1 = _branch(xa, params)
    h2 = _branch(xb, params)
    g1 = jnp.max(h1, axis=1)  # global_max_pool
    g2 = jnp.max(h2, axis=1)
    d = g2 - g1
    h = _mlp(d, [params['mlp2_l1']])
    out = _lin(h, *params['mlp2_out'])
    return jax.nn.log_softmax(out, axis=-1)

if __name__ == "__main__":
    import jax
    _d = setup_inputs()
    print(jax.jit(kernel)(*tuple(_d.values())))

</pallas_src>

<mosaic_0001>
#map = affine_map<(d0, d1) -> (0, 0)>
#map1 = affine_map<(d0, d1) -> (0)>
module attributes {stable_mosaic.version = 14 : i64} {
  func.func @k8(%arg0: i32, %arg1: i32, %arg2: memref<8192x128xf32, #tpu.memory_space<hbm>>, %arg3: memref<163840xi32, #tpu.memory_space<hbm>>, %arg4: memref<163840x128xf32, #tpu.memory_space<hbm>>, %arg5: memref<5120xi32, #tpu.memory_space<vmem>>, %arg6: memref<512x128xf32, #tpu.memory_space<vmem>>, %arg7: memref<!tpu.dma_semaphore, #tpu.memory_space<semaphore_mem>>) attributes {dimension_semantics = [#tpu.dimension_semantics<core_parallel>, #tpu.dimension_semantics<subcore_parallel>], iteration_bounds = array<i64: 2, 16>, scalar_prefetch = 0 : i64, scratch_operands = 3 : i64, tpu.core_type = #tpu.core_type<sc_vector_subcore>, window_params = [{transform_indices = #map}, {transform_indices = #map1}, {transform_indices = #map}]} {
    %mul3A = arith.constant 2 : i32
    %mul3A_0 = arith.muli %arg1, %mul3A : i32
    %add3A = arith.addi %mul3A_0, %arg0 : i32
    %mul3A_1 = arith.constant 5120 : i32
    %mul3A_2 = arith.muli %add3A, %mul3A_1 : i32
    "tpu.region"() ({
      %run_scoped3A = tpu.sem_alloc : memref<!tpu.dma_semaphore, #tpu.memory_space<semaphore_mem>>
      %dma_start3A = tpu.memref_slice %arg3[%mul3A_2] : memref<163840xi32, #tpu.memory_space<hbm>> -> memref<5120xi32, #tpu.memory_space<hbm>>
      %dma_start3A_8 = tpu.memref_slice %arg3[%mul3A_2] : memref<163840xi32, #tpu.memory_space<hbm>> -> memref<5120xi32, #tpu.memory_space<hbm>>
      tpu.enqueue_dma source(%dma_start3A_8 : memref<5120xi32, #tpu.memory_space<hbm>>) target(%arg5 : memref<5120xi32, #tpu.memory_space<vmem>>) target_semaphore(%run_scoped3A : memref<!tpu.dma_semaphore, #tpu.memory_space<semaphore_mem>>)
      %dma_wait3A = tpu.memref_slice %arg3[%mul3A_2] : memref<163840xi32, #tpu.memory_space<hbm>> -> memref<5120xi32, #tpu.memory_space<hbm>>
      %dma_wait3A_9 = tpu.memref_slice %arg3[%mul3A_2] : memref<163840xi32, #tpu.memory_space<hbm>> -> memref<5120xi32, #tpu.memory_space<hbm>>
      tpu.wait_dma2 semaphore(%run_scoped3A : memref<!tpu.dma_semaphore, #tpu.memory_space<semaphore_mem>>) src(%dma_wait3A_9 : memref<5120xi32, #tpu.memory_space<hbm>>) dst(%arg5 : memref<5120xi32, #tpu.memory_space<vmem>>)
      tpu.yield
    }) : () -> ()
    %scan3A = arith.constant 0 : i32
    %scan3A_3 = arith.constant 0 : i32
    %scan3A_4 = arith.constant 10 : i32
    %scan3A_5 = arith.addi %scan3A_3, %scan3A_4 : i32
    %scan3A_6 = arith.constant 1 : i32
    scf.for %scan3A_8 = %scan3A_3 to %scan3A_5 step %scan3A_6  : i32 {
      %mul3A_9 = arith.constant 512 : i32
      %mul3A_10 = arith.muli %scan3A_8, %mul3A_9 : i32
      %dma_start3A = tpu.memref_slice %arg5[%mul3A_10] : memref<5120xi32, #tpu.memory_space<vmem>> -> memref<512xi32, #tpu.memory_space<vmem>>
      %dma_start3A_11 = arith.constant 0 : i32
      %dma_start3A_12 = arith.constant 0 : i32
      %dma_start3A_13 = tpu.memref_slice %arg2[%dma_start3A_11, %dma_start3A_12] : memref<8192x128xf32, #tpu.memory_space<hbm>> -> memref<8192x128xf32, #tpu.memory_space<hbm>>
      tpu.enqueue_indirect_dma source(%dma_start3A_13 : memref<8192x128xf32, #tpu.memory_space<hbm>>) target(%arg6 : memref<512x128xf32, #tpu.memory_space<vmem>>) offsets(%dma_start3A : memref<512xi32, #tpu.memory_space<vmem>>) semaphore(%arg7 : memref<!tpu.dma_semaphore, #tpu.memory_space<semaphore_mem>>)
      %dma_wait3A = tpu.memref_slice %arg5[%mul3A_10] : memref<5120xi32, #tpu.memory_space<vmem>> -> memref<512xi32, #tpu.memory_space<vmem>>
      %dma_wait3A_14 = arith.constant 0 : i32
      %dma_wait3A_15 = arith.constant 0 : i32
      %dma_wait3A_16 = tpu.memref_slice %arg2[%dma_wait3A_14, %dma_wait3A_15] : memref<8192x128xf32, #tpu.memory_space<hbm>> -> memref<8192x128xf32, #tpu.memory_space<hbm>>
      tpu.wait_indirect_dma semaphore(%arg7 : memref<!tpu.dma_semaphore, #tpu.memory_space<semaphore_mem>>) src(%dma_wait3A_16 : memref<8192x128xf32, #tpu.memory_space<hbm>>) dst(%arg6 : memref<512x128xf32, #tpu.memory_space<vmem>>)
      %mul3A_17 = arith.constant 512 : i32
      %mul3A_18 = arith.muli %scan3A_8, %mul3A_17 : i32
      %add3A_19 = arith.addi %mul3A_2, %mul3A_18 : i32
      "tpu.region"() ({
        %run_scoped3A = tpu.sem_alloc : memref<!tpu.dma_semaphore, #tpu.memory_space<semaphore_mem>>
        %dma_start3A_20 = arith.constant 0 : i32
        %dma_start3A_21 = tpu.memref_slice %arg4[%add3A_19, %dma_start3A_20] : memref<163840x128xf32, #tpu.memory_space<hbm>> -> memref<512x128xf32, #tpu.memory_space<hbm>>
        %dma_start3A_22 = arith.constant 0 : i32
        %dma_start3A_23 = tpu.memref_slice %arg4[%add3A_19, %dma_start3A_22] : memref<163840x128xf32, #tpu.memory_space<hbm>> -> memref<512x128xf32, #tpu.memory_space<hbm>>
        tpu.enqueue_dma source(%arg6 : memref<512x128xf32, #tpu.memory_space<vmem>>) target(%dma_start3A_23 : memref<512x128xf32, #tpu.memory_space<hbm>>) target_semaphore(%run_scoped3A : memref<!tpu.dma_semaphore, #tpu.memory_space<semaphore_mem>>)
        %dma_wait3A_24 = arith.constant 0 : i32
        %dma_wait3A_25 = tpu.memref_slice %arg4[%add3A_19, %dma_wait3A_24] : memref<163840x128xf32, #tpu.memory_space<hbm>> -> memref<512x128xf32, #tpu.memory_space<hbm>>
        %dma_wait3A_26 = arith.constant 0 : i32
        %dma_wait3A_27 = tpu.memref_slice %arg4[%add3A_19, %dma_wait3A_26] : memref<163840x128xf32, #tpu.memory_space<hbm>> -> memref<512x128xf32, #tpu.memory_space<hbm>>
        tpu.wait_dma2 semaphore(%run_scoped3A : memref<!tpu.dma_semaphore, #tpu.memory_space<semaphore_mem>>) src(%arg6 : memref<512x128xf32, #tpu.memory_space<vmem>>) dst(%dma_wait3A_27 : memref<512x128xf32, #tpu.memory_space<hbm>>)
        tpu.yield
      }) : () -> ()
    }
    %scan3A_7 = arith.constant 10 : i32
    return
  }
}

#map = affine_map<(d0, d1) -> (0, 0)>
#map1 = affine_map<(d0, d1) -> (0)>
module attributes {stable_mosaic.version = 14 : i64} {
  func.func @k8(%arg0: i32, %arg1: i32, %arg2: memref<8192x128xf32, #tpu.memory_space<hbm>>, %arg3: memref<163840xi32, #tpu.memory_space<hbm>>, %arg4: memref<163840x128xf32, #tpu.memory_space<hbm>>, %arg5: memref<5120xi32, #tpu.memory_space<vmem>>, %arg6: memref<512x128xf32, #tpu.memory_space<vmem>>, %arg7: memref<!tpu.dma_semaphore, #tpu.memory_space<semaphore_mem>>) attributes {dimension_semantics = [#tpu.dimension_semantics<core_parallel>, #tpu.dimension_semantics<subcore_parallel>], iteration_bounds = array<i64: 2, 16>, scalar_prefetch = 0 : i64, scratch_operands = 3 : i64, tpu.core_type = #tpu.core_type<sc_vector_subcore>, window_params = [{transform_indices = #map}, {transform_indices = #map1}, {transform_indices = #map}]} {
    %mul3A = arith.constant 2 : i32
    %mul3A_0 = arith.muli %arg1, %mul3A : i32
    %add3A = arith.addi %mul3A_0, %arg0 : i32
    %mul3A_1 = arith.constant 5120 : i32
    %mul3A_2 = arith.muli %add3A, %mul3A_1 : i32
    "tpu.region"() ({
      %run_scoped3A = tpu.sem_alloc : memref<!tpu.dma_semaphore, #tpu.memory_space<semaphore_mem>>
      %dma_start3A = tpu.memref_slice %arg3[%mul3A_2] : memref<163840xi32, #tpu.memory_space<hbm>> -> memref<5120xi32, #tpu.memory_space<hbm>>
      %dma_start3A_8 = tpu.memref_slice %arg3[%mul3A_2] : memref<163840xi32, #tpu.memory_space<hbm>> -> memref<5120xi32, #tpu.memory_space<hbm>>
      tpu.enqueue_dma source(%dma_start3A_8 : memref<5120xi32, #tpu.memory_space<hbm>>) target(%arg5 : memref<5120xi32, #tpu.memory_space<vmem>>) target_semaphore(%run_scoped3A : memref<!tpu.dma_semaphore, #tpu.memory_space<semaphore_mem>>)
      %dma_wait3A = tpu.memref_slice %arg3[%mul3A_2] : memref<163840xi32, #tpu.memory_space<hbm>> -> memref<5120xi32, #tpu.memory_space<hbm>>
      %dma_wait3A_9 = tpu.memref_slice %arg3[%mul3A_2] : memref<163840xi32, #tpu.memory_space<hbm>> -> memref<5120xi32, #tpu.memory_space<hbm>>
      tpu.wait_dma2 semaphore(%run_scoped3A : memref<!tpu.dma_semaphore, #tpu.memory_space<semaphore_mem>>) src(%dma_wait3A_9 : memref<5120xi32, #tpu.memory_space<hbm>>) dst(%arg5 : memref<5120xi32, #tpu.memory_space<vmem>>)
      tpu.yield
    }) : () -> ()
    %scan3A = arith.constant 0 : i32
    %scan3A_3 = arith.constant 0 : i32
    %scan3A_4 = arith.constant 10 : i32
    %scan3A_5 = arith.addi %scan3A_3, %scan3A_4 : i32
    %scan3A_6 = arith.constant 1 : i32
    scf.for %scan3A_8 = %scan3A_3 to %scan3A_5 step %scan3A_6  : i32 {
      %mul3A_9 = arith.constant 512 : i32
      %mul3A_10 = arith.muli %scan3A_8, %mul3A_9 : i32
      %dma_start3A = tpu.memref_slice %arg5[%mul3A_10] : memref<5120xi32, #tpu.memory_space<vmem>> -> memref<512xi32, #tpu.memory_space<vmem>>
      %dma_start3A_11 = arith.constant 0 : i32
      %dma_start3A_12 = arith.constant 0 : i32
      %dma_start3A_13 = tpu.memref_slice %arg2[%dma_start3A_11, %dma_start3A_12] : memref<8192x128xf32, #tpu.memory_space<hbm>> -> memref<8192x128xf32, #tpu.memory_space<hbm>>
      tpu.enqueue_indirect_dma source(%dma_start3A_13 : memref<8192x128xf32, #tpu.memory_space<hbm>>) target(%arg6 : memref<512x128xf32, #tpu.memory_space<vmem>>) offsets(%dma_start3A : memref<512xi32, #tpu.memory_space<vmem>>) semaphore(%arg7 : memref<!tpu.dma_semaphore, #tpu.memory_space<semaphore_mem>>)
      %dma_wait3A = tpu.memref_slice %arg5[%mul3A_10] : memref<5120xi32, #tpu.memory_space<vmem>> -> memref<512xi32, #tpu.memory_space<vmem>>
      %dma_wait3A_14 = arith.constant 0 : i32
      %dma_wait3A_15 = arith.constant 0 : i32
      %dma_wait3A_16 = tpu.memref_slice %arg2[%dma_wait3A_14, %dma_wait3A_15] : memref<8192x128xf32, #tpu.memory_space<hbm>> -> memref<8192x128xf32, #tpu.memory_space<hbm>>
      tpu.wait_indirect_dma semaphore(%arg7 : memref<!tpu.dma_semaphore, #tpu.memory_space<semaphore_mem>>) src(%dma_wait3A_16 : memref<8192x128xf32, #tpu.memory_space<hbm>>) dst(%arg6 : memref<512x128xf32, #tpu.memory_space<vmem>>)
      %mul3A_17 = arith.constant 512 : i32
      %mul3A_18 = arith.muli %scan3A_8, %mul3A_17 : i32
      %add3A_19 = arith.addi %mul3A_2, %mul3A_18 : i32
      "tpu.region"() ({
        %run_scoped3A = tpu.sem_alloc : memref<!tpu.dma_semaphore, #tpu.memory_space<semaphore_mem>>
        %dma_start3A_20 = arith.constant 0 : i32
        %dma_start3A_21 = tpu.memref_slice %arg4[%add3A_19, %dma_start3A_20] : memref<163840x128xf32, #tpu.memory_space<hbm>> -> memref<512x128xf32, #tpu.memory_space<hbm>>
        %dma_start3A_22 = arith.constant 0 : i32
        %dma_start3A_23 = tpu.memref_slice %arg4[%add3A_19, %dma_start3A_22] : memref<163840x128xf32, #tpu.memory_space<hbm>> -> memref<512x128xf32, #tpu.memory_space<hbm>>
        tpu.enqueue_dma source(%arg6 : memref<512x128xf32, #tpu.memory_space<vmem>>) target(%dma_start3A_23 : memref<512x128xf32, #tpu.memory_space<hbm>>) target_semaphore(%run_scoped3A : memref<!tpu.dma_semaphore, #tpu.memory_space<semaphore_mem>>)
        %dma_wait3A_24 = arith.constant 0 : i32
        %dma_wait3A_25 = tpu.memref_slice %arg4[%add3A_19, %dma_wait3A_24] : memref<163840x128xf32, #tpu.memory_space<hbm>> -> memref<512x128xf32, #tpu.memory_space<hbm>>
        %dma_wait3A_26 = arith.constant 0 : i32
        %dma_wait3A_27 = tpu.memref_slice %arg4[%add3A_19, %dma_wait3A_26] : memref<163840x128xf32, #tpu.memory_space<hbm>> -> memref<512x128xf32, #tpu.memory_space<hbm>>
        tpu.wait_dma2 semaphore(%run_scoped3A : memref<!tpu.dma_semaphore, #tpu.memory_space<semaphore_mem>>) src(%arg6 : memref<512x128xf32, #tpu.memory_space<vmem>>) dst(%dma_wait3A_27 : memref<512x128xf32, #tpu.memory_space<hbm>>)
        tpu.yield
      }) : () -> ()
    }
    %scan3A_7 = arith.constant 10 : i32
    return
  }
}

#map = affine_map<(d0, d1) -> (0, 0)>
#map1 = affine_map<(d0, d1) -> (0)>
module attributes {stable_mosaic.version = 14 : i64} {
  func.func @k8(%arg0: i32, %arg1: i32, %arg2: memref<8192x128xf32, #tpu.memory_space<hbm>>, %arg3: memref<163840xi32, #tpu.memory_space<hbm>>, %arg4: memref<163840x128xf32, #tpu.memory_space<hbm>>, %arg5: memref<5120xi32, #tpu.memory_space<vmem>>, %arg6: memref<512x128xf32, #tpu.memory_space<vmem>>, %arg7: memref<!tpu.dma_semaphore, #tpu.memory_space<semaphore_mem>>) attributes {dimension_semantics = [#tpu.dimension_semantics<core_parallel>, #tpu.dimension_semantics<subcore_parallel>], iteration_bounds = array<i64: 2, 16>, scalar_prefetch = 0 : i64, scratch_operands = 3 : i64, tpu.core_type = #tpu.core_type<sc_vector_subcore>, window_params = [{transform_indices = #map}, {transform_indices = #map1}, {transform_indices = #map}]} {
    %mul3A = arith.constant 2 : i32
    %mul3A_0 = arith.muli %arg1, %mul3A : i32
    %add3A = arith.addi %mul3A_0, %arg0 : i32
    %mul3A_1 = arith.constant 5120 : i32
    %mul3A_2 = arith.muli %add3A, %mul3A_1 : i32
    "tpu.region"() ({
      %run_scoped3A = tpu.sem_alloc : memref<!tpu.dma_semaphore, #tpu.memory_space<semaphore_mem>>
      %dma_start3A = tpu.memref_slice %arg3[%mul3A_2] : memref<163840xi32, #tpu.memory_space<hbm>> -> memref<5120xi32, #tpu.memory_space<hbm>>
      %dma_start3A_8 = tpu.memref_slice %arg3[%mul3A_2] : memref<163840xi32, #tpu.memory_space<hbm>> -> memref<5120xi32, #tpu.memory_space<hbm>>
      tpu.enqueue_dma source(%dma_start3A_8 : memref<5120xi32, #tpu.memory_space<hbm>>) target(%arg5 : memref<5120xi32, #tpu.memory_space<vmem>>) target_semaphore(%run_scoped3A : memref<!tpu.dma_semaphore, #tpu.memory_space<semaphore_mem>>)
      %dma_wait3A = tpu.memref_slice %arg3[%mul3A_2] : memref<163840xi32, #tpu.memory_space<hbm>> -> memref<5120xi32, #tpu.memory_space<hbm>>
      %dma_wait3A_9 = tpu.memref_slice %arg3[%mul3A_2] : memref<163840xi32, #tpu.memory_space<hbm>> -> memref<5120xi32, #tpu.memory_space<hbm>>
      tpu.wait_dma2 semaphore(%run_scoped3A : memref<!tpu.dma_semaphore, #tpu.memory_space<semaphore_mem>>) src(%dma_wait3A_9 : memref<5120xi32, #tpu.memory_space<hbm>>) dst(%arg5 : memref<5120xi32, #tpu.memory_space<vmem>>)
      tpu.yield
    }) : () -> ()
    %scan3A = arith.constant 0 : i32
    %scan3A_3 = arith.constant 0 : i32
    %scan3A_4 = arith.constant 10 : i32
    %scan3A_5 = arith.addi %scan3A_3, %scan3A_4 : i32
    %scan3A_6 = arith.constant 1 : i32
    scf.for %scan3A_8 = %scan3A_3 to %scan3A_5 step %scan3A_6  : i32 {
      %mul3A_9 = arith.constant 512 : i32
      %mul3A_10 = arith.muli %scan3A_8, %mul3A_9 : i32
      %dma_start3A = tpu.memref_slice %arg5[%mul3A_10] : memref<5120xi32, #tpu.memory_space<vmem>> -> memref<512xi32, #tpu.memory_space<vmem>>
      %dma_start3A_11 = arith.constant 0 : i32
      %dma_start3A_12 = arith.constant 0 : i32
      %dma_start3A_13 = tpu.memref_slice %arg2[%dma_start3A_11, %dma_start3A_12] : memref<8192x128xf32, #tpu.memory_space<hbm>> -> memref<8192x128xf32, #tpu.memory_space<hbm>>
      tpu.enqueue_indirect_dma source(%dma_start3A_13 : memref<8192x128xf32, #tpu.memory_space<hbm>>) target(%arg6 : memref<512x128xf32, #tpu.memory_space<vmem>>) offsets(%dma_start3A : memref<512xi32, #tpu.memory_space<vmem>>) semaphore(%arg7 : memref<!tpu.dma_semaphore, #tpu.memory_space<semaphore_mem>>)
      %dma_wait3A = tpu.memref_slice %arg5[%mul3A_10] : memref<5120xi32, #tpu.memory_space<vmem>> -> memref<512xi32, #tpu.memory_space<vmem>>
      %dma_wait3A_14 = arith.constant 0 : i32
      %dma_wait3A_15 = arith.constant 0 : i32
      %dma_wait3A_16 = tpu.memref_slice %arg2[%dma_wait3A_14, %dma_wait3A_15] : memref<8192x128xf32, #tpu.memory_space<hbm>> -> memref<8192x128xf32, #tpu.memory_space<hbm>>
      tpu.wait_indirect_dma semaphore(%arg7 : memref<!tpu.dma_semaphore, #tpu.memory_space<semaphore_mem>>) src(%dma_wait3A_16 : memref<8192x128xf32, #tpu.memory_space<hbm>>) dst(%arg6 : memref<512x128xf32, #tpu.memory_space<vmem>>)
      %mul3A_17 = arith.constant 512 : i32
      %mul3A_18 = arith.muli %scan3A_8, %mul3A_17 : i32
      %add3A_19 = arith.addi %mul3A_2, %mul3A_18 : i32
      "tpu.region"() ({
        %run_scoped3A = tpu.sem_alloc : memref<!tpu.dma_semaphore, #tpu.memory_space<semaphore_mem>>
        %dma_start3A_20 = arith.constant 0 : i32
        %dma_start3A_21 = tpu.memref_slice %arg4[%add3A_19, %dma_start3A_20] : memref<163840x128xf32, #tpu.memory_space<hbm>> -> memref<512x128xf32, #tpu.memory_space<hbm>>
        %dma_start3A_22 = arith.constant 0 : i32
        %dma_start3A_23 = tpu.memref_slice %arg4[%add3A_19, %dma_start3A_22] : memref<163840x128xf32, #tpu.memory_space<hbm>> -> memref<512x128xf32, #tpu.memory_space<hbm>>
        tpu.enqueue_dma source(%arg6 : memref<512x128xf32, #tpu.memory_space<vmem>>) target(%dma_start3A_23 : memref<512x128xf32, #tpu.memory_space<hbm>>) target_semaphore(%run_scoped3A : memref<!tpu.dma_semaphore, #tpu.memory_space<semaphore_mem>>)
        %dma_wait3A_24 = arith.constant 0 : i32
        %dma_wait3A_25 = tpu.memref_slice %arg4[%add3A_19, %dma_wait3A_24] : memref<163840x128xf32, #tpu.memory_space<hbm>> -> memref<512x128xf32, #tpu.memory_space<hbm>>
        %dma_wait3A_26 = arith.constant 0 : i32
        %dma_wait3A_27 = tpu.memref_slice %arg4[%add3A_19, %dma_wait3A_26] : memref<163840x128xf32, #tpu.memory_space<hbm>> -> memref<512x128xf32, #tpu.memory_space<hbm>>
        tpu.wait_dma2 semaphore(%run_scoped3A : memref<!tpu.dma_semaphore, #tpu.memory_space<semaphore_mem>>) src(%arg6 : memref<512x128xf32, #tpu.memory_space<vmem>>) dst(%dma_wait3A_27 : memref<512x128xf32, #tpu.memory_space<hbm>>)
        tpu.yield
      }) : () -> ()
    }
    %scan3A_7 = arith.constant 10 : i32
    return
  }
}

#map = affine_map<(d0, d1) -> (0, 0)>
#map1 = affine_map<(d0, d1) -> (0)>
module attributes {stable_mosaic.version = 14 : i64} {
  func.func @k8(%arg0: i32, %arg1: i32, %arg2: memref<8192x128xf32, #tpu.memory_space<hbm>>, %arg3: memref<163840xi32, #tpu.memory_space<hbm>>, %arg4: memref<163840x128xf32, #tpu.memory_space<hbm>>, %arg5: memref<5120xi32, #tpu.memory_space<vmem>>, %arg6: memref<512x128xf32, #tpu.memory_space<vmem>>, %arg7: memref<!tpu.dma_semaphore, #tpu.memory_space<semaphore_mem>>) attributes {dimension_semantics = [#tpu.dimension_semantics<core_parallel>, #tpu.dimension_semantics<subcore_parallel>], iteration_bounds = array<i64: 2, 16>, scalar_prefetch = 0 : i64, scratch_operands = 3 : i64, tpu.core_type = #tpu.core_type<sc_vector_subcore>, window_params = [{transform_indices = #map}, {transform_indices = #map1}, {transform_indices = #map}]} {
    %mul3A = arith.constant 2 : i32
    %mul3A_0 = arith.muli %arg1, %mul3A : i32
    %add3A = arith.addi %mul3A_0, %arg0 : i32
    %mul3A_1 = arith.constant 5120 : i32
    %mul3A_2 = arith.muli %add3A, %mul3A_1 : i32
    "tpu.region"() ({
      %run_scoped3A = tpu.sem_alloc : memref<!tpu.dma_semaphore, #tpu.memory_space<semaphore_mem>>
      %dma_start3A = tpu.memref_slice %arg3[%mul3A_2] : memref<163840xi32, #tpu.memory_space<hbm>> -> memref<5120xi32, #tpu.memory_space<hbm>>
      %dma_start3A_8 = tpu.memref_slice %arg3[%mul3A_2] : memref<163840xi32, #tpu.memory_space<hbm>> -> memref<5120xi32, #tpu.memory_space<hbm>>
      tpu.enqueue_dma source(%dma_start3A_8 : memref<5120xi32, #tpu.memory_space<hbm>>) target(%arg5 : memref<5120xi32, #tpu.memory_space<vmem>>) target_semaphore(%run_scoped3A : memref<!tpu.dma_semaphore, #tpu.memory_space<semaphore_mem>>)
      %dma_wait3A = tpu.memref_slice %arg3[%mul3A_2] : memref<163840xi32, #tpu.memory_space<hbm>> -> memref<5120xi32, #tpu.memory_space<hbm>>
      %dma_wait3A_9 = tpu.memref_slice %arg3[%mul3A_2] : memref<163840xi32, #tpu.memory_space<hbm>> -> memref<5120xi32, #tpu.memory_space<hbm>>
      tpu.wait_dma2 semaphore(%run_scoped3A : memref<!tpu.dma_semaphore, #tpu.memory_space<semaphore_mem>>) src(%dma_wait3A_9 : memref<5120xi32, #tpu.memory_space<hbm>>) dst(%arg5 : memref<5120xi32, #tpu.memory_space<vmem>>)
      tpu.yield
    }) : () -> ()
    %scan3A = arith.constant 0 : i32
    %scan3A_3 = arith.constant 0 : i32
    %scan3A_4 = arith.constant 10 : i32
    %scan3A_5 = arith.addi %scan3A_3, %scan3A_4 : i32
    %scan3A_6 = arith.constant 1 : i32
    scf.for %scan3A_8 = %scan3A_3 to %scan3A_5 step %scan3A_6  : i32 {
      %mul3A_9 = arith.constant 512 : i32
      %mul3A_10 = arith.muli %scan3A_8, %mul3A_9 : i32
      %dma_start3A = tpu.memref_slice %arg5[%mul3A_10] : memref<5120xi32, #tpu.memory_space<vmem>> -> memref<512xi32, #tpu.memory_space<vmem>>
      %dma_start3A_11 = arith.constant 0 : i32
      %dma_start3A_12 = arith.constant 0 : i32
      %dma_start3A_13 = tpu.memref_slice %arg2[%dma_start3A_11, %dma_start3A_12] : memref<8192x128xf32, #tpu.memory_space<hbm>> -> memref<8192x128xf32, #tpu.memory_space<hbm>>
      tpu.enqueue_indirect_dma source(%dma_start3A_13 : memref<8192x128xf32, #tpu.memory_space<hbm>>) target(%arg6 : memref<512x128xf32, #tpu.memory_space<vmem>>) offsets(%dma_start3A : memref<512xi32, #tpu.memory_space<vmem>>) semaphore(%arg7 : memref<!tpu.dma_semaphore, #tpu.memory_space<semaphore_mem>>)
      %dma_wait3A = tpu.memref_slice %arg5[%mul3A_10] : memref<5120xi32, #tpu.memory_space<vmem>> -> memref<512xi32, #tpu.memory_space<vmem>>
      %dma_wait3A_14 = arith.constant 0 : i32
      %dma_wait3A_15 = arith.constant 0 : i32
      %dma_wait3A_16 = tpu.memref_slice %arg2[%dma_wait3A_14, %dma_wait3A_15] : memref<8192x128xf32, #tpu.memory_space<hbm>> -> memref<8192x128xf32, #tpu.memory_space<hbm>>
      tpu.wait_indirect_dma semaphore(%arg7 : memref<!tpu.dma_semaphore, #tpu.memory_space<semaphore_mem>>) src(%dma_wait3A_16 : memref<8192x128xf32, #tpu.memory_space<hbm>>) dst(%arg6 : memref<512x128xf32, #tpu.memory_space<vmem>>)
      %mul3A_17 = arith.constant 512 : i32
      %mul3A_18 = arith.muli %scan3A_8, %mul3A_17 : i32
      %add3A_19 = arith.addi %mul3A_2, %mul3A_18 : i32
      "tpu.region"() ({
        %run_scoped3A = tpu.sem_alloc : memref<!tpu.dma_semaphore, #tpu.memory_space<semaphore_mem>>
        %dma_start3A_20 = arith.constant 0 : i32
        %dma_start3A_21 = tpu.memref_slice %arg4[%add3A_19, %dma_start3A_20] : memref<163840x128xf32, #tpu.memory_space<hbm>> -> memref<512x128xf32, #tpu.memory_space<hbm>>
        %dma_start3A_22 = arith.constant 0 : i32
        %dma_start3A_23 = tpu.memref_slice %arg4[%add3A_19, %dma_start3A_22] : memref<163840x128xf32, #tpu.memory_space<hbm>> -> memref<512x128xf32, #tpu.memory_space<hbm>>
        tpu.enqueue_dma source(%arg6 : memref<512x128xf32, #tpu.memory_space<vmem>>) target(%dma_start3A_23 : memref<512x128xf32, #tpu.memory_space<hbm>>) target_semaphore(%run_scoped3A : memref<!tpu.dma_semaphore, #tpu.memory_space<semaphore_mem>>)
        %dma_wait3A_24 = arith.constant 0 : i32
        %dma_wait3A_25 = tpu.memref_slice %arg4[%add3A_19, %dma_wait3A_24] : memref<163840x128xf32, #tpu.memory_space<hbm>> -> memref<512x128xf32, #tpu.memory_space<hbm>>
        %dma_wait3A_26 = arith.constant 0 : i32
        %dma_wait3A_27 = tpu.memref_slice %arg4[%add3A_19, %dma_wait3A_26] : memref<163840x128xf32, #tpu.memory_space<hbm>> -> memref<512x128xf32, #tpu.memory_space<hbm>>
        tpu.wait_dma2 semaphore(%run_scoped3A : memref<!tpu.dma_semaphore, #tpu.memory_space<semaphore_mem>>) src(%arg6 : memref<512x128xf32, #tpu.memory_space<vmem>>) dst(%dma_wait3A_27 : memref<512x128xf32, #tpu.memory_space<hbm>>)
        tpu.yield
      }) : () -> ()
    }
    %scan3A_7 = arith.constant 10 : i32
    return
  }
}

module attributes {stable_mosaic.version = 14 : i64} {
  func.func @_ksel_body(%arg0: i32, %arg1: i32, %arg2: memref<1x1024x16xf32, #tpu.memory_space<vmem>>, %arg3: memref<1x16x512xf32, #tpu.memory_space<vmem>>, %arg4: memref<20x512xi32, #tpu.memory_space<vmem>>) attributes {dimension_semantics = [#tpu.dimension_semantics<arbitrary>, #tpu.dimension_semantics<arbitrary>], iteration_bounds = array<i64: 8, 2>, scalar_prefetch = 0 : i64, scratch_operands = 0 : i64, tpu.core_type = #tpu.core_type<tc>, window_params = [{transform_indices = @transform_0, window_bounds = array<i64: 1, 1024, 16>}, {transform_indices = @transform_1, window_bounds = array<i64: 1, 16, 512>}, {transform_indices = @transform_2, window_bounds = array<i64: 20, 512>}]} {
    %get3A = arith.constant 0 : index
    %get3A_0 = arith.constant 0 : index
    %get3A_1 = arith.constant 0 : index
    %get3A_2 = vector.load %arg2[%get3A, %get3A_0, %get3A_1] : memref<1x1024x16xf32, #tpu.memory_space<vmem>>, vector<1x1024x16xf32>
    %get3A_3 = vector.shape_cast %get3A_2 : vector<1x1024x16xf32> to vector<1024x16xf32>
    %get3A_4 = arith.constant 0 : index
    %get3A_5 = arith.constant 0 : index
    %get3A_6 = arith.constant 0 : index
    %get3A_7 = vector.load %arg3[%get3A_4, %get3A_5, %get3A_6] : memref<1x16x512xf32, #tpu.memory_space<vmem>>, vector<1x16x512xf32>
    %get3A_8 = vector.shape_cast %get3A_7 : vector<1x16x512xf32> to vector<16x512xf32>
    %mul3A = arith.mulf %get3A_3, %get3A_3 : vector<1024x16xf32>
    %reduce_sum3A = arith.constant dense<0.000000e+00> : vector<1024xf32>
    %reduce_sum3A_9 = vector.multi_reduction <add>, %mul3A, %reduce_sum3A [1] : vector<1024x16xf32> to vector<1024xf32>
    %broadcast_in_dim3A = vector.shape_cast %reduce_sum3A_9 : vector<1024xf32> to vector<1024x1xf32>
    %mul3A_10 = arith.mulf %get3A_8, %get3A_8 : vector<16x512xf32>
    %reduce_sum3A_11 = arith.constant dense<0.000000e+00> : vector<512xf32>
    %reduce_sum3A_12 = vector.multi_reduction <add>, %mul3A_10, %reduce_sum3A_11 [0] : vector<16x512xf32> to vector<512xf32>
    %broadcast_in_dim3A_13 = vector.shape_cast %reduce_sum3A_12 : vector<512xf32> to vector<1x512xf32>
    %add3A = vector.broadcast %broadcast_in_dim3A : vector<1024x1xf32> to vector<1024x512xf32>
    %add3A_14 = vector.broadcast %broadcast_in_dim3A_13 : vector<1x512xf32> to vector<1024x512xf32>
    %add3A_15 = arith.addf %add3A, %add3A_14 : vector<1024x512xf32>
    %dot_general3A = arith.constant dense<0.000000e+00> : vector<1024x512xf32>
    %dot_general3A_16 = tpu.matmul %get3A_3, %get3A_8, %dot_general3A {dimension_numbers = #tpu.dot_dimension_numbers<[1], [0], [0], [1], [0, 0, 1, 1], [], []>, transpose_lhs_hint = false} : vector<1024x16xf32>, vector<16x512xf32>, vector<1024x512xf32> -> vector<1024x512xf32>
    %mul3A_17 = arith.constant 2.000000e+00 : f32
    %mul3A_18 = vector.broadcast %mul3A_17 : f32 to vector<1024x512xf32>
    %mul3A_19 = arith.mulf %mul3A_18, %dot_general3A_16 : vector<1024x512xf32>
    %sub3A = arith.subf %add3A_15, %mul3A_19 : vector<1024x512xf32>
    %bitcast_convert_type3A = tpu.bitcast %sub3A : vector<1024x512xf32> -> vector<1024x512xi32>
    %shift_right_arithmetic3A = arith.constant 31 : i32
    %shift_right_arithmetic3A_20 = vector.broadcast %shift_right_arithmetic3A : i32 to vector<1024x512xi32>
    %shift_right_arithmetic3A_21 = arith.shrsi %bitcast_convert_type3A, %shift_right_arithmetic3A_20 : vector<1024x512xi32>
    %and3A = arith.constant 2147483647 : i32
    %and3A_22 = vector.broadcast %and3A : i32 to vector<1024x512xi32>
    %and3A_23 = arith.andi %shift_right_arithmetic3A_21, %and3A_22 : vector<1024x512xi32>
    %xor3A = arith.xori %bitcast_convert_type3A, %and3A_23 : vector<1024x512xi32>
    %iota3A = tpu.iota {dimensions = array<i32: 0>} : vector<1024x512xi32>
    %mul3A_24 = arith.constant 1024 : i32
    %mul3A_25 = arith.muli %arg0, %mul3A_24 : i32
    %reduce_min3A = arith.constant dense<2147483647> : vector<512xi32>
    %reduce_min3A_26 = vector.multi_reduction <minsi>, %xor3A, %reduce_min3A [0] : vector<1024x512xi32> to vector<512xi32>
    %broadcast_in_dim3A_27 = vector.shape_cast %reduce_min3A_26 : vector<512xi32> to vector<1x512xi32>
    %eq3A = vector.broadcast %broadcast_in_dim3A_27 : vector<1x512xi32> to vector<1024x512xi32>
    %eq3A_28 = arith.cmpi eq, %xor3A, %eq3A : vector<1024x512xi32>
    %jit3A = arith.constant 1024 : i32
    %broadcast_in_dim3A_29 = vector.broadcast %jit3A : i32 to vector<1024x512xi32>
    %select_n3A = arith.select %eq3A_28, %iota3A, %broadcast_in_dim3A_29 : vector<1024x512xi1>, vector<1024x512xi32>
    %reduce_min3A_30 = arith.constant dense<2147483647> : vector<512xi32>
    %reduce_min3A_31 = vector.multi_reduction <minsi>, %select_n3A, %reduce_min3A_30 [0] : vector<1024x512xi32> to vector<512xi32>
    %broadcast_in_dim3A_32 = vector.shape_cast %reduce_min3A_31 : vector<512xi32> to vector<1x512xi32>
    %squeeze3A = vector.shape_cast %broadcast_in_dim3A_32 : vector<1x512xi32> to vector<512xi32>
    %add3A_33 = vector.broadcast %mul3A_25 : i32 to vector<512xi32>
    %add3A_34 = arith.addi %squeeze3A, %add3A_33 : vector<512xi32>
    %swap3A = arith.constant 0 : index
    %swap3A_35 = arith.constant 0 : index
    %swap3A_36 = vector.load %arg4[%swap3A, %swap3A_35] : memref<20x512xi32, #tpu.memory_space<vmem>>, vector<1x512xi32>
    %swap3A_37 = vector.shape_cast %swap3A_36 : vector<1x512xi32> to vector<512xi32>
    %swap3A_38 = vector.shape_cast %add3A_34 : vector<512xi32> to vector<1x512xi32>
    tpu.vector_store %arg4[%swap3A, %swap3A_35], %swap3A_38 {strides = array<i32>} : memref<20x512xi32, #tpu.memory_space<vmem>>, vector<1x512xi32>,
    %eq3A_39 = vector.broadcast %broadcast_in_dim3A_32 : vector<1x512xi32> to vector<1024x512xi32>
    %eq3A_40 = arith.cmpi eq, %iota3A, %eq3A_39 : vector<1024x512xi32>
    %jit3A_41 = arith.constant 2147483647 : i32
    %broadcast_in_dim3A_42 = vector.broadcast %jit3A_41 : i32 to vector<1024x512xi32>
    %select_n3A_43 = arith.select %eq3A_40, %broadcast_in_dim3A_42, %xor3A : vector<1024x512xi1>, vector<1024x512xi32>
    %reduce_min3A_44 = arith.constant dense<2147483647> : vector<512xi32>
    %reduce_min3A_45 = vector.multi_reduction <minsi>, %select_n3A_43, %reduce_min3A_44 [0] : vector<1024x512xi32> to vector<512xi32>
    %broadcast_in_dim3A_46 = vector.shape_cast %reduce_min3A_45 : vector<512xi32> to vector<1x512xi32>
    %eq3A_47 = vector.broadcast %broadcast_in_dim3A_46 : vector<1x512xi32> to vector<1024x512xi32>
    %eq3A_48 = arith.cmpi eq, %select_n3A_43, %eq3A_47 : vector<1024x512xi32>
    %jit3A_49 = arith.constant 1024 : i32
    %broadcast_in_dim3A_50 = vector.broadcast %jit3A_49 : i32 to vector<1024x512xi32>
    %select_n3A_51 = arith.select %eq3A_48, %iota3A, %broadcast_in_dim3A_50 : vector<1024x512xi1>, vector<1024x512xi32>
    %reduce_min3A_52 = arith.constant dense<2147483647> : vector<512xi32>
    %reduce_min3A_53 = vector.multi_reduction <minsi>, %select_n3A_51, %reduce_min3A_52 [0] : vector<1024x512xi32> to vector<512xi32>
    %broadcast_in_dim3A_54 = vector.shape_cast %reduce_min3A_53 : vector<512xi32> to vector<1x512xi32>
    %squeeze3A_55 = vector.shape_cast %broadcast_in_dim3A_54 : vector<1x512xi32> to vector<512xi32>
    %add3A_56 = vector.broadcast %mul3A_25 : i32 to vector<512xi32>
    %add3A_57 = arith.addi %squeeze3A_55, %add3A_56 : vector<512xi32>
    %swap3A_58 = arith.constant 1 : index
    %swap3A_59 = arith.constant 0 : index
    %swap3A_60 = vector.load %arg4[%swap3A_58, %swap3A_59] : memref<20x512xi32, #tpu.memory_space<vmem>>, vector<1x512xi32>
    %swap3A_61 = vector.shape_cast %swap3A_60 : vector<1x512xi32> to vector<512xi32>
    %swap3A_62 = vector.shape_cast %add3A_57 : vector<512xi32> to vector<1x512xi32>
    tpu.vector_store %arg4[%swap3A_58, %swap3A_59], %swap3A_62 {strides = array<i32>} : memref<20x512xi32, #tpu.memory_space<vmem>>, vector<1x512xi32>,
    %eq3A_63 = vector.broadcast %broadcast_in_dim3A_54 : vector<1x512xi32> to vector<1024x512xi32>
    %eq3A_64 = arith.cmpi eq, %iota3A, %eq3A_63 : vector<1024x512xi32>
    %jit3A_65 = arith.constant 2147483647 : i32
    %broadcast_in_dim3A_66 = vector.broadcast %jit3A_65 : i32 to vector<1024x512xi32>
    %select_n3A_67 = arith.select %eq3A_64, %broadcast_in_dim3A_66, %select_n3A_43 : vector<1024x512xi1>, vector<1024x512xi32>
    %reduce_min3A_68 = arith.constant dense<2147483647> : vector<512xi32>
    %reduce_min3A_69 = vector.multi_reduction <minsi>, %select_n3A_67, %reduce_min3A_68 [0] : vector<1024x512xi32> to vector<512xi32>
    %broadcast_in_dim3A_70 = vector.shape_cast %reduce_min3A_69 : vector<512xi32> to vector<1x512xi32>
    %eq3A_71 = vector.broadcast %broadcast_in_dim3A_70 : vector<1x512xi32> to vector<1024x512xi32>
    %eq3A_72 = arith.cmpi eq, %select_n3A_67, %eq3A_71 : vector<1024x512xi32>
    %jit3A_73 = arith.constant 1024 : i32
    %broadcast_in_dim3A_74 = vector.broadcast %jit3A_73 : i32 to vector<1024x512xi32>
    %select_n3A_75 = arith.select %eq3A_72, %iota3A, %broadcast_in_dim3A_74 : vector<1024x512xi1>, vector<1024x512xi32>
    %reduce_min3A_76 = arith.constant dense<2147483647> : vector<512xi32>
    %reduce_min3A_77 = vector.multi_reduction <minsi>, %select_n3A_75, %reduce_min3A_76 [0] : vector<1024x512xi32> to vector<512xi32>
    %broadcast_in_dim3A_78 = vector.shape_cast %reduce_min3A_77 : vector<512xi32> to vector<1x512xi32>
    %squeeze3A_79 = vector.shape_cast %broadcast_in_dim3A_78 : vector<1x512xi32> to vector<512xi32>
    %add3A_80 = vector.broadcast %mul3A_25 : i32 to vector<512xi32>
    %add3A_81 = arith.addi %squeeze3A_79, %add3A_80 : vector<512xi32>
    %swap3A_82 = arith.constant 2 : index
    %swap3A_83 = arith.constant 0 : index
    %swap3A_84 = vector.load %arg4[%swap3A_82, %swap3A_83] : memref<20x512xi32, #tpu.memory_space<vmem>>, vector<1x512xi32>
    %swap3A_85 = vector.shape_cast %swap3A_84 : vector<1x512xi32> to vector<512xi32>
    %swap3A_86 = vector.shape_cast %add3A_81 : vector<512xi32> to vector<1x512xi32>
    tpu.vector_store %arg4[%swap3A_82, %swap3A_83], %swap3A_86 {strides = array<i32>} : memref<20x512xi32, #tpu.memory_space<vmem>>, vector<1x512xi32>,
    %eq3A_87 = vector.broadcast %broadcast_in_dim3A_78 : vector<1x512xi32> to vector<1024x512xi32>
    %eq3A_88 = arith.cmpi eq, %iota3A, %eq3A_87 : vector<1024x512xi32>
    %jit3A_89 = arith.constant 2147483647 : i32
    %broadcast_in_dim3A_90 = vector.broadcast %jit3A_89 : i32 to vector<1024x512xi32>
    %select_n3A_91 = arith.select %eq3A_88, %broadcast_in_dim3A_90, %select_n3A_67 : vector<1024x512xi1>, vector<1024x512xi32>
    %reduce_min3A_92 = arith.constant dense<2147483647> : vector<512xi32>
    %reduce_min3A_93 = vector.multi_reduction <minsi>, %select_n3A_91, %reduce_min3A_92 [0] : vector<1024x512xi32> to vector<512xi32>
    %broadcast_in_dim3A_94 = vector.shape_cast %reduce_min3A_93 : vector<512xi32> to vector<1x512xi32>
    %eq3A_95 = vector.broadcast %broadcast_in_dim3A_94 : vector<1x512xi32> to vector<1024x512xi32>
    %eq3A_96 = arith.cmpi eq, %select_n3A_91, %eq3A_95 : vector<1024x512xi32>
    %jit3A_97 = arith.constant 1024 : i32
    %broadcast_in_dim3A_98 = vector.broadcast %jit3A_97 : i32 to vector<1024x512xi32>
    %select_n3A_99 = arith.select %eq3A_96, %iota3A, %broadcast_in_dim3A_98 : vector<1024x512xi1>, vector<1024x512xi32>
    %reduce_min3A_100 = arith.constant dense<2147483647> : vector<512xi32>
    %reduce_min3A_101 = vector.multi_reduction <minsi>, %select_n3A_99, %reduce_min3A_100 [0] : vector<1024x512xi32> to vector<512xi32>
    %broadcast_in_dim3A_102 = vector.shape_cast %reduce_min3A_101 : vector<512xi32> to vector<1x512xi32>
    %squeeze3A_103 = vector.shape_cast %broadcast_in_dim3A_102 : vector<1x512xi32> to vector<512xi32>
    %add3A_104 = vector.broadcast %mul3A_25 : i32 to vector<512xi32>
    %add3A_105 = arith.addi %squeeze3A_103, %add3A_104 : vector<512xi32>
    %swap3A_106 = arith.constant 3 : index
    %swap3A_107 = arith.constant 0 : index
    %swap3A_108 = vector.load %arg4[%swap3A_106, %swap3A_107] : memref<20x512xi32, #tpu.memory_space<vmem>>, vector<1x512xi32>
    %swap3A_109 = vector.shape_cast %swap3A_108 : vector<1x512xi32> to vector<512xi32>
    %swap3A_110 = vector.shape_cast %add3A_105 : vector<512xi32> to vector<1x512xi32>
    tpu.vector_store %arg4[%swap3A_106, %swap3A_107], %swap3A_110 {strides = array<i32>} : memref<20x512xi32, #tpu.memory_space<vmem>>, vector<1x512xi32>,
    %eq3A_111 = vector.broadcast %broadcast_in_dim3A_102 : vector<1x512xi32> to vector<1024x512xi32>
    %eq3A_112 = arith.cmpi eq, %iota3A, %eq3A_111 : vector<1024x512xi32>
    %jit3A_113 = arith.constant 2147483647 : i32
    %broadcast_in_dim3A_114 = vector.broadcast %jit3A_113 : i32 to vector<1024x512xi32>
    %select_n3A_115 = arith.select %eq3A_112, %broadcast_in_dim3A_114, %select_n3A_91 : vector<1024x512xi1>, vector<1024x512xi32>
    %reduce_min3A_116 = arith.constant dense<2147483647> : vector<512xi32>
    %reduce_min3A_117 = vector.multi_reduction <minsi>, %select_n3A_115, %reduce_min3A_116 [0] : vector<1024x512xi32> to vector<512xi32>
    %broadcast_in_dim3A_118 = vector.shape_cast %reduce_min3A_117 : vector<512xi32> to vector<1x512xi32>
    %eq3A_119 = vector.broadcast %broadcast_in_dim3A_118 : vector<1x512xi32> to vector<1024x512xi32>
    %eq3A_120 = arith.cmpi eq, %select_n3A_115, %eq3A_119 : vector<1024x512xi32>
    %jit3A_121 = arith.constant 1024 : i32
    %broadcast_in_dim3A_122 = vector.broadcast %jit3A_121 : i32 to vector<1024x512xi32>
    %select_n3A_123 = arith.select %eq3A_120, %iota3A, %broadcast_in_dim3A_122 : vector<1024x512xi1>, vector<1024x512xi32>
    %reduce_min3A_124 = arith.constant dense<2147483647> : vector<512xi32>
    %reduce_min3A_125 = vector.multi_reduction <minsi>, %select_n3A_123, %reduce_min3A_124 [0] : vector<1024x512xi32> to vector<512xi32>
    %broadcast_in_dim3A_126 = vector.shape_cast %reduce_min3A_125 : vector<512xi32> to vector<1x512xi32>
    %squeeze3A_127 = vector.shape_cast %broadcast_in_dim3A_126 : vector<1x512xi32> to vector<512xi32>
    %add3A_128 = vector.broadcast %mul3A_25 : i32 to vector<512xi32>
    %add3A_129 = arith.addi %squeeze3A_127, %add3A_128 : vector<512xi32>
    %swap3A_130 = arith.constant 4 : index
    %swap3A_131 = arith.constant 0 : index
    %swap3A_132 = vector.load %arg4[%swap3A_130, %swap3A_131] : memref<20x512xi32, #tpu.memory_space<vmem>>, vector<1x512xi32>
    %swap3A_133 = vector.shape_cast %swap3A_132 : vector<1x512xi32> to vector<512xi32>
    %swap3A_134 = vector.shape_cast %add3A_129 : vector<512xi32> to vector<1x512xi32>
    tpu.vector_store %arg4[%swap3A_130, %swap3A_131], %swap3A_134 {strides = array<i32>} : memref<20x512xi32, #tpu.memory_space<vmem>>, vector<1x512xi32>,
    %eq3A_135 = vector.broadcast %broadcast_in_dim3A_126 : vector<1x512xi32> to vector<1024x512xi32>
    %eq3A_136 = arith.cmpi eq, %iota3A, %eq3A_135 : vector<1024x512xi32>
    %jit3A_137 = arith.constant 2147483647 : i32
    %broadcast_in_dim3A_138 = vector.broadcast %jit3A_137 : i32 to vector<1024x512xi32>
    %select_n3A_139 = arith.select %eq3A_136, %broadcast_in_dim3A_138, %select_n3A_115 : vector<1024x512xi1>, vector<1024x512xi32>
    %reduce_min3A_140 = arith.constant dense<2147483647> : vector<512xi32>
    %reduce_min3A_141 = vector.multi_reduction <minsi>, %select_n3A_139, %reduce_min3A_140 [0] : vector<1024x512xi32> to vector<512xi32>
    %broadcast_in_dim3A_142 = vector.shape_cast %reduce_min3A_141 : vector<512xi32> to vector<1x512xi32>
    %eq3A_143 = vector.broadcast %broadcast_in_dim3A_142 : vector<1x512xi32> to vector<1024x512xi32>
    %eq3A_144 = arith.cmpi eq, %select_n3A_139, %eq3A_143 : vector<1024x512xi32>
    %jit3A_145 = arith.constant 1024 : i32
    %broadcast_in_dim3A_146 = vector.broadcast %jit3A_145 : i32 to vector<1024x512xi32>
    %select_n3A_147 = arith.select %eq3A_144, %iota3A, %broadcast_in_dim3A_146 : vector<1024x512xi1>, vector<1024x512xi32>
    %reduce_min3A_148 = arith.constant dense<2147483647> : vector<512xi32>
    %reduce_min3A_149 = vector.multi_reduction <minsi>, %select_n3A_147, %reduce_min3A_148 [0] : vector<1024x512xi32> to vector<512xi32>
    %broadcast_in_dim3A_150 = vector.shape_cast %reduce_min3A_149 : vector<512xi32> to vector<1x512xi32>
    %squeeze3A_151 = vector.shape_cast %broadcast_in_dim3A_150 : vector<1x512xi32> to vector<512xi32>
    %add3A_152 = vector.broadcast %mul3A_25 : i32 to vector<512xi32>
    %add3A_153 = arith.addi %squeeze3A_151, %add3A_152 : vector<512xi32>
    %swap3A_154 = arith.constant 5 : index
    %swap3A_155 = arith.constant 0 : index
    %swap3A_156 = vector.load %arg4[%swap3A_154, %swap3A_155] : memref<20x512xi32, #tpu.memory_space<vmem>>, vector<1x512xi32>
    %swap3A_157 = vector.shape_cast %swap3A_156 : vector<1x512xi32> to vector<512xi32>
    %swap3A_158 = vector.shape_cast %add3A_153 : vector<512xi32> to vector<1x512xi32>
    tpu.vector_store %arg4[%swap3A_154, %swap3A_155], %swap3A_158 {strides = array<i32>} : memref<20x512xi32, #tpu.memory_space<vmem>>, vector<1x512xi32>,
    %eq3A_159 = vector.broadcast %broadcast_in_dim3A_150 : vector<1x512xi32> to vector<1024x512xi32>
    %eq3A_160 = arith.cmpi eq, %iota3A, %eq3A_159 : vector<1024x512xi32>
    %jit3A_161 = arith.constant 2147483647 : i32
    %broadcast_in_dim3A_162 = vector.broadcast %jit3A_161 : i32 to vector<1024x512xi32>
    %select_n3A_163 = arith.select %eq3A_160, %broadcast_in_dim3A_162, %select_n3A_139 : vector<1024x512xi1>, vector<1024x512xi32>
    %reduce_min3A_164 = arith.constant dense<2147483647> : vector<512xi32>
    %reduce_min3A_165 = vector.multi_reduction <minsi>, %select_n3A_163, %reduce_min3A_164 [0] : vector<1024x512xi32> to vector<512xi32>
    %broadcast_in_dim3A_166 = vector.shape_cast %reduce_min3A_165 : vector<512xi32> to vector<1x512xi32>
    %eq3A_167 = vector.broadcast %broadcast_in_dim3A_166 : vector<1x512xi32> to vector<1024x512xi32>
    %eq3A_168 = arith.cmpi eq, %select_n3A_163, %eq3A_167 : vector<1024x512xi32>
    %jit3A_169 = arith.constant 1024 : i32
    %broadcast_in_dim3A_170 = vector.broadcast %jit3A_169 : i32 to vector<1024x512xi32>
    %select_n3A_171 = arith.select %eq3A_168, %iota3A, %broadcast_in_dim3A_170 : vector<1024x512xi1>, vector<1024x512xi32>
    %reduce_min3A_172 = arith.constant dense<2147483647> : vector<512xi32>
    %reduce_min3A_173 = vector.multi_reduction <minsi>, %select_n3A_171, %reduce_min3A_172 [0] : vector<1024x512xi32> to vector<512xi32>
    %broadcast_in_dim3A_174 = vector.shape_cast %reduce_min3A_173 : vector<512xi32> to vector<1x512xi32>
    %squeeze3A_175 = vector.shape_cast %broadcast_in_dim3A_174 : vector<1x512xi32> to vector<512xi32>
    %add3A_176 = vector.broadcast %mul3A_25 : i32 to vector<512xi32>
    %add3A_177 = arith.addi %squeeze3A_175, %add3A_176 : vector<512xi32>
    %swap3A_178 = arith.constant 6 : index
    %swap3A_179 = arith.constant 0 : index
    %swap3A_180 = vector.load %arg4[%swap3A_178, %swap3A_179] : memref<20x512xi32, #tpu.memory_space<vmem>>, vector<1x512xi32>
    %swap3A_181 = vector.shape_cast %swap3A_180 : vector<1x512xi32> to vector<512xi32>
    %swap3A_182 = vector.shape_cast %add3A_177 : vector<512xi32> to vector<1x512xi32>
    tpu.vector_store %arg4[%swap3A_178, %swap3A_179], %swap3A_182 {strides = array<i32>} : memref<20x512xi32, #tpu.memory_space<vmem>>, vector<1x512xi32>,
    %eq3A_183 = vector.broadcast %broadcast_in_dim3A_174 : vector<1x512xi32> to vector<1024x512xi32>
    %eq3A_184 = arith.cmpi eq, %iota3A, %eq3A_183 : vector<1024x512xi32>
    %jit3A_185 = arith.constant 2147483647 : i32
    %broadcast_in_dim3A_186 = vector.broadcast %jit3A_185 : i32 to vector<1024x512xi32>
    %select_n3A_187 = arith.select %eq3A_184, %broadcast_in_dim3A_186, %select_n3A_163 : vector<1024x512xi1>, vector<1024x512xi32>
    %reduce_min3A_188 = arith.constant dense<2147483647> : vector<512xi32>
    %reduce_min3A_189 = vector.multi_reduction <minsi>, %select_n3A_187, %reduce_min3A_188 [0] : vector<1024x512xi32> to vector<512xi32>
    %broadcast_in_dim3A_190 = vector.shape_cast %reduce_min3A_189 : vector<512xi32> to vector<1x512xi32>
    %eq3A_191 = vector.broadcast %broadcast_in_dim3A_190 : vector<1x512xi32> to vector<1024x512xi32>
    %eq3A_192 = arith.cmpi eq, %select_n3A_187, %eq3A_191 : vector<1024x512xi32>
    %jit3A_193 = arith.constant 1024 : i32
    %broadcast_in_dim3A_194 = vector.broadcast %jit3A_193 : i32 to vector<1024x512xi32>
    %select_n3A_195 = arith.select %eq3A_192, %iota3A, %broadcast_in_dim3A_194 : vector<1024x512xi1>, vector<1024x512xi32>
    %reduce_min3A_196 = arith.constant dense<2147483647> : vector<512xi32>
    %reduce_min3A_197 = vector.multi_reduction <minsi>, %select_n3A_195, %reduce_min3A_196 [0] : vector<1024x512xi32> to vector<512xi32>
    %broadcast_in_dim3A_198 = vector.shape_cast %reduce_min3A_197 : vector<512xi32> to vector<1x512xi32>
    %squeeze3A_199 = vector.shape_cast %broadcast_in_dim3A_198 : vector<1x512xi32> to vector<512xi32>
    %add3A_200 = vector.broadcast %mul3A_25 : i32 to vector<512xi32>
    %add3A_201 = arith.addi %squeeze3A_199, %add3A_200 : vector<512xi32>
    %swap3A_202 = arith.constant 7 : index
    %swap3A_203 = arith.constant 0 : index
    %swap3A_204 = vector.load %arg4[%swap3A_202, %swap3A_203] : memref<20x512xi32, #tpu.memory_space<vmem>>, vector<1x512xi32>
    %swap3A_205 = vector.shape_cast %swap3A_204 : vector<1x512xi32> to vector<512xi32>
    %swap3A_206 = vector.shape_cast %add3A_201 : vector<512xi32> to vector<1x512xi32>
    tpu.vector_store %arg4[%swap3A_202, %swap3A_203], %swap3A_206 {strides = array<i32>} : memref<20x512xi32, #tpu.memory_space<vmem>>, vector<1x512xi32>,
    %eq3A_207 = vector.broadcast %broadcast_in_dim3A_198 : vector<1x512xi32> to vector<1024x512xi32>
    %eq3A_208 = arith.cmpi eq, %iota3A, %eq3A_207 : vector<1024x512xi32>
    %jit3A_209 = arith.constant 2147483647 : i32
    %broadcast_in_dim3A_210 = vector.broadcast %jit3A_209 : i32 to vector<1024x512xi32>
    %select_n3A_211 = arith.select %eq3A_208, %broadcast_in_dim3A_210, %select_n3A_187 : vector<1024x512xi1>, vector<1024x512xi32>
    %reduce_min3A_212 = arith.constant dense<2147483647> : vector<512xi32>
    %reduce_min3A_213 = vector.multi_reduction <minsi>, %select_n3A_211, %reduce_min3A_212 [0] : vector<1024x512xi32> to vector<512xi32>
    %broadcast_in_dim3A_214 = vector.shape_cast %reduce_min3A_213 : vector<512xi32> to vector<1x512xi32>
    %eq3A_215 = vector.broadcast %broadcast_in_dim3A_214 : vector<1x512xi32> to vector<1024x512xi32>
    %eq3A_216 = arith.cmpi eq, %select_n3A_211, %eq3A_215 : vector<1024x512xi32>
    %jit3A_217 = arith.constant 1024 : i32
    %broadcast_in_dim3A_218 = vector.broadcast %jit3A_217 : i32 to vector<1024x512xi32>
    %select_n3A_219 = arith.select %eq3A_216, %iota3A, %broadcast_in_dim3A_218 : vector<1024x512xi1>, vector<1024x512xi32>
    %reduce_min3A_220 = arith.constant dense<2147483647> : vector<512xi32>
    %reduce_min3A_221 = vector.multi_reduction <minsi>, %select_n3A_219, %reduce_min3A_220 [0] : vector<1024x512xi32> to vector<512xi32>
    %broadcast_in_dim3A_222 = vector.shape_cast %reduce_min3A_221 : vector<512xi32> to vector<1x512xi32>
    %squeeze3A_223 = vector.shape_cast %broadcast_in_dim3A_222 : vector<1x512xi32> to vector<512xi32>
    %add3A_224 = vector.broadcast %mul3A_25 : i32 to vector<512xi32>
    %add3A_225 = arith.addi %squeeze3A_223, %add3A_224 : vector<512xi32>
    %swap3A_226 = arith.constant 8 : index
    %swap3A_227 = arith.constant 0 : index
    %swap3A_228 = vector.load %arg4[%swap3A_226, %swap3A_227] : memref<20x512xi32, #tpu.memory_space<vmem>>, vector<1x512xi32>
    %swap3A_229 = vector.shape_cast %swap3A_228 : vector<1x512xi32> to vector<512xi32>
    %swap3A_230 = vector.shape_cast %add3A_225 : vector<512xi32> to vector<1x512xi32>
    tpu.vector_store %arg4[%swap3A_226, %swap3A_227], %swap3A_230 {strides = array<i32>} : memref<20x512xi32, #tpu.memory_space<vmem>>, vector<1x512xi32>,
    %eq3A_231 = vector.broadcast %broadcast_in_dim3A_222 : vector<1x512xi32> to vector<1024x512xi32>
    %eq3A_232 = arith.cmpi eq, %iota3A, %eq3A_231 : vector<1024x512xi32>
    %jit3A_233 = arith.constant 2147483647 : i32
    %broadcast_in_dim3A_234 = vector.broadcast %jit3A_233 : i32 to vector<1024x512xi32>
    %select_n3A_235 = arith.select %eq3A_232, %broadcast_in_dim3A_234, %select_n3A_211 : vector<1024x512xi1>, vector<1024x512xi32>
    %reduce_min3A_236 = arith.constant dense<2147483647> : vector<512xi32>
    %reduce_min3A_237 = vector.multi_reduction <minsi>, %select_n3A_235, %reduce_min3A_236 [0] : vector<1024x512xi32> to vector<512xi32>
    %broadcast_in_dim3A_238 = vector.shape_cast %reduce_min3A_237 : vector<512xi32> to vector<1x512xi32>
    %eq3A_239 = vector.broadcast %broadcast_in_dim3A_238 : vector<1x512xi32> to vector<1024x512xi32>
    %eq3A_240 = arith.cmpi eq, %select_n3A_235, %eq3A_239 : vector<1024x512xi32>
    %jit3A_241 = arith.constant 1024 : i32
    %broadcast_in_dim3A_242 = vector.broadcast %jit3A_241 : i32 to vector<1024x512xi32>
    %select_n3A_243 = arith.select %eq3A_240, %iota3A, %broadcast_in_dim3A_242 : vector<1024x512xi1>, vector<1024x512xi32>
    %reduce_min3A_244 = arith.constant dense<2147483647> : vector<512xi32>
    %reduce_min3A_245 = vector.multi_reduction <minsi>, %select_n3A_243, %reduce_min3A_244 [0] : vector<1024x512xi32> to vector<512xi32>
    %broadcast_in_dim3A_246 = vector.shape_cast %reduce_min3A_245 : vector<512xi32> to vector<1x512xi32>
    %squeeze3A_247 = vector.shape_cast %broadcast_in_dim3A_246 : vector<1x512xi32> to vector<512xi32>
    %add3A_248 = vector.broadcast %mul3A_25 : i32 to vector<512xi32>
    %add3A_249 = arith.addi %squeeze3A_247, %add3A_248 : vector<512xi32>
    %swap3A_250 = arith.constant 9 : index
    %swap3A_251 = arith.constant 0 : index
    %swap3A_252 = vector.load %arg4[%swap3A_250, %swap3A_251] : memref<20x512xi32, #tpu.memory_space<vmem>>, vector<1x512xi32>
    %swap3A_253 = vector.shape_cast %swap3A_252 : vector<1x512xi32> to vector<512xi32>
    %swap3A_254 = vector.shape_cast %add3A_249 : vector<512xi32> to vector<1x512xi32>
    tpu.vector_store %arg4[%swap3A_250, %swap3A_251], %swap3A_254 {strides = array<i32>} : memref<20x512xi32, #tpu.memory_space<vmem>>, vector<1x512xi32>,
    %eq3A_255 = vector.broadcast %broadcast_in_dim3A_246 : vector<1x512xi32> to vector<1024x512xi32>
    %eq3A_256 = arith.cmpi eq, %iota3A, %eq3A_255 : vector<1024x512xi32>
    %jit3A_257 = arith.constant 2147483647 : i32
    %broadcast_in_dim3A_258 = vector.broadcast %jit3A_257 : i32 to vector<1024x512xi32>
    %select_n3A_259 = arith.select %eq3A_256, %broadcast_in_dim3A_258, %select_n3A_235 : vector<1024x512xi1>, vector<1024x512xi32>
    %reduce_min3A_260 = arith.constant dense<2147483647> : vector<512xi32>
    %reduce_min3A_261 = vector.multi_reduction <minsi>, %select_n3A_259, %reduce_min3A_260 [0] : vector<1024x512xi32> to vector<512xi32>
    %broadcast_in_dim3A_262 = vector.shape_cast %reduce_min3A_261 : vector<512xi32> to vector<1x512xi32>
    %eq3A_263 = vector.broadcast %broadcast_in_dim3A_262 : vector<1x512xi32> to vector<1024x512xi32>
    %eq3A_264 = arith.cmpi eq, %select_n3A_259, %eq3A_263 : vector<1024x512xi32>
    %jit3A_265 = arith.constant 1024 : i32
    %broadcast_in_dim3A_266 = vector.broadcast %jit3A_265 : i32 to vector<1024x512xi32>
    %select_n3A_267 = arith.select %eq3A_264, %iota3A, %broadcast_in_dim3A_266 : vector<1024x512xi1>, vector<1024x512xi32>
    %reduce_min3A_268 = arith.constant dense<2147483647> : vector<512xi32>
    %reduce_min3A_269 = vector.multi_reduction <minsi>, %select_n3A_267, %reduce_min3A_268 [0] : vector<1024x512xi32> to vector<512xi32>
    %broadcast_in_dim3A_270 = vector.shape_cast %reduce_min3A_269 : vector<512xi32> to vector<1x512xi32>
    %squeeze3A_271 = vector.shape_cast %broadcast_in_dim3A_270 : vector<1x512xi32> to vector<512xi32>
    %add3A_272 = vector.broadcast %mul3A_25 : i32 to vector<512xi32>
    %add3A_273 = arith.addi %squeeze3A_271, %add3A_272 : vector<512xi32>
    %swap3A_274 = arith.constant 10 : index
    %swap3A_275 = arith.constant 0 : index
    %swap3A_276 = vector.load %arg4[%swap3A_274, %swap3A_275] : memref<20x512xi32, #tpu.memory_space<vmem>>, vector<1x512xi32>
    %swap3A_277 = vector.shape_cast %swap3A_276 : vector<1x512xi32> to vector<512xi32>
    %swap3A_278 = vector.shape_cast %add3A_273 : vector<512xi32> to vector<1x512xi32>
    tpu.vector_store %arg4[%swap3A_274, %swap3A_275], %swap3A_278 {strides = array<i32>} : memref<20x512xi32, #tpu.memory_space<vmem>>, vector<1x512xi32>,
    %eq3A_279 = vector.broadcast %broadcast_in_dim3A_270 : vector<1x512xi32> to vector<1024x512xi32>
    %eq3A_280 = arith.cmpi eq, %iota3A, %eq3A_279 : vector<1024x512xi32>
    %jit3A_281 = arith.constant 2147483647 : i32
    %broadcast_in_dim3A_282 = vector.broadcast %jit3A_281 : i32 to vector<1024x512xi32>
    %select_n3A_283 = arith.select %eq3A_280, %broadcast_in_dim3A_282, %select_n3A_259 : vector<1024x512xi1>, vector<1024x512xi32>
    %reduce_min3A_284 = arith.constant dense<2147483647> : vector<512xi32>
    %reduce_min3A_285 = vector.multi_reduction <minsi>, %select_n3A_283, %reduce_min3A_284 [0] : vector<1024x512xi32> to vector<512xi32>
    %broadcast_in_dim3A_286 = vector.shape_cast %reduce_min3A_285 : vector<512xi32> to vector<1x512xi32>
    %eq3A_287 = vector.broadcast %broadcast_in_dim3A_286 : vector<1x512xi32> to vector<1024x512xi32>
    %eq3A_288 = arith.cmpi eq, %select_n3A_283, %eq3A_287 : vector<1024x512xi32>
    %jit3A_289 = arith.constant 1024 : i32
    %broadcast_in_dim3A_290 = vector.broadcast %jit3A_289 : i32 to vector<1024x512xi32>
    %select_n3A_291 = arith.select %eq3A_288, %iota3A, %broadcast_in_dim3A_290 : vector<1024x512xi1>, vector<1024x512xi32>
    %reduce_min3A_292 = arith.constant dense<2147483647> : vector<512xi32>
    %reduce_min3A_293 = vector.multi_reduction <minsi>, %select_n3A_291, %reduce_min3A_292 [0] : vector<1024x512xi32> to vector<512xi32>
    %broadcast_in_dim3A_294 = vector.shape_cast %reduce_min3A_293 : vector<512xi32> to vector<1x512xi32>
    %squeeze3A_295 = vector.shape_cast %broadcast_in_dim3A_294 : vector<1x512xi32> to vector<512xi32>
    %add3A_296 = vector.broadcast %mul3A_25 : i32 to vector<512xi32>
    %add3A_297 = arith.addi %squeeze3A_295, %add3A_296 : vector<512xi32>
    %swap3A_298 = arith.constant 11 : index
    %swap3A_299 = arith.constant 0 : index
    %swap3A_300 = vector.load %arg4[%swap3A_298, %swap3A_299] : memref<20x512xi32, #tpu.memory_space<vmem>>, vector<1x512xi32>
    %swap3A_301 = vector.shape_cast %swap3A_300 : vector<1x512xi32> to vector<512xi32>
    %swap3A_302 = vector.shape_cast %add3A_297 : vector<512xi32> to vector<1x512xi32>
    tpu.vector_store %arg4[%swap3A_298, %swap3A_299], %swap3A_302 {strides = array<i32>} : memref<20x512xi32, #tpu.memory_space<vmem>>, vector<1x512xi32>,
    %eq3A_303 = vector.broadcast %broadcast_in_dim3A_294 : vector<1x512xi32> to vector<1024x512xi32>
    %eq3A_304 = arith.cmpi eq, %iota3A, %eq3A_303 : vector<1024x512xi32>
    %jit3A_305 = arith.constant 2147483647 : i32
    %broadcast_in_dim3A_306 = vector.broadcast %jit3A_305 : i32 to vector<1024x512xi32>
    %select_n3A_307 = arith.select %eq3A_304, %broadcast_in_dim3A_306, %select_n3A_283 : vector<1024x512xi1>, vector<1024x512xi32>
    %reduce_min3A_308 = arith.constant dense<2147483647> : vector<512xi32>
    %reduce_min3A_309 = vector.multi_reduction <minsi>, %select_n3A_307, %reduce_min3A_308 [0] : vector<1024x512xi32> to vector<512xi32>
    %broadcast_in_dim3A_310 = vector.shape_cast %reduce_min3A_309 : vector<512xi32> to vector<1x512xi32>
    %eq3A_311 = vector.broadcast %broadcast_in_dim3A_310 : vector<1x512xi32> to vector<1024x512xi32>
    %eq3A_312 = arith.cmpi eq, %select_n3A_307, %eq3A_311 : vector<1024x512xi32>
    %jit3A_313 = arith.constant 1024 : i32
    %broadcast_in_dim3A_314 = vector.broadcast %jit3A_313 : i32 to vector<1024x512xi32>
    %select_n3A_315 = arith.select %eq3A_312, %iota3A, %broadcast_in_dim3A_314 : vector<1024x512xi1>, vector<1024x512xi32>
    %reduce_min3A_316 = arith.constant dense<2147483647> : vector<512xi32>
    %reduce_min3A_317 = vector.multi_reduction <minsi>, %select_n3A_315, %reduce_min3A_316 [0] : vector<1024x512xi32> to vector<512xi32>
    %broadcast_in_dim3A_318 = vector.shape_cast %reduce_min3A_317 : vector<512xi32> to vector<1x512xi32>
    %squeeze3A_319 = vector.shape_cast %broadcast_in_dim3A_318 : vector<1x512xi32> to vector<512xi32>
    %add3A_320 = vector.broadcast %mul3A_25 : i32 to vector<512xi32>
    %add3A_321 = arith.addi %squeeze3A_319, %add3A_320 : vector<512xi32>
    %swap3A_322 = arith.constant 12 : index
    %swap3A_323 = arith.constant 0 : index
    %swap3A_324 = vector.load %arg4[%swap3A_322, %swap3A_323] : memref<20x512xi32, #tpu.memory_space<vmem>>, vector<1x512xi32>
    %swap3A_325 = vector.shape_cast %swap3A_324 : vector<1x512xi32> to vector<512xi32>
    %swap3A_326 = vector.shape_cast %add3A_321 : vector<512xi32> to vector<1x512xi32>
    tpu.vector_store %arg4[%swap3A_322, %swap3A_323], %swap3A_326 {strides = array<i32>} : memref<20x512xi32, #tpu.memory_space<vmem>>, vector<1x512xi32>,
    %eq3A_327 = vector.broadcast %broadcast_in_dim3A_318 : vector<1x512xi32> to vector<1024x512xi32>
    %eq3A_328 = arith.cmpi eq, %iota3A, %eq3A_327 : vector<1024x512xi32>
    %jit3A_329 = arith.constant 2147483647 : i32
    %broadcast_in_dim3A_330 = vector.broadcast %jit3A_329 : i32 to vector<1024x512xi32>
    %select_n3A_331 = arith.select %eq3A_328, %broadcast_in_dim3A_330, %select_n3A_307 : vector<1024x512xi1>, vector<1024x512xi32>
    %reduce_min3A_332 = arith.constant dense<2147483647> : vector<512xi32>
    %reduce_min3A_333 = vector.multi_reduction <minsi>, %select_n3A_331, %reduce_min3A_332 [0] : vector<1024x512xi32> to vector<512xi32>
    %broadcast_in_dim3A_334 = vector.shape_cast %reduce_min3A_333 : vector<512xi32> to vector<1x512xi32>
    %eq3A_335 = vector.broadcast %broadcast_in_dim3A_334 : vector<1x512xi32> to vector<1024x512xi32>
    %eq3A_336 = arith.cmpi eq, %select_n3A_331, %eq3A_335 : vector<1024x512xi32>
    %jit3A_337 = arith.constant 1024 : i32
    %broadcast_in_dim3A_338 = vector.broadcast %jit3A_337 : i32 to vector<1024x512xi32>
    %select_n3A_339 = arith.select %eq3A_336, %iota3A, %broadcast_in_dim3A_338 : vector<1024x512xi1>, vector<1024x512xi32>
    %reduce_min3A_340 = arith.constant dense<2147483647> : vector<512xi32>
    %reduce_min3A_341 = vector.multi_reduction <minsi>, %select_n3A_339, %reduce_min3A_340 [0] : vector<1024x512xi32> to vector<512xi32>
    %broadcast_in_dim3A_342 = vector.shape_cast %reduce_min3A_341 : vector<512xi32> to vector<1x512xi32>
    %squeeze3A_343 = vector.shape_cast %broadcast_in_dim3A_342 : vector<1x512xi32> to vector<512xi32>
    %add3A_344 = vector.broadcast %mul3A_25 : i32 to vector<512xi32>
    %add3A_345 = arith.addi %squeeze3A_343, %add3A_344 : vector<512xi32>
    %swap3A_346 = arith.constant 13 : index
    %swap3A_347 = arith.constant 0 : index
    %swap3A_348 = vector.load %arg4[%swap3A_346, %swap3A_347] : memref<20x512xi32, #tpu.memory_space<vmem>>, vector<1x512xi32>
    %swap3A_349 = vector.shape_cast %swap3A_348 : vector<1x512xi32> to vector<512xi32>
    %swap3A_350 = vector.shape_cast %add3A_345 : vector<512xi32> to vector<1x512xi32>
    tpu.vector_store %arg4[%swap3A_346, %swap3A_347], %swap3A_350 {strides = array<i32>} : memref<20x512xi32, #tpu.memory_space<vmem>>, vector<1x512xi32>,
    %eq3A_351 = vector.broadcast %broadcast_in_dim3A_342 : vector<1x512xi32> to vector<1024x512xi32>
    %eq3A_352 = arith.cmpi eq, %iota3A, %eq3A_351 : vector<1024x512xi32>
    %jit3A_353 = arith.constant 2147483647 : i32
    %broadcast_in_dim3A_354 = vector.broadcast %jit3A_353 : i32 to vector<1024x512xi32>
    %select_n3A_355 = arith.select %eq3A_352, %broadcast_in_dim3A_354, %select_n3A_331 : vector<1024x512xi1>, vector<1024x512xi32>
    %reduce_min3A_356 = arith.constant dense<2147483647> : vector<512xi32>
    %reduce_min3A_357 = vector.multi_reduction <minsi>, %select_n3A_355, %reduce_min3A_356 [0] : vector<1024x512xi32> to vector<512xi32>
    %broadcast_in_dim3A_358 = vector.shape_cast %reduce_min3A_357 : vector<512xi32> to vector<1x512xi32>
    %eq3A_359 = vector.broadcast %broadcast_in_dim3A_358 : vector<1x512xi32> to vector<1024x512xi32>
    %eq3A_360 = arith.cmpi eq, %select_n3A_355, %eq3A_359 : vector<1024x512xi32>
    %jit3A_361 = arith.constant 1024 : i32
    %broadcast_in_dim3A_362 = vector.broadcast %jit3A_361 : i32 to vector<1024x512xi32>
    %select_n3A_363 = arith.select %eq3A_360, %iota3A, %broadcast_in_dim3A_362 : vector<1024x512xi1>, vector<1024x512xi32>
    %reduce_min3A_364 = arith.constant dense<2147483647> : vector<512xi32>
    %reduce_min3A_365 = vector.multi_reduction <minsi>, %select_n3A_363, %reduce_min3A_364 [0] : vector<1024x512xi32> to vector<512xi32>
    %broadcast_in_dim3A_366 = vector.shape_cast %reduce_min3A_365 : vector<512xi32> to vector<1x512xi32>
    %squeeze3A_367 = vector.shape_cast %broadcast_in_dim3A_366 : vector<1x512xi32> to vector<512xi32>
    %add3A_368 = vector.broadcast %mul3A_25 : i32 to vector<512xi32>
    %add3A_369 = arith.addi %squeeze3A_367, %add3A_368 : vector<512xi32>
    %swap3A_370 = arith.constant 14 : index
    %swap3A_371 = arith.constant 0 : index
    %swap3A_372 = vector.load %arg4[%swap3A_370, %swap3A_371] : memref<20x512xi32, #tpu.memory_space<vmem>>, vector<1x512xi32>
    %swap3A_373 = vector.shape_cast %swap3A_372 : vector<1x512xi32> to vector<512xi32>
    %swap3A_374 = vector.shape_cast %add3A_369 : vector<512xi32> to vector<1x512xi32>
    tpu.vector_store %arg4[%swap3A_370, %swap3A_371], %swap3A_374 {strides = array<i32>} : memref<20x512xi32, #tpu.memory_space<vmem>>, vector<1x512xi32>,
    %eq3A_375 = vector.broadcast %broadcast_in_dim3A_366 : vector<1x512xi32> to vector<1024x512xi32>
    %eq3A_376 = arith.cmpi eq, %iota3A, %eq3A_375 : vector<1024x512xi32>
    %jit3A_377 = arith.constant 2147483647 : i32
    %broadcast_in_dim3A_378 = vector.broadcast %jit3A_377 : i32 to vector<1024x512xi32>
    %select_n3A_379 = arith.select %eq3A_376, %broadcast_in_dim3A_378, %select_n3A_355 : vector<1024x512xi1>, vector<1024x512xi32>
    %reduce_min3A_380 = arith.constant dense<2147483647> : vector<512xi32>
    %reduce_min3A_381 = vector.multi_reduction <minsi>, %select_n3A_379, %reduce_min3A_380 [0] : vector<1024x512xi32> to vector<512xi32>
    %broadcast_in_dim3A_382 = vector.shape_cast %reduce_min3A_381 : vector<512xi32> to vector<1x512xi32>
    %eq3A_383 = vector.broadcast %broadcast_in_dim3A_382 : vector<1x512xi32> to vector<1024x512xi32>
    %eq3A_384 = arith.cmpi eq, %select_n3A_379, %eq3A_383 : vector<1024x512xi32>
    %jit3A_385 = arith.constant 1024 : i32
    %broadcast_in_dim3A_386 = vector.broadcast %jit3A_385 : i32 to vector<1024x512xi32>
    %select_n3A_387 = arith.select %eq3A_384, %iota3A, %broadcast_in_dim3A_386 : vector<1024x512xi1>, vector<1024x512xi32>
    %reduce_min3A_388 = arith.constant dense<2147483647> : vector<512xi32>
    %reduce_min3A_389 = vector.multi_reduction <minsi>, %select_n3A_387, %reduce_min3A_388 [0] : vector<1024x512xi32> to vector<512xi32>
    %broadcast_in_dim3A_390 = vector.shape_cast %reduce_min3A_389 : vector<512xi32> to vector<1x512xi32>
    %squeeze3A_391 = vector.shape_cast %broadcast_in_dim3A_390 : vector<1x512xi32> to vector<512xi32>
    %add3A_392 = vector.broadcast %mul3A_25 : i32 to vector<512xi32>
    %add3A_393 = arith.addi %squeeze3A_391, %add3A_392 : vector<512xi32>
    %swap3A_394 = arith.constant 15 : index
    %swap3A_395 = arith.constant 0 : index
    %swap3A_396 = vector.load %arg4[%swap3A_394, %swap3A_395] : memref<20x512xi32, #tpu.memory_space<vmem>>, vector<1x512xi32>
    %swap3A_397 = vector.shape_cast %swap3A_396 : vector<1x512xi32> to vector<512xi32>
    %swap3A_398 = vector.shape_cast %add3A_393 : vector<512xi32> to vector<1x512xi32>
    tpu.vector_store %arg4[%swap3A_394, %swap3A_395], %swap3A_398 {strides = array<i32>} : memref<20x512xi32, #tpu.memory_space<vmem>>, vector<1x512xi32>,
    %eq3A_399 = vector.broadcast %broadcast_in_dim3A_390 : vector<1x512xi32> to vector<1024x512xi32>
    %eq3A_400 = arith.cmpi eq, %iota3A, %eq3A_399 : vector<1024x512xi32>
    %jit3A_401 = arith.constant 2147483647 : i32
    %broadcast_in_dim3A_402 = vector.broadcast %jit3A_401 : i32 to vector<1024x512xi32>
    %select_n3A_403 = arith.select %eq3A_400, %broadcast_in_dim3A_402, %select_n3A_379 : vector<1024x512xi1>, vector<1024x512xi32>
    %reduce_min3A_404 = arith.constant dense<2147483647> : vector<512xi32>
    %reduce_min3A_405 = vector.multi_reduction <minsi>, %select_n3A_403, %reduce_min3A_404 [0] : vector<1024x512xi32> to vector<512xi32>
    %broadcast_in_dim3A_406 = vector.shape_cast %reduce_min3A_405 : vector<512xi32> to vector<1x512xi32>
    %eq3A_407 = vector.broadcast %broadcast_in_dim3A_406 : vector<1x512xi32> to vector<1024x512xi32>
    %eq3A_408 = arith.cmpi eq, %select_n3A_403, %eq3A_407 : vector<1024x512xi32>
    %jit3A_409 = arith.constant 1024 : i32
    %broadcast_in_dim3A_410 = vector.broadcast %jit3A_409 : i32 to vector<1024x512xi32>
    %select_n3A_411 = arith.select %eq3A_408, %iota3A, %broadcast_in_dim3A_410 : vector<1024x512xi1>, vector<1024x512xi32>
    %reduce_min3A_412 = arith.constant dense<2147483647> : vector<512xi32>
    %reduce_min3A_413 = vector.multi_reduction <minsi>, %select_n3A_411, %reduce_min3A_412 [0] : vector<1024x512xi32> to vector<512xi32>
    %broadcast_in_dim3A_414 = vector.shape_cast %reduce_min3A_413 : vector<512xi32> to vector<1x512xi32>
    %squeeze3A_415 = vector.shape_cast %broadcast_in_dim3A_414 : vector<1x512xi32> to vector<512xi32>
    %add3A_416 = vector.broadcast %mul3A_25 : i32 to vector<512xi32>
    %add3A_417 = arith.addi %squeeze3A_415, %add3A_416 : vector<512xi32>
    %swap3A_418 = arith.constant 16 : index
    %swap3A_419 = arith.constant 0 : index
    %swap3A_420 = vector.load %arg4[%swap3A_418, %swap3A_419] : memref<20x512xi32, #tpu.memory_space<vmem>>, vector<1x512xi32>
    %swap3A_421 = vector.shape_cast %swap3A_420 : vector<1x512xi32> to vector<512xi32>
    %swap3A_422 = vector.shape_cast %add3A_417 : vector<512xi32> to vector<1x512xi32>
    tpu.vector_store %arg4[%swap3A_418, %swap3A_419], %swap3A_422 {strides = array<i32>} : memref<20x512xi32, #tpu.memory_space<vmem>>, vector<1x512xi32>,
    %eq3A_423 = vector.broadcast %broadcast_in_dim3A_414 : vector<1x512xi32> to vector<1024x512xi32>
    %eq3A_424 = arith.cmpi eq, %iota3A, %eq3A_423 : vector<1024x512xi32>
    %jit3A_425 = arith.constant 2147483647 : i32
    %broadcast_in_dim3A_426 = vector.broadcast %jit3A_425 : i32 to vector<1024x512xi32>
    %select_n3A_427 = arith.select %eq3A_424, %broadcast_in_dim3A_426, %select_n3A_403 : vector<1024x512xi1>, vector<1024x512xi32>
    %reduce_min3A_428 = arith.constant dense<2147483647> : vector<512xi32>
    %reduce_min3A_429 = vector.multi_reduction <minsi>, %select_n3A_427, %reduce_min3A_428 [0] : vector<1024x512xi32> to vector<512xi32>
    %broadcast_in_dim3A_430 = vector.shape_cast %reduce_min3A_429 : vector<512xi32> to vector<1x512xi32>
    %eq3A_431 = vector.broadcast %broadcast_in_dim3A_430 : vector<1x512xi32> to vector<1024x512xi32>
    %eq3A_432 = arith.cmpi eq, %select_n3A_427, %eq3A_431 : vector<1024x512xi32>
    %jit3A_433 = arith.constant 1024 : i32
    %broadcast_in_dim3A_434 = vector.broadcast %jit3A_433 : i32 to vector<1024x512xi32>
    %select_n3A_435 = arith.select %eq3A_432, %iota3A, %broadcast_in_dim3A_434 : vector<1024x512xi1>, vector<1024x512xi32>
    %reduce_min3A_436 = arith.constant dense<2147483647> : vector<512xi32>
    %reduce_min3A_437 = vector.multi_reduction <minsi>, %select_n3A_435, %reduce_min3A_436 [0] : vector<1024x512xi32> to vector<512xi32>
    %broadcast_in_dim3A_438 = vector.shape_cast %reduce_min3A_437 : vector<512xi32> to vector<1x512xi32>
    %squeeze3A_439 = vector.shape_cast %broadcast_in_dim3A_438 : vector<1x512xi32> to vector<512xi32>
    %add3A_440 = vector.broadcast %mul3A_25 : i32 to vector<512xi32>
    %add3A_441 = arith.addi %squeeze3A_439, %add3A_440 : vector<512xi32>
    %swap3A_442 = arith.constant 17 : index
    %swap3A_443 = arith.constant 0 : index
    %swap3A_444 = vector.load %arg4[%swap3A_442, %swap3A_443] : memref<20x512xi32, #tpu.memory_space<vmem>>, vector<1x512xi32>
    %swap3A_445 = vector.shape_cast %swap3A_444 : vector<1x512xi32> to vector<512xi32>
    %swap3A_446 = vector.shape_cast %add3A_441 : vector<512xi32> to vector<1x512xi32>
    tpu.vector_store %arg4[%swap3A_442, %swap3A_443], %swap3A_446 {strides = array<i32>} : memref<20x512xi32, #tpu.memory_space<vmem>>, vector<1x512xi32>,
    %eq3A_447 = vector.broadcast %broadcast_in_dim3A_438 : vector<1x512xi32> to vector<1024x512xi32>
    %eq3A_448 = arith.cmpi eq, %iota3A, %eq3A_447 : vector<1024x512xi32>
    %jit3A_449 = arith.constant 2147483647 : i32
    %broadcast_in_dim3A_450 = vector.broadcast %jit3A_449 : i32 to vector<1024x512xi32>
    %select_n3A_451 = arith.select %eq3A_448, %broadcast_in_dim3A_450, %select_n3A_427 : vector<1024x512xi1>, vector<1024x512xi32>
    %reduce_min3A_452 = arith.constant dense<2147483647> : vector<512xi32>
    %reduce_min3A_453 = vector.multi_reduction <minsi>, %select_n3A_451, %reduce_min3A_452 [0] : vector<1024x512xi32> to vector<512xi32>
    %broadcast_in_dim3A_454 = vector.shape_cast %reduce_min3A_453 : vector<512xi32> to vector<1x512xi32>
    %eq3A_455 = vector.broadcast %broadcast_in_dim3A_454 : vector<1x512xi32> to vector<1024x512xi32>
    %eq3A_456 = arith.cmpi eq, %select_n3A_451, %eq3A_455 : vector<1024x512xi32>
    %jit3A_457 = arith.constant 1024 : i32
    %broadcast_in_dim3A_458 = vector.broadcast %jit3A_457 : i32 to vector<1024x512xi32>
    %select_n3A_459 = arith.select %eq3A_456, %iota3A, %broadcast_in_dim3A_458 : vector<1024x512xi1>, vector<1024x512xi32>
    %reduce_min3A_460 = arith.constant dense<2147483647> : vector<512xi32>
    %reduce_min3A_461 = vector.multi_reduction <minsi>, %select_n3A_459, %reduce_min3A_460 [0] : vector<1024x512xi32> to vector<512xi32>
    %broadcast_in_dim3A_462 = vector.shape_cast %reduce_min3A_461 : vector<512xi32> to vector<1x512xi32>
    %squeeze3A_463 = vector.shape_cast %broadcast_in_dim3A_462 : vector<1x512xi32> to vector<512xi32>
    %add3A_464 = vector.broadcast %mul3A_25 : i32 to vector<512xi32>
    %add3A_465 = arith.addi %squeeze3A_463, %add3A_464 : vector<512xi32>
    %swap3A_466 = arith.constant 18 : index
    %swap3A_467 = arith.constant 0 : index
    %swap3A_468 = vector.load %arg4[%swap3A_466, %swap3A_467] : memref<20x512xi32, #tpu.memory_space<vmem>>, vector<1x512xi32>
    %swap3A_469 = vector.shape_cast %swap3A_468 : vector<1x512xi32> to vector<512xi32>
    %swap3A_470 = vector.shape_cast %add3A_465 : vector<512xi32> to vector<1x512xi32>
    tpu.vector_store %arg4[%swap3A_466, %swap3A_467], %swap3A_470 {strides = array<i32>} : memref<20x512xi32, #tpu.memory_space<vmem>>, vector<1x512xi32>,
    %eq3A_471 = vector.broadcast %broadcast_in_dim3A_462 : vector<1x512xi32> to vector<1024x512xi32>
    %eq3A_472 = arith.cmpi eq, %iota3A, %eq3A_471 : vector<1024x512xi32>
    %jit3A_473 = arith.constant 2147483647 : i32
    %broadcast_in_dim3A_474 = vector.broadcast %jit3A_473 : i32 to vector<1024x512xi32>
    %select_n3A_475 = arith.select %eq3A_472, %broadcast_in_dim3A_474, %select_n3A_451 : vector<1024x512xi1>, vector<1024x512xi32>
    %reduce_min3A_476 = arith.constant dense<2147483647> : vector<512xi32>
    %reduce_min3A_477 = vector.multi_reduction <minsi>, %select_n3A_475, %reduce_min3A_476 [0] : vector<1024x512xi32> to vector<512xi32>
    %broadcast_in_dim3A_478 = vector.shape_cast %reduce_min3A_477 : vector<512xi32> to vector<1x512xi32>
    %eq3A_479 = vector.broadcast %broadcast_in_dim3A_478 : vector<1x512xi32> to vector<1024x512xi32>
    %eq3A_480 = arith.cmpi eq, %select_n3A_475, %eq3A_479 : vector<1024x512xi32>
    %jit3A_481 = arith.constant 1024 : i32
    %broadcast_in_dim3A_482 = vector.broadcast %jit3A_481 : i32 to vector<1024x512xi32>
    %select_n3A_483 = arith.select %eq3A_480, %iota3A, %broadcast_in_dim3A_482 : vector<1024x512xi1>, vector<1024x512xi32>
    %reduce_min3A_484 = arith.constant dense<2147483647> : vector<512xi32>
    %reduce_min3A_485 = vector.multi_reduction <minsi>, %select_n3A_483, %reduce_min3A_484 [0] : vector<1024x512xi32> to vector<512xi32>
    %broadcast_in_dim3A_486 = vector.shape_cast %reduce_min3A_485 : vector<512xi32> to vector<1x512xi32>
    %squeeze3A_487 = vector.shape_cast %broadcast_in_dim3A_486 : vector<1x512xi32> to vector<512xi32>
    %add3A_488 = vector.broadcast %mul3A_25 : i32 to vector<512xi32>
    %add3A_489 = arith.addi %squeeze3A_487, %add3A_488 : vector<512xi32>
    %swap3A_490 = arith.constant 19 : index
    %swap3A_491 = arith.constant 0 : index
    %swap3A_492 = vector.load %arg4[%swap3A_490, %swap3A_491] : memref<20x512xi32, #tpu.memory_space<vmem>>, vector<1x512xi32>
    %swap3A_493 = vector.shape_cast %swap3A_492 : vector<1x512xi32> to vector<512xi32>
    %swap3A_494 = vector.shape_cast %add3A_489 : vector<512xi32> to vector<1x512xi32>
    tpu.vector_store %arg4[%swap3A_490, %swap3A_491], %swap3A_494 {strides = array<i32>} : memref<20x512xi32, #tpu.memory_space<vmem>>, vector<1x512xi32>,
    return
  }
  func.func @transform_0(%arg0: i32, %arg1: i32) -> (i32, i32, i32) {
    %c0_i32 = arith.constant 0 : i32
    %c0_i32_0 = arith.constant 0 : i32
    %c0_i32_1 = arith.constant 0 : i32
    return %arg0, %c0_i32, %c0_i32_0 : i32, i32, i32
  }
  func.func @transform_1(%arg0: i32, %arg1: i32) -> (i32, i32, i32) {
    %c0_i32 = arith.constant 0 : i32
    %c0_i32_0 = arith.constant 0 : i32
    return %arg0, %c0_i32, %arg1 : i32, i32, i32
  }
  func.func @transform_2(%arg0: i32, %arg1: i32) -> (i32, i32) {
    %mul3A = arith.constant 2 : i32
    %mul3A_0 = arith.muli %arg0, %mul3A : i32
    %add3A = arith.addi %mul3A_0, %arg1 : i32
    %c0_i32 = arith.constant 0 : i32
    %c0_i32_1 = arith.constant 0 : i32
    return %c0_i32, %add3A : i32, i32
  }
}

module attributes {stable_mosaic.version = 14 : i64} {
  func.func @_kp_body(%arg0: memref<8192x16xf32, #tpu.memory_space<vmem>>, %arg1: memref<3x32xf32, #tpu.memory_space<vmem>>, %arg2: memref<1x32xf32, #tpu.memory_space<vmem>>, %arg3: memref<1x32xf32, #tpu.memory_space<vmem>>, %arg4: memref<1x32xf32, #tpu.memory_space<vmem>>, %arg5: memref<32x64xf32, #tpu.memory_space<vmem>>, %arg6: memref<1x64xf32, #tpu.memory_space<vmem>>, %arg7: memref<1x64xf32, #tpu.memory_space<vmem>>, %arg8: memref<1x64xf32, #tpu.memory_space<vmem>>, %arg9: memref<3x128xf32, #tpu.memory_space<vmem>>, %arg10: memref<1x128xf32, #tpu.memory_space<vmem>>, %arg11: memref<1x128xf32, #tpu.memory_space<vmem>>, %arg12: memref<1x128xf32, #tpu.memory_space<vmem>>, %arg13: memref<128x256xf32, #tpu.memory_space<vmem>>, %arg14: memref<1x256xf32, #tpu.memory_space<vmem>>, %arg15: memref<1x256xf32, #tpu.memory_space<vmem>>, %arg16: memref<1x256xf32, #tpu.memory_space<vmem>>, %arg17: memref<8192x64xf32, #tpu.memory_space<vmem>>, %arg18: memref<8192x256xf32, #tpu.memory_space<vmem>>) attributes {dimension_semantics = [], scalar_prefetch = 0 : i64, scratch_operands = 0 : i64, tpu.core_type = #tpu.core_type<tc>} {
    %get3A = arith.constant 0 : index
    %get3A_0 = arith.constant 0 : index
    %get3A_1 = vector.load %arg0[%get3A, %get3A_0] : memref<8192x16xf32, #tpu.memory_space<vmem>>, vector<8192x3xf32>
    %get3A_2 = arith.constant 0 : index
    %get3A_3 = arith.constant 0 : index
    %get3A_4 = vector.load %arg1[%get3A_2, %get3A_3] : memref<3x32xf32, #tpu.memory_space<vmem>>, vector<3x32xf32>
    %dot_general3A = arith.constant dense<0.000000e+00> : vector<8192x32xf32>
    %dot_general3A_5 = tpu.matmul %get3A_1, %get3A_4, %dot_general3A {dimension_numbers = #tpu.dot_dimension_numbers<[1], [0], [0], [1], [0, 0, 1, 1], [], []>, transpose_lhs_hint = false} : vector<8192x3xf32>, vector<3x32xf32>, vector<8192x32xf32> -> vector<8192x32xf32>
    %get3A_6 = arith.constant 0 : index
    %get3A_7 = arith.constant 0 : index
    %get3A_8 = vector.load %arg2[%get3A_6, %get3A_7] : memref<1x32xf32, #tpu.memory_space<vmem>>, vector<1x32xf32>
    %add3A = vector.broadcast %get3A_8 : vector<1x32xf32> to vector<8192x32xf32>
    %add3A_9 = arith.addf %dot_general3A_5, %add3A : vector<8192x32xf32>
    %reduce_sum3A = arith.constant dense<0.000000e+00> : vector<32xf32>
    %reduce_sum3A_10 = vector.multi_reduction <add>, %add3A_9, %reduce_sum3A [0] : vector<8192x32xf32> to vector<32xf32>
    %broadcast_in_dim3A = vector.shape_cast %reduce_sum3A_10 : vector<32xf32> to vector<1x32xf32>
    %div3A = arith.constant 8.192000e+03 : f32
    %div3A_11 = vector.broadcast %div3A : f32 to vector<1x32xf32>
    %div3A_12 = arith.divf %broadcast_in_dim3A, %div3A_11 : vector<1x32xf32>
    %sub3A = vector.broadcast %div3A_12 : vector<1x32xf32> to vector<8192x32xf32>
    %sub3A_13 = arith.subf %add3A_9, %sub3A : vector<8192x32xf32>
    %mul3A = arith.mulf %sub3A_13, %sub3A_13 : vector<8192x32xf32>
    %reduce_sum3A_14 = arith.constant dense<0.000000e+00> : vector<32xf32>
    %reduce_sum3A_15 = vector.multi_reduction <add>, %mul3A, %reduce_sum3A_14 [0] : vector<8192x32xf32> to vector<32xf32>
    %broadcast_in_dim3A_16 = vector.shape_cast %reduce_sum3A_15 : vector<32xf32> to vector<1x32xf32>
    %div3A_17 = arith.constant 8.192000e+03 : f32
    %div3A_18 = vector.broadcast %div3A_17 : f32 to vector<1x32xf32>
    %div3A_19 = arith.divf %broadcast_in_dim3A_16, %div3A_18 : vector<1x32xf32>
    %add3A_20 = arith.constant 9.99999974E-6 : f32
    %add3A_21 = vector.broadcast %add3A_20 : f32 to vector<1x32xf32>
    %add3A_22 = arith.addf %div3A_19, %add3A_21 : vector<1x32xf32>
    %sqrt3A = math.sqrt %add3A_22 : vector<1x32xf32>
    %div3A_23 = vector.broadcast %sqrt3A : vector<1x32xf32> to vector<8192x32xf32>
    %div3A_24 = arith.divf %sub3A_13, %div3A_23 : vector<8192x32xf32>
    %get3A_25 = arith.constant 0 : index
    %get3A_26 = arith.constant 0 : index
    %get3A_27 = vector.load %arg3[%get3A_25, %get3A_26] : memref<1x32xf32, #tpu.memory_space<vmem>>, vector<1x32xf32>
    %mul3A_28 = vector.broadcast %get3A_27 : vector<1x32xf32> to vector<8192x32xf32>
    %mul3A_29 = arith.mulf %div3A_24, %mul3A_28 : vector<8192x32xf32>
    %get3A_30 = arith.constant 0 : index
    %get3A_31 = arith.constant 0 : index
    %get3A_32 = vector.load %arg4[%get3A_30, %get3A_31] : memref<1x32xf32, #tpu.memory_space<vmem>>, vector<1x32xf32>
    %add3A_33 = vector.broadcast %get3A_32 : vector<1x32xf32> to vector<8192x32xf32>
    %add3A_34 = arith.addf %mul3A_29, %add3A_33 : vector<8192x32xf32>
    %max3A = arith.constant 0.000000e+00 : f32
    %max3A_35 = vector.broadcast %max3A : f32 to vector<8192x32xf32>
    %max3A_36 = arith.maximumf %add3A_34, %max3A_35 : vector<8192x32xf32>
    %get3A_37 = arith.constant 0 : index
    %get3A_38 = arith.constant 0 : index
    %get3A_39 = vector.load %arg5[%get3A_37, %get3A_38] : memref<32x64xf32, #tpu.memory_space<vmem>>, vector<32x64xf32>
    %dot_general3A_40 = arith.constant dense<0.000000e+00> : vector<8192x64xf32>
    %dot_general3A_41 = tpu.matmul %max3A_36, %get3A_39, %dot_general3A_40 {dimension_numbers = #tpu.dot_dimension_numbers<[1], [0], [0], [1], [0, 0, 1, 1], [], []>, transpose_lhs_hint = false} : vector<8192x32xf32>, vector<32x64xf32>, vector<8192x64xf32> -> vector<8192x64xf32>
    %get3A_42 = arith.constant 0 : index
    %get3A_43 = arith.constant 0 : index
    %get3A_44 = vector.load %arg6[%get3A_42, %get3A_43] : memref<1x64xf32, #tpu.memory_space<vmem>>, vector<1x64xf32>
    %add3A_45 = vector.broadcast %get3A_44 : vector<1x64xf32> to vector<8192x64xf32>
    %add3A_46 = arith.addf %dot_general3A_41, %add3A_45 : vector<8192x64xf32>
    %reduce_sum3A_47 = arith.constant dense<0.000000e+00> : vector<64xf32>
    %reduce_sum3A_48 = vector.multi_reduction <add>, %add3A_46, %reduce_sum3A_47 [0] : vector<8192x64xf32> to vector<64xf32>
    %broadcast_in_dim3A_49 = vector.shape_cast %reduce_sum3A_48 : vector<64xf32> to vector<1x64xf32>
    %div3A_50 = arith.constant 8.192000e+03 : f32
    %div3A_51 = vector.broadcast %div3A_50 : f32 to vector<1x64xf32>
    %div3A_52 = arith.divf %broadcast_in_dim3A_49, %div3A_51 : vector<1x64xf32>
    %sub3A_53 = vector.broadcast %div3A_52 : vector<1x64xf32> to vector<8192x64xf32>
    %sub3A_54 = arith.subf %add3A_46, %sub3A_53 : vector<8192x64xf32>
    %mul3A_55 = arith.mulf %sub3A_54, %sub3A_54 : vector<8192x64xf32>
    %reduce_sum3A_56 = arith.constant dense<0.000000e+00> : vector<64xf32>
    %reduce_sum3A_57 = vector.multi_reduction <add>, %mul3A_55, %reduce_sum3A_56 [0] : vector<8192x64xf32> to vector<64xf32>
    %broadcast_in_dim3A_58 = vector.shape_cast %reduce_sum3A_57 : vector<64xf32> to vector<1x64xf32>
    %div3A_59 = arith.constant 8.192000e+03 : f32
    %div3A_60 = vector.broadcast %div3A_59 : f32 to vector<1x64xf32>
    %div3A_61 = arith.divf %broadcast_in_dim3A_58, %div3A_60 : vector<1x64xf32>
    %add3A_62 = arith.constant 9.99999974E-6 : f32
    %add3A_63 = vector.broadcast %add3A_62 : f32 to vector<1x64xf32>
    %add3A_64 = arith.addf %div3A_61, %add3A_63 : vector<1x64xf32>
    %sqrt3A_65 = math.sqrt %add3A_64 : vector<1x64xf32>
    %div3A_66 = vector.broadcast %sqrt3A_65 : vector<1x64xf32> to vector<8192x64xf32>
    %div3A_67 = arith.divf %sub3A_54, %div3A_66 : vector<8192x64xf32>
    %get3A_68 = arith.constant 0 : index
    %get3A_69 = arith.constant 0 : index
    %get3A_70 = vector.load %arg7[%get3A_68, %get3A_69] : memref<1x64xf32, #tpu.memory_space<vmem>>, vector<1x64xf32>
    %mul3A_71 = vector.broadcast %get3A_70 : vector<1x64xf32> to vector<8192x64xf32>
    %mul3A_72 = arith.mulf %div3A_67, %mul3A_71 : vector<8192x64xf32>
    %get3A_73 = arith.constant 0 : index
    %get3A_74 = arith.constant 0 : index
    %get3A_75 = vector.load %arg8[%get3A_73, %get3A_74] : memref<1x64xf32, #tpu.memory_space<vmem>>, vector<1x64xf32>
    %add3A_76 = vector.broadcast %get3A_75 : vector<1x64xf32> to vector<8192x64xf32>
    %add3A_77 = arith.addf %mul3A_72, %add3A_76 : vector<8192x64xf32>
    %max3A_78 = arith.constant 0.000000e+00 : f32
    %max3A_79 = vector.broadcast %max3A_78 : f32 to vector<8192x64xf32>
    %max3A_80 = arith.maximumf %add3A_77, %max3A_79 : vector<8192x64xf32>
    %swap3A = arith.constant 0 : index
    %swap3A_81 = arith.constant 0 : index
    %swap3A_82 = vector.load %arg17[%swap3A, %swap3A_81] : memref<8192x64xf32, #tpu.memory_space<vmem>>, vector<8192x64xf32>
    tpu.vector_store %arg17[%swap3A, %swap3A_81], %max3A_80 {strides = array<i32>} : memref<8192x64xf32, #tpu.memory_space<vmem>>, vector<8192x64xf32>,
    %get3A_83 = arith.constant 0 : index
    %get3A_84 = arith.constant 0 : index
    %get3A_85 = vector.load %arg9[%get3A_83, %get3A_84] : memref<3x128xf32, #tpu.memory_space<vmem>>, vector<3x128xf32>
    %dot_general3A_86 = arith.constant dense<0.000000e+00> : vector<8192x128xf32>
    %dot_general3A_87 = tpu.matmul %get3A_1, %get3A_85, %dot_general3A_86 {dimension_numbers = #tpu.dot_dimension_numbers<[1], [0], [0], [1], [0, 0, 1, 1], [], []>, transpose_lhs_hint = false} : vector<8192x3xf32>, vector<3x128xf32>, vector<8192x128xf32> -> vector<8192x128xf32>
    %get3A_88 = arith.constant 0 : index
    %get3A_89 = arith.constant 0 : index
    %get3A_90 = vector.load %arg10[%get3A_88, %get3A_89] : memref<1x128xf32, #tpu.memory_space<vmem>>, vector<1x128xf32>
    %add3A_91 = vector.broadcast %get3A_90 : vector<1x128xf32> to vector<8192x128xf32>
    %add3A_92 = arith.addf %dot_general3A_87, %add3A_91 : vector<8192x128xf32>
    %reduce_sum3A_93 = arith.constant dense<0.000000e+00> : vector<128xf32>
    %reduce_sum3A_94 = vector.multi_reduction <add>, %add3A_92, %reduce_sum3A_93 [0] : vector<8192x128xf32> to vector<128xf32>
    %broadcast_in_dim3A_95 = vector.shape_cast %reduce_sum3A_94 : vector<128xf32> to vector<1x128xf32>
    %div3A_96 = arith.constant 8.192000e+03 : f32
    %div3A_97 = vector.broadcast %div3A_96 : f32 to vector<1x128xf32>
    %div3A_98 = arith.divf %broadcast_in_dim3A_95, %div3A_97 : vector<1x128xf32>
    %sub3A_99 = vector.broadcast %div3A_98 : vector<1x128xf32> to vector<8192x128xf32>
    %sub3A_100 = arith.subf %add3A_92, %sub3A_99 : vector<8192x128xf32>
    %mul3A_101 = arith.mulf %sub3A_100, %sub3A_100 : vector<8192x128xf32>
    %reduce_sum3A_102 = arith.constant dense<0.000000e+00> : vector<128xf32>
    %reduce_sum3A_103 = vector.multi_reduction <add>, %mul3A_101, %reduce_sum3A_102 [0] : vector<8192x128xf32> to vector<128xf32>
    %broadcast_in_dim3A_104 = vector.shape_cast %reduce_sum3A_103 : vector<128xf32> to vector<1x128xf32>
    %div3A_105 = arith.constant 8.192000e+03 : f32
    %div3A_106 = vector.broadcast %div3A_105 : f32 to vector<1x128xf32>
    %div3A_107 = arith.divf %broadcast_in_dim3A_104, %div3A_106 : vector<1x128xf32>
    %add3A_108 = arith.constant 9.99999974E-6 : f32
    %add3A_109 = vector.broadcast %add3A_108 : f32 to vector<1x128xf32>
    %add3A_110 = arith.addf %div3A_107, %add3A_109 : vector<1x128xf32>
    %sqrt3A_111 = math.sqrt %add3A_110 : vector<1x128xf32>
    %div3A_112 = vector.broadcast %sqrt3A_111 : vector<1x128xf32> to vector<8192x128xf32>
    %div3A_113 = arith.divf %sub3A_100, %div3A_112 : vector<8192x128xf32>
    %get3A_114 = arith.constant 0 : index
    %get3A_115 = arith.constant 0 : index
    %get3A_116 = vector.load %arg11[%get3A_114, %get3A_115] : memref<1x128xf32, #tpu.memory_space<vmem>>, vector<1x128xf32>
    %mul3A_117 = vector.broadcast %get3A_116 : vector<1x128xf32> to vector<8192x128xf32>
    %mul3A_118 = arith.mulf %div3A_113, %mul3A_117 : vector<8192x128xf32>
    %get3A_119 = arith.constant 0 : index
    %get3A_120 = arith.constant 0 : index
    %get3A_121 = vector.load %arg12[%get3A_119, %get3A_120] : memref<1x128xf32, #tpu.memory_space<vmem>>, vector<1x128xf32>
    %add3A_122 = vector.broadcast %get3A_121 : vector<1x128xf32> to vector<8192x128xf32>
    %add3A_123 = arith.addf %mul3A_118, %add3A_122 : vector<8192x128xf32>
    %max3A_124 = arith.constant 0.000000e+00 : f32
    %max3A_125 = vector.broadcast %max3A_124 : f32 to vector<8192x128xf32>
    %max3A_126 = arith.maximumf %add3A_123, %max3A_125 : vector<8192x128xf32>
    %get3A_127 = arith.constant 0 : index
    %get3A_128 = arith.constant 0 : index
    %get3A_129 = vector.load %arg13[%get3A_127, %get3A_128] : memref<128x256xf32, #tpu.memory_space<vmem>>, vector<128x256xf32>
    %dot_general3A_130 = arith.constant dense<0.000000e+00> : vector<8192x256xf32>
    %dot_general3A_131 = tpu.matmul %max3A_126, %get3A_129, %dot_general3A_130 {dimension_numbers = #tpu.dot_dimension_numbers<[1], [0], [0], [1], [0, 0, 1, 1], [], []>, transpose_lhs_hint = false} : vector<8192x128xf32>, vector<128x256xf32>, vector<8192x256xf32> -> vector<8192x256xf32>
    %get3A_132 = arith.constant 0 : index
    %get3A_133 = arith.constant 0 : index
    %get3A_134 = vector.load %arg14[%get3A_132, %get3A_133] : memref<1x256xf32, #tpu.memory_space<vmem>>, vector<1x256xf32>
    %add3A_135 = vector.broadcast %get3A_134 : vector<1x256xf32> to vector<8192x256xf32>
    %add3A_136 = arith.addf %dot_general3A_131, %add3A_135 : vector<8192x256xf32>
    %reduce_sum3A_137 = arith.constant dense<0.000000e+00> : vector<256xf32>
    %reduce_sum3A_138 = vector.multi_reduction <add>, %add3A_136, %reduce_sum3A_137 [0] : vector<8192x256xf32> to vector<256xf32>
    %broadcast_in_dim3A_139 = vector.shape_cast %reduce_sum3A_138 : vector<256xf32> to vector<1x256xf32>
    %div3A_140 = arith.constant 8.192000e+03 : f32
    %div3A_141 = vector.broadcast %div3A_140 : f32 to vector<1x256xf32>
    %div3A_142 = arith.divf %broadcast_in_dim3A_139, %div3A_141 : vector<1x256xf32>
    %sub3A_143 = vector.broadcast %div3A_142 : vector<1x256xf32> to vector<8192x256xf32>
    %sub3A_144 = arith.subf %add3A_136, %sub3A_143 : vector<8192x256xf32>
    %mul3A_145 = arith.mulf %sub3A_144, %sub3A_144 : vector<8192x256xf32>
    %reduce_sum3A_146 = arith.constant dense<0.000000e+00> : vector<256xf32>
    %reduce_sum3A_147 = vector.multi_reduction <add>, %mul3A_145, %reduce_sum3A_146 [0] : vector<8192x256xf32> to vector<256xf32>
    %broadcast_in_dim3A_148 = vector.shape_cast %reduce_sum3A_147 : vector<256xf32> to vector<1x256xf32>
    %div3A_149 = arith.constant 8.192000e+03 : f32
    %div3A_150 = vector.broadcast %div3A_149 : f32 to vector<1x256xf32>
    %div3A_151 = arith.divf %broadcast_in_dim3A_148, %div3A_150 : vector<1x256xf32>
    %add3A_152 = arith.constant 9.99999974E-6 : f32
    %add3A_153 = vector.broadcast %add3A_152 : f32 to vector<1x256xf32>
    %add3A_154 = arith.addf %div3A_151, %add3A_153 : vector<1x256xf32>
    %sqrt3A_155 = math.sqrt %add3A_154 : vector<1x256xf32>
    %div3A_156 = vector.broadcast %sqrt3A_155 : vector<1x256xf32> to vector<8192x256xf32>
    %div3A_157 = arith.divf %sub3A_144, %div3A_156 : vector<8192x256xf32>
    %get3A_158 = arith.constant 0 : index
    %get3A_159 = arith.constant 0 : index
    %get3A_160 = vector.load %arg15[%get3A_158, %get3A_159] : memref<1x256xf32, #tpu.memory_space<vmem>>, vector<1x256xf32>
    %mul3A_161 = vector.broadcast %get3A_160 : vector<1x256xf32> to vector<8192x256xf32>
    %mul3A_162 = arith.mulf %div3A_157, %mul3A_161 : vector<8192x256xf32>
    %get3A_163 = arith.constant 0 : index
    %get3A_164 = arith.constant 0 : index
    %get3A_165 = vector.load %arg16[%get3A_163, %get3A_164] : memref<1x256xf32, #tpu.memory_space<vmem>>, vector<1x256xf32>
    %add3A_166 = vector.broadcast %get3A_165 : vector<1x256xf32> to vector<8192x256xf32>
    %add3A_167 = arith.addf %mul3A_162, %add3A_166 : vector<8192x256xf32>
    %max3A_168 = arith.constant 0.000000e+00 : f32
    %max3A_169 = vector.broadcast %max3A_168 : f32 to vector<8192x256xf32>
    %max3A_170 = arith.maximumf %add3A_167, %max3A_169 : vector<8192x256xf32>
    %swap3A_171 = arith.constant 0 : index
    %swap3A_172 = arith.constant 0 : index
    %swap3A_173 = vector.load %arg18[%swap3A_171, %swap3A_172] : memref<8192x256xf32, #tpu.memory_space<vmem>>, vector<8192x256xf32>
    tpu.vector_store %arg18[%swap3A_171, %swap3A_172], %max3A_170 {strides = array<i32>} : memref<8192x256xf32, #tpu.memory_space<vmem>>, vector<8192x256xf32>,
    return
  }
}

module attributes {stable_mosaic.version = 14 : i64} {
  func.func @_k3_body(%arg0: i32, %arg1: memref<20x512x128xf32, #tpu.memory_space<vmem>>, %arg2: memref<512x16xf32, #tpu.memory_space<vmem>>, %arg3: memref<12x64xf32, #tpu.memory_space<vmem>>, %arg4: memref<1x64xf32, #tpu.memory_space<vmem>>, %arg5: memref<20x512x64xf32, #tpu.memory_space<vmem>>, %arg6: memref<1x64xf32, #tpu.memory_space<vmem>>) attributes {dimension_semantics = [#tpu.dimension_semantics<arbitrary>], iteration_bounds = array<i64: 16>, scalar_prefetch = 0 : i64, scratch_operands = 0 : i64, tpu.core_type = #tpu.core_type<tc>, window_params = [{transform_indices = @transform_0, window_bounds = array<i64: 20, 512, 128>}, {transform_indices = @transform_1, window_bounds = array<i64: 512, 16>}, {pipeline_mode = #tpu.pipeline_mode<synchronous>, transform_indices = @transform_2, window_bounds = array<i64: 12, 64>}, {pipeline_mode = #tpu.pipeline_mode<synchronous>, transform_indices = @transform_3, window_bounds = array<i64: 1, 64>}, {transform_indices = @transform_4, window_bounds = array<i64: 20, 512, 64>}, {pipeline_mode = #tpu.pipeline_mode<synchronous>, transform_indices = @transform_5, window_bounds = array<i64: 1, 64>}]} {
    %get3A = arith.constant 0 : index
    %get3A_0 = arith.constant 0 : index
    %get3A_1 = vector.load %arg2[%get3A, %get3A_0] : memref<512x16xf32, #tpu.memory_space<vmem>>, vector<512x6xf32>
    %broadcast_in_dim3A = arith.constant 0.000000e+00 : f32
    %broadcast_in_dim3A_2 = vector.broadcast %broadcast_in_dim3A : f32 to vector<1x64xf32>
    %get3A_3 = arith.constant 0 : index
    %get3A_4 = arith.constant 0 : index
    %get3A_5 = arith.constant 0 : index
    %get3A_6 = vector.load %arg1[%get3A_3, %get3A_4, %get3A_5] : memref<20x512x128xf32, #tpu.memory_space<vmem>>, vector<1x512x128xf32>
    %get3A_7 = vector.shape_cast %get3A_6 : vector<1x512x128xf32> to vector<512x128xf32>
    %slice3A = vector.extract_strided_slice %get3A_7 {offsets = [0, 0], sizes = [512, 6], strides = [1, 1]} : vector<512x128xf32> to vector<512x6xf32>
    %sub3A = arith.subf %slice3A, %get3A_1 : vector<512x6xf32>
    %concatenate3A = tpu.concatenate %get3A_1, %sub3A in 1 : vector<512x6xf32>, vector<512x6xf32> -> vector<512x12xf32>
    %get3A_8 = arith.constant 0 : index
    %get3A_9 = arith.constant 0 : index
    %get3A_10 = vector.load %arg3[%get3A_8, %get3A_9] : memref<12x64xf32, #tpu.memory_space<vmem>>, vector<12x64xf32>
    %dot_general3A = arith.constant dense<0.000000e+00> : vector<512x64xf32>
    %dot_general3A_11 = tpu.matmul %concatenate3A, %get3A_10, %dot_general3A {dimension_numbers = #tpu.dot_dimension_numbers<[1], [0], [0], [1], [0, 0, 1, 1], [], []>, transpose_lhs_hint = false} : vector<512x12xf32>, vector<12x64xf32>, vector<512x64xf32> -> vector<512x64xf32>
    %get3A_12 = arith.constant 0 : index
    %get3A_13 = arith.constant 0 : index
    %get3A_14 = vector.load %arg4[%get3A_12, %get3A_13] : memref<1x64xf32, #tpu.memory_space<vmem>>, vector<1x64xf32>
    %add3A = vector.broadcast %get3A_14 : vector<1x64xf32> to vector<512x64xf32>
    %add3A_15 = arith.addf %dot_general3A_11, %add3A : vector<512x64xf32>
    %max3A = arith.constant 0.000000e+00 : f32
    %max3A_16 = vector.broadcast %max3A : f32 to vector<512x64xf32>
    %max3A_17 = arith.maximumf %add3A_15, %max3A_16 : vector<512x64xf32>
    %swap3A = arith.constant 0 : index
    %swap3A_18 = arith.constant 0 : index
    %swap3A_19 = arith.constant 0 : index
    %swap3A_20 = vector.load %arg5[%swap3A, %swap3A_18, %swap3A_19] : memref<20x512x64xf32, #tpu.memory_space<vmem>>, vector<1x512x64xf32>
    %swap3A_21 = vector.shape_cast %swap3A_20 : vector<1x512x64xf32> to vector<512x64xf32>
    %swap3A_22 = vector.shape_cast %max3A_17 : vector<512x64xf32> to vector<1x512x64xf32>
    tpu.vector_store %arg5[%swap3A, %swap3A_18, %swap3A_19], %swap3A_22 {strides = array<i32>} : memref<20x512x64xf32, #tpu.memory_space<vmem>>, vector<1x512x64xf32>,
    %reduce_sum3A = arith.constant dense<0.000000e+00> : vector<64xf32>
    %reduce_sum3A_23 = vector.multi_reduction <add>, %max3A_17, %reduce_sum3A [0] : vector<512x64xf32> to vector<64xf32>
    %broadcast_in_dim3A_24 = vector.shape_cast %reduce_sum3A_23 : vector<64xf32> to vector<1x64xf32>
    %add3A_25 = arith.addf %broadcast_in_dim3A_2, %broadcast_in_dim3A_24 : vector<1x64xf32>
    %get3A_26 = arith.constant 1 : index
    %get3A_27 = arith.constant 0 : index
    %get3A_28 = arith.constant 0 : index
    %get3A_29 = vector.load %arg1[%get3A_26, %get3A_27, %get3A_28] : memref<20x512x128xf32, #tpu.memory_space<vmem>>, vector<1x512x128xf32>
    %get3A_30 = vector.shape_cast %get3A_29 : vector<1x512x128xf32> to vector<512x128xf32>
    %slice3A_31 = vector.extract_strided_slice %get3A_30 {offsets = [0, 0], sizes = [512, 6], strides = [1, 1]} : vector<512x128xf32> to vector<512x6xf32>
    %sub3A_32 = arith.subf %slice3A_31, %get3A_1 : vector<512x6xf32>
    %concatenate3A_33 = tpu.concatenate %get3A_1, %sub3A_32 in 1 : vector<512x6xf32>, vector<512x6xf32> -> vector<512x12xf32>
    %get3A_34 = arith.constant 0 : index
    %get3A_35 = arith.constant 0 : index
    %get3A_36 = vector.load %arg3[%get3A_34, %get3A_35] : memref<12x64xf32, #tpu.memory_space<vmem>>, vector<12x64xf32>
    %dot_general3A_37 = arith.constant dense<0.000000e+00> : vector<512x64xf32>
    %dot_general3A_38 = tpu.matmul %concatenate3A_33, %get3A_36, %dot_general3A_37 {dimension_numbers = #tpu.dot_dimension_numbers<[1], [0], [0], [1], [0, 0, 1, 1], [], []>, transpose_lhs_hint = false} : vector<512x12xf32>, vector<12x64xf32>, vector<512x64xf32> -> vector<512x64xf32>
    %get3A_39 = arith.constant 0 : index
    %get3A_40 = arith.constant 0 : index
    %get3A_41 = vector.load %arg4[%get3A_39, %get3A_40] : memref<1x64xf32, #tpu.memory_space<vmem>>, vector<1x64xf32>
    %add3A_42 = vector.broadcast %get3A_41 : vector<1x64xf32> to vector<512x64xf32>
    %add3A_43 = arith.addf %dot_general3A_38, %add3A_42 : vector<512x64xf32>
    %max3A_44 = arith.constant 0.000000e+00 : f32
    %max3A_45 = vector.broadcast %max3A_44 : f32 to vector<512x64xf32>
    %max3A_46 = arith.maximumf %add3A_43, %max3A_45 : vector<512x64xf32>
    %swap3A_47 = arith.constant 1 : index
    %swap3A_48 = arith.constant 0 : index
    %swap3A_49 = arith.constant 0 : index
    %swap3A_50 = vector.load %arg5[%swap3A_47, %swap3A_48, %swap3A_49] : memref<20x512x64xf32, #tpu.memory_space<vmem>>, vector<1x512x64xf32>
    %swap3A_51 = vector.shape_cast %swap3A_50 : vector<1x512x64xf32> to vector<512x64xf32>
    %swap3A_52 = vector.shape_cast %max3A_46 : vector<512x64xf32> to vector<1x512x64xf32>
    tpu.vector_store %arg5[%swap3A_47, %swap3A_48, %swap3A_49], %swap3A_52 {strides = array<i32>} : memref<20x512x64xf32, #tpu.memory_space<vmem>>, vector<1x512x64xf32>,
    %reduce_sum3A_53 = arith.constant dense<0.000000e+00> : vector<64xf32>
    %reduce_sum3A_54 = vector.multi_reduction <add>, %max3A_46, %reduce_sum3A_53 [0] : vector<512x64xf32> to vector<64xf32>
    %broadcast_in_dim3A_55 = vector.shape_cast %reduce_sum3A_54 : vector<64xf32> to vector<1x64xf32>
    %add3A_56 = arith.addf %add3A_25, %broadcast_in_dim3A_55 : vector<1x64xf32>
    %get3A_57 = arith.constant 2 : index
    %get3A_58 = arith.constant 0 : index
    %get3A_59 = arith.constant 0 : index
    %get3A_60 = vector.load %arg1[%get3A_57, %get3A_58, %get3A_59] : memref<20x512x128xf32, #tpu.memory_space<vmem>>, vector<1x512x128xf32>
    %get3A_61 = vector.shape_cast %get3A_60 : vector<1x512x128xf32> to vector<512x128xf32>
    %slice3A_62 = vector.extract_strided_slice %get3A_61 {offsets = [0, 0], sizes = [512, 6], strides = [1, 1]} : vector<512x128xf32> to vector<512x6xf32>
    %sub3A_63 = arith.subf %slice3A_62, %get3A_1 : vector<512x6xf32>
    %concatenate3A_64 = tpu.concatenate %get3A_1, %sub3A_63 in 1 : vector<512x6xf32>, vector<512x6xf32> -> vector<512x12xf32>
    %get3A_65 = arith.constant 0 : index
    %get3A_66 = arith.constant 0 : index
    %get3A_67 = vector.load %arg3[%get3A_65, %get3A_66] : memref<12x64xf32, #tpu.memory_space<vmem>>, vector<12x64xf32>
    %dot_general3A_68 = arith.constant dense<0.000000e+00> : vector<512x64xf32>
    %dot_general3A_69 = tpu.matmul %concatenate3A_64, %get3A_67, %dot_general3A_68 {dimension_numbers = #tpu.dot_dimension_numbers<[1], [0], [0], [1], [0, 0, 1, 1], [], []>, transpose_lhs_hint = false} : vector<512x12xf32>, vector<12x64xf32>, vector<512x64xf32> -> vector<512x64xf32>
    %get3A_70 = arith.constant 0 : index
    %get3A_71 = arith.constant 0 : index
    %get3A_72 = vector.load %arg4[%get3A_70, %get3A_71] : memref<1x64xf32, #tpu.memory_space<vmem>>, vector<1x64xf32>
    %add3A_73 = vector.broadcast %get3A_72 : vector<1x64xf32> to vector<512x64xf32>
    %add3A_74 = arith.addf %dot_general3A_69, %add3A_73 : vector<512x64xf32>
    %max3A_75 = arith.constant 0.000000e+00 : f32
    %max3A_76 = vector.broadcast %max3A_75 : f32 to vector<512x64xf32>
    %max3A_77 = arith.maximumf %add3A_74, %max3A_76 : vector<512x64xf32>
    %swap3A_78 = arith.constant 2 : index
    %swap3A_79 = arith.constant 0 : index
    %swap3A_80 = arith.constant 0 : index
    %swap3A_81 = vector.load %arg5[%swap3A_78, %swap3A_79, %swap3A_80] : memref<20x512x64xf32, #tpu.memory_space<vmem>>, vector<1x512x64xf32>
    %swap3A_82 = vector.shape_cast %swap3A_81 : vector<1x512x64xf32> to vector<512x64xf32>
    %swap3A_83 = vector.shape_cast %max3A_77 : vector<512x64xf32> to vector<1x512x64xf32>
    tpu.vector_store %arg5[%swap3A_78, %swap3A_79, %swap3A_80], %swap3A_83 {strides = array<i32>} : memref<20x512x64xf32, #tpu.memory_space<vmem>>, vector<1x512x64xf32>,
    %reduce_sum3A_84 = arith.constant dense<0.000000e+00> : vector<64xf32>
    %reduce_sum3A_85 = vector.multi_reduction <add>, %max3A_77, %reduce_sum3A_84 [0] : vector<512x64xf32> to vector<64xf32>
    %broadcast_in_dim3A_86 = vector.shape_cast %reduce_sum3A_85 : vector<64xf32> to vector<1x64xf32>
    %add3A_87 = arith.addf %add3A_56, %broadcast_in_dim3A_86 : vector<1x64xf32>
    %get3A_88 = arith.constant 3 : index
    %get3A_89 = arith.constant 0 : index
    %get3A_90 = arith.constant 0 : index
    %get3A_91 = vector.load %arg1[%get3A_88, %get3A_89, %get3A_90] : memref<20x512x128xf32, #tpu.memory_space<vmem>>, vector<1x512x128xf32>
    %get3A_92 = vector.shape_cast %get3A_91 : vector<1x512x128xf32> to vector<512x128xf32>
    %slice3A_93 = vector.extract_strided_slice %get3A_92 {offsets = [0, 0], sizes = [512, 6], strides = [1, 1]} : vector<512x128xf32> to vector<512x6xf32>
    %sub3A_94 = arith.subf %slice3A_93, %get3A_1 : vector<512x6xf32>
    %concatenate3A_95 = tpu.concatenate %get3A_1, %sub3A_94 in 1 : vector<512x6xf32>, vector<512x6xf32> -> vector<512x12xf32>
    %get3A_96 = arith.constant 0 : index
    %get3A_97 = arith.constant 0 : index
    %get3A_98 = vector.load %arg3[%get3A_96, %get3A_97] : memref<12x64xf32, #tpu.memory_space<vmem>>, vector<12x64xf32>
    %dot_general3A_99 = arith.constant dense<0.000000e+00> : vector<512x64xf32>
    %dot_general3A_100 = tpu.matmul %concatenate3A_95, %get3A_98, %dot_general3A_99 {dimension_numbers = #tpu.dot_dimension_numbers<[1], [0], [0], [1], [0, 0, 1, 1], [], []>, transpose_lhs_hint = false} : vector<512x12xf32>, vector<12x64xf32>, vector<512x64xf32> -> vector<512x64xf32>
    %get3A_101 = arith.constant 0 : index
    %get3A_102 = arith.constant 0 : index
    %get3A_103 = vector.load %arg4[%get3A_101, %get3A_102] : memref<1x64xf32, #tpu.memory_space<vmem>>, vector<1x64xf32>
    %add3A_104 = vector.broadcast %get3A_103 : vector<1x64xf32> to vector<512x64xf32>
    %add3A_105 = arith.addf %dot_general3A_100, %add3A_104 : vector<512x64xf32>
    %max3A_106 = arith.constant 0.000000e+00 : f32
    %max3A_107 = vector.broadcast %max3A_106 : f32 to vector<512x64xf32>
    %max3A_108 = arith.maximumf %add3A_105, %max3A_107 : vector<512x64xf32>
    %swap3A_109 = arith.constant 3 : index
    %swap3A_110 = arith.constant 0 : index
    %swap3A_111 = arith.constant 0 : index
    %swap3A_112 = vector.load %arg5[%swap3A_109, %swap3A_110, %swap3A_111] : memref<20x512x64xf32, #tpu.memory_space<vmem>>, vector<1x512x64xf32>
    %swap3A_113 = vector.shape_cast %swap3A_112 : vector<1x512x64xf32> to vector<512x64xf32>
    %swap3A_114 = vector.shape_cast %max3A_108 : vector<512x64xf32> to vector<1x512x64xf32>
    tpu.vector_store %arg5[%swap3A_109, %swap3A_110, %swap3A_111], %swap3A_114 {strides = array<i32>} : memref<20x512x64xf32, #tpu.memory_space<vmem>>, vector<1x512x64xf32>,
    %reduce_sum3A_115 = arith.constant dense<0.000000e+00> : vector<64xf32>
    %reduce_sum3A_116 = vector.multi_reduction <add>, %max3A_108, %reduce_sum3A_115 [0] : vector<512x64xf32> to vector<64xf32>
    %broadcast_in_dim3A_117 = vector.shape_cast %reduce_sum3A_116 : vector<64xf32> to vector<1x64xf32>
    %add3A_118 = arith.addf %add3A_87, %broadcast_in_dim3A_117 : vector<1x64xf32>
    %get3A_119 = arith.constant 4 : index
    %get3A_120 = arith.constant 0 : index
    %get3A_121 = arith.constant 0 : index
    %get3A_122 = vector.load %arg1[%get3A_119, %get3A_120, %get3A_121] : memref<20x512x128xf32, #tpu.memory_space<vmem>>, vector<1x512x128xf32>
    %get3A_123 = vector.shape_cast %get3A_122 : vector<1x512x128xf32> to vector<512x128xf32>
    %slice3A_124 = vector.extract_strided_slice %get3A_123 {offsets = [0, 0], sizes = [512, 6], strides = [1, 1]} : vector<512x128xf32> to vector<512x6xf32>
    %sub3A_125 = arith.subf %slice3A_124, %get3A_1 : vector<512x6xf32>
    %concatenate3A_126 = tpu.concatenate %get3A_1, %sub3A_125 in 1 : vector<512x6xf32>, vector<512x6xf32> -> vector<512x12xf32>
    %get3A_127 = arith.constant 0 : index
    %get3A_128 = arith.constant 0 : index
    %get3A_129 = vector.load %arg3[%get3A_127, %get3A_128] : memref<12x64xf32, #tpu.memory_space<vmem>>, vector<12x64xf32>
    %dot_general3A_130 = arith.constant dense<0.000000e+00> : vector<512x64xf32>
    %dot_general3A_131 = tpu.matmul %concatenate3A_126, %get3A_129, %dot_general3A_130 {dimension_numbers = #tpu.dot_dimension_numbers<[1], [0], [0], [1], [0, 0, 1, 1], [], []>, transpose_lhs_hint = false} : vector<512x12xf32>, vector<12x64xf32>, vector<512x64xf32> -> vector<512x64xf32>
    %get3A_132 = arith.constant 0 : index
    %get3A_133 = arith.constant 0 : index
    %get3A_134 = vector.load %arg4[%get3A_132, %get3A_133] : memref<1x64xf32, #tpu.memory_space<vmem>>, vector<1x64xf32>
    %add3A_135 = vector.broadcast %get3A_134 : vector<1x64xf32> to vector<512x64xf32>
    %add3A_136 = arith.addf %dot_general3A_131, %add3A_135 : vector<512x64xf32>
    %max3A_137 = arith.constant 0.000000e+00 : f32
    %max3A_138 = vector.broadcast %max3A_137 : f32 to vector<512x64xf32>
    %max3A_139 = arith.maximumf %add3A_136, %max3A_138 : vector<512x64xf32>
    %swap3A_140 = arith.constant 4 : index
    %swap3A_141 = arith.constant 0 : index
    %swap3A_142 = arith.constant 0 : index
    %swap3A_143 = vector.load %arg5[%swap3A_140, %swap3A_141, %swap3A_142] : memref<20x512x64xf32, #tpu.memory_space<vmem>>, vector<1x512x64xf32>
    %swap3A_144 = vector.shape_cast %swap3A_143 : vector<1x512x64xf32> to vector<512x64xf32>
    %swap3A_145 = vector.shape_cast %max3A_139 : vector<512x64xf32> to vector<1x512x64xf32>
    tpu.vector_store %arg5[%swap3A_140, %swap3A_141, %swap3A_142], %swap3A_145 {strides = array<i32>} : memref<20x512x64xf32, #tpu.memory_space<vmem>>, vector<1x512x64xf32>,
    %reduce_sum3A_146 = arith.constant dense<0.000000e+00> : vector<64xf32>
    %reduce_sum3A_147 = vector.multi_reduction <add>, %max3A_139, %reduce_sum3A_146 [0] : vector<512x64xf32> to vector<64xf32>
    %broadcast_in_dim3A_148 = vector.shape_cast %reduce_sum3A_147 : vector<64xf32> to vector<1x64xf32>
    %add3A_149 = arith.addf %add3A_118, %broadcast_in_dim3A_148 : vector<1x64xf32>
    %get3A_150 = arith.constant 5 : index
    %get3A_151 = arith.constant 0 : index
    %get3A_152 = arith.constant 0 : index
    %get3A_153 = vector.load %arg1[%get3A_150, %get3A_151, %get3A_152] : memref<20x512x128xf32, #tpu.memory_space<vmem>>, vector<1x512x128xf32>
    %get3A_154 = vector.shape_cast %get3A_153 : vector<1x512x128xf32> to vector<512x128xf32>
    %slice3A_155 = vector.extract_strided_slice %get3A_154 {offsets = [0, 0], sizes = [512, 6], strides = [1, 1]} : vector<512x128xf32> to vector<512x6xf32>
    %sub3A_156 = arith.subf %slice3A_155, %get3A_1 : vector<512x6xf32>
    %concatenate3A_157 = tpu.concatenate %get3A_1, %sub3A_156 in 1 : vector<512x6xf32>, vector<512x6xf32> -> vector<512x12xf32>
    %get3A_158 = arith.constant 0 : index
    %get3A_159 = arith.constant 0 : index
    %get3A_160 = vector.load %arg3[%get3A_158, %get3A_159] : memref<12x64xf32, #tpu.memory_space<vmem>>, vector<12x64xf32>
    %dot_general3A_161 = arith.constant dense<0.000000e+00> : vector<512x64xf32>
    %dot_general3A_162 = tpu.matmul %concatenate3A_157, %get3A_160, %dot_general3A_161 {dimension_numbers = #tpu.dot_dimension_numbers<[1], [0], [0], [1], [0, 0, 1, 1], [], []>, transpose_lhs_hint = false} : vector<512x12xf32>, vector<12x64xf32>, vector<512x64xf32> -> vector<512x64xf32>
    %get3A_163 = arith.constant 0 : index
    %get3A_164 = arith.constant 0 : index
    %get3A_165 = vector.load %arg4[%get3A_163, %get3A_164] : memref<1x64xf32, #tpu.memory_space<vmem>>, vector<1x64xf32>
    %add3A_166 = vector.broadcast %get3A_165 : vector<1x64xf32> to vector<512x64xf32>
    %add3A_167 = arith.addf %dot_general3A_162, %add3A_166 : vector<512x64xf32>
    %max3A_168 = arith.constant 0.000000e+00 : f32
    %max3A_169 = vector.broadcast %max3A_168 : f32 to vector<512x64xf32>
    %max3A_170 = arith.maximumf %add3A_167, %max3A_169 : vector<512x64xf32>
    %swap3A_171 = arith.constant 5 : index
    %swap3A_172 = arith.constant 0 : index
    %swap3A_173 = arith.constant 0 : index
    %swap3A_174 = vector.load %arg5[%swap3A_171, %swap3A_172, %swap3A_173] : memref<20x512x64xf32, #tpu.memory_space<vmem>>, vector<1x512x64xf32>
    %swap3A_175 = vector.shape_cast %swap3A_174 : vector<1x512x64xf32> to vector<512x64xf32>
    %swap3A_176 = vector.shape_cast %max3A_170 : vector<512x64xf32> to vector<1x512x64xf32>
    tpu.vector_store %arg5[%swap3A_171, %swap3A_172, %swap3A_173], %swap3A_176 {strides = array<i32>} : memref<20x512x64xf32, #tpu.memory_space<vmem>>, vector<1x512x64xf32>,
    %reduce_sum3A_177 = arith.constant dense<0.000000e+00> : vector<64xf32>
    %reduce_sum3A_178 = vector.multi_reduction <add>, %max3A_170, %reduce_sum3A_177 [0] : vector<512x64xf32> to vector<64xf32>
    %broadcast_in_dim3A_179 = vector.shape_cast %reduce_sum3A_178 : vector<64xf32> to vector<1x64xf32>
    %add3A_180 = arith.addf %add3A_149, %broadcast_in_dim3A_179 : vector<1x64xf32>
    %get3A_181 = arith.constant 6 : index
    %get3A_182 = arith.constant 0 : index
    %get3A_183 = arith.constant 0 : index
    %get3A_184 = vector.load %arg1[%get3A_181, %get3A_182, %get3A_183] : memref<20x512x128xf32, #tpu.memory_space<vmem>>, vector<1x512x128xf32>
    %get3A_185 = vector.shape_cast %get3A_184 : vector<1x512x128xf32> to vector<512x128xf32>
    %slice3A_186 = vector.extract_strided_slice %get3A_185 {offsets = [0, 0], sizes = [512, 6], strides = [1, 1]} : vector<512x128xf32> to vector<512x6xf32>
    %sub3A_187 = arith.subf %slice3A_186, %get3A_1 : vector<512x6xf32>
    %concatenate3A_188 = tpu.concatenate %get3A_1, %sub3A_187 in 1 : vector<512x6xf32>, vector<512x6xf32> -> vector<512x12xf32>
    %get3A_189 = arith.constant 0 : index
    %get3A_190 = arith.constant 0 : index
    %get3A_191 = vector.load %arg3[%get3A_189, %get3A_190] : memref<12x64xf32, #tpu.memory_space<vmem>>, vector<12x64xf32>
    %dot_general3A_192 = arith.constant dense<0.000000e+00> : vector<512x64xf32>
    %dot_general3A_193 = tpu.matmul %concatenate3A_188, %get3A_191, %dot_general3A_192 {dimension_numbers = #tpu.dot_dimension_numbers<[1], [0], [0], [1], [0, 0, 1, 1], [], []>, transpose_lhs_hint = false} : vector<512x12xf32>, vector<12x64xf32>, vector<512x64xf32> -> vector<512x64xf32>
    %get3A_194 = arith.constant 0 : index
    %get3A_195 = arith.constant 0 : index
    %get3A_196 = vector.load %arg4[%get3A_194, %get3A_195] : memref<1x64xf32, #tpu.memory_space<vmem>>, vector<1x64xf32>
    %add3A_197 = vector.broadcast %get3A_196 : vector<1x64xf32> to vector<512x64xf32>
    %add3A_198 = arith.addf %dot_general3A_193, %add3A_197 : vector<512x64xf32>
    %max3A_199 = arith.constant 0.000000e+00 : f32
    %max3A_200 = vector.broadcast %max3A_199 : f32 to vector<512x64xf32>
    %max3A_201 = arith.maximumf %add3A_198, %max3A_200 : vector<512x64xf32>
    %swap3A_202 = arith.constant 6 : index
    %swap3A_203 = arith.constant 0 : index
    %swap3A_204 = arith.constant 0 : index
    %swap3A_205 = vector.load %arg5[%swap3A_202, %swap3A_203, %swap3A_204] : memref<20x512x64xf32, #tpu.memory_space<vmem>>, vector<1x512x64xf32>
    %swap3A_206 = vector.shape_cast %swap3A_205 : vector<1x512x64xf32> to vector<512x64xf32>
    %swap3A_207 = vector.shape_cast %max3A_201 : vector<512x64xf32> to vector<1x512x64xf32>
    tpu.vector_store %arg5[%swap3A_202, %swap3A_203, %swap3A_204], %swap3A_207 {strides = array<i32>} : memref<20x512x64xf32, #tpu.memory_space<vmem>>, vector<1x512x64xf32>,
    %reduce_sum3A_208 = arith.constant dense<0.000000e+00> : vector<64xf32>
    %reduce_sum3A_209 = vector.multi_reduction <add>, %max3A_201, %reduce_sum3A_208 [0] : vector<512x64xf32> to vector<64xf32>
    %broadcast_in_dim3A_210 = vector.shape_cast %reduce_sum3A_209 : vector<64xf32> to vector<1x64xf32>
    %add3A_211 = arith.addf %add3A_180, %broadcast_in_dim3A_210 : vector<1x64xf32>
    %get3A_212 = arith.constant 7 : index
    %get3A_213 = arith.constant 0 : index
    %get3A_214 = arith.constant 0 : index
    %get3A_215 = vector.load %arg1[%get3A_212, %get3A_213, %get3A_214] : memref<20x512x128xf32, #tpu.memory_space<vmem>>, vector<1x512x128xf32>
    %get3A_216 = vector.shape_cast %get3A_215 : vector<1x512x128xf32> to vector<512x128xf32>
    %slice3A_217 = vector.extract_strided_slice %get3A_216 {offsets = [0, 0], sizes = [512, 6], strides = [1, 1]} : vector<512x128xf32> to vector<512x6xf32>
    %sub3A_218 = arith.subf %slice3A_217, %get3A_1 : vector<512x6xf32>
    %concatenate3A_219 = tpu.concatenate %get3A_1, %sub3A_218 in 1 : vector<512x6xf32>, vector<512x6xf32> -> vector<512x12xf32>
    %get3A_220 = arith.constant 0 : index
    %get3A_221 = arith.constant 0 : index
    %get3A_222 = vector.load %arg3[%get3A_220, %get3A_221] : memref<12x64xf32, #tpu.memory_space<vmem>>, vector<12x64xf32>
    %dot_general3A_223 = arith.constant dense<0.000000e+00> : vector<512x64xf32>
    %dot_general3A_224 = tpu.matmul %concatenate3A_219, %get3A_222, %dot_general3A_223 {dimension_numbers = #tpu.dot_dimension_numbers<[1], [0], [0], [1], [0, 0, 1, 1], [], []>, transpose_lhs_hint = false} : vector<512x12xf32>, vector<12x64xf32>, vector<512x64xf32> -> vector<512x64xf32>
    %get3A_225 = arith.constant 0 : index
    %get3A_226 = arith.constant 0 : index
    %get3A_227 = vector.load %arg4[%get3A_225, %get3A_226] : memref<1x64xf32, #tpu.memory_space<vmem>>, vector<1x64xf32>
    %add3A_228 = vector.broadcast %get3A_227 : vector<1x64xf32> to vector<512x64xf32>
    %add3A_229 = arith.addf %dot_general3A_224, %add3A_228 : vector<512x64xf32>
    %max3A_230 = arith.constant 0.000000e+00 : f32
    %max3A_231 = vector.broadcast %max3A_230 : f32 to vector<512x64xf32>
    %max3A_232 = arith.maximumf %add3A_229, %max3A_231 : vector<512x64xf32>
    %swap3A_233 = arith.constant 7 : index
    %swap3A_234 = arith.constant 0 : index
    %swap3A_235 = arith.constant 0 : index
    %swap3A_236 = vector.load %arg5[%swap3A_233, %swap3A_234, %swap3A_235] : memref<20x512x64xf32, #tpu.memory_space<vmem>>, vector<1x512x64xf32>
    %swap3A_237 = vector.shape_cast %swap3A_236 : vector<1x512x64xf32> to vector<512x64xf32>
    %swap3A_238 = vector.shape_cast %max3A_232 : vector<512x64xf32> to vector<1x512x64xf32>
    tpu.vector_store %arg5[%swap3A_233, %swap3A_234, %swap3A_235], %swap3A_238 {strides = array<i32>} : memref<20x512x64xf32, #tpu.memory_space<vmem>>, vector<1x512x64xf32>,
    %reduce_sum3A_239 = arith.constant dense<0.000000e+00> : vector<64xf32>
    %reduce_sum3A_240 = vector.multi_reduction <add>, %max3A_232, %reduce_sum3A_239 [0] : vector<512x64xf32> to vector<64xf32>
    %broadcast_in_dim3A_241 = vector.shape_cast %reduce_sum3A_240 : vector<64xf32> to vector<1x64xf32>
    %add3A_242 = arith.addf %add3A_211, %broadcast_in_dim3A_241 : vector<1x64xf32>
    %get3A_243 = arith.constant 8 : index
    %get3A_244 = arith.constant 0 : index
    %get3A_245 = arith.constant 0 : index
    %get3A_246 = vector.load %arg1[%get3A_243, %get3A_244, %get3A_245] : memref<20x512x128xf32, #tpu.memory_space<vmem>>, vector<1x512x128xf32>
    %get3A_247 = vector.shape_cast %get3A_246 : vector<1x512x128xf32> to vector<512x128xf32>
    %slice3A_248 = vector.extract_strided_slice %get3A_247 {offsets = [0, 0], sizes = [512, 6], strides = [1, 1]} : vector<512x128xf32> to vector<512x6xf32>
    %sub3A_249 = arith.subf %slice3A_248, %get3A_1 : vector<512x6xf32>
    %concatenate3A_250 = tpu.concatenate %get3A_1, %sub3A_249 in 1 : vector<512x6xf32>, vector<512x6xf32> -> vector<512x12xf32>
    %get3A_251 = arith.constant 0 : index
    %get3A_252 = arith.constant 0 : index
    %get3A_253 = vector.load %arg3[%get3A_251, %get3A_252] : memref<12x64xf32, #tpu.memory_space<vmem>>, vector<12x64xf32>
    %dot_general3A_254 = arith.constant dense<0.000000e+00> : vector<512x64xf32>
    %dot_general3A_255 = tpu.matmul %concatenate3A_250, %get3A_253, %dot_general3A_254 {dimension_numbers = #tpu.dot_dimension_numbers<[1], [0], [0], [1], [0, 0, 1, 1], [], []>, transpose_lhs_hint = false} : vector<512x12xf32>, vector<12x64xf32>, vector<512x64xf32> -> vector<512x64xf32>
    %get3A_256 = arith.constant 0 : index
    %get3A_257 = arith.constant 0 : index
    %get3A_258 = vector.load %arg4[%get3A_256, %get3A_257] : memref<1x64xf32, #tpu.memory_space<vmem>>, vector<1x64xf32>
    %add3A_259 = vector.broadcast %get3A_258 : vector<1x64xf32> to vector<512x64xf32>
    %add3A_260 = arith.addf %dot_general3A_255, %add3A_259 : vector<512x64xf32>
    %max3A_261 = arith.constant 0.000000e+00 : f32
    %max3A_262 = vector.broadcast %max3A_261 : f32 to vector<512x64xf32>
    %max3A_263 = arith.maximumf %add3A_260, %max3A_262 : vector<512x64xf32>
    %swap3A_264 = arith.constant 8 : index
    %swap3A_265 = arith.constant 0 : index
    %swap3A_266 = arith.constant 0 : index
    %swap3A_267 = vector.load %arg5[%swap3A_264, %swap3A_265, %swap3A_266] : memref<20x512x64xf32, #tpu.memory_space<vmem>>, vector<1x512x64xf32>
    %swap3A_268 = vector.shape_cast %swap3A_267 : vector<1x512x64xf32> to vector<512x64xf32>
    %swap3A_269 = vector.shape_cast %max3A_263 : vector<512x64xf32> to vector<1x512x64xf32>
    tpu.vector_store %arg5[%swap3A_264, %swap3A_265, %swap3A_266], %swap3A_269 {strides = array<i32>} : memref<20x512x64xf32, #tpu.memory_space<vmem>>, vector<1x512x64xf32>,
    %reduce_sum3A_270 = arith.constant dense<0.000000e+00> : vector<64xf32>
    %reduce_sum3A_271 = vector.multi_reduction <add>, %max3A_263, %reduce_sum3A_270 [0] : vector<512x64xf32> to vector<64xf32>
    %broadcast_in_dim3A_272 = vector.shape_cast %reduce_sum3A_271 : vector<64xf32> to vector<1x64xf32>
    %add3A_273 = arith.addf %add3A_242, %broadcast_in_dim3A_272 : vector<1x64xf32>
    %get3A_274 = arith.constant 9 : index
    %get3A_275 = arith.constant 0 : index
    %get3A_276 = arith.constant 0 : index
    %get3A_277 = vector.load %arg1[%get3A_274, %get3A_275, %get3A_276] : memref<20x512x128xf32, #tpu.memory_space<vmem>>, vector<1x512x128xf32>
    %get3A_278 = vector.shape_cast %get3A_277 : vector<1x512x128xf32> to vector<512x128xf32>
    %slice3A_279 = vector.extract_strided_slice %get3A_278 {offsets = [0, 0], sizes = [512, 6], strides = [1, 1]} : vector<512x128xf32> to vector<512x6xf32>
    %sub3A_280 = arith.subf %slice3A_279, %get3A_1 : vector<512x6xf32>
    %concatenate3A_281 = tpu.concatenate %get3A_1, %sub3A_280 in 1 : vector<512x6xf32>, vector<512x6xf32> -> vector<512x12xf32>
    %get3A_282 = arith.constant 0 : index
    %get3A_283 = arith.constant 0 : index
    %get3A_284 = vector.load %arg3[%get3A_282, %get3A_283] : memref<12x64xf32, #tpu.memory_space<vmem>>, vector<12x64xf32>
    %dot_general3A_285 = arith.constant dense<0.000000e+00> : vector<512x64xf32>
    %dot_general3A_286 = tpu.matmul %concatenate3A_281, %get3A_284, %dot_general3A_285 {dimension_numbers = #tpu.dot_dimension_numbers<[1], [0], [0], [1], [0, 0, 1, 1], [], []>, transpose_lhs_hint = false} : vector<512x12xf32>, vector<12x64xf32>, vector<512x64xf32> -> vector<512x64xf32>
    %get3A_287 = arith.constant 0 : index
    %get3A_288 = arith.constant 0 : index
    %get3A_289 = vector.load %arg4[%get3A_287, %get3A_288] : memref<1x64xf32, #tpu.memory_space<vmem>>, vector<1x64xf32>
    %add3A_290 = vector.broadcast %get3A_289 : vector<1x64xf32> to vector<512x64xf32>
    %add3A_291 = arith.addf %dot_general3A_286, %add3A_290 : vector<512x64xf32>
    %max3A_292 = arith.constant 0.000000e+00 : f32
    %max3A_293 = vector.broadcast %max3A_292 : f32 to vector<512x64xf32>
    %max3A_294 = arith.maximumf %add3A_291, %max3A_293 : vector<512x64xf32>
    %swap3A_295 = arith.constant 9 : index
    %swap3A_296 = arith.constant 0 : index
    %swap3A_297 = arith.constant 0 : index
    %swap3A_298 = vector.load %arg5[%swap3A_295, %swap3A_296, %swap3A_297] : memref<20x512x64xf32, #tpu.memory_space<vmem>>, vector<1x512x64xf32>
    %swap3A_299 = vector.shape_cast %swap3A_298 : vector<1x512x64xf32> to vector<512x64xf32>
    %swap3A_300 = vector.shape_cast %max3A_294 : vector<512x64xf32> to vector<1x512x64xf32>
    tpu.vector_store %arg5[%swap3A_295, %swap3A_296, %swap3A_297], %swap3A_300 {strides = array<i32>} : memref<20x512x64xf32, #tpu.memory_space<vmem>>, vector<1x512x64xf32>,
    %reduce_sum3A_301 = arith.constant dense<0.000000e+00> : vector<64xf32>
    %reduce_sum3A_302 = vector.multi_reduction <add>, %max3A_294, %reduce_sum3A_301 [0] : vector<512x64xf32> to vector<64xf32>
    %broadcast_in_dim3A_303 = vector.shape_cast %reduce_sum3A_302 : vector<64xf32> to vector<1x64xf32>
    %add3A_304 = arith.addf %add3A_273, %broadcast_in_dim3A_303 : vector<1x64xf32>
    %get3A_305 = arith.constant 10 : index
    %get3A_306 = arith.constant 0 : index
    %get3A_307 = arith.constant 0 : index
    %get3A_308 = vector.load %arg1[%get3A_305, %get3A_306, %get3A_307] : memref<20x512x128xf32, #tpu.memory_space<vmem>>, vector<1x512x128xf32>
    %get3A_309 = vector.shape_cast %get3A_308 : vector<1x512x128xf32> to vector<512x128xf32>
    %slice3A_310 = vector.extract_strided_slice %get3A_309 {offsets = [0, 0], sizes = [512, 6], strides = [1, 1]} : vector<512x128xf32> to vector<512x6xf32>
    %sub3A_311 = arith.subf %slice3A_310, %get3A_1 : vector<512x6xf32>
    %concatenate3A_312 = tpu.concatenate %get3A_1, %sub3A_311 in 1 : vector<512x6xf32>, vector<512x6xf32> -> vector<512x12xf32>
    %get3A_313 = arith.constant 0 : index
    %get3A_314 = arith.constant 0 : index
    %get3A_315 = vector.load %arg3[%get3A_313, %get3A_314] : memref<12x64xf32, #tpu.memory_space<vmem>>, vector<12x64xf32>
    %dot_general3A_316 = arith.constant dense<0.000000e+00> : vector<512x64xf32>
    %dot_general3A_317 = tpu.matmul %concatenate3A_312, %get3A_315, %dot_general3A_316 {dimension_numbers = #tpu.dot_dimension_numbers<[1], [0], [0], [1], [0, 0, 1, 1], [], []>, transpose_lhs_hint = false} : vector<512x12xf32>, vector<12x64xf32>, vector<512x64xf32> -> vector<512x64xf32>
    %get3A_318 = arith.constant 0 : index
    %get3A_319 = arith.constant 0 : index
    %get3A_320 = vector.load %arg4[%get3A_318, %get3A_319] : memref<1x64xf32, #tpu.memory_space<vmem>>, vector<1x64xf32>
    %add3A_321 = vector.broadcast %get3A_320 : vector<1x64xf32> to vector<512x64xf32>
    %add3A_322 = arith.addf %dot_general3A_317, %add3A_321 : vector<512x64xf32>
    %max3A_323 = arith.constant 0.000000e+00 : f32
    %max3A_324 = vector.broadcast %max3A_323 : f32 to vector<512x64xf32>
    %max3A_325 = arith.maximumf %add3A_322, %max3A_324 : vector<512x64xf32>
    %swap3A_326 = arith.constant 10 : index
    %swap3A_327 = arith.constant 0 : index
    %swap3A_328 = arith.constant 0 : index
    %swap3A_329 = vector.load %arg5[%swap3A_326, %swap3A_327, %swap3A_328] : memref<20x512x64xf32, #tpu.memory_space<vmem>>, vector<1x512x64xf32>
    %swap3A_330 = vector.shape_cast %swap3A_329 : vector<1x512x64xf32> to vector<512x64xf32>
    %swap3A_331 = vector.shape_cast %max3A_325 : vector<512x64xf32> to vector<1x512x64xf32>
    tpu.vector_store %arg5[%swap3A_326, %swap3A_327, %swap3A_328], %swap3A_331 {strides = array<i32>} : memref<20x512x64xf32, #tpu.memory_space<vmem>>, vector<1x512x64xf32>,
    %reduce_sum3A_332 = arith.constant dense<0.000000e+00> : vector<64xf32>
    %reduce_sum3A_333 = vector.multi_reduction <add>, %max3A_325, %reduce_sum3A_332 [0] : vector<512x64xf32> to vector<64xf32>
    %broadcast_in_dim3A_334 = vector.shape_cast %reduce_sum3A_333 : vector<64xf32> to vector<1x64xf32>
    %add3A_335 = arith.addf %add3A_304, %broadcast_in_dim3A_334 : vector<1x64xf32>
    %get3A_336 = arith.constant 11 : index
    %get3A_337 = arith.constant 0 : index
    %get3A_338 = arith.constant 0 : index
    %get3A_339 = vector.load %arg1[%get3A_336, %get3A_337, %get3A_338] : memref<20x512x128xf32, #tpu.memory_space<vmem>>, vector<1x512x128xf32>
    %get3A_340 = vector.shape_cast %get3A_339 : vector<1x512x128xf32> to vector<512x128xf32>
    %slice3A_341 = vector.extract_strided_slice %get3A_340 {offsets = [0, 0], sizes = [512, 6], strides = [1, 1]} : vector<512x128xf32> to vector<512x6xf32>
    %sub3A_342 = arith.subf %slice3A_341, %get3A_1 : vector<512x6xf32>
    %concatenate3A_343 = tpu.concatenate %get3A_1, %sub3A_342 in 1 : vector<512x6xf32>, vector<512x6xf32> -> vector<512x12xf32>
    %get3A_344 = arith.constant 0 : index
    %get3A_345 = arith.constant 0 : index
    %get3A_346 = vector.load %arg3[%get3A_344, %get3A_345] : memref<12x64xf32, #tpu.memory_space<vmem>>, vector<12x64xf32>
    %dot_general3A_347 = arith.constant dense<0.000000e+00> : vector<512x64xf32>
    %dot_general3A_348 = tpu.matmul %concatenate3A_343, %get3A_346, %dot_general3A_347 {dimension_numbers = #tpu.dot_dimension_numbers<[1], [0], [0], [1], [0, 0, 1, 1], [], []>, transpose_lhs_hint = false} : vector<512x12xf32>, vector<12x64xf32>, vector<512x64xf32> -> vector<512x64xf32>
    %get3A_349 = arith.constant 0 : index
    %get3A_350 = arith.constant 0 : index
    %get3A_351 = vector.load %arg4[%get3A_349, %get3A_350] : memref<1x64xf32, #tpu.memory_space<vmem>>, vector<1x64xf32>
    %add3A_352 = vector.broadcast %get3A_351 : vector<1x64xf32> to vector<512x64xf32>
    %add3A_353 = arith.addf %dot_general3A_348, %add3A_352 : vector<512x64xf32>
    %max3A_354 = arith.constant 0.000000e+00 : f32
    %max3A_355 = vector.broadcast %max3A_354 : f32 to vector<512x64xf32>
    %max3A_356 = arith.maximumf %add3A_353, %max3A_355 : vector<512x64xf32>
    %swap3A_357 = arith.constant 11 : index
    %swap3A_358 = arith.constant 0 : index
    %swap3A_359 = arith.constant 0 : index
    %swap3A_360 = vector.load %arg5[%swap3A_357, %swap3A_358, %swap3A_359] : memref<20x512x64xf32, #tpu.memory_space<vmem>>, vector<1x512x64xf32>
    %swap3A_361 = vector.shape_cast %swap3A_360 : vector<1x512x64xf32> to vector<512x64xf32>
    %swap3A_362 = vector.shape_cast %max3A_356 : vector<512x64xf32> to vector<1x512x64xf32>
    tpu.vector_store %arg5[%swap3A_357, %swap3A_358, %swap3A_359], %swap3A_362 {strides = array<i32>} : memref<20x512x64xf32, #tpu.memory_space<vmem>>, vector<1x512x64xf32>,
    %reduce_sum3A_363 = arith.constant dense<0.000000e+00> : vector<64xf32>
    %reduce_sum3A_364 = vector.multi_reduction <add>, %max3A_356, %reduce_sum3A_363 [0] : vector<512x64xf32> to vector<64xf32>
    %broadcast_in_dim3A_365 = vector.shape_cast %reduce_sum3A_364 : vector<64xf32> to vector<1x64xf32>
    %add3A_366 = arith.addf %add3A_335, %broadcast_in_dim3A_365 : vector<1x64xf32>
    %get3A_367 = arith.constant 12 : index
    %get3A_368 = arith.constant 0 : index
    %get3A_369 = arith.constant 0 : index
    %get3A_370 = vector.load %arg1[%get3A_367, %get3A_368, %get3A_369] : memref<20x512x128xf32, #tpu.memory_space<vmem>>, vector<1x512x128xf32>
    %get3A_371 = vector.shape_cast %get3A_370 : vector<1x512x128xf32> to vector<512x128xf32>
    %slice3A_372 = vector.extract_strided_slice %get3A_371 {offsets = [0, 0], sizes = [512, 6], strides = [1, 1]} : vector<512x128xf32> to vector<512x6xf32>
    %sub3A_373 = arith.subf %slice3A_372, %get3A_1 : vector<512x6xf32>
    %concatenate3A_374 = tpu.concatenate %get3A_1, %sub3A_373 in 1 : vector<512x6xf32>, vector<512x6xf32> -> vector<512x12xf32>
    %get3A_375 = arith.constant 0 : index
    %get3A_376 = arith.constant 0 : index
    %get3A_377 = vector.load %arg3[%get3A_375, %get3A_376] : memref<12x64xf32, #tpu.memory_space<vmem>>, vector<12x64xf32>
    %dot_general3A_378 = arith.constant dense<0.000000e+00> : vector<512x64xf32>
    %dot_general3A_379 = tpu.matmul %concatenate3A_374, %get3A_377, %dot_general3A_378 {dimension_numbers = #tpu.dot_dimension_numbers<[1], [0], [0], [1], [0, 0, 1, 1], [], []>, transpose_lhs_hint = false} : vector<512x12xf32>, vector<12x64xf32>, vector<512x64xf32> -> vector<512x64xf32>
    %get3A_380 = arith.constant 0 : index
    %get3A_381 = arith.constant 0 : index
    %get3A_382 = vector.load %arg4[%get3A_380, %get3A_381] : memref<1x64xf32, #tpu.memory_space<vmem>>, vector<1x64xf32>
    %add3A_383 = vector.broadcast %get3A_382 : vector<1x64xf32> to vector<512x64xf32>
    %add3A_384 = arith.addf %dot_general3A_379, %add3A_383 : vector<512x64xf32>
    %max3A_385 = arith.constant 0.000000e+00 : f32
    %max3A_386 = vector.broadcast %max3A_385 : f32 to vector<512x64xf32>
    %max3A_387 = arith.maximumf %add3A_384, %max3A_386 : vector<512x64xf32>
    %swap3A_388 = arith.constant 12 : index
    %swap3A_389 = arith.constant 0 : index
    %swap3A_390 = arith.constant 0 : index
    %swap3A_391 = vector.load %arg5[%swap3A_388, %swap3A_389, %swap3A_390] : memref<20x512x64xf32, #tpu.memory_space<vmem>>, vector<1x512x64xf32>
    %swap3A_392 = vector.shape_cast %swap3A_391 : vector<1x512x64xf32> to vector<512x64xf32>
    %swap3A_393 = vector.shape_cast %max3A_387 : vector<512x64xf32> to vector<1x512x64xf32>
    tpu.vector_store %arg5[%swap3A_388, %swap3A_389, %swap3A_390], %swap3A_393 {strides = array<i32>} : memref<20x512x64xf32, #tpu.memory_space<vmem>>, vector<1x512x64xf32>,
    %reduce_sum3A_394 = arith.constant dense<0.000000e+00> : vector<64xf32>
    %reduce_sum3A_395 = vector.multi_reduction <add>, %max3A_387, %reduce_sum3A_394 [0] : vector<512x64xf32> to vector<64xf32>
    %broadcast_in_dim3A_396 = vector.shape_cast %reduce_sum3A_395 : vector<64xf32> to vector<1x64xf32>
    %add3A_397 = arith.addf %add3A_366, %broadcast_in_dim3A_396 : vector<1x64xf32>
    %get3A_398 = arith.constant 13 : index
    %get3A_399 = arith.constant 0 : index
    %get3A_400 = arith.constant 0 : index
    %get3A_401 = vector.load %arg1[%get3A_398, %get3A_399, %get3A_400] : memref<20x512x128xf32, #tpu.memory_space<vmem>>, vector<1x512x128xf32>
    %get3A_402 = vector.shape_cast %get3A_401 : vector<1x512x128xf32> to vector<512x128xf32>
    %slice3A_403 = vector.extract_strided_slice %get3A_402 {offsets = [0, 0], sizes = [512, 6], strides = [1, 1]} : vector<512x128xf32> to vector<512x6xf32>
    %sub3A_404 = arith.subf %slice3A_403, %get3A_1 : vector<512x6xf32>
    %concatenate3A_405 = tpu.concatenate %get3A_1, %sub3A_404 in 1 : vector<512x6xf32>, vector<512x6xf32> -> vector<512x12xf32>
    %get3A_406 = arith.constant 0 : index
    %get3A_407 = arith.constant 0 : index
    %get3A_408 = vector.load %arg3[%get3A_406, %get3A_407] : memref<12x64xf32, #tpu.memory_space<vmem>>, vector<12x64xf32>
    %dot_general3A_409 = arith.constant dense<0.000000e+00> : vector<512x64xf32>
    %dot_general3A_410 = tpu.matmul %concatenate3A_405, %get3A_408, %dot_general3A_409 {dimension_numbers = #tpu.dot_dimension_numbers<[1], [0], [0], [1], [0, 0, 1, 1], [], []>, transpose_lhs_hint = false} : vector<512x12xf32>, vector<12x64xf32>, vector<512x64xf32> -> vector<512x64xf32>
    %get3A_411 = arith.constant 0 : index
    %get3A_412 = arith.constant 0 : index
    %get3A_413 = vector.load %arg4[%get3A_411, %get3A_412] : memref<1x64xf32, #tpu.memory_space<vmem>>, vector<1x64xf32>
    %add3A_414 = vector.broadcast %get3A_413 : vector<1x64xf32> to vector<512x64xf32>
    %add3A_415 = arith.addf %dot_general3A_410, %add3A_414 : vector<512x64xf32>
    %max3A_416 = arith.constant 0.000000e+00 : f32
    %max3A_417 = vector.broadcast %max3A_416 : f32 to vector<512x64xf32>
    %max3A_418 = arith.maximumf %add3A_415, %max3A_417 : vector<512x64xf32>
    %swap3A_419 = arith.constant 13 : index
    %swap3A_420 = arith.constant 0 : index
    %swap3A_421 = arith.constant 0 : index
    %swap3A_422 = vector.load %arg5[%swap3A_419, %swap3A_420, %swap3A_421] : memref<20x512x64xf32, #tpu.memory_space<vmem>>, vector<1x512x64xf32>
    %swap3A_423 = vector.shape_cast %swap3A_422 : vector<1x512x64xf32> to vector<512x64xf32>
    %swap3A_424 = vector.shape_cast %max3A_418 : vector<512x64xf32> to vector<1x512x64xf32>
    tpu.vector_store %arg5[%swap3A_419, %swap3A_420, %swap3A_421], %swap3A_424 {strides = array<i32>} : memref<20x512x64xf32, #tpu.memory_space<vmem>>, vector<1x512x64xf32>,
    %reduce_sum3A_425 = arith.constant dense<0.000000e+00> : vector<64xf32>
    %reduce_sum3A_426 = vector.multi_reduction <add>, %max3A_418, %reduce_sum3A_425 [0] : vector<512x64xf32> to vector<64xf32>
    %broadcast_in_dim3A_427 = vector.shape_cast %reduce_sum3A_426 : vector<64xf32> to vector<1x64xf32>
    %add3A_428 = arith.addf %add3A_397, %broadcast_in_dim3A_427 : vector<1x64xf32>
    %get3A_429 = arith.constant 14 : index
    %get3A_430 = arith.constant 0 : index
    %get3A_431 = arith.constant 0 : index
    %get3A_432 = vector.load %arg1[%get3A_429, %get3A_430, %get3A_431] : memref<20x512x128xf32, #tpu.memory_space<vmem>>, vector<1x512x128xf32>
    %get3A_433 = vector.shape_cast %get3A_432 : vector<1x512x128xf32> to vector<512x128xf32>
    %slice3A_434 = vector.extract_strided_slice %get3A_433 {offsets = [0, 0], sizes = [512, 6], strides = [1, 1]} : vector<512x128xf32> to vector<512x6xf32>
    %sub3A_435 = arith.subf %slice3A_434, %get3A_1 : vector<512x6xf32>
    %concatenate3A_436 = tpu.concatenate %get3A_1, %sub3A_435 in 1 : vector<512x6xf32>, vector<512x6xf32> -> vector<512x12xf32>
    %get3A_437 = arith.constant 0 : index
    %get3A_438 = arith.constant 0 : index
    %get3A_439 = vector.load %arg3[%get3A_437, %get3A_438] : memref<12x64xf32, #tpu.memory_space<vmem>>, vector<12x64xf32>
    %dot_general3A_440 = arith.constant dense<0.000000e+00> : vector<512x64xf32>
    %dot_general3A_441 = tpu.matmul %concatenate3A_436, %get3A_439, %dot_general3A_440 {dimension_numbers = #tpu.dot_dimension_numbers<[1], [0], [0], [1], [0, 0, 1, 1], [], []>, transpose_lhs_hint = false} : vector<512x12xf32>, vector<12x64xf32>, vector<512x64xf32> -> vector<512x64xf32>
    %get3A_442 = arith.constant 0 : index
    %get3A_443 = arith.constant 0 : index
    %get3A_444 = vector.load %arg4[%get3A_442, %get3A_443] : memref<1x64xf32, #tpu.memory_space<vmem>>, vector<1x64xf32>
    %add3A_445 = vector.broadcast %get3A_444 : vector<1x64xf32> to vector<512x64xf32>
    %add3A_446 = arith.addf %dot_general3A_441, %add3A_445 : vector<512x64xf32>
    %max3A_447 = arith.constant 0.000000e+00 : f32
    %max3A_448 = vector.broadcast %max3A_447 : f32 to vector<512x64xf32>
    %max3A_449 = arith.maximumf %add3A_446, %max3A_448 : vector<512x64xf32>
    %swap3A_450 = arith.constant 14 : index
    %swap3A_451 = arith.constant 0 : index
    %swap3A_452 = arith.constant 0 : index
    %swap3A_453 = vector.load %arg5[%swap3A_450, %swap3A_451, %swap3A_452] : memref<20x512x64xf32, #tpu.memory_space<vmem>>, vector<1x512x64xf32>
    %swap3A_454 = vector.shape_cast %swap3A_453 : vector<1x512x64xf32> to vector<512x64xf32>
    %swap3A_455 = vector.shape_cast %max3A_449 : vector<512x64xf32> to vector<1x512x64xf32>
    tpu.vector_store %arg5[%swap3A_450, %swap3A_451, %swap3A_452], %swap3A_455 {strides = array<i32>} : memref<20x512x64xf32, #tpu.memory_space<vmem>>, vector<1x512x64xf32>,
    %reduce_sum3A_456 = arith.constant dense<0.000000e+00> : vector<64xf32>
    %reduce_sum3A_457 = vector.multi_reduction <add>, %max3A_449, %reduce_sum3A_456 [0] : vector<512x64xf32> to vector<64xf32>
    %broadcast_in_dim3A_458 = vector.shape_cast %reduce_sum3A_457 : vector<64xf32> to vector<1x64xf32>
    %add3A_459 = arith.addf %add3A_428, %broadcast_in_dim3A_458 : vector<1x64xf32>
    %get3A_460 = arith.constant 15 : index
    %get3A_461 = arith.constant 0 : index
    %get3A_462 = arith.constant 0 : index
    %get3A_463 = vector.load %arg1[%get3A_460, %get3A_461, %get3A_462] : memref<20x512x128xf32, #tpu.memory_space<vmem>>, vector<1x512x128xf32>
    %get3A_464 = vector.shape_cast %get3A_463 : vector<1x512x128xf32> to vector<512x128xf32>
    %slice3A_465 = vector.extract_strided_slice %get3A_464 {offsets = [0, 0], sizes = [512, 6], strides = [1, 1]} : vector<512x128xf32> to vector<512x6xf32>
    %sub3A_466 = arith.subf %slice3A_465, %get3A_1 : vector<512x6xf32>
    %concatenate3A_467 = tpu.concatenate %get3A_1, %sub3A_466 in 1 : vector<512x6xf32>, vector<512x6xf32> -> vector<512x12xf32>
    %get3A_468 = arith.constant 0 : index
    %get3A_469 = arith.constant 0 : index
    %get3A_470 = vector.load %arg3[%get3A_468, %get3A_469] : memref<12x64xf32, #tpu.memory_space<vmem>>, vector<12x64xf32>
    %dot_general3A_471 = arith.constant dense<0.000000e+00> : vector<512x64xf32>
    %dot_general3A_472 = tpu.matmul %concatenate3A_467, %get3A_470, %dot_general3A_471 {dimension_numbers = #tpu.dot_dimension_numbers<[1], [0], [0], [1], [0, 0, 1, 1], [], []>, transpose_lhs_hint = false} : vector<512x12xf32>, vector<12x64xf32>, vector<512x64xf32> -> vector<512x64xf32>
    %get3A_473 = arith.constant 0 : index
    %get3A_474 = arith.constant 0 : index
    %get3A_475 = vector.load %arg4[%get3A_473, %get3A_474] : memref<1x64xf32, #tpu.memory_space<vmem>>, vector<1x64xf32>
    %add3A_476 = vector.broadcast %get3A_475 : vector<1x64xf32> to vector<512x64xf32>
    %add3A_477 = arith.addf %dot_general3A_472, %add3A_476 : vector<512x64xf32>
    %max3A_478 = arith.constant 0.000000e+00 : f32
    %max3A_479 = vector.broadcast %max3A_478 : f32 to vector<512x64xf32>
    %max3A_480 = arith.maximumf %add3A_477, %max3A_479 : vector<512x64xf32>
    %swap3A_481 = arith.constant 15 : index
    %swap3A_482 = arith.constant 0 : index
    %swap3A_483 = arith.constant 0 : index
    %swap3A_484 = vector.load %arg5[%swap3A_481, %swap3A_482, %swap3A_483] : memref<20x512x64xf32, #tpu.memory_space<vmem>>, vector<1x512x64xf32>
    %swap3A_485 = vector.shape_cast %swap3A_484 : vector<1x512x64xf32> to vector<512x64xf32>
    %swap3A_486 = vector.shape_cast %max3A_480 : vector<512x64xf32> to vector<1x512x64xf32>
    tpu.vector_store %arg5[%swap3A_481, %swap3A_482, %swap3A_483], %swap3A_486 {strides = array<i32>} : memref<20x512x64xf32, #tpu.memory_space<vmem>>, vector<1x512x64xf32>,
    %reduce_sum3A_487 = arith.constant dense<0.000000e+00> : vector<64xf32>
    %reduce_sum3A_488 = vector.multi_reduction <add>, %max3A_480, %reduce_sum3A_487 [0] : vector<512x64xf32> to vector<64xf32>
    %broadcast_in_dim3A_489 = vector.shape_cast %reduce_sum3A_488 : vector<64xf32> to vector<1x64xf32>
    %add3A_490 = arith.addf %add3A_459, %broadcast_in_dim3A_489 : vector<1x64xf32>
    %get3A_491 = arith.constant 16 : index
    %get3A_492 = arith.constant 0 : index
    %get3A_493 = arith.constant 0 : index
    %get3A_494 = vector.load %arg1[%get3A_491, %get3A_492, %get3A_493] : memref<20x512x128xf32, #tpu.memory_space<vmem>>, vector<1x512x128xf32>
    %get3A_495 = vector.shape_cast %get3A_494 : vector<1x512x128xf32> to vector<512x128xf32>
    %slice3A_496 = vector.extract_strided_slice %get3A_495 {offsets = [0, 0], sizes = [512, 6], strides = [1, 1]} : vector<512x128xf32> to vector<512x6xf32>
    %sub3A_497 = arith.subf %slice3A_496, %get3A_1 : vector<512x6xf32>
    %concatenate3A_498 = tpu.concatenate %get3A_1, %sub3A_497 in 1 : vector<512x6xf32>, vector<512x6xf32> -> vector<512x12xf32>
    %get3A_499 = arith.constant 0 : index
    %get3A_500 = arith.constant 0 : index
    %get3A_501 = vector.load %arg3[%get3A_499, %get3A_500] : memref<12x64xf32, #tpu.memory_space<vmem>>, vector<12x64xf32>
    %dot_general3A_502 = arith.constant dense<0.000000e+00> : vector<512x64xf32>
    %dot_general3A_503 = tpu.matmul %concatenate3A_498, %get3A_501, %dot_general3A_502 {dimension_numbers = #tpu.dot_dimension_numbers<[1], [0], [0], [1], [0, 0, 1, 1], [], []>, transpose_lhs_hint = false} : vector<512x12xf32>, vector<12x64xf32>, vector<512x64xf32> -> vector<512x64xf32>
    %get3A_504 = arith.constant 0 : index
    %get3A_505 = arith.constant 0 : index
    %get3A_506 = vector.load %arg4[%get3A_504, %get3A_505] : memref<1x64xf32, #tpu.memory_space<vmem>>, vector<1x64xf32>
    %add3A_507 = vector.broadcast %get3A_506 : vector<1x64xf32> to vector<512x64xf32>
    %add3A_508 = arith.addf %dot_general3A_503, %add3A_507 : vector<512x64xf32>
    %max3A_509 = arith.constant 0.000000e+00 : f32
    %max3A_510 = vector.broadcast %max3A_509 : f32 to vector<512x64xf32>
    %max3A_511 = arith.maximumf %add3A_508, %max3A_510 : vector<512x64xf32>
    %swap3A_512 = arith.constant 16 : index
    %swap3A_513 = arith.constant 0 : index
    %swap3A_514 = arith.constant 0 : index
    %swap3A_515 = vector.load %arg5[%swap3A_512, %swap3A_513, %swap3A_514] : memref<20x512x64xf32, #tpu.memory_space<vmem>>, vector<1x512x64xf32>
    %swap3A_516 = vector.shape_cast %swap3A_515 : vector<1x512x64xf32> to vector<512x64xf32>
    %swap3A_517 = vector.shape_cast %max3A_511 : vector<512x64xf32> to vector<1x512x64xf32>
    tpu.vector_store %arg5[%swap3A_512, %swap3A_513, %swap3A_514], %swap3A_517 {strides = array<i32>} : memref<20x512x64xf32, #tpu.memory_space<vmem>>, vector<1x512x64xf32>,
    %reduce_sum3A_518 = arith.constant dense<0.000000e+00> : vector<64xf32>
    %reduce_sum3A_519 = vector.multi_reduction <add>, %max3A_511, %reduce_sum3A_518 [0] : vector<512x64xf32> to vector<64xf32>
    %broadcast_in_dim3A_520 = vector.shape_cast %reduce_sum3A_519 : vector<64xf32> to vector<1x64xf32>
    %add3A_521 = arith.addf %add3A_490, %broadcast_in_dim3A_520 : vector<1x64xf32>
    %get3A_522 = arith.constant 17 : index
    %get3A_523 = arith.constant 0 : index
    %get3A_524 = arith.constant 0 : index
    %get3A_525 = vector.load %arg1[%get3A_522, %get3A_523, %get3A_524] : memref<20x512x128xf32, #tpu.memory_space<vmem>>, vector<1x512x128xf32>
    %get3A_526 = vector.shape_cast %get3A_525 : vector<1x512x128xf32> to vector<512x128xf32>
    %slice3A_527 = vector.extract_strided_slice %get3A_526 {offsets = [0, 0], sizes = [512, 6], strides = [1, 1]} : vector<512x128xf32> to vector<512x6xf32>
    %sub3A_528 = arith.subf %slice3A_527, %get3A_1 : vector<512x6xf32>
    %concatenate3A_529 = tpu.concatenate %get3A_1, %sub3A_528 in 1 : vector<512x6xf32>, vector<512x6xf32> -> vector<512x12xf32>
    %get3A_530 = arith.constant 0 : index
    %get3A_531 = arith.constant 0 : index
    %get3A_532 = vector.load %arg3[%get3A_530, %get3A_531] : memref<12x64xf32, #tpu.memory_space<vmem>>, vector<12x64xf32>
    %dot_general3A_533 = arith.constant dense<0.000000e+00> : vector<512x64xf32>
    %dot_general3A_534 = tpu.matmul %concatenate3A_529, %get3A_532, %dot_general3A_533 {dimension_numbers = #tpu.dot_dimension_numbers<[1], [0], [0], [1], [0, 0, 1, 1], [], []>, transpose_lhs_hint = false} : vector<512x12xf32>, vector<12x64xf32>, vector<512x64xf32> -> vector<512x64xf32>
    %get3A_535 = arith.constant 0 : index
    %get3A_536 = arith.constant 0 : index
    %get3A_537 = vector.load %arg4[%get3A_535, %get3A_536] : memref<1x64xf32, #tpu.memory_space<vmem>>, vector<1x64xf32>
    %add3A_538 = vector.broadcast %get3A_537 : vector<1x64xf32> to vector<512x64xf32>
    %add3A_539 = arith.addf %dot_general3A_534, %add3A_538 : vector<512x64xf32>
    %max3A_540 = arith.constant 0.000000e+00 : f32
    %max3A_541 = vector.broadcast %max3A_540 : f32 to vector<512x64xf32>
    %max3A_542 = arith.maximumf %add3A_539, %max3A_541 : vector<512x64xf32>
    %swap3A_543 = arith.constant 17 : index
    %swap3A_544 = arith.constant 0 : index
    %swap3A_545 = arith.constant 0 : index
    %swap3A_546 = vector.load %arg5[%swap3A_543, %swap3A_544, %swap3A_545] : memref<20x512x64xf32, #tpu.memory_space<vmem>>, vector<1x512x64xf32>
    %swap3A_547 = vector.shape_cast %swap3A_546 : vector<1x512x64xf32> to vector<512x64xf32>
    %swap3A_548 = vector.shape_cast %max3A_542 : vector<512x64xf32> to vector<1x512x64xf32>
    tpu.vector_store %arg5[%swap3A_543, %swap3A_544, %swap3A_545], %swap3A_548 {strides = array<i32>} : memref<20x512x64xf32, #tpu.memory_space<vmem>>, vector<1x512x64xf32>,
    %reduce_sum3A_549 = arith.constant dense<0.000000e+00> : vector<64xf32>
    %reduce_sum3A_550 = vector.multi_reduction <add>, %max3A_542, %reduce_sum3A_549 [0] : vector<512x64xf32> to vector<64xf32>
    %broadcast_in_dim3A_551 = vector.shape_cast %reduce_sum3A_550 : vector<64xf32> to vector<1x64xf32>
    %add3A_552 = arith.addf %add3A_521, %broadcast_in_dim3A_551 : vector<1x64xf32>
    %get3A_553 = arith.constant 18 : index
    %get3A_554 = arith.constant 0 : index
    %get3A_555 = arith.constant 0 : index
    %get3A_556 = vector.load %arg1[%get3A_553, %get3A_554, %get3A_555] : memref<20x512x128xf32, #tpu.memory_space<vmem>>, vector<1x512x128xf32>
    %get3A_557 = vector.shape_cast %get3A_556 : vector<1x512x128xf32> to vector<512x128xf32>
    %slice3A_558 = vector.extract_strided_slice %get3A_557 {offsets = [0, 0], sizes = [512, 6], strides = [1, 1]} : vector<512x128xf32> to vector<512x6xf32>
    %sub3A_559 = arith.subf %slice3A_558, %get3A_1 : vector<512x6xf32>
    %concatenate3A_560 = tpu.concatenate %get3A_1, %sub3A_559 in 1 : vector<512x6xf32>, vector<512x6xf32> -> vector<512x12xf32>
    %get3A_561 = arith.constant 0 : index
    %get3A_562 = arith.constant 0 : index
    %get3A_563 = vector.load %arg3[%get3A_561, %get3A_562] : memref<12x64xf32, #tpu.memory_space<vmem>>, vector<12x64xf32>
    %dot_general3A_564 = arith.constant dense<0.000000e+00> : vector<512x64xf32>
    %dot_general3A_565 = tpu.matmul %concatenate3A_560, %get3A_563, %dot_general3A_564 {dimension_numbers = #tpu.dot_dimension_numbers<[1], [0], [0], [1], [0, 0, 1, 1], [], []>, transpose_lhs_hint = false} : vector<512x12xf32>, vector<12x64xf32>, vector<512x64xf32> -> vector<512x64xf32>
    %get3A_566 = arith.constant 0 : index
    %get3A_567 = arith.constant 0 : index
    %get3A_568 = vector.load %arg4[%get3A_566, %get3A_567] : memref<1x64xf32, #tpu.memory_space<vmem>>, vector<1x64xf32>
    %add3A_569 = vector.broadcast %get3A_568 : vector<1x64xf32> to vector<512x64xf32>
    %add3A_570 = arith.addf %dot_general3A_565, %add3A_569 : vector<512x64xf32>
    %max3A_571 = arith.constant 0.000000e+00 : f32
    %max3A_572 = vector.broadcast %max3A_571 : f32 to vector<512x64xf32>
    %max3A_573 = arith.maximumf %add3A_570, %max3A_572 : vector<512x64xf32>
    %swap3A_574 = arith.constant 18 : index
    %swap3A_575 = arith.constant 0 : index
    %swap3A_576 = arith.constant 0 : index
    %swap3A_577 = vector.load %arg5[%swap3A_574, %swap3A_575, %swap3A_576] : memref<20x512x64xf32, #tpu.memory_space<vmem>>, vector<1x512x64xf32>
    %swap3A_578 = vector.shape_cast %swap3A_577 : vector<1x512x64xf32> to vector<512x64xf32>
    %swap3A_579 = vector.shape_cast %max3A_573 : vector<512x64xf32> to vector<1x512x64xf32>
    tpu.vector_store %arg5[%swap3A_574, %swap3A_575, %swap3A_576], %swap3A_579 {strides = array<i32>} : memref<20x512x64xf32, #tpu.memory_space<vmem>>, vector<1x512x64xf32>,
    %reduce_sum3A_580 = arith.constant dense<0.000000e+00> : vector<64xf32>
    %reduce_sum3A_581 = vector.multi_reduction <add>, %max3A_573, %reduce_sum3A_580 [0] : vector<512x64xf32> to vector<64xf32>
    %broadcast_in_dim3A_582 = vector.shape_cast %reduce_sum3A_581 : vector<64xf32> to vector<1x64xf32>
    %add3A_583 = arith.addf %add3A_552, %broadcast_in_dim3A_582 : vector<1x64xf32>
    %get3A_584 = arith.constant 19 : index
    %get3A_585 = arith.constant 0 : index
    %get3A_586 = arith.constant 0 : index
    %get3A_587 = vector.load %arg1[%get3A_584, %get3A_585, %get3A_586] : memref<20x512x128xf32, #tpu.memory_space<vmem>>, vector<1x512x128xf32>
    %get3A_588 = vector.shape_cast %get3A_587 : vector<1x512x128xf32> to vector<512x128xf32>
    %slice3A_589 = vector.extract_strided_slice %get3A_588 {offsets = [0, 0], sizes = [512, 6], strides = [1, 1]} : vector<512x128xf32> to vector<512x6xf32>
    %sub3A_590 = arith.subf %slice3A_589, %get3A_1 : vector<512x6xf32>
    %concatenate3A_591 = tpu.concatenate %get3A_1, %sub3A_590 in 1 : vector<512x6xf32>, vector<512x6xf32> -> vector<512x12xf32>
    %get3A_592 = arith.constant 0 : index
    %get3A_593 = arith.constant 0 : index
    %get3A_594 = vector.load %arg3[%get3A_592, %get3A_593] : memref<12x64xf32, #tpu.memory_space<vmem>>, vector<12x64xf32>
    %dot_general3A_595 = arith.constant dense<0.000000e+00> : vector<512x64xf32>
    %dot_general3A_596 = tpu.matmul %concatenate3A_591, %get3A_594, %dot_general3A_595 {dimension_numbers = #tpu.dot_dimension_numbers<[1], [0], [0], [1], [0, 0, 1, 1], [], []>, transpose_lhs_hint = false} : vector<512x12xf32>, vector<12x64xf32>, vector<512x64xf32> -> vector<512x64xf32>
    %get3A_597 = arith.constant 0 : index
    %get3A_598 = arith.constant 0 : index
    %get3A_599 = vector.load %arg4[%get3A_597, %get3A_598] : memref<1x64xf32, #tpu.memory_space<vmem>>, vector<1x64xf32>
    %add3A_600 = vector.broadcast %get3A_599 : vector<1x64xf32> to vector<512x64xf32>
    %add3A_601 = arith.addf %dot_general3A_596, %add3A_600 : vector<512x64xf32>
    %max3A_602 = arith.constant 0.000000e+00 : f32
    %max3A_603 = vector.broadcast %max3A_602 : f32 to vector<512x64xf32>
    %max3A_604 = arith.maximumf %add3A_601, %max3A_603 : vector<512x64xf32>
    %swap3A_605 = arith.constant 19 : index
    %swap3A_606 = arith.constant 0 : index
    %swap3A_607 = arith.constant 0 : index
    %swap3A_608 = vector.load %arg5[%swap3A_605, %swap3A_606, %swap3A_607] : memref<20x512x64xf32, #tpu.memory_space<vmem>>, vector<1x512x64xf32>
    %swap3A_609 = vector.shape_cast %swap3A_608 : vector<1x512x64xf32> to vector<512x64xf32>
    %swap3A_610 = vector.shape_cast %max3A_604 : vector<512x64xf32> to vector<1x512x64xf32>
    tpu.vector_store %arg5[%swap3A_605, %swap3A_606, %swap3A_607], %swap3A_610 {strides = array<i32>} : memref<20x512x64xf32, #tpu.memory_space<vmem>>, vector<1x512x64xf32>,
    %reduce_sum3A_611 = arith.constant dense<0.000000e+00> : vector<64xf32>
    %reduce_sum3A_612 = vector.multi_reduction <add>, %max3A_604, %reduce_sum3A_611 [0] : vector<512x64xf32> to vector<64xf32>
    %broadcast_in_dim3A_613 = vector.shape_cast %reduce_sum3A_612 : vector<64xf32> to vector<1x64xf32>
    %add3A_614 = arith.addf %add3A_583, %broadcast_in_dim3A_613 : vector<1x64xf32>
    %eq3A = arith.constant 0 : i32
    %eq3A_615 = arith.cmpi eq, %arg0, %eq3A : i32
    %convert_element_type3A = arith.extui %eq3A_615 : i1 to i32
    %cond3A = arith.constant 0 : i32
    %cond3A_616 = arith.cmpi ne, %convert_element_type3A, %cond3A : i32
    scf.if %cond3A_616 {
      %broadcast_in_dim3A_624 = arith.constant 0.000000e+00 : f32
      %broadcast_in_dim3A_625 = vector.broadcast %broadcast_in_dim3A_624 : f32 to vector<1x64xf32>
      %swap3A_626 = arith.constant 0 : index
      %swap3A_627 = arith.constant 0 : index
      %swap3A_628 = vector.load %arg6[%swap3A_626, %swap3A_627] : memref<1x64xf32, #tpu.memory_space<vmem>>, vector<1x64xf32>
      tpu.vector_store %arg6[%swap3A_626, %swap3A_627], %broadcast_in_dim3A_625 {strides = array<i32>} : memref<1x64xf32, #tpu.memory_space<vmem>>, vector<1x64xf32>,
    } else {
    }
    %get3A_617 = arith.constant 0 : index
    %get3A_618 = arith.constant 0 : index
    %get3A_619 = vector.load %arg6[%get3A_617, %get3A_618] : memref<1x64xf32, #tpu.memory_space<vmem>>, vector<1x64xf32>
    %add3A_620 = arith.addf %get3A_619, %add3A_614 : vector<1x64xf32>
    %swap3A_621 = arith.constant 0 : index
    %swap3A_622 = arith.constant 0 : index
    %swap3A_623 = vector.load %arg6[%swap3A_621, %swap3A_622] : memref<1x64xf32, #tpu.memory_space<vmem>>, vector<1x64xf32>
    tpu.vector_store %arg6[%swap3A_621, %swap3A_622], %add3A_620 {strides = array<i32>} : memref<1x64xf32, #tpu.memory_space<vmem>>, vector<1x64xf32>,
    return
  }
  func.func @transform_0(%arg0: i32) -> (i32, i32, i32) {
    %c0_i32 = arith.constant 0 : i32
    %c0_i32_0 = arith.constant 0 : i32
    %c0_i32_1 = arith.constant 0 : i32
    return %c0_i32, %arg0, %c0_i32_0 : i32, i32, i32
  }
  func.func @transform_1(%arg0: i32) -> (i32, i32) {
    %c0_i32 = arith.constant 0 : i32
    %c0_i32_0 = arith.constant 0 : i32
    return %arg0, %c0_i32 : i32, i32
  }
  func.func @transform_2(%arg0: i32) -> (i32, i32) {
    %c0_i32 = arith.constant 0 : i32
    %c0_i32_0 = arith.constant 0 : i32
    %c0_i32_1 = arith.constant 0 : i32
    return %c0_i32, %c0_i32_0 : i32, i32
  }
  func.func @transform_3(%arg0: i32) -> (i32, i32) {
    %c0_i32 = arith.constant 0 : i32
    %c0_i32_0 = arith.constant 0 : i32
    %c0_i32_1 = arith.constant 0 : i32
    return %c0_i32, %c0_i32_0 : i32, i32
  }
  func.func @transform_4(%arg0: i32) -> (i32, i32, i32) {
    %c0_i32 = arith.constant 0 : i32
    %c0_i32_0 = arith.constant 0 : i32
    %c0_i32_1 = arith.constant 0 : i32
    return %c0_i32, %arg0, %c0_i32_0 : i32, i32, i32
  }
  func.func @transform_5(%arg0: i32) -> (i32, i32) {
    %c0_i32 = arith.constant 0 : i32
    %c0_i32_0 = arith.constant 0 : i32
    %c0_i32_1 = arith.constant 0 : i32
    return %c0_i32, %c0_i32_0 : i32, i32
  }
}

module attributes {stable_mosaic.version = 14 : i64} {
  func.func @_kv_body(%arg0: i32, %arg1: memref<4096x64xf32, #tpu.memory_space<vmem>>, %arg2: memref<1x64xf32, #tpu.memory_space<vmem>>, %arg3: memref<1x64xf32, #tpu.memory_space<vmem>>) attributes {dimension_semantics = [#tpu.dimension_semantics<arbitrary>], iteration_bounds = array<i64: 40>, scalar_prefetch = 0 : i64, scratch_operands = 0 : i64, tpu.core_type = #tpu.core_type<tc>, window_params = [{transform_indices = @transform_0, window_bounds = array<i64: 4096, 64>}, {pipeline_mode = #tpu.pipeline_mode<synchronous>, transform_indices = @transform_1, window_bounds = array<i64: 1, 64>}, {pipeline_mode = #tpu.pipeline_mode<synchronous>, transform_indices = @transform_2, window_bounds = array<i64: 1, 64>}]} {
    %get3A = arith.constant 0 : index
    %get3A_0 = arith.constant 0 : index
    %get3A_1 = vector.load %arg1[%get3A, %get3A_0] : memref<4096x64xf32, #tpu.memory_space<vmem>>, vector<4096x64xf32>
    %get3A_2 = arith.constant 0 : index
    %get3A_3 = arith.constant 0 : index
    %get3A_4 = vector.load %arg2[%get3A_2, %get3A_3] : memref<1x64xf32, #tpu.memory_space<vmem>>, vector<1x64xf32>
    %sub3A = vector.broadcast %get3A_4 : vector<1x64xf32> to vector<4096x64xf32>
    %sub3A_5 = arith.subf %get3A_1, %sub3A : vector<4096x64xf32>
    %eq3A = arith.constant 0 : i32
    %eq3A_6 = arith.cmpi eq, %arg0, %eq3A : i32
    %convert_element_type3A = arith.extui %eq3A_6 : i1 to i32
    %cond3A = arith.constant 0 : i32
    %cond3A_7 = arith.cmpi ne, %convert_element_type3A, %cond3A : i32
    scf.if %cond3A_7 {
      %broadcast_in_dim3A_14 = arith.constant 0.000000e+00 : f32
      %broadcast_in_dim3A_15 = vector.broadcast %broadcast_in_dim3A_14 : f32 to vector<1x64xf32>
      %swap3A_16 = arith.constant 0 : index
      %swap3A_17 = arith.constant 0 : index
      %swap3A_18 = vector.load %arg3[%swap3A_16, %swap3A_17] : memref<1x64xf32, #tpu.memory_space<vmem>>, vector<1x64xf32>
      tpu.vector_store %arg3[%swap3A_16, %swap3A_17], %broadcast_in_dim3A_15 {strides = array<i32>} : memref<1x64xf32, #tpu.memory_space<vmem>>, vector<1x64xf32>,
    } else {
    }
    %get3A_8 = arith.constant 0 : index
    %get3A_9 = arith.constant 0 : index
    %get3A_10 = vector.load %arg3[%get3A_8, %get3A_9] : memref<1x64xf32, #tpu.memory_space<vmem>>, vector<1x64xf32>
    %mul3A = arith.mulf %sub3A_5, %sub3A_5 : vector<4096x64xf32>
    %reduce_sum3A = arith.constant dense<0.000000e+00> : vector<64xf32>
    %reduce_sum3A_11 = vector.multi_reduction <add>, %mul3A, %reduce_sum3A [0] : vector<4096x64xf32> to vector<64xf32>
    %broadcast_in_dim3A = vector.shape_cast %reduce_sum3A_11 : vector<64xf32> to vector<1x64xf32>
    %add3A = arith.addf %get3A_10, %broadcast_in_dim3A : vector<1x64xf32>
    %swap3A = arith.constant 0 : index
    %swap3A_12 = arith.constant 0 : index
    %swap3A_13 = vector.load %arg3[%swap3A, %swap3A_12] : memref<1x64xf32, #tpu.memory_space<vmem>>, vector<1x64xf32>
    tpu.vector_store %arg3[%swap3A, %swap3A_12], %add3A {strides = array<i32>} : memref<1x64xf32, #tpu.memory_space<vmem>>, vector<1x64xf32>,
    return
  }
  func.func @transform_0(%arg0: i32) -> (i32, i32) {
    %c0_i32 = arith.constant 0 : i32
    %c0_i32_0 = arith.constant 0 : i32
    return %arg0, %c0_i32 : i32, i32
  }
  func.func @transform_1(%arg0: i32) -> (i32, i32) {
    %c0_i32 = arith.constant 0 : i32
    %c0_i32_0 = arith.constant 0 : i32
    %c0_i32_1 = arith.constant 0 : i32
    return %c0_i32, %c0_i32_0 : i32, i32
  }
  func.func @transform_2(%arg0: i32) -> (i32, i32) {
    %c0_i32 = arith.constant 0 : i32
    %c0_i32_0 = arith.constant 0 : i32
    %c0_i32_1 = arith.constant 0 : i32
    return %c0_i32, %c0_i32_0 : i32, i32
  }
}

module attributes {stable_mosaic.version = 14 : i64} {
  func.func @_k4_body(%arg0: i32, %arg1: memref<4096x64xf32, #tpu.memory_space<vmem>>, %arg2: memref<1x64xf32, #tpu.memory_space<vmem>>, %arg3: memref<1x64xf32, #tpu.memory_space<vmem>>, %arg4: memref<1x64xf32, #tpu.memory_space<vmem>>, %arg5: memref<1x64xf32, #tpu.memory_space<vmem>>, %arg6: memref<64x64xf32, #tpu.memory_space<vmem>>, %arg7: memref<1x64xf32, #tpu.memory_space<vmem>>, %arg8: memref<4096x64xf32, #tpu.memory_space<vmem>>, %arg9: memref<1x64xf32, #tpu.memory_space<vmem>>) attributes {dimension_semantics = [#tpu.dimension_semantics<arbitrary>], iteration_bounds = array<i64: 40>, scalar_prefetch = 0 : i64, scratch_operands = 0 : i64, tpu.core_type = #tpu.core_type<tc>, window_params = [{transform_indices = @transform_0, window_bounds = array<i64: 4096, 64>}, {pipeline_mode = #tpu.pipeline_mode<synchronous>, transform_indices = @transform_1, window_bounds = array<i64: 1, 64>}, {pipeline_mode = #tpu.pipeline_mode<synchronous>, transform_indices = @transform_2, window_bounds = array<i64: 1, 64>}, {pipeline_mode = #tpu.pipeline_mode<synchronous>, transform_indices = @transform_3, window_bounds = array<i64: 1, 64>}, {pipeline_mode = #tpu.pipeline_mode<synchronous>, transform_indices = @transform_4, window_bounds = array<i64: 1, 64>}, {pipeline_mode = #tpu.pipeline_mode<synchronous>, transform_indices = @transform_5, window_bounds = array<i64: 64, 64>}, {pipeline_mode = #tpu.pipeline_mode<synchronous>, transform_indices = @transform_6, window_bounds = array<i64: 1, 64>}, {transform_indices = @transform_7, window_bounds = array<i64: 4096, 64>}, {pipeline_mode = #tpu.pipeline_mode<synchronous>, transform_indices = @transform_8, window_bounds = array<i64: 1, 64>}]} {
    %get3A = arith.constant 0 : index
    %get3A_0 = arith.constant 0 : index
    %get3A_1 = vector.load %arg1[%get3A, %get3A_0] : memref<4096x64xf32, #tpu.memory_space<vmem>>, vector<4096x64xf32>
    %get3A_2 = arith.constant 0 : index
    %get3A_3 = arith.constant 0 : index
    %get3A_4 = vector.load %arg2[%get3A_2, %get3A_3] : memref<1x64xf32, #tpu.memory_space<vmem>>, vector<1x64xf32>
    %get3A_5 = arith.constant 0 : index
    %get3A_6 = arith.constant 0 : index
    %get3A_7 = vector.load %arg3[%get3A_5, %get3A_6] : memref<1x64xf32, #tpu.memory_space<vmem>>, vector<1x64xf32>
    %get3A_8 = arith.constant 0 : index
    %get3A_9 = arith.constant 0 : index
    %get3A_10 = vector.load %arg4[%get3A_8, %get3A_9] : memref<1x64xf32, #tpu.memory_space<vmem>>, vector<1x64xf32>
    %get3A_11 = arith.constant 0 : index
    %get3A_12 = arith.constant 0 : index
    %get3A_13 = vector.load %arg5[%get3A_11, %get3A_12] : memref<1x64xf32, #tpu.memory_space<vmem>>, vector<1x64xf32>
    %sub3A = vector.broadcast %get3A_4 : vector<1x64xf32> to vector<4096x64xf32>
    %sub3A_14 = arith.subf %get3A_1, %sub3A : vector<4096x64xf32>
    %div3A = vector.broadcast %get3A_7 : vector<1x64xf32> to vector<4096x64xf32>
    %div3A_15 = arith.divf %sub3A_14, %div3A : vector<4096x64xf32>
    %mul3A = vector.broadcast %get3A_10 : vector<1x64xf32> to vector<4096x64xf32>
    %mul3A_16 = arith.mulf %div3A_15, %mul3A : vector<4096x64xf32>
    %add3A = vector.broadcast %get3A_13 : vector<1x64xf32> to vector<4096x64xf32>
    %add3A_17 = arith.addf %mul3A_16, %add3A : vector<4096x64xf32>
    %get3A_18 = arith.constant 0 : index
    %get3A_19 = arith.constant 0 : index
    %get3A_20 = vector.load %arg6[%get3A_18, %get3A_19] : memref<64x64xf32, #tpu.memory_space<vmem>>, vector<64x64xf32>
    %dot_general3A = arith.constant dense<0.000000e+00> : vector<4096x64xf32>
    %dot_general3A_21 = tpu.matmul %add3A_17, %get3A_20, %dot_general3A {dimension_numbers = #tpu.dot_dimension_numbers<[1], [0], [0], [1], [0, 0, 1, 1], [], []>, transpose_lhs_hint = false} : vector<4096x64xf32>, vector<64x64xf32>, vector<4096x64xf32> -> vector<4096x64xf32>
    %get3A_22 = arith.constant 0 : index
    %get3A_23 = arith.constant 0 : index
    %get3A_24 = vector.load %arg7[%get3A_22, %get3A_23] : memref<1x64xf32, #tpu.memory_space<vmem>>, vector<1x64xf32>
    %add3A_25 = vector.broadcast %get3A_24 : vector<1x64xf32> to vector<4096x64xf32>
    %add3A_26 = arith.addf %dot_general3A_21, %add3A_25 : vector<4096x64xf32>
    %max3A = arith.constant 0.000000e+00 : f32
    %max3A_27 = vector.broadcast %max3A : f32 to vector<4096x64xf32>
    %max3A_28 = arith.maximumf %add3A_26, %max3A_27 : vector<4096x64xf32>
    %swap3A = arith.constant 0 : index
    %swap3A_29 = arith.constant 0 : index
    %swap3A_30 = vector.load %arg8[%swap3A, %swap3A_29] : memref<4096x64xf32, #tpu.memory_space<vmem>>, vector<4096x64xf32>
    tpu.vector_store %arg8[%swap3A, %swap3A_29], %max3A_28 {strides = array<i32>} : memref<4096x64xf32, #tpu.memory_space<vmem>>, vector<4096x64xf32>,
    %eq3A = arith.constant 0 : i32
    %eq3A_31 = arith.cmpi eq, %arg0, %eq3A : i32
    %convert_element_type3A = arith.extui %eq3A_31 : i1 to i32
    %cond3A = arith.constant 0 : i32
    %cond3A_32 = arith.cmpi ne, %convert_element_type3A, %cond3A : i32
    scf.if %cond3A_32 {
      %broadcast_in_dim3A_41 = arith.constant 0.000000e+00 : f32
      %broadcast_in_dim3A_42 = vector.broadcast %broadcast_in_dim3A_41 : f32 to vector<1x64xf32>
      %swap3A_43 = arith.constant 0 : index
      %swap3A_44 = arith.constant 0 : index
      %swap3A_45 = vector.load %arg9[%swap3A_43, %swap3A_44] : memref<1x64xf32, #tpu.memory_space<vmem>>, vector<1x64xf32>
      tpu.vector_store %arg9[%swap3A_43, %swap3A_44], %broadcast_in_dim3A_42 {strides = array<i32>} : memref<1x64xf32, #tpu.memory_space<vmem>>, vector<1x64xf32>,
    } else {
    }
    %get3A_33 = arith.constant 0 : index
    %get3A_34 = arith.constant 0 : index
    %get3A_35 = vector.load %arg9[%get3A_33, %get3A_34] : memref<1x64xf32, #tpu.memory_space<vmem>>, vector<1x64xf32>
    %reduce_sum3A = arith.constant dense<0.000000e+00> : vector<64xf32>
    %reduce_sum3A_36 = vector.multi_reduction <add>, %max3A_28, %reduce_sum3A [0] : vector<4096x64xf32> to vector<64xf32>
    %broadcast_in_dim3A = vector.shape_cast %reduce_sum3A_36 : vector<64xf32> to vector<1x64xf32>
    %add3A_37 = arith.addf %get3A_35, %broadcast_in_dim3A : vector<1x64xf32>
    %swap3A_38 = arith.constant 0 : index
    %swap3A_39 = arith.constant 0 : index
    %swap3A_40 = vector.load %arg9[%swap3A_38, %swap3A_39] : memref<1x64xf32, #tpu.memory_space<vmem>>, vector<1x64xf32>
    tpu.vector_store %arg9[%swap3A_38, %swap3A_39], %add3A_37 {strides = array<i32>} : memref<1x64xf32, #tpu.memory_space<vmem>>, vector<1x64xf32>,
    return
  }
  func.func @transform_0(%arg0: i32) -> (i32, i32) {
    %c0_i32 = arith.constant 0 : i32
    %c0_i32_0 = arith.constant 0 : i32
    return %arg0, %c0_i32 : i32, i32
  }
  func.func @transform_1(%arg0: i32) -> (i32, i32) {
    %c0_i32 = arith.constant 0 : i32
    %c0_i32_0 = arith.constant 0 : i32
    %c0_i32_1 = arith.constant 0 : i32
    return %c0_i32, %c0_i32_0 : i32, i32
  }
  func.func @transform_2(%arg0: i32) -> (i32, i32) {
    %c0_i32 = arith.constant 0 : i32
    %c0_i32_0 = arith.constant 0 : i32
    %c0_i32_1 = arith.constant 0 : i32
    return %c0_i32, %c0_i32_0 : i32, i32
  }
  func.func @transform_3(%arg0: i32) -> (i32, i32) {
    %c0_i32 = arith.constant 0 : i32
    %c0_i32_0 = arith.constant 0 : i32
    %c0_i32_1 = arith.constant 0 : i32
    return %c0_i32, %c0_i32_0 : i32, i32
  }
  func.func @transform_4(%arg0: i32) -> (i32, i32) {
    %c0_i32 = arith.constant 0 : i32
    %c0_i32_0 = arith.constant 0 : i32
    %c0_i32_1 = arith.constant 0 : i32
    return %c0_i32, %c0_i32_0 : i32, i32
  }
  func.func @transform_5(%arg0: i32) -> (i32, i32) {
    %c0_i32 = arith.constant 0 : i32
    %c0_i32_0 = arith.constant 0 : i32
    %c0_i32_1 = arith.constant 0 : i32
    return %c0_i32, %c0_i32_0 : i32, i32
  }
  func.func @transform_6(%arg0: i32) -> (i32, i32) {
    %c0_i32 = arith.constant 0 : i32
    %c0_i32_0 = arith.constant 0 : i32
    %c0_i32_1 = arith.constant 0 : i32
    return %c0_i32, %c0_i32_0 : i32, i32
  }
  func.func @transform_7(%arg0: i32) -> (i32, i32) {
    %c0_i32 = arith.constant 0 : i32
    %c0_i32_0 = arith.constant 0 : i32
    return %arg0, %c0_i32 : i32, i32
  }
  func.func @transform_8(%arg0: i32) -> (i32, i32) {
    %c0_i32 = arith.constant 0 : i32
    %c0_i32_0 = arith.constant 0 : i32
    %c0_i32_1 = arith.constant 0 : i32
    return %c0_i32, %c0_i32_0 : i32, i32
  }
}

module attributes {stable_mosaic.version = 14 : i64} {
  func.func @_k5_body(%arg0: i32, %arg1: memref<20x512x64xf32, #tpu.memory_space<vmem>>, %arg2: memref<1x64xf32, #tpu.memory_space<vmem>>, %arg3: memref<1x64xf32, #tpu.memory_space<vmem>>, %arg4: memref<1x64xf32, #tpu.memory_space<vmem>>, %arg5: memref<1x64xf32, #tpu.memory_space<vmem>>, %arg6: memref<64x64xf32, #tpu.memory_space<vmem>>, %arg7: memref<1x64xf32, #tpu.memory_space<vmem>>, %arg8: memref<20x512x64xf32, #tpu.memory_space<vmem>>, %arg9: memref<512x64xf32, #tpu.memory_space<vmem>>, %arg10: memref<512x64xf32, #tpu.memory_space<vmem>>, %arg11: memref<1x64xf32, #tpu.memory_space<vmem>>) attributes {dimension_semantics = [#tpu.dimension_semantics<arbitrary>], iteration_bounds = array<i64: 16>, scalar_prefetch = 0 : i64, scratch_operands = 0 : i64, tpu.core_type = #tpu.core_type<tc>, window_params = [{transform_indices = @transform_0, window_bounds = array<i64: 20, 512, 64>}, {pipeline_mode = #tpu.pipeline_mode<synchronous>, transform_indices = @transform_1, window_bounds = array<i64: 1, 64>}, {pipeline_mode = #tpu.pipeline_mode<synchronous>, transform_indices = @transform_2, window_bounds = array<i64: 1, 64>}, {pipeline_mode = #tpu.pipeline_mode<synchronous>, transform_indices = @transform_3, window_bounds = array<i64: 1, 64>}, {pipeline_mode = #tpu.pipeline_mode<synchronous>, transform_indices = @transform_4, window_bounds = array<i64: 1, 64>}, {pipeline_mode = #tpu.pipeline_mode<synchronous>, transform_indices = @transform_5, window_bounds = array<i64: 64, 64>}, {pipeline_mode = #tpu.pipeline_mode<synchronous>, transform_indices = @transform_6, window_bounds = array<i64: 1, 64>}, {transform_indices = @transform_7, window_bounds = array<i64: 20, 512, 64>}, {transform_indices = @transform_8, window_bounds = array<i64: 512, 64>}, {transform_indices = @transform_9, window_bounds = array<i64: 512, 64>}, {pipeline_mode = #tpu.pipeline_mode<synchronous>, transform_indices = @transform_10, window_bounds = array<i64: 1, 64>}]} {
    %broadcast_in_dim3A = arith.constant 0.000000e+00 : f32
    %broadcast_in_dim3A_0 = vector.broadcast %broadcast_in_dim3A : f32 to vector<1x64xf32>
    %get3A = arith.constant 0 : index
    %get3A_1 = arith.constant 0 : index
    %get3A_2 = arith.constant 0 : index
    %get3A_3 = vector.load %arg1[%get3A, %get3A_1, %get3A_2] : memref<20x512x64xf32, #tpu.memory_space<vmem>>, vector<1x512x64xf32>
    %get3A_4 = vector.shape_cast %get3A_3 : vector<1x512x64xf32> to vector<512x64xf32>
    %get3A_5 = arith.constant 0 : index
    %get3A_6 = arith.constant 0 : index
    %get3A_7 = vector.load %arg2[%get3A_5, %get3A_6] : memref<1x64xf32, #tpu.memory_space<vmem>>, vector<1x64xf32>
    %get3A_8 = arith.constant 0 : index
    %get3A_9 = arith.constant 0 : index
    %get3A_10 = vector.load %arg3[%get3A_8, %get3A_9] : memref<1x64xf32, #tpu.memory_space<vmem>>, vector<1x64xf32>
    %get3A_11 = arith.constant 0 : index
    %get3A_12 = arith.constant 0 : index
    %get3A_13 = vector.load %arg4[%get3A_11, %get3A_12] : memref<1x64xf32, #tpu.memory_space<vmem>>, vector<1x64xf32>
    %get3A_14 = arith.constant 0 : index
    %get3A_15 = arith.constant 0 : index
    %get3A_16 = vector.load %arg5[%get3A_14, %get3A_15] : memref<1x64xf32, #tpu.memory_space<vmem>>, vector<1x64xf32>
    %sub3A = vector.broadcast %get3A_7 : vector<1x64xf32> to vector<512x64xf32>
    %sub3A_17 = arith.subf %get3A_4, %sub3A : vector<512x64xf32>
    %div3A = vector.broadcast %get3A_10 : vector<1x64xf32> to vector<512x64xf32>
    %div3A_18 = arith.divf %sub3A_17, %div3A : vector<512x64xf32>
    %mul3A = vector.broadcast %get3A_13 : vector<1x64xf32> to vector<512x64xf32>
    %mul3A_19 = arith.mulf %div3A_18, %mul3A : vector<512x64xf32>
    %add3A = vector.broadcast %get3A_16 : vector<1x64xf32> to vector<512x64xf32>
    %add3A_20 = arith.addf %mul3A_19, %add3A : vector<512x64xf32>
    %get3A_21 = arith.constant 0 : index
    %get3A_22 = arith.constant 0 : index
    %get3A_23 = vector.load %arg6[%get3A_21, %get3A_22] : memref<64x64xf32, #tpu.memory_space<vmem>>, vector<64x64xf32>
    %dot_general3A = arith.constant dense<0.000000e+00> : vector<512x64xf32>
    %dot_general3A_24 = tpu.matmul %add3A_20, %get3A_23, %dot_general3A {dimension_numbers = #tpu.dot_dimension_numbers<[1], [0], [0], [1], [0, 0, 1, 1], [], []>, transpose_lhs_hint = false} : vector<512x64xf32>, vector<64x64xf32>, vector<512x64xf32> -> vector<512x64xf32>
    %get3A_25 = arith.constant 0 : index
    %get3A_26 = arith.constant 0 : index
    %get3A_27 = vector.load %arg7[%get3A_25, %get3A_26] : memref<1x64xf32, #tpu.memory_space<vmem>>, vector<1x64xf32>
    %add3A_28 = vector.broadcast %get3A_27 : vector<1x64xf32> to vector<512x64xf32>
    %add3A_29 = arith.addf %dot_general3A_24, %add3A_28 : vector<512x64xf32>
    %max3A = arith.constant 0.000000e+00 : f32
    %max3A_30 = vector.broadcast %max3A : f32 to vector<512x64xf32>
    %max3A_31 = arith.maximumf %add3A_29, %max3A_30 : vector<512x64xf32>
    %swap3A = arith.constant 0 : index
    %swap3A_32 = arith.constant 0 : index
    %swap3A_33 = arith.constant 0 : index
    %swap3A_34 = vector.load %arg8[%swap3A, %swap3A_32, %swap3A_33] : memref<20x512x64xf32, #tpu.memory_space<vmem>>, vector<1x512x64xf32>
    %swap3A_35 = vector.shape_cast %swap3A_34 : vector<1x512x64xf32> to vector<512x64xf32>
    %swap3A_36 = vector.shape_cast %max3A_31 : vector<512x64xf32> to vector<1x512x64xf32>
    tpu.vector_store %arg8[%swap3A, %swap3A_32, %swap3A_33], %swap3A_36 {strides = array<i32>} : memref<20x512x64xf32, #tpu.memory_space<vmem>>, vector<1x512x64xf32>,
    %reduce_sum3A = arith.constant dense<0.000000e+00> : vector<64xf32>
    %reduce_sum3A_37 = vector.multi_reduction <add>, %max3A_31, %reduce_sum3A [0] : vector<512x64xf32> to vector<64xf32>
    %broadcast_in_dim3A_38 = vector.shape_cast %reduce_sum3A_37 : vector<64xf32> to vector<1x64xf32>
    %add3A_39 = arith.addf %broadcast_in_dim3A_0, %broadcast_in_dim3A_38 : vector<1x64xf32>
    %get3A_40 = arith.constant 1 : index
    %get3A_41 = arith.constant 0 : index
    %get3A_42 = arith.constant 0 : index
    %get3A_43 = vector.load %arg1[%get3A_40, %get3A_41, %get3A_42] : memref<20x512x64xf32, #tpu.memory_space<vmem>>, vector<1x512x64xf32>
    %get3A_44 = vector.shape_cast %get3A_43 : vector<1x512x64xf32> to vector<512x64xf32>
    %get3A_45 = arith.constant 0 : index
    %get3A_46 = arith.constant 0 : index
    %get3A_47 = vector.load %arg2[%get3A_45, %get3A_46] : memref<1x64xf32, #tpu.memory_space<vmem>>, vector<1x64xf32>
    %get3A_48 = arith.constant 0 : index
    %get3A_49 = arith.constant 0 : index
    %get3A_50 = vector.load %arg3[%get3A_48, %get3A_49] : memref<1x64xf32, #tpu.memory_space<vmem>>, vector<1x64xf32>
    %get3A_51 = arith.constant 0 : index
    %get3A_52 = arith.constant 0 : index
    %get3A_53 = vector.load %arg4[%get3A_51, %get3A_52] : memref<1x64xf32, #tpu.memory_space<vmem>>, vector<1x64xf32>
    %get3A_54 = arith.constant 0 : index
    %get3A_55 = arith.constant 0 : index
    %get3A_56 = vector.load %arg5[%get3A_54, %get3A_55] : memref<1x64xf32, #tpu.memory_space<vmem>>, vector<1x64xf32>
    %sub3A_57 = vector.broadcast %get3A_47 : vector<1x64xf32> to vector<512x64xf32>
    %sub3A_58 = arith.subf %get3A_44, %sub3A_57 : vector<512x64xf32>
    %div3A_59 = vector.broadcast %get3A_50 : vector<1x64xf32> to vector<512x64xf32>
    %div3A_60 = arith.divf %sub3A_58, %div3A_59 : vector<512x64xf32>
    %mul3A_61 = vector.broadcast %get3A_53 : vector<1x64xf32> to vector<512x64xf32>
    %mul3A_62 = arith.mulf %div3A_60, %mul3A_61 : vector<512x64xf32>
    %add3A_63 = vector.broadcast %get3A_56 : vector<1x64xf32> to vector<512x64xf32>
    %add3A_64 = arith.addf %mul3A_62, %add3A_63 : vector<512x64xf32>
    %get3A_65 = arith.constant 0 : index
    %get3A_66 = arith.constant 0 : index
    %get3A_67 = vector.load %arg6[%get3A_65, %get3A_66] : memref<64x64xf32, #tpu.memory_space<vmem>>, vector<64x64xf32>
    %dot_general3A_68 = arith.constant dense<0.000000e+00> : vector<512x64xf32>
    %dot_general3A_69 = tpu.matmul %add3A_64, %get3A_67, %dot_general3A_68 {dimension_numbers = #tpu.dot_dimension_numbers<[1], [0], [0], [1], [0, 0, 1, 1], [], []>, transpose_lhs_hint = false} : vector<512x64xf32>, vector<64x64xf32>, vector<512x64xf32> -> vector<512x64xf32>
    %get3A_70 = arith.constant 0 : index
    %get3A_71 = arith.constant 0 : index
    %get3A_72 = vector.load %arg7[%get3A_70, %get3A_71] : memref<1x64xf32, #tpu.memory_space<vmem>>, vector<1x64xf32>
    %add3A_73 = vector.broadcast %get3A_72 : vector<1x64xf32> to vector<512x64xf32>
    %add3A_74 = arith.addf %dot_general3A_69, %add3A_73 : vector<512x64xf32>
    %max3A_75 = arith.constant 0.000000e+00 : f32
    %max3A_76 = vector.broadcast %max3A_75 : f32 to vector<512x64xf32>
    %max3A_77 = arith.maximumf %add3A_74, %max3A_76 : vector<512x64xf32>
    %swap3A_78 = arith.constant 1 : index
    %swap3A_79 = arith.constant 0 : index
    %swap3A_80 = arith.constant 0 : index
    %swap3A_81 = vector.load %arg8[%swap3A_78, %swap3A_79, %swap3A_80] : memref<20x512x64xf32, #tpu.memory_space<vmem>>, vector<1x512x64xf32>
    %swap3A_82 = vector.shape_cast %swap3A_81 : vector<1x512x64xf32> to vector<512x64xf32>
    %swap3A_83 = vector.shape_cast %max3A_77 : vector<512x64xf32> to vector<1x512x64xf32>
    tpu.vector_store %arg8[%swap3A_78, %swap3A_79, %swap3A_80], %swap3A_83 {strides = array<i32>} : memref<20x512x64xf32, #tpu.memory_space<vmem>>, vector<1x512x64xf32>,
    %reduce_sum3A_84 = arith.constant dense<0.000000e+00> : vector<64xf32>
    %reduce_sum3A_85 = vector.multi_reduction <add>, %max3A_77, %reduce_sum3A_84 [0] : vector<512x64xf32> to vector<64xf32>
    %broadcast_in_dim3A_86 = vector.shape_cast %reduce_sum3A_85 : vector<64xf32> to vector<1x64xf32>
    %add3A_87 = arith.addf %add3A_39, %broadcast_in_dim3A_86 : vector<1x64xf32>
    %max3A_88 = arith.maximumf %max3A_31, %max3A_77 : vector<512x64xf32>
    %min3A = arith.minimumf %max3A_31, %max3A_77 : vector<512x64xf32>
    %get3A_89 = arith.constant 2 : index
    %get3A_90 = arith.constant 0 : index
    %get3A_91 = arith.constant 0 : index
    %get3A_92 = vector.load %arg1[%get3A_89, %get3A_90, %get3A_91] : memref<20x512x64xf32, #tpu.memory_space<vmem>>, vector<1x512x64xf32>
    %get3A_93 = vector.shape_cast %get3A_92 : vector<1x512x64xf32> to vector<512x64xf32>
    %get3A_94 = arith.constant 0 : index
    %get3A_95 = arith.constant 0 : index
    %get3A_96 = vector.load %arg2[%get3A_94, %get3A_95] : memref<1x64xf32, #tpu.memory_space<vmem>>, vector<1x64xf32>
    %get3A_97 = arith.constant 0 : index
    %get3A_98 = arith.constant 0 : index
    %get3A_99 = vector.load %arg3[%get3A_97, %get3A_98] : memref<1x64xf32, #tpu.memory_space<vmem>>, vector<1x64xf32>
    %get3A_100 = arith.constant 0 : index
    %get3A_101 = arith.constant 0 : index
    %get3A_102 = vector.load %arg4[%get3A_100, %get3A_101] : memref<1x64xf32, #tpu.memory_space<vmem>>, vector<1x64xf32>
    %get3A_103 = arith.constant 0 : index
    %get3A_104 = arith.constant 0 : index
    %get3A_105 = vector.load %arg5[%get3A_103, %get3A_104] : memref<1x64xf32, #tpu.memory_space<vmem>>, vector<1x64xf32>
    %sub3A_106 = vector.broadcast %get3A_96 : vector<1x64xf32> to vector<512x64xf32>
    %sub3A_107 = arith.subf %get3A_93, %sub3A_106 : vector<512x64xf32>
    %div3A_108 = vector.broadcast %get3A_99 : vector<1x64xf32> to vector<512x64xf32>
    %div3A_109 = arith.divf %sub3A_107, %div3A_108 : vector<512x64xf32>
    %mul3A_110 = vector.broadcast %get3A_102 : vector<1x64xf32> to vector<512x64xf32>
    %mul3A_111 = arith.mulf %div3A_109, %mul3A_110 : vector<512x64xf32>
    %add3A_112 = vector.broadcast %get3A_105 : vector<1x64xf32> to vector<512x64xf32>
    %add3A_113 = arith.addf %mul3A_111, %add3A_112 : vector<512x64xf32>
    %get3A_114 = arith.constant 0 : index
    %get3A_115 = arith.constant 0 : index
    %get3A_116 = vector.load %arg6[%get3A_114, %get3A_115] : memref<64x64xf32, #tpu.memory_space<vmem>>, vector<64x64xf32>
    %dot_general3A_117 = arith.constant dense<0.000000e+00> : vector<512x64xf32>
    %dot_general3A_118 = tpu.matmul %add3A_113, %get3A_116, %dot_general3A_117 {dimension_numbers = #tpu.dot_dimension_numbers<[1], [0], [0], [1], [0, 0, 1, 1], [], []>, transpose_lhs_hint = false} : vector<512x64xf32>, vector<64x64xf32>, vector<512x64xf32> -> vector<512x64xf32>
    %get3A_119 = arith.constant 0 : index
    %get3A_120 = arith.constant 0 : index
    %get3A_121 = vector.load %arg7[%get3A_119, %get3A_120] : memref<1x64xf32, #tpu.memory_space<vmem>>, vector<1x64xf32>
    %add3A_122 = vector.broadcast %get3A_121 : vector<1x64xf32> to vector<512x64xf32>
    %add3A_123 = arith.addf %dot_general3A_118, %add3A_122 : vector<512x64xf32>
    %max3A_124 = arith.constant 0.000000e+00 : f32
    %max3A_125 = vector.broadcast %max3A_124 : f32 to vector<512x64xf32>
    %max3A_126 = arith.maximumf %add3A_123, %max3A_125 : vector<512x64xf32>
    %swap3A_127 = arith.constant 2 : index
    %swap3A_128 = arith.constant 0 : index
    %swap3A_129 = arith.constant 0 : index
    %swap3A_130 = vector.load %arg8[%swap3A_127, %swap3A_128, %swap3A_129] : memref<20x512x64xf32, #tpu.memory_space<vmem>>, vector<1x512x64xf32>
    %swap3A_131 = vector.shape_cast %swap3A_130 : vector<1x512x64xf32> to vector<512x64xf32>
    %swap3A_132 = vector.shape_cast %max3A_126 : vector<512x64xf32> to vector<1x512x64xf32>
    tpu.vector_store %arg8[%swap3A_127, %swap3A_128, %swap3A_129], %swap3A_132 {strides = array<i32>} : memref<20x512x64xf32, #tpu.memory_space<vmem>>, vector<1x512x64xf32>,
    %reduce_sum3A_133 = arith.constant dense<0.000000e+00> : vector<64xf32>
    %reduce_sum3A_134 = vector.multi_reduction <add>, %max3A_126, %reduce_sum3A_133 [0] : vector<512x64xf32> to vector<64xf32>
    %broadcast_in_dim3A_135 = vector.shape_cast %reduce_sum3A_134 : vector<64xf32> to vector<1x64xf32>
    %add3A_136 = arith.addf %add3A_87, %broadcast_in_dim3A_135 : vector<1x64xf32>
    %max3A_137 = arith.maximumf %max3A_88, %max3A_126 : vector<512x64xf32>
    %min3A_138 = arith.minimumf %min3A, %max3A_126 : vector<512x64xf32>
    %get3A_139 = arith.constant 3 : index
    %get3A_140 = arith.constant 0 : index
    %get3A_141 = arith.constant 0 : index
    %get3A_142 = vector.load %arg1[%get3A_139, %get3A_140, %get3A_141] : memref<20x512x64xf32, #tpu.memory_space<vmem>>, vector<1x512x64xf32>
    %get3A_143 = vector.shape_cast %get3A_142 : vector<1x512x64xf32> to vector<512x64xf32>
    %get3A_144 = arith.constant 0 : index
    %get3A_145 = arith.constant 0 : index
    %get3A_146 = vector.load %arg2[%get3A_144, %get3A_145] : memref<1x64xf32, #tpu.memory_space<vmem>>, vector<1x64xf32>
    %get3A_147 = arith.constant 0 : index
    %get3A_148 = arith.constant 0 : index
    %get3A_149 = vector.load %arg3[%get3A_147, %get3A_148] : memref<1x64xf32, #tpu.memory_space<vmem>>, vector<1x64xf32>
    %get3A_150 = arith.constant 0 : index
    %get3A_151 = arith.constant 0 : index
    %get3A_152 = vector.load %arg4[%get3A_150, %get3A_151] : memref<1x64xf32, #tpu.memory_space<vmem>>, vector<1x64xf32>
    %get3A_153 = arith.constant 0 : index
    %get3A_154 = arith.constant 0 : index
    %get3A_155 = vector.load %arg5[%get3A_153, %get3A_154] : memref<1x64xf32, #tpu.memory_space<vmem>>, vector<1x64xf32>
    %sub3A_156 = vector.broadcast %get3A_146 : vector<1x64xf32> to vector<512x64xf32>
    %sub3A_157 = arith.subf %get3A_143, %sub3A_156 : vector<512x64xf32>
    %div3A_158 = vector.broadcast %get3A_149 : vector<1x64xf32> to vector<512x64xf32>
    %div3A_159 = arith.divf %sub3A_157, %div3A_158 : vector<512x64xf32>
    %mul3A_160 = vector.broadcast %get3A_152 : vector<1x64xf32> to vector<512x64xf32>
    %mul3A_161 = arith.mulf %div3A_159, %mul3A_160 : vector<512x64xf32>
    %add3A_162 = vector.broadcast %get3A_155 : vector<1x64xf32> to vector<512x64xf32>
    %add3A_163 = arith.addf %mul3A_161, %add3A_162 : vector<512x64xf32>
    %get3A_164 = arith.constant 0 : index
    %get3A_165 = arith.constant 0 : index
    %get3A_166 = vector.load %arg6[%get3A_164, %get3A_165] : memref<64x64xf32, #tpu.memory_space<vmem>>, vector<64x64xf32>
    %dot_general3A_167 = arith.constant dense<0.000000e+00> : vector<512x64xf32>
    %dot_general3A_168 = tpu.matmul %add3A_163, %get3A_166, %dot_general3A_167 {dimension_numbers = #tpu.dot_dimension_numbers<[1], [0], [0], [1], [0, 0, 1, 1], [], []>, transpose_lhs_hint = false} : vector<512x64xf32>, vector<64x64xf32>, vector<512x64xf32> -> vector<512x64xf32>
    %get3A_169 = arith.constant 0 : index
    %get3A_170 = arith.constant 0 : index
    %get3A_171 = vector.load %arg7[%get3A_169, %get3A_170] : memref<1x64xf32, #tpu.memory_space<vmem>>, vector<1x64xf32>
    %add3A_172 = vector.broadcast %get3A_171 : vector<1x64xf32> to vector<512x64xf32>
    %add3A_173 = arith.addf %dot_general3A_168, %add3A_172 : vector<512x64xf32>
    %max3A_174 = arith.constant 0.000000e+00 : f32
    %max3A_175 = vector.broadcast %max3A_174 : f32 to vector<512x64xf32>
    %max3A_176 = arith.maximumf %add3A_173, %max3A_175 : vector<512x64xf32>
    %swap3A_177 = arith.constant 3 : index
    %swap3A_178 = arith.constant 0 : index
    %swap3A_179 = arith.constant 0 : index
    %swap3A_180 = vector.load %arg8[%swap3A_177, %swap3A_178, %swap3A_179] : memref<20x512x64xf32, #tpu.memory_space<vmem>>, vector<1x512x64xf32>
    %swap3A_181 = vector.shape_cast %swap3A_180 : vector<1x512x64xf32> to vector<512x64xf32>
    %swap3A_182 = vector.shape_cast %max3A_176 : vector<512x64xf32> to vector<1x512x64xf32>
    tpu.vector_store %arg8[%swap3A_177, %swap3A_178, %swap3A_179], %swap3A_182 {strides = array<i32>} : memref<20x512x64xf32, #tpu.memory_space<vmem>>, vector<1x512x64xf32>,
    %reduce_sum3A_183 = arith.constant dense<0.000000e+00> : vector<64xf32>
    %reduce_sum3A_184 = vector.multi_reduction <add>, %max3A_176, %reduce_sum3A_183 [0] : vector<512x64xf32> to vector<64xf32>
    %broadcast_in_dim3A_185 = vector.shape_cast %reduce_sum3A_184 : vector<64xf32> to vector<1x64xf32>
    %add3A_186 = arith.addf %add3A_136, %broadcast_in_dim3A_185 : vector<1x64xf32>
    %max3A_187 = arith.maximumf %max3A_137, %max3A_176 : vector<512x64xf32>
    %min3A_188 = arith.minimumf %min3A_138, %max3A_176 : vector<512x64xf32>
    %get3A_189 = arith.constant 4 : index
    %get3A_190 = arith.constant 0 : index
    %get3A_191 = arith.constant 0 : index
    %get3A_192 = vector.load %arg1[%get3A_189, %get3A_190, %get3A_191] : memref<20x512x64xf32, #tpu.memory_space<vmem>>, vector<1x512x64xf32>
    %get3A_193 = vector.shape_cast %get3A_192 : vector<1x512x64xf32> to vector<512x64xf32>
    %get3A_194 = arith.constant 0 : index
    %get3A_195 = arith.constant 0 : index
    %get3A_196 = vector.load %arg2[%get3A_194, %get3A_195] : memref<1x64xf32, #tpu.memory_space<vmem>>, vector<1x64xf32>
    %get3A_197 = arith.constant 0 : index
    %get3A_198 = arith.constant 0 : index
    %get3A_199 = vector.load %arg3[%get3A_197, %get3A_198] : memref<1x64xf32, #tpu.memory_space<vmem>>, vector<1x64xf32>
    %get3A_200 = arith.constant 0 : index
    %get3A_201 = arith.constant 0 : index
    %get3A_202 = vector.load %arg4[%get3A_200, %get3A_201] : memref<1x64xf32, #tpu.memory_space<vmem>>, vector<1x64xf32>
    %get3A_203 = arith.constant 0 : index
    %get3A_204 = arith.constant 0 : index
    %get3A_205 = vector.load %arg5[%get3A_203, %get3A_204] : memref<1x64xf32, #tpu.memory_space<vmem>>, vector<1x64xf32>
    %sub3A_206 = vector.broadcast %get3A_196 : vector<1x64xf32> to vector<512x64xf32>
    %sub3A_207 = arith.subf %get3A_193, %sub3A_206 : vector<512x64xf32>
    %div3A_208 = vector.broadcast %get3A_199 : vector<1x64xf32> to vector<512x64xf32>
    %div3A_209 = arith.divf %sub3A_207, %div3A_208 : vector<512x64xf32>
    %mul3A_210 = vector.broadcast %get3A_202 : vector<1x64xf32> to vector<512x64xf32>
    %mul3A_211 = arith.mulf %div3A_209, %mul3A_210 : vector<512x64xf32>
    %add3A_212 = vector.broadcast %get3A_205 : vector<1x64xf32> to vector<512x64xf32>
    %add3A_213 = arith.addf %mul3A_211, %add3A_212 : vector<512x64xf32>
    %get3A_214 = arith.constant 0 : index
    %get3A_215 = arith.constant 0 : index
    %get3A_216 = vector.load %arg6[%get3A_214, %get3A_215] : memref<64x64xf32, #tpu.memory_space<vmem>>, vector<64x64xf32>
    %dot_general3A_217 = arith.constant dense<0.000000e+00> : vector<512x64xf32>
    %dot_general3A_218 = tpu.matmul %add3A_213, %get3A_216, %dot_general3A_217 {dimension_numbers = #tpu.dot_dimension_numbers<[1], [0], [0], [1], [0, 0, 1, 1], [], []>, transpose_lhs_hint = false} : vector<512x64xf32>, vector<64x64xf32>, vector<512x64xf32> -> vector<512x64xf32>
    %get3A_219 = arith.constant 0 : index
    %get3A_220 = arith.constant 0 : index
    %get3A_221 = vector.load %arg7[%get3A_219, %get3A_220] : memref<1x64xf32, #tpu.memory_space<vmem>>, vector<1x64xf32>
    %add3A_222 = vector.broadcast %get3A_221 : vector<1x64xf32> to vector<512x64xf32>
    %add3A_223 = arith.addf %dot_general3A_218, %add3A_222 : vector<512x64xf32>
    %max3A_224 = arith.constant 0.000000e+00 : f32
    %max3A_225 = vector.broadcast %max3A_224 : f32 to vector<512x64xf32>
    %max3A_226 = arith.maximumf %add3A_223, %max3A_225 : vector<512x64xf32>
    %swap3A_227 = arith.constant 4 : index
    %swap3A_228 = arith.constant 0 : index
    %swap3A_229 = arith.constant 0 : index
    %swap3A_230 = vector.load %arg8[%swap3A_227, %swap3A_228, %swap3A_229] : memref<20x512x64xf32, #tpu.memory_space<vmem>>, vector<1x512x64xf32>
    %swap3A_231 = vector.shape_cast %swap3A_230 : vector<1x512x64xf32> to vector<512x64xf32>
    %swap3A_232 = vector.shape_cast %max3A_226 : vector<512x64xf32> to vector<1x512x64xf32>
    tpu.vector_store %arg8[%swap3A_227, %swap3A_228, %swap3A_229], %swap3A_232 {strides = array<i32>} : memref<20x512x64xf32, #tpu.memory_space<vmem>>, vector<1x512x64xf32>,
    %reduce_sum3A_233 = arith.constant dense<0.000000e+00> : vector<64xf32>
    %reduce_sum3A_234 = vector.multi_reduction <add>, %max3A_226, %reduce_sum3A_233 [0] : vector<512x64xf32> to vector<64xf32>
    %broadcast_in_dim3A_235 = vector.shape_cast %reduce_sum3A_234 : vector<64xf32> to vector<1x64xf32>
    %add3A_236 = arith.addf %add3A_186, %broadcast_in_dim3A_235 : vector<1x64xf32>
    %max3A_237 = arith.maximumf %max3A_187, %max3A_226 : vector<512x64xf32>
    %min3A_238 = arith.minimumf %min3A_188, %max3A_226 : vector<512x64xf32>
    %get3A_239 = arith.constant 5 : index
    %get3A_240 = arith.constant 0 : index
    %get3A_241 = arith.constant 0 : index
    %get3A_242 = vector.load %arg1[%get3A_239, %get3A_240, %get3A_241] : memref<20x512x64xf32, #tpu.memory_space<vmem>>, vector<1x512x64xf32>
    %get3A_243 = vector.shape_cast %get3A_242 : vector<1x512x64xf32> to vector<512x64xf32>
    %get3A_244 = arith.constant 0 : index
    %get3A_245 = arith.constant 0 : index
    %get3A_246 = vector.load %arg2[%get3A_244, %get3A_245] : memref<1x64xf32, #tpu.memory_space<vmem>>, vector<1x64xf32>
    %get3A_247 = arith.constant 0 : index
    %get3A_248 = arith.constant 0 : index
    %get3A_249 = vector.load %arg3[%get3A_247, %get3A_248] : memref<1x64xf32, #tpu.memory_space<vmem>>, vector<1x64xf32>
    %get3A_250 = arith.constant 0 : index
    %get3A_251 = arith.constant 0 : index
    %get3A_252 = vector.load %arg4[%get3A_250, %get3A_251] : memref<1x64xf32, #tpu.memory_space<vmem>>, vector<1x64xf32>
    %get3A_253 = arith.constant 0 : index
    %get3A_254 = arith.constant 0 : index
    %get3A_255 = vector.load %arg5[%get3A_253, %get3A_254] : memref<1x64xf32, #tpu.memory_space<vmem>>, vector<1x64xf32>
    %sub3A_256 = vector.broadcast %get3A_246 : vector<1x64xf32> to vector<512x64xf32>
    %sub3A_257 = arith.subf %get3A_243, %sub3A_256 : vector<512x64xf32>
    %div3A_258 = vector.broadcast %get3A_249 : vector<1x64xf32> to vector<512x64xf32>
    %div3A_259 = arith.divf %sub3A_257, %div3A_258 : vector<512x64xf32>
    %mul3A_260 = vector.broadcast %get3A_252 : vector<1x64xf32> to vector<512x64xf32>
    %mul3A_261 = arith.mulf %div3A_259, %mul3A_260 : vector<512x64xf32>
    %add3A_262 = vector.broadcast %get3A_255 : vector<1x64xf32> to vector<512x64xf32>
    %add3A_263 = arith.addf %mul3A_261, %add3A_262 : vector<512x64xf32>
    %get3A_264 = arith.constant 0 : index
    %get3A_265 = arith.constant 0 : index
    %get3A_266 = vector.load %arg6[%get3A_264, %get3A_265] : memref<64x64xf32, #tpu.memory_space<vmem>>, vector<64x64xf32>
    %dot_general3A_267 = arith.constant dense<0.000000e+00> : vector<512x64xf32>
    %dot_general3A_268 = tpu.matmul %add3A_263, %get3A_266, %dot_general3A_267 {dimension_numbers = #tpu.dot_dimension_numbers<[1], [0], [0], [1], [0, 0, 1, 1], [], []>, transpose_lhs_hint = false} : vector<512x64xf32>, vector<64x64xf32>, vector<512x64xf32> -> vector<512x64xf32>
    %get3A_269 = arith.constant 0 : index
    %get3A_270 = arith.constant 0 : index
    %get3A_271 = vector.load %arg7[%get3A_269, %get3A_270] : memref<1x64xf32, #tpu.memory_space<vmem>>, vector<1x64xf32>
    %add3A_272 = vector.broadcast %get3A_271 : vector<1x64xf32> to vector<512x64xf32>
    %add3A_273 = arith.addf %dot_general3A_268, %add3A_272 : vector<512x64xf32>
    %max3A_274 = arith.constant 0.000000e+00 : f32
    %max3A_275 = vector.broadcast %max3A_274 : f32 to vector<512x64xf32>
    %max3A_276 = arith.maximumf %add3A_273, %max3A_275 : vector<512x64xf32>
    %swap3A_277 = arith.constant 5 : index
    %swap3A_278 = arith.constant 0 : index
    %swap3A_279 = arith.constant 0 : index
    %swap3A_280 = vector.load %arg8[%swap3A_277, %swap3A_278, %swap3A_279] : memref<20x512x64xf32, #tpu.memory_space<vmem>>, vector<1x512x64xf32>
    %swap3A_281 = vector.shape_cast %swap3A_280 : vector<1x512x64xf32> to vector<512x64xf32>
    %swap3A_282 = vector.shape_cast %max3A_276 : vector<512x64xf32> to vector<1x512x64xf32>
    tpu.vector_store %arg8[%swap3A_277, %swap3A_278, %swap3A_279], %swap3A_282 {strides = array<i32>} : memref<20x512x64xf32, #tpu.memory_space<vmem>>, vector<1x512x64xf32>,
    %reduce_sum3A_283 = arith.constant dense<0.000000e+00> : vector<64xf32>
    %reduce_sum3A_284 = vector.multi_reduction <add>, %max3A_276, %reduce_sum3A_283 [0] : vector<512x64xf32> to vector<64xf32>
    %broadcast_in_dim3A_285 = vector.shape_cast %reduce_sum3A_284 : vector<64xf32> to vector<1x64xf32>
    %add3A_286 = arith.addf %add3A_236, %broadcast_in_dim3A_285 : vector<1x64xf32>
    %max3A_287 = arith.maximumf %max3A_237, %max3A_276 : vector<512x64xf32>
    %min3A_288 = arith.minimumf %min3A_238, %max3A_276 : vector<512x64xf32>
    %get3A_289 = arith.constant 6 : index
    %get3A_290 = arith.constant 0 : index
    %get3A_291 = arith.constant 0 : index
    %get3A_292 = vector.load %arg1[%get3A_289, %get3A_290, %get3A_291] : memref<20x512x64xf32, #tpu.memory_space<vmem>>, vector<1x512x64xf32>
    %get3A_293 = vector.shape_cast %get3A_292 : vector<1x512x64xf32> to vector<512x64xf32>
    %get3A_294 = arith.constant 0 : index
    %get3A_295 = arith.constant 0 : index
    %get3A_296 = vector.load %arg2[%get3A_294, %get3A_295] : memref<1x64xf32, #tpu.memory_space<vmem>>, vector<1x64xf32>
    %get3A_297 = arith.constant 0 : index
    %get3A_298 = arith.constant 0 : index
    %get3A_299 = vector.load %arg3[%get3A_297, %get3A_298] : memref<1x64xf32, #tpu.memory_space<vmem>>, vector<1x64xf32>
    %get3A_300 = arith.constant 0 : index
    %get3A_301 = arith.constant 0 : index
    %get3A_302 = vector.load %arg4[%get3A_300, %get3A_301] : memref<1x64xf32, #tpu.memory_space<vmem>>, vector<1x64xf32>
    %get3A_303 = arith.constant 0 : index
    %get3A_304 = arith.constant 0 : index
    %get3A_305 = vector.load %arg5[%get3A_303, %get3A_304] : memref<1x64xf32, #tpu.memory_space<vmem>>, vector<1x64xf32>
    %sub3A_306 = vector.broadcast %get3A_296 : vector<1x64xf32> to vector<512x64xf32>
    %sub3A_307 = arith.subf %get3A_293, %sub3A_306 : vector<512x64xf32>
    %div3A_308 = vector.broadcast %get3A_299 : vector<1x64xf32> to vector<512x64xf32>
    %div3A_309 = arith.divf %sub3A_307, %div3A_308 : vector<512x64xf32>
    %mul3A_310 = vector.broadcast %get3A_302 : vector<1x64xf32> to vector<512x64xf32>
    %mul3A_311 = arith.mulf %div3A_309, %mul3A_310 : vector<512x64xf32>
    %add3A_312 = vector.broadcast %get3A_305 : vector<1x64xf32> to vector<512x64xf32>
    %add3A_313 = arith.addf %mul3A_311, %add3A_312 : vector<512x64xf32>
    %get3A_314 = arith.constant 0 : index
    %get3A_315 = arith.constant 0 : index
    %get3A_316 = vector.load %arg6[%get3A_314, %get3A_315] : memref<64x64xf32, #tpu.memory_space<vmem>>, vector<64x64xf32>
    %dot_general3A_317 = arith.constant dense<0.000000e+00> : vector<512x64xf32>
    %dot_general3A_318 = tpu.matmul %add3A_313, %get3A_316, %dot_general3A_317 {dimension_numbers = #tpu.dot_dimension_numbers<[1], [0], [0], [1], [0, 0, 1, 1], [], []>, transpose_lhs_hint = false} : vector<512x64xf32>, vector<64x64xf32>, vector<512x64xf32> -> vector<512x64xf32>
    %get3A_319 = arith.constant 0 : index
    %get3A_320 = arith.constant 0 : index
    %get3A_321 = vector.load %arg7[%get3A_319, %get3A_320] : memref<1x64xf32, #tpu.memory_space<vmem>>, vector<1x64xf32>
    %add3A_322 = vector.broadcast %get3A_321 : vector<1x64xf32> to vector<512x64xf32>
    %add3A_323 = arith.addf %dot_general3A_318, %add3A_322 : vector<512x64xf32>
    %max3A_324 = arith.constant 0.000000e+00 : f32
    %max3A_325 = vector.broadcast %max3A_324 : f32 to vector<512x64xf32>
    %max3A_326 = arith.maximumf %add3A_323, %max3A_325 : vector<512x64xf32>
    %swap3A_327 = arith.constant 6 : index
    %swap3A_328 = arith.constant 0 : index
    %swap3A_329 = arith.constant 0 : index
    %swap3A_330 = vector.load %arg8[%swap3A_327, %swap3A_328, %swap3A_329] : memref<20x512x64xf32, #tpu.memory_space<vmem>>, vector<1x512x64xf32>
    %swap3A_331 = vector.shape_cast %swap3A_330 : vector<1x512x64xf32> to vector<512x64xf32>
    %swap3A_332 = vector.shape_cast %max3A_326 : vector<512x64xf32> to vector<1x512x64xf32>
    tpu.vector_store %arg8[%swap3A_327, %swap3A_328, %swap3A_329], %swap3A_332 {strides = array<i32>} : memref<20x512x64xf32, #tpu.memory_space<vmem>>, vector<1x512x64xf32>,
    %reduce_sum3A_333 = arith.constant dense<0.000000e+00> : vector<64xf32>
    %reduce_sum3A_334 = vector.multi_reduction <add>, %max3A_326, %reduce_sum3A_333 [0] : vector<512x64xf32> to vector<64xf32>
    %broadcast_in_dim3A_335 = vector.shape_cast %reduce_sum3A_334 : vector<64xf32> to vector<1x64xf32>
    %add3A_336 = arith.addf %add3A_286, %broadcast_in_dim3A_335 : vector<1x64xf32>
    %max3A_337 = arith.maximumf %max3A_287, %max3A_326 : vector<512x64xf32>
    %min3A_338 = arith.minimumf %min3A_288, %max3A_326 : vector<512x64xf32>
    %get3A_339 = arith.constant 7 : index
    %get3A_340 = arith.constant 0 : index
    %get3A_341 = arith.constant 0 : index
    %get3A_342 = vector.load %arg1[%get3A_339, %get3A_340, %get3A_341] : memref<20x512x64xf32, #tpu.memory_space<vmem>>, vector<1x512x64xf32>
    %get3A_343 = vector.shape_cast %get3A_342 : vector<1x512x64xf32> to vector<512x64xf32>
    %get3A_344 = arith.constant 0 : index
    %get3A_345 = arith.constant 0 : index
    %get3A_346 = vector.load %arg2[%get3A_344, %get3A_345] : memref<1x64xf32, #tpu.memory_space<vmem>>, vector<1x64xf32>
    %get3A_347 = arith.constant 0 : index
    %get3A_348 = arith.constant 0 : index
    %get3A_349 = vector.load %arg3[%get3A_347, %get3A_348] : memref<1x64xf32, #tpu.memory_space<vmem>>, vector<1x64xf32>
    %get3A_350 = arith.constant 0 : index
    %get3A_351 = arith.constant 0 : index
    %get3A_352 = vector.load %arg4[%get3A_350, %get3A_351] : memref<1x64xf32, #tpu.memory_space<vmem>>, vector<1x64xf32>
    %get3A_353 = arith.constant 0 : index
    %get3A_354 = arith.constant 0 : index
    %get3A_355 = vector.load %arg5[%get3A_353, %get3A_354] : memref<1x64xf32, #tpu.memory_space<vmem>>, vector<1x64xf32>
    %sub3A_356 = vector.broadcast %get3A_346 : vector<1x64xf32> to vector<512x64xf32>
    %sub3A_357 = arith.subf %get3A_343, %sub3A_356 : vector<512x64xf32>
    %div3A_358 = vector.broadcast %get3A_349 : vector<1x64xf32> to vector<512x64xf32>
    %div3A_359 = arith.divf %sub3A_357, %div3A_358 : vector<512x64xf32>
    %mul3A_360 = vector.broadcast %get3A_352 : vector<1x64xf32> to vector<512x64xf32>
    %mul3A_361 = arith.mulf %div3A_359, %mul3A_360 : vector<512x64xf32>
    %add3A_362 = vector.broadcast %get3A_355 : vector<1x64xf32> to vector<512x64xf32>
    %add3A_363 = arith.addf %mul3A_361, %add3A_362 : vector<512x64xf32>
    %get3A_364 = arith.constant 0 : index
    %get3A_365 = arith.constant 0 : index
    %get3A_366 = vector.load %arg6[%get3A_364, %get3A_365] : memref<64x64xf32, #tpu.memory_space<vmem>>, vector<64x64xf32>
    %dot_general3A_367 = arith.constant dense<0.000000e+00> : vector<512x64xf32>
    %dot_general3A_368 = tpu.matmul %add3A_363, %get3A_366, %dot_general3A_367 {dimension_numbers = #tpu.dot_dimension_numbers<[1], [0], [0], [1], [0, 0, 1, 1], [], []>, transpose_lhs_hint = false} : vector<512x64xf32>, vector<64x64xf32>, vector<512x64xf32> -> vector<512x64xf32>
    %get3A_369 = arith.constant 0 : index
    %get3A_370 = arith.constant 0 : index
    %get3A_371 = vector.load %arg7[%get3A_369, %get3A_370] : memref<1x64xf32, #tpu.memory_space<vmem>>, vector<1x64xf32>
    %add3A_372 = vector.broadcast %get3A_371 : vector<1x64xf32> to vector<512x64xf32>
    %add3A_373 = arith.addf %dot_general3A_368, %add3A_372 : vector<512x64xf32>
    %max3A_374 = arith.constant 0.000000e+00 : f32
    %max3A_375 = vector.broadcast %max3A_374 : f32 to vector<512x64xf32>
    %max3A_376 = arith.maximumf %add3A_373, %max3A_375 : vector<512x64xf32>
    %swap3A_377 = arith.constant 7 : index
    %swap3A_378 = arith.constant 0 : index
    %swap3A_379 = arith.constant 0 : index
    %swap3A_380 = vector.load %arg8[%swap3A_377, %swap3A_378, %swap3A_379] : memref<20x512x64xf32, #tpu.memory_space<vmem>>, vector<1x512x64xf32>
    %swap3A_381 = vector.shape_cast %swap3A_380 : vector<1x512x64xf32> to vector<512x64xf32>
    %swap3A_382 = vector.shape_cast %max3A_376 : vector<512x64xf32> to vector<1x512x64xf32>
    tpu.vector_store %arg8[%swap3A_377, %swap3A_378, %swap3A_379], %swap3A_382 {strides = array<i32>} : memref<20x512x64xf32, #tpu.memory_space<vmem>>, vector<1x512x64xf32>,
    %reduce_sum3A_383 = arith.constant dense<0.000000e+00> : vector<64xf32>
    %reduce_sum3A_384 = vector.multi_reduction <add>, %max3A_376, %reduce_sum3A_383 [0] : vector<512x64xf32> to vector<64xf32>
    %broadcast_in_dim3A_385 = vector.shape_cast %reduce_sum3A_384 : vector<64xf32> to vector<1x64xf32>
    %add3A_386 = arith.addf %add3A_336, %broadcast_in_dim3A_385 : vector<1x64xf32>
    %max3A_387 = arith.maximumf %max3A_337, %max3A_376 : vector<512x64xf32>
    %min3A_388 = arith.minimumf %min3A_338, %max3A_376 : vector<512x64xf32>
    %get3A_389 = arith.constant 8 : index
    %get3A_390 = arith.constant 0 : index
    %get3A_391 = arith.constant 0 : index
    %get3A_392 = vector.load %arg1[%get3A_389, %get3A_390, %get3A_391] : memref<20x512x64xf32, #tpu.memory_space<vmem>>, vector<1x512x64xf32>
    %get3A_393 = vector.shape_cast %get3A_392 : vector<1x512x64xf32> to vector<512x64xf32>
    %get3A_394 = arith.constant 0 : index
    %get3A_395 = arith.constant 0 : index
    %get3A_396 = vector.load %arg2[%get3A_394, %get3A_395] : memref<1x64xf32, #tpu.memory_space<vmem>>, vector<1x64xf32>
    %get3A_397 = arith.constant 0 : index
    %get3A_398 = arith.constant 0 : index
    %get3A_399 = vector.load %arg3[%get3A_397, %get3A_398] : memref<1x64xf32, #tpu.memory_space<vmem>>, vector<1x64xf32>
    %get3A_400 = arith.constant 0 : index
    %get3A_401 = arith.constant 0 : index
    %get3A_402 = vector.load %arg4[%get3A_400, %get3A_401] : memref<1x64xf32, #tpu.memory_space<vmem>>, vector<1x64xf32>
    %get3A_403 = arith.constant 0 : index
    %get3A_404 = arith.constant 0 : index
    %get3A_405 = vector.load %arg5[%get3A_403, %get3A_404] : memref<1x64xf32, #tpu.memory_space<vmem>>, vector<1x64xf32>
    %sub3A_406 = vector.broadcast %get3A_396 : vector<1x64xf32> to vector<512x64xf32>
    %sub3A_407 = arith.subf %get3A_393, %sub3A_406 : vector<512x64xf32>
    %div3A_408 = vector.broadcast %get3A_399 : vector<1x64xf32> to vector<512x64xf32>
    %div3A_409 = arith.divf %sub3A_407, %div3A_408 : vector<512x64xf32>
    %mul3A_410 = vector.broadcast %get3A_402 : vector<1x64xf32> to vector<512x64xf32>
    %mul3A_411 = arith.mulf %div3A_409, %mul3A_410 : vector<512x64xf32>
    %add3A_412 = vector.broadcast %get3A_405 : vector<1x64xf32> to vector<512x64xf32>
    %add3A_413 = arith.addf %mul3A_411, %add3A_412 : vector<512x64xf32>
    %get3A_414 = arith.constant 0 : index
    %get3A_415 = arith.constant 0 : index
    %get3A_416 = vector.load %arg6[%get3A_414, %get3A_415] : memref<64x64xf32, #tpu.memory_space<vmem>>, vector<64x64xf32>
    %dot_general3A_417 = arith.constant dense<0.000000e+00> : vector<512x64xf32>
    %dot_general3A_418 = tpu.matmul %add3A_413, %get3A_416, %dot_general3A_417 {dimension_numbers = #tpu.dot_dimension_numbers<[1], [0], [0], [1], [0, 0, 1, 1], [], []>, transpose_lhs_hint = false} : vector<512x64xf32>, vector<64x64xf32>, vector<512x64xf32> -> vector<512x64xf32>
    %get3A_419 = arith.constant 0 : index
    %get3A_420 = arith.constant 0 : index
    %get3A_421 = vector.load %arg7[%get3A_419, %get3A_420] : memref<1x64xf32, #tpu.memory_space<vmem>>, vector<1x64xf32>
    %add3A_422 = vector.broadcast %get3A_421 : vector<1x64xf32> to vector<512x64xf32>
    %add3A_423 = arith.addf %dot_general3A_418, %add3A_422 : vector<512x64xf32>
    %max3A_424 = arith.constant 0.000000e+00 : f32
    %max3A_425 = vector.broadcast %max3A_424 : f32 to vector<512x64xf32>
    %max3A_426 = arith.maximumf %add3A_423, %max3A_425 : vector<512x64xf32>
    %swap3A_427 = arith.constant 8 : index
    %swap3A_428 = arith.constant 0 : index
    %swap3A_429 = arith.constant 0 : index
    %swap3A_430 = vector.load %arg8[%swap3A_427, %swap3A_428, %swap3A_429] : memref<20x512x64xf32, #tpu.memory_space<vmem>>, vector<1x512x64xf32>
    %swap3A_431 = vector.shape_cast %swap3A_430 : vector<1x512x64xf32> to vector<512x64xf32>
    %swap3A_432 = vector.shape_cast %max3A_426 : vector<512x64xf32> to vector<1x512x64xf32>
    tpu.vector_store %arg8[%swap3A_427, %swap3A_428, %swap3A_429], %swap3A_432 {strides = array<i32>} : memref<20x512x64xf32, #tpu.memory_space<vmem>>, vector<1x512x64xf32>,
    %reduce_sum3A_433 = arith.constant dense<0.000000e+00> : vector<64xf32>
    %reduce_sum3A_434 = vector.multi_reduction <add>, %max3A_426, %reduce_sum3A_433 [0] : vector<512x64xf32> to vector<64xf32>
    %broadcast_in_dim3A_435 = vector.shape_cast %reduce_sum3A_434 : vector<64xf32> to vector<1x64xf32>
    %add3A_436 = arith.addf %add3A_386, %broadcast_in_dim3A_435 : vector<1x64xf32>
    %max3A_437 = arith.maximumf %max3A_387, %max3A_426 : vector<512x64xf32>
    %min3A_438 = arith.minimumf %min3A_388, %max3A_426 : vector<512x64xf32>
    %get3A_439 = arith.constant 9 : index
    %get3A_440 = arith.constant 0 : index
    %get3A_441 = arith.constant 0 : index
    %get3A_442 = vector.load %arg1[%get3A_439, %get3A_440, %get3A_441] : memref<20x512x64xf32, #tpu.memory_space<vmem>>, vector<1x512x64xf32>
    %get3A_443 = vector.shape_cast %get3A_442 : vector<1x512x64xf32> to vector<512x64xf32>
    %get3A_444 = arith.constant 0 : index
    %get3A_445 = arith.constant 0 : index
    %get3A_446 = vector.load %arg2[%get3A_444, %get3A_445] : memref<1x64xf32, #tpu.memory_space<vmem>>, vector<1x64xf32>
    %get3A_447 = arith.constant 0 : index
    %get3A_448 = arith.constant 0 : index
    %get3A_449 = vector.load %arg3[%get3A_447, %get3A_448] : memref<1x64xf32, #tpu.memory_space<vmem>>, vector<1x64xf32>
    %get3A_450 = arith.constant 0 : index
    %get3A_451 = arith.constant 0 : index
    %get3A_452 = vector.load %arg4[%get3A_450, %get3A_451] : memref<1x64xf32, #tpu.memory_space<vmem>>, vector<1x64xf32>
    %get3A_453 = arith.constant 0 : index
    %get3A_454 = arith.constant 0 : index
    %get3A_455 = vector.load %arg5[%get3A_453, %get3A_454] : memref<1x64xf32, #tpu.memory_space<vmem>>, vector<1x64xf32>
    %sub3A_456 = vector.broadcast %get3A_446 : vector<1x64xf32> to vector<512x64xf32>
    %sub3A_457 = arith.subf %get3A_443, %sub3A_456 : vector<512x64xf32>
    %div3A_458 = vector.broadcast %get3A_449 : vector<1x64xf32> to vector<512x64xf32>
    %div3A_459 = arith.divf %sub3A_457, %div3A_458 : vector<512x64xf32>
    %mul3A_460 = vector.broadcast %get3A_452 : vector<1x64xf32> to vector<512x64xf32>
    %mul3A_461 = arith.mulf %div3A_459, %mul3A_460 : vector<512x64xf32>
    %add3A_462 = vector.broadcast %get3A_455 : vector<1x64xf32> to vector<512x64xf32>
    %add3A_463 = arith.addf %mul3A_461, %add3A_462 : vector<512x64xf32>
    %get3A_464 = arith.constant 0 : index
    %get3A_465 = arith.constant 0 : index
    %get3A_466 = vector.load %arg6[%get3A_464, %get3A_465] : memref<64x64xf32, #tpu.memory_space<vmem>>, vector<64x64xf32>
    %dot_general3A_467 = arith.constant dense<0.000000e+00> : vector<512x64xf32>
    %dot_general3A_468 = tpu.matmul %add3A_463, %get3A_466, %dot_general3A_467 {dimension_numbers = #tpu.dot_dimension_numbers<[1], [0], [0], [1], [0, 0, 1, 1], [], []>, transpose_lhs_hint = false} : vector<512x64xf32>, vector<64x64xf32>, vector<512x64xf32> -> vector<512x64xf32>
    %get3A_469 = arith.constant 0 : index
    %get3A_470 = arith.constant 0 : index
    %get3A_471 = vector.load %arg7[%get3A_469, %get3A_470] : memref<1x64xf32, #tpu.memory_space<vmem>>, vector<1x64xf32>
    %add3A_472 = vector.broadcast %get3A_471 : vector<1x64xf32> to vector<512x64xf32>
    %add3A_473 = arith.addf %dot_general3A_468, %add3A_472 : vector<512x64xf32>
    %max3A_474 = arith.constant 0.000000e+00 : f32
    %max3A_475 = vector.broadcast %max3A_474 : f32 to vector<512x64xf32>
    %max3A_476 = arith.maximumf %add3A_473, %max3A_475 : vector<512x64xf32>
    %swap3A_477 = arith.constant 9 : index
    %swap3A_478 = arith.constant 0 : index
    %swap3A_479 = arith.constant 0 : index
    %swap3A_480 = vector.load %arg8[%swap3A_477, %swap3A_478, %swap3A_479] : memref<20x512x64xf32, #tpu.memory_space<vmem>>, vector<1x512x64xf32>
    %swap3A_481 = vector.shape_cast %swap3A_480 : vector<1x512x64xf32> to vector<512x64xf32>
    %swap3A_482 = vector.shape_cast %max3A_476 : vector<512x64xf32> to vector<1x512x64xf32>
    tpu.vector_store %arg8[%swap3A_477, %swap3A_478, %swap3A_479], %swap3A_482 {strides = array<i32>} : memref<20x512x64xf32, #tpu.memory_space<vmem>>, vector<1x512x64xf32>,
    %reduce_sum3A_483 = arith.constant dense<0.000000e+00> : vector<64xf32>
    %reduce_sum3A_484 = vector.multi_reduction <add>, %max3A_476, %reduce_sum3A_483 [0] : vector<512x64xf32> to vector<64xf32>
    %broadcast_in_dim3A_485 = vector.shape_cast %reduce_sum3A_484 : vector<64xf32> to vector<1x64xf32>
    %add3A_486 = arith.addf %add3A_436, %broadcast_in_dim3A_485 : vector<1x64xf32>
    %max3A_487 = arith.maximumf %max3A_437, %max3A_476 : vector<512x64xf32>
    %min3A_488 = arith.minimumf %min3A_438, %max3A_476 : vector<512x64xf32>
    %get3A_489 = arith.constant 10 : index
    %get3A_490 = arith.constant 0 : index
    %get3A_491 = arith.constant 0 : index
    %get3A_492 = vector.load %arg1[%get3A_489, %get3A_490, %get3A_491] : memref<20x512x64xf32, #tpu.memory_space<vmem>>, vector<1x512x64xf32>
    %get3A_493 = vector.shape_cast %get3A_492 : vector<1x512x64xf32> to vector<512x64xf32>
    %get3A_494 = arith.constant 0 : index
    %get3A_495 = arith.constant 0 : index
    %get3A_496 = vector.load %arg2[%get3A_494, %get3A_495] : memref<1x64xf32, #tpu.memory_space<vmem>>, vector<1x64xf32>
    %get3A_497 = arith.constant 0 : index
    %get3A_498 = arith.constant 0 : index
    %get3A_499 = vector.load %arg3[%get3A_497, %get3A_498] : memref<1x64xf32, #tpu.memory_space<vmem>>, vector<1x64xf32>
    %get3A_500 = arith.constant 0 : index
    %get3A_501 = arith.constant 0 : index
    %get3A_502 = vector.load %arg4[%get3A_500, %get3A_501] : memref<1x64xf32, #tpu.memory_space<vmem>>, vector<1x64xf32>
    %get3A_503 = arith.constant 0 : index
    %get3A_504 = arith.constant 0 : index
    %get3A_505 = vector.load %arg5[%get3A_503, %get3A_504] : memref<1x64xf32, #tpu.memory_space<vmem>>, vector<1x64xf32>
    %sub3A_506 = vector.broadcast %get3A_496 : vector<1x64xf32> to vector<512x64xf32>
    %sub3A_507 = arith.subf %get3A_493, %sub3A_506 : vector<512x64xf32>
    %div3A_508 = vector.broadcast %get3A_499 : vector<1x64xf32> to vector<512x64xf32>
    %div3A_509 = arith.divf %sub3A_507, %div3A_508 : vector<512x64xf32>
    %mul3A_510 = vector.broadcast %get3A_502 : vector<1x64xf32> to vector<512x64xf32>
    %mul3A_511 = arith.mulf %div3A_509, %mul3A_510 : vector<512x64xf32>
    %add3A_512 = vector.broadcast %get3A_505 : vector<1x64xf32> to vector<512x64xf32>
    %add3A_513 = arith.addf %mul3A_511, %add3A_512 : vector<512x64xf32>
    %get3A_514 = arith.constant 0 : index
    %get3A_515 = arith.constant 0 : index
    %get3A_516 = vector.load %arg6[%get3A_514, %get3A_515] : memref<64x64xf32, #tpu.memory_space<vmem>>, vector<64x64xf32>
    %dot_general3A_517 = arith.constant dense<0.000000e+00> : vector<512x64xf32>
    %dot_general3A_518 = tpu.matmul %add3A_513, %get3A_516, %dot_general3A_517 {dimension_numbers = #tpu.dot_dimension_numbers<[1], [0], [0], [1], [0, 0, 1, 1], [], []>, transpose_lhs_hint = false} : vector<512x64xf32>, vector<64x64xf32>, vector<512x64xf32> -> vector<512x64xf32>
    %get3A_519 = arith.constant 0 : index
    %get3A_520 = arith.constant 0 : index
    %get3A_521 = vector.load %arg7[%get3A_519, %get3A_520] : memref<1x64xf32, #tpu.memory_space<vmem>>, vector<1x64xf32>
    %add3A_522 = vector.broadcast %get3A_521 : vector<1x64xf32> to vector<512x64xf32>
    %add3A_523 = arith.addf %dot_general3A_518, %add3A_522 : vector<512x64xf32>
    %max3A_524 = arith.constant 0.000000e+00 : f32
    %max3A_525 = vector.broadcast %max3A_524 : f32 to vector<512x64xf32>
    %max3A_526 = arith.maximumf %add3A_523, %max3A_525 : vector<512x64xf32>
    %swap3A_527 = arith.constant 10 : index
    %swap3A_528 = arith.constant 0 : index
    %swap3A_529 = arith.constant 0 : index
    %swap3A_530 = vector.load %arg8[%swap3A_527, %swap3A_528, %swap3A_529] : memref<20x512x64xf32, #tpu.memory_space<vmem>>, vector<1x512x64xf32>
    %swap3A_531 = vector.shape_cast %swap3A_530 : vector<1x512x64xf32> to vector<512x64xf32>
    %swap3A_532 = vector.shape_cast %max3A_526 : vector<512x64xf32> to vector<1x512x64xf32>
    tpu.vector_store %arg8[%swap3A_527, %swap3A_528, %swap3A_529], %swap3A_532 {strides = array<i32>} : memref<20x512x64xf32, #tpu.memory_space<vmem>>, vector<1x512x64xf32>,
    %reduce_sum3A_533 = arith.constant dense<0.000000e+00> : vector<64xf32>
    %reduce_sum3A_534 = vector.multi_reduction <add>, %max3A_526, %reduce_sum3A_533 [0] : vector<512x64xf32> to vector<64xf32>
    %broadcast_in_dim3A_535 = vector.shape_cast %reduce_sum3A_534 : vector<64xf32> to vector<1x64xf32>
    %add3A_536 = arith.addf %add3A_486, %broadcast_in_dim3A_535 : vector<1x64xf32>
    %max3A_537 = arith.maximumf %max3A_487, %max3A_526 : vector<512x64xf32>
    %min3A_538 = arith.minimumf %min3A_488, %max3A_526 : vector<512x64xf32>
    %get3A_539 = arith.constant 11 : index
    %get3A_540 = arith.constant 0 : index
    %get3A_541 = arith.constant 0 : index
    %get3A_542 = vector.load %arg1[%get3A_539, %get3A_540, %get3A_541] : memref<20x512x64xf32, #tpu.memory_space<vmem>>, vector<1x512x64xf32>
    %get3A_543 = vector.shape_cast %get3A_542 : vector<1x512x64xf32> to vector<512x64xf32>
    %get3A_544 = arith.constant 0 : index
    %get3A_545 = arith.constant 0 : index
    %get3A_546 = vector.load %arg2[%get3A_544, %get3A_545] : memref<1x64xf32, #tpu.memory_space<vmem>>, vector<1x64xf32>
    %get3A_547 = arith.constant 0 : index
    %get3A_548 = arith.constant 0 : index
    %get3A_549 = vector.load %arg3[%get3A_547, %get3A_548] : memref<1x64xf32, #tpu.memory_space<vmem>>, vector<1x64xf32>
    %get3A_550 = arith.constant 0 : index
    %get3A_551 = arith.constant 0 : index
    %get3A_552 = vector.load %arg4[%get3A_550, %get3A_551] : memref<1x64xf32, #tpu.memory_space<vmem>>, vector<1x64xf32>
    %get3A_553 = arith.constant 0 : index
    %get3A_554 = arith.constant 0 : index
    %get3A_555 = vector.load %arg5[%get3A_553, %get3A_554] : memref<1x64xf32, #tpu.memory_space<vmem>>, vector<1x64xf32>
    %sub3A_556 = vector.broadcast %get3A_546 : vector<1x64xf32> to vector<512x64xf32>
    %sub3A_557 = arith.subf %get3A_543, %sub3A_556 : vector<512x64xf32>
    %div3A_558 = vector.broadcast %get3A_549 : vector<1x64xf32> to vector<512x64xf32>
    %div3A_559 = arith.divf %sub3A_557, %div3A_558 : vector<512x64xf32>
    %mul3A_560 = vector.broadcast %get3A_552 : vector<1x64xf32> to vector<512x64xf32>
    %mul3A_561 = arith.mulf %div3A_559, %mul3A_560 : vector<512x64xf32>
    %add3A_562 = vector.broadcast %get3A_555 : vector<1x64xf32> to vector<512x64xf32>
    %add3A_563 = arith.addf %mul3A_561, %add3A_562 : vector<512x64xf32>
    %get3A_564 = arith.constant 0 : index
    %get3A_565 = arith.constant 0 : index
    %get3A_566 = vector.load %arg6[%get3A_564, %get3A_565] : memref<64x64xf32, #tpu.memory_space<vmem>>, vector<64x64xf32>
    %dot_general3A_567 = arith.constant dense<0.000000e+00> : vector<512x64xf32>
    %dot_general3A_568 = tpu.matmul %add3A_563, %get3A_566, %dot_general3A_567 {dimension_numbers = #tpu.dot_dimension_numbers<[1], [0], [0], [1], [0, 0, 1, 1], [], []>, transpose_lhs_hint = false} : vector<512x64xf32>, vector<64x64xf32>, vector<512x64xf32> -> vector<512x64xf32>
    %get3A_569 = arith.constant 0 : index
    %get3A_570 = arith.constant 0 : index
    %get3A_571 = vector.load %arg7[%get3A_569, %get3A_570] : memref<1x64xf32, #tpu.memory_space<vmem>>, vector<1x64xf32>
    %add3A_572 = vector.broadcast %get3A_571 : vector<1x64xf32> to vector<512x64xf32>
    %add3A_573 = arith.addf %dot_general3A_568, %add3A_572 : vector<512x64xf32>
    %max3A_574 = arith.constant 0.000000e+00 : f32
    %max3A_575 = vector.broadcast %max3A_574 : f32 to vector<512x64xf32>
    %max3A_576 = arith.maximumf %add3A_573, %max3A_575 : vector<512x64xf32>
    %swap3A_577 = arith.constant 11 : index
    %swap3A_578 = arith.constant 0 : index
    %swap3A_579 = arith.constant 0 : index
    %swap3A_580 = vector.load %arg8[%swap3A_577, %swap3A_578, %swap3A_579] : memref<20x512x64xf32, #tpu.memory_space<vmem>>, vector<1x512x64xf32>
    %swap3A_581 = vector.shape_cast %swap3A_580 : vector<1x512x64xf32> to vector<512x64xf32>
    %swap3A_582 = vector.shape_cast %max3A_576 : vector<512x64xf32> to vector<1x512x64xf32>
    tpu.vector_store %arg8[%swap3A_577, %swap3A_578, %swap3A_579], %swap3A_582 {strides = array<i32>} : memref<20x512x64xf32, #tpu.memory_space<vmem>>, vector<1x512x64xf32>,
    %reduce_sum3A_583 = arith.constant dense<0.000000e+00> : vector<64xf32>
    %reduce_sum3A_584 = vector.multi_reduction <add>, %max3A_576, %reduce_sum3A_583 [0] : vector<512x64xf32> to vector<64xf32>
    %broadcast_in_dim3A_585 = vector.shape_cast %reduce_sum3A_584 : vector<64xf32> to vector<1x64xf32>
    %add3A_586 = arith.addf %add3A_536, %broadcast_in_dim3A_585 : vector<1x64xf32>
    %max3A_587 = arith.maximumf %max3A_537, %max3A_576 : vector<512x64xf32>
    %min3A_588 = arith.minimumf %min3A_538, %max3A_576 : vector<512x64xf32>
    %get3A_589 = arith.constant 12 : index
    %get3A_590 = arith.constant 0 : index
    %get3A_591 = arith.constant 0 : index
    %get3A_592 = vector.load %arg1[%get3A_589, %get3A_590, %get3A_591] : memref<20x512x64xf32, #tpu.memory_space<vmem>>, vector<1x512x64xf32>
    %get3A_593 = vector.shape_cast %get3A_592 : vector<1x512x64xf32> to vector<512x64xf32>
    %get3A_594 = arith.constant 0 : index
    %get3A_595 = arith.constant 0 : index
    %get3A_596 = vector.load %arg2[%get3A_594, %get3A_595] : memref<1x64xf32, #tpu.memory_space<vmem>>, vector<1x64xf32>
    %get3A_597 = arith.constant 0 : index
    %get3A_598 = arith.constant 0 : index
    %get3A_599 = vector.load %arg3[%get3A_597, %get3A_598] : memref<1x64xf32, #tpu.memory_space<vmem>>, vector<1x64xf32>
    %get3A_600 = arith.constant 0 : index
    %get3A_601 = arith.constant 0 : index
    %get3A_602 = vector.load %arg4[%get3A_600, %get3A_601] : memref<1x64xf32, #tpu.memory_space<vmem>>, vector<1x64xf32>
    %get3A_603 = arith.constant 0 : index
    %get3A_604 = arith.constant 0 : index
    %get3A_605 = vector.load %arg5[%get3A_603, %get3A_604] : memref<1x64xf32, #tpu.memory_space<vmem>>, vector<1x64xf32>
    %sub3A_606 = vector.broadcast %get3A_596 : vector<1x64xf32> to vector<512x64xf32>
    %sub3A_607 = arith.subf %get3A_593, %sub3A_606 : vector<512x64xf32>
    %div3A_608 = vector.broadcast %get3A_599 : vector<1x64xf32> to vector<512x64xf32>
    %div3A_609 = arith.divf %sub3A_607, %div3A_608 : vector<512x64xf32>
    %mul3A_610 = vector.broadcast %get3A_602 : vector<1x64xf32> to vector<512x64xf32>
    %mul3A_611 = arith.mulf %div3A_609, %mul3A_610 : vector<512x64xf32>
    %add3A_612 = vector.broadcast %get3A_605 : vector<1x64xf32> to vector<512x64xf32>
    %add3A_613 = arith.addf %mul3A_611, %add3A_612 : vector<512x64xf32>
    %get3A_614 = arith.constant 0 : index
    %get3A_615 = arith.constant 0 : index
    %get3A_616 = vector.load %arg6[%get3A_614, %get3A_615] : memref<64x64xf32, #tpu.memory_space<vmem>>, vector<64x64xf32>
    %dot_general3A_617 = arith.constant dense<0.000000e+00> : vector<512x64xf32>
    %dot_general3A_618 = tpu.matmul %add3A_613, %get3A_616, %dot_general3A_617 {dimension_numbers = #tpu.dot_dimension_numbers<[1], [0], [0], [1], [0, 0, 1, 1], [], []>, transpose_lhs_hint = false} : vector<512x64xf32>, vector<64x64xf32>, vector<512x64xf32> -> vector<512x64xf32>
    %get3A_619 = arith.constant 0 : index
    %get3A_620 = arith.constant 0 : index
    %get3A_621 = vector.load %arg7[%get3A_619, %get3A_620] : memref<1x64xf32, #tpu.memory_space<vmem>>, vector<1x64xf32>
    %add3A_622 = vector.broadcast %get3A_621 : vector<1x64xf32> to vector<512x64xf32>
    %add3A_623 = arith.addf %dot_general3A_618, %add3A_622 : vector<512x64xf32>
    %max3A_624 = arith.constant 0.000000e+00 : f32
    %max3A_625 = vector.broadcast %max3A_624 : f32 to vector<512x64xf32>
    %max3A_626 = arith.maximumf %add3A_623, %max3A_625 : vector<512x64xf32>
    %swap3A_627 = arith.constant 12 : index
    %swap3A_628 = arith.constant 0 : index
    %swap3A_629 = arith.constant 0 : index
    %swap3A_630 = vector.load %arg8[%swap3A_627, %swap3A_628, %swap3A_629] : memref<20x512x64xf32, #tpu.memory_space<vmem>>, vector<1x512x64xf32>
    %swap3A_631 = vector.shape_cast %swap3A_630 : vector<1x512x64xf32> to vector<512x64xf32>
    %swap3A_632 = vector.shape_cast %max3A_626 : vector<512x64xf32> to vector<1x512x64xf32>
    tpu.vector_store %arg8[%swap3A_627, %swap3A_628, %swap3A_629], %swap3A_632 {strides = array<i32>} : memref<20x512x64xf32, #tpu.memory_space<vmem>>, vector<1x512x64xf32>,
    %reduce_sum3A_633 = arith.constant dense<0.000000e+00> : vector<64xf32>
    %reduce_sum3A_634 = vector.multi_reduction <add>, %max3A_626, %reduce_sum3A_633 [0] : vector<512x64xf32> to vector<64xf32>
    %broadcast_in_dim3A_635 = vector.shape_cast %reduce_sum3A_634 : vector<64xf32> to vector<1x64xf32>
    %add3A_636 = arith.addf %add3A_586, %broadcast_in_dim3A_635 : vector<1x64xf32>
    %max3A_637 = arith.maximumf %max3A_587, %max3A_626 : vector<512x64xf32>
    %min3A_638 = arith.minimumf %min3A_588, %max3A_626 : vector<512x64xf32>
    %get3A_639 = arith.constant 13 : index
    %get3A_640 = arith.constant 0 : index
    %get3A_641 = arith.constant 0 : index
    %get3A_642 = vector.load %arg1[%get3A_639, %get3A_640, %get3A_641] : memref<20x512x64xf32, #tpu.memory_space<vmem>>, vector<1x512x64xf32>
    %get3A_643 = vector.shape_cast %get3A_642 : vector<1x512x64xf32> to vector<512x64xf32>
    %get3A_644 = arith.constant 0 : index
    %get3A_645 = arith.constant 0 : index
    %get3A_646 = vector.load %arg2[%get3A_644, %get3A_645] : memref<1x64xf32, #tpu.memory_space<vmem>>, vector<1x64xf32>
    %get3A_647 = arith.constant 0 : index
    %get3A_648 = arith.constant 0 : index
    %get3A_649 = vector.load %arg3[%get3A_647, %get3A_648] : memref<1x64xf32, #tpu.memory_space<vmem>>, vector<1x64xf32>
    %get3A_650 = arith.constant 0 : index
    %get3A_651 = arith.constant 0 : index
    %get3A_652 = vector.load %arg4[%get3A_650, %get3A_651] : memref<1x64xf32, #tpu.memory_space<vmem>>, vector<1x64xf32>
    %get3A_653 = arith.constant 0 : index
    %get3A_654 = arith.constant 0 : index
    %get3A_655 = vector.load %arg5[%get3A_653, %get3A_654] : memref<1x64xf32, #tpu.memory_space<vmem>>, vector<1x64xf32>
    %sub3A_656 = vector.broadcast %get3A_646 : vector<1x64xf32> to vector<512x64xf32>
    %sub3A_657 = arith.subf %get3A_643, %sub3A_656 : vector<512x64xf32>
    %div3A_658 = vector.broadcast %get3A_649 : vector<1x64xf32> to vector<512x64xf32>
    %div3A_659 = arith.divf %sub3A_657, %div3A_658 : vector<512x64xf32>
    %mul3A_660 = vector.broadcast %get3A_652 : vector<1x64xf32> to vector<512x64xf32>
    %mul3A_661 = arith.mulf %div3A_659, %mul3A_660 : vector<512x64xf32>
    %add3A_662 = vector.broadcast %get3A_655 : vector<1x64xf32> to vector<512x64xf32>
    %add3A_663 = arith.addf %mul3A_661, %add3A_662 : vector<512x64xf32>
    %get3A_664 = arith.constant 0 : index
    %get3A_665 = arith.constant 0 : index
    %get3A_666 = vector.load %arg6[%get3A_664, %get3A_665] : memref<64x64xf32, #tpu.memory_space<vmem>>, vector<64x64xf32>
    %dot_general3A_667 = arith.constant dense<0.000000e+00> : vector<512x64xf32>
    %dot_general3A_668 = tpu.matmul %add3A_663, %get3A_666, %dot_general3A_667 {dimension_numbers = #tpu.dot_dimension_numbers<[1], [0], [0], [1], [0, 0, 1, 1], [], []>, transpose_lhs_hint = false} : vector<512x64xf32>, vector<64x64xf32>, vector<512x64xf32> -> vector<512x64xf32>
    %get3A_669 = arith.constant 0 : index
    %get3A_670 = arith.constant 0 : index
    %get3A_671 = vector.load %arg7[%get3A_669, %get3A_670] : memref<1x64xf32, #tpu.memory_space<vmem>>, vector<1x64xf32>
    %add3A_672 = vector.broadcast %get3A_671 : vector<1x64xf32> to vector<512x64xf32>
    %add3A_673 = arith.addf %dot_general3A_668, %add3A_672 : vector<512x64xf32>
    %max3A_674 = arith.constant 0.000000e+00 : f32
    %max3A_675 = vector.broadcast %max3A_674 : f32 to vector<512x64xf32>
    %max3A_676 = arith.maximumf %add3A_673, %max3A_675 : vector<512x64xf32>
    %swap3A_677 = arith.constant 13 : index
    %swap3A_678 = arith.constant 0 : index
    %swap3A_679 = arith.constant 0 : index
    %swap3A_680 = vector.load %arg8[%swap3A_677, %swap3A_678, %swap3A_679] : memref<20x512x64xf32, #tpu.memory_space<vmem>>, vector<1x512x64xf32>
    %swap3A_681 = vector.shape_cast %swap3A_680 : vector<1x512x64xf32> to vector<512x64xf32>
    %swap3A_682 = vector.shape_cast %max3A_676 : vector<512x64xf32> to vector<1x512x64xf32>
    tpu.vector_store %arg8[%swap3A_677, %swap3A_678, %swap3A_679], %swap3A_682 {strides = array<i32>} : memref<20x512x64xf32, #tpu.memory_space<vmem>>, vector<1x512x64xf32>,
    %reduce_sum3A_683 = arith.constant dense<0.000000e+00> : vector<64xf32>
    %reduce_sum3A_684 = vector.multi_reduction <add>, %max3A_676, %reduce_sum3A_683 [0] : vector<512x64xf32> to vector<64xf32>
    %broadcast_in_dim3A_685 = vector.shape_cast %reduce_sum3A_684 : vector<64xf32> to vector<1x64xf32>
    %add3A_686 = arith.addf %add3A_636, %broadcast_in_dim3A_685 : vector<1x64xf32>
    %max3A_687 = arith.maximumf %max3A_637, %max3A_676 : vector<512x64xf32>
    %min3A_688 = arith.minimumf %min3A_638, %max3A_676 : vector<512x64xf32>
    %get3A_689 = arith.constant 14 : index
    %get3A_690 = arith.constant 0 : index
    %get3A_691 = arith.constant 0 : index
    %get3A_692 = vector.load %arg1[%get3A_689, %get3A_690, %get3A_691] : memref<20x512x64xf32, #tpu.memory_space<vmem>>, vector<1x512x64xf32>
    %get3A_693 = vector.shape_cast %get3A_692 : vector<1x512x64xf32> to vector<512x64xf32>
    %get3A_694 = arith.constant 0 : index
    %get3A_695 = arith.constant 0 : index
    %get3A_696 = vector.load %arg2[%get3A_694, %get3A_695] : memref<1x64xf32, #tpu.memory_space<vmem>>, vector<1x64xf32>
    %get3A_697 = arith.constant 0 : index
    %get3A_698 = arith.constant 0 : index
    %get3A_699 = vector.load %arg3[%get3A_697, %get3A_698] : memref<1x64xf32, #tpu.memory_space<vmem>>, vector<1x64xf32>
    %get3A_700 = arith.constant 0 : index
    %get3A_701 = arith.constant 0 : index
    %get3A_702 = vector.load %arg4[%get3A_700, %get3A_701] : memref<1x64xf32, #tpu.memory_space<vmem>>, vector<1x64xf32>
    %get3A_703 = arith.constant 0 : index
    %get3A_704 = arith.constant 0 : index
    %get3A_705 = vector.load %arg5[%get3A_703, %get3A_704] : memref<1x64xf32, #tpu.memory_space<vmem>>, vector<1x64xf32>
    %sub3A_706 = vector.broadcast %get3A_696 : vector<1x64xf32> to vector<512x64xf32>
    %sub3A_707 = arith.subf %get3A_693, %sub3A_706 : vector<512x64xf32>
    %div3A_708 = vector.broadcast %get3A_699 : vector<1x64xf32> to vector<512x64xf32>
    %div3A_709 = arith.divf %sub3A_707, %div3A_708 : vector<512x64xf32>
    %mul3A_710 = vector.broadcast %get3A_702 : vector<1x64xf32> to vector<512x64xf32>
    %mul3A_711 = arith.mulf %div3A_709, %mul3A_710 : vector<512x64xf32>
    %add3A_712 = vector.broadcast %get3A_705 : vector<1x64xf32> to vector<512x64xf32>
    %add3A_713 = arith.addf %mul3A_711, %add3A_712 : vector<512x64xf32>
    %get3A_714 = arith.constant 0 : index
    %get3A_715 = arith.constant 0 : index
    %get3A_716 = vector.load %arg6[%get3A_714, %get3A_715] : memref<64x64xf32, #tpu.memory_space<vmem>>, vector<64x64xf32>
    %dot_general3A_717 = arith.constant dense<0.000000e+00> : vector<512x64xf32>
    %dot_general3A_718 = tpu.matmul %add3A_713, %get3A_716, %dot_general3A_717 {dimension_numbers = #tpu.dot_dimension_numbers<[1], [0], [0], [1], [0, 0, 1, 1], [], []>, transpose_lhs_hint = false} : vector<512x64xf32>, vector<64x64xf32>, vector<512x64xf32> -> vector<512x64xf32>
    %get3A_719 = arith.constant 0 : index
    %get3A_720 = arith.constant 0 : index
    %get3A_721 = vector.load %arg7[%get3A_719, %get3A_720] : memref<1x64xf32, #tpu.memory_space<vmem>>, vector<1x64xf32>
    %add3A_722 = vector.broadcast %get3A_721 : vector<1x64xf32> to vector<512x64xf32>
    %add3A_723 = arith.addf %dot_general3A_718, %add3A_722 : vector<512x64xf32>
    %max3A_724 = arith.constant 0.000000e+00 : f32
    %max3A_725 = vector.broadcast %max3A_724 : f32 to vector<512x64xf32>
    %max3A_726 = arith.maximumf %add3A_723, %max3A_725 : vector<512x64xf32>
    %swap3A_727 = arith.constant 14 : index
    %swap3A_728 = arith.constant 0 : index
    %swap3A_729 = arith.constant 0 : index
    %swap3A_730 = vector.load %arg8[%swap3A_727, %swap3A_728, %swap3A_729] : memref<20x512x64xf32, #tpu.memory_space<vmem>>, vector<1x512x64xf32>
    %swap3A_731 = vector.shape_cast %swap3A_730 : vector<1x512x64xf32> to vector<512x64xf32>
    %swap3A_732 = vector.shape_cast %max3A_726 : vector<512x64xf32> to vector<1x512x64xf32>
    tpu.vector_store %arg8[%swap3A_727, %swap3A_728, %swap3A_729], %swap3A_732 {strides = array<i32>} : memref<20x512x64xf32, #tpu.memory_space<vmem>>, vector<1x512x64xf32>,
    %reduce_sum3A_733 = arith.constant dense<0.000000e+00> : vector<64xf32>
    %reduce_sum3A_734 = vector.multi_reduction <add>, %max3A_726, %reduce_sum3A_733 [0] : vector<512x64xf32> to vector<64xf32>
    %broadcast_in_dim3A_735 = vector.shape_cast %reduce_sum3A_734 : vector<64xf32> to vector<1x64xf32>
    %add3A_736 = arith.addf %add3A_686, %broadcast_in_dim3A_735 : vector<1x64xf32>
    %max3A_737 = arith.maximumf %max3A_687, %max3A_726 : vector<512x64xf32>
    %min3A_738 = arith.minimumf %min3A_688, %max3A_726 : vector<512x64xf32>
    %get3A_739 = arith.constant 15 : index
    %get3A_740 = arith.constant 0 : index
    %get3A_741 = arith.constant 0 : index
    %get3A_742 = vector.load %arg1[%get3A_739, %get3A_740, %get3A_741] : memref<20x512x64xf32, #tpu.memory_space<vmem>>, vector<1x512x64xf32>
    %get3A_743 = vector.shape_cast %get3A_742 : vector<1x512x64xf32> to vector<512x64xf32>
    %get3A_744 = arith.constant 0 : index
    %get3A_745 = arith.constant 0 : index
    %get3A_746 = vector.load %arg2[%get3A_744, %get3A_745] : memref<1x64xf32, #tpu.memory_space<vmem>>, vector<1x64xf32>
    %get3A_747 = arith.constant 0 : index
    %get3A_748 = arith.constant 0 : index
    %get3A_749 = vector.load %arg3[%get3A_747, %get3A_748] : memref<1x64xf32, #tpu.memory_space<vmem>>, vector<1x64xf32>
    %get3A_750 = arith.constant 0 : index
    %get3A_751 = arith.constant 0 : index
    %get3A_752 = vector.load %arg4[%get3A_750, %get3A_751] : memref<1x64xf32, #tpu.memory_space<vmem>>, vector<1x64xf32>
    %get3A_753 = arith.constant 0 : index
    %get3A_754 = arith.constant 0 : index
    %get3A_755 = vector.load %arg5[%get3A_753, %get3A_754] : memref<1x64xf32, #tpu.memory_space<vmem>>, vector<1x64xf32>
    %sub3A_756 = vector.broadcast %get3A_746 : vector<1x64xf32> to vector<512x64xf32>
    %sub3A_757 = arith.subf %get3A_743, %sub3A_756 : vector<512x64xf32>
    %div3A_758 = vector.broadcast %get3A_749 : vector<1x64xf32> to vector<512x64xf32>
    %div3A_759 = arith.divf %sub3A_757, %div3A_758 : vector<512x64xf32>
    %mul3A_760 = vector.broadcast %get3A_752 : vector<1x64xf32> to vector<512x64xf32>
    %mul3A_761 = arith.mulf %div3A_759, %mul3A_760 : vector<512x64xf32>
    %add3A_762 = vector.broadcast %get3A_755 : vector<1x64xf32> to vector<512x64xf32>
    %add3A_763 = arith.addf %mul3A_761, %add3A_762 : vector<512x64xf32>
    %get3A_764 = arith.constant 0 : index
    %get3A_765 = arith.constant 0 : index
    %get3A_766 = vector.load %arg6[%get3A_764, %get3A_765] : memref<64x64xf32, #tpu.memory_space<vmem>>, vector<64x64xf32>
    %dot_general3A_767 = arith.constant dense<0.000000e+00> : vector<512x64xf32>
    %dot_general3A_768 = tpu.matmul %add3A_763, %get3A_766, %dot_general3A_767 {dimension_numbers = #tpu.dot_dimension_numbers<[1], [0], [0], [1], [0, 0, 1, 1], [], []>, transpose_lhs_hint = false} : vector<512x64xf32>, vector<64x64xf32>, vector<512x64xf32> -> vector<512x64xf32>
    %get3A_769 = arith.constant 0 : index
    %get3A_770 = arith.constant 0 : index
    %get3A_771 = vector.load %arg7[%get3A_769, %get3A_770] : memref<1x64xf32, #tpu.memory_space<vmem>>, vector<1x64xf32>
    %add3A_772 = vector.broadcast %get3A_771 : vector<1x64xf32> to vector<512x64xf32>
    %add3A_773 = arith.addf %dot_general3A_768, %add3A_772 : vector<512x64xf32>
    %max3A_774 = arith.constant 0.000000e+00 : f32
    %max3A_775 = vector.broadcast %max3A_774 : f32 to vector<512x64xf32>
    %max3A_776 = arith.maximumf %add3A_773, %max3A_775 : vector<512x64xf32>
    %swap3A_777 = arith.constant 15 : index
    %swap3A_778 = arith.constant 0 : index
    %swap3A_779 = arith.constant 0 : index
    %swap3A_780 = vector.load %arg8[%swap3A_777, %swap3A_778, %swap3A_779] : memref<20x512x64xf32, #tpu.memory_space<vmem>>, vector<1x512x64xf32>
    %swap3A_781 = vector.shape_cast %swap3A_780 : vector<1x512x64xf32> to vector<512x64xf32>
    %swap3A_782 = vector.shape_cast %max3A_776 : vector<512x64xf32> to vector<1x512x64xf32>
    tpu.vector_store %arg8[%swap3A_777, %swap3A_778, %swap3A_779], %swap3A_782 {strides = array<i32>} : memref<20x512x64xf32, #tpu.memory_space<vmem>>, vector<1x512x64xf32>,
    %reduce_sum3A_783 = arith.constant dense<0.000000e+00> : vector<64xf32>
    %reduce_sum3A_784 = vector.multi_reduction <add>, %max3A_776, %reduce_sum3A_783 [0] : vector<512x64xf32> to vector<64xf32>
    %broadcast_in_dim3A_785 = vector.shape_cast %reduce_sum3A_784 : vector<64xf32> to vector<1x64xf32>
    %add3A_786 = arith.addf %add3A_736, %broadcast_in_dim3A_785 : vector<1x64xf32>
    %max3A_787 = arith.maximumf %max3A_737, %max3A_776 : vector<512x64xf32>
    %min3A_788 = arith.minimumf %min3A_738, %max3A_776 : vector<512x64xf32>
    %get3A_789 = arith.constant 16 : index
    %get3A_790 = arith.constant 0 : index
    %get3A_791 = arith.constant 0 : index
    %get3A_792 = vector.load %arg1[%get3A_789, %get3A_790, %get3A_791] : memref<20x512x64xf32, #tpu.memory_space<vmem>>, vector<1x512x64xf32>
    %get3A_793 = vector.shape_cast %get3A_792 : vector<1x512x64xf32> to vector<512x64xf32>
    %get3A_794 = arith.constant 0 : index
    %get3A_795 = arith.constant 0 : index
    %get3A_796 = vector.load %arg2[%get3A_794, %get3A_795] : memref<1x64xf32, #tpu.memory_space<vmem>>, vector<1x64xf32>
    %get3A_797 = arith.constant 0 : index
    %get3A_798 = arith.constant 0 : index
    %get3A_799 = vector.load %arg3[%get3A_797, %get3A_798] : memref<1x64xf32, #tpu.memory_space<vmem>>, vector<1x64xf32>
    %get3A_800 = arith.constant 0 : index
    %get3A_801 = arith.constant 0 : index
    %get3A_802 = vector.load %arg4[%get3A_800, %get3A_801] : memref<1x64xf32, #tpu.memory_space<vmem>>, vector<1x64xf32>
    %get3A_803 = arith.constant 0 : index
    %get3A_804 = arith.constant 0 : index
    %get3A_805 = vector.load %arg5[%get3A_803, %get3A_804] : memref<1x64xf32, #tpu.memory_space<vmem>>, vector<1x64xf32>
    %sub3A_806 = vector.broadcast %get3A_796 : vector<1x64xf32> to vector<512x64xf32>
    %sub3A_807 = arith.subf %get3A_793, %sub3A_806 : vector<512x64xf32>
    %div3A_808 = vector.broadcast %get3A_799 : vector<1x64xf32> to vector<512x64xf32>
    %div3A_809 = arith.divf %sub3A_807, %div3A_808 : vector<512x64xf32>
    %mul3A_810 = vector.broadcast %get3A_802 : vector<1x64xf32> to vector<512x64xf32>
    %mul3A_811 = arith.mulf %div3A_809, %mul3A_810 : vector<512x64xf32>
    %add3A_812 = vector.broadcast %get3A_805 : vector<1x64xf32> to vector<512x64xf32>
    %add3A_813 = arith.addf %mul3A_811, %add3A_812 : vector<512x64xf32>
    %get3A_814 = arith.constant 0 : index
    %get3A_815 = arith.constant 0 : index
    %get3A_816 = vector.load %arg6[%get3A_814, %get3A_815] : memref<64x64xf32, #tpu.memory_space<vmem>>, vector<64x64xf32>
    %dot_general3A_817 = arith.constant dense<0.000000e+00> : vector<512x64xf32>
    %dot_general3A_818 = tpu.matmul %add3A_813, %get3A_816, %dot_general3A_817 {dimension_numbers = #tpu.dot_dimension_numbers<[1], [0], [0], [1], [0, 0, 1, 1], [], []>, transpose_lhs_hint = false} : vector<512x64xf32>, vector<64x64xf32>, vector<512x64xf32> -> vector<512x64xf32>
    %get3A_819 = arith.constant 0 : index
    %get3A_820 = arith.constant 0 : index
    %get3A_821 = vector.load %arg7[%get3A_819, %get3A_820] : memref<1x64xf32, #tpu.memory_space<vmem>>, vector<1x64xf32>
    %add3A_822 = vector.broadcast %get3A_821 : vector<1x64xf32> to vector<512x64xf32>
    %add3A_823 = arith.addf %dot_general3A_818, %add3A_822 : vector<512x64xf32>
    %max3A_824 = arith.constant 0.000000e+00 : f32
    %max3A_825 = vector.broadcast %max3A_824 : f32 to vector<512x64xf32>
    %max3A_826 = arith.maximumf %add3A_823, %max3A_825 : vector<512x64xf32>
    %swap3A_827 = arith.constant 16 : index
    %swap3A_828 = arith.constant 0 : index
    %swap3A_829 = arith.constant 0 : index
    %swap3A_830 = vector.load %arg8[%swap3A_827, %swap3A_828, %swap3A_829] : memref<20x512x64xf32, #tpu.memory_space<vmem>>, vector<1x512x64xf32>
    %swap3A_831 = vector.shape_cast %swap3A_830 : vector<1x512x64xf32> to vector<512x64xf32>
    %swap3A_832 = vector.shape_cast %max3A_826 : vector<512x64xf32> to vector<1x512x64xf32>
    tpu.vector_store %arg8[%swap3A_827, %swap3A_828, %swap3A_829], %swap3A_832 {strides = array<i32>} : memref<20x512x64xf32, #tpu.memory_space<vmem>>, vector<1x512x64xf32>,
    %reduce_sum3A_833 = arith.constant dense<0.000000e+00> : vector<64xf32>
    %reduce_sum3A_834 = vector.multi_reduction <add>, %max3A_826, %reduce_sum3A_833 [0] : vector<512x64xf32> to vector<64xf32>
    %broadcast_in_dim3A_835 = vector.shape_cast %reduce_sum3A_834 : vector<64xf32> to vector<1x64xf32>
    %add3A_836 = arith.addf %add3A_786, %broadcast_in_dim3A_835 : vector<1x64xf32>
    %max3A_837 = arith.maximumf %max3A_787, %max3A_826 : vector<512x64xf32>
    %min3A_838 = arith.minimumf %min3A_788, %max3A_826 : vector<512x64xf32>
    %get3A_839 = arith.constant 17 : index
    %get3A_840 = arith.constant 0 : index
    %get3A_841 = arith.constant 0 : index
    %get3A_842 = vector.load %arg1[%get3A_839, %get3A_840, %get3A_841] : memref<20x512x64xf32, #tpu.memory_space<vmem>>, vector<1x512x64xf32>
    %get3A_843 = vector.shape_cast %get3A_842 : vector<1x512x64xf32> to vector<512x64xf32>
    %get3A_844 = arith.constant 0 : index
    %get3A_845 = arith.constant 0 : index
    %get3A_846 = vector.load %arg2[%get3A_844, %get3A_845] : memref<1x64xf32, #tpu.memory_space<vmem>>, vector<1x64xf32>
    %get3A_847 = arith.constant 0 : index
    %get3A_848 = arith.constant 0 : index
    %get3A_849 = vector.load %arg3[%get3A_847, %get3A_848] : memref<1x64xf32, #tpu.memory_space<vmem>>, vector<1x64xf32>
    %get3A_850 = arith.constant 0 : index
    %get3A_851 = arith.constant 0 : index
    %get3A_852 = vector.load %arg4[%get3A_850, %get3A_851] : memref<1x64xf32, #tpu.memory_space<vmem>>, vector<1x64xf32>
    %get3A_853 = arith.constant 0 : index
    %get3A_854 = arith.constant 0 : index
    %get3A_855 = vector.load %arg5[%get3A_853, %get3A_854] : memref<1x64xf32, #tpu.memory_space<vmem>>, vector<1x64xf32>
    %sub3A_856 = vector.broadcast %get3A_846 : vector<1x64xf32> to vector<512x64xf32>
    %sub3A_857 = arith.subf %get3A_843, %sub3A_856 : vector<512x64xf32>
    %div3A_858 = vector.broadcast %get3A_849 : vector<1x64xf32> to vector<512x64xf32>
    %div3A_859 = arith.divf %sub3A_857, %div3A_858 : vector<512x64xf32>
    %mul3A_860 = vector.broadcast %get3A_852 : vector<1x64xf32> to vector<512x64xf32>
    %mul3A_861 = arith.mulf %div3A_859, %mul3A_860 : vector<512x64xf32>
    %add3A_862 = vector.broadcast %get3A_855 : vector<1x64xf32> to vector<512x64xf32>
    %add3A_863 = arith.addf %mul3A_861, %add3A_862 : vector<512x64xf32>
    %get3A_864 = arith.constant 0 : index
    %get3A_865 = arith.constant 0 : index
    %get3A_866 = vector.load %arg6[%get3A_864, %get3A_865] : memref<64x64xf32, #tpu.memory_space<vmem>>, vector<64x64xf32>
    %dot_general3A_867 = arith.constant dense<0.000000e+00> : vector<512x64xf32>
    %dot_general3A_868 = tpu.matmul %add3A_863, %get3A_866, %dot_general3A_867 {dimension_numbers = #tpu.dot_dimension_numbers<[1], [0], [0], [1], [0, 0, 1, 1], [], []>, transpose_lhs_hint = false} : vector<512x64xf32>, vector<64x64xf32>, vector<512x64xf32> -> vector<512x64xf32>
    %get3A_869 = arith.constant 0 : index
    %get3A_870 = arith.constant 0 : index
    %get3A_871 = vector.load %arg7[%get3A_869, %get3A_870] : memref<1x64xf32, #tpu.memory_space<vmem>>, vector<1x64xf32>
    %add3A_872 = vector.broadcast %get3A_871 : vector<1x64xf32> to vector<512x64xf32>
    %add3A_873 = arith.addf %dot_general3A_868, %add3A_872 : vector<512x64xf32>
    %max3A_874 = arith.constant 0.000000e+00 : f32
    %max3A_875 = vector.broadcast %max3A_874 : f32 to vector<512x64xf32>
    %max3A_876 = arith.maximumf %add3A_873, %max3A_875 : vector<512x64xf32>
    %swap3A_877 = arith.constant 17 : index
    %swap3A_878 = arith.constant 0 : index
    %swap3A_879 = arith.constant 0 : index
    %swap3A_880 = vector.load %arg8[%swap3A_877, %swap3A_878, %swap3A_879] : memref<20x512x64xf32, #tpu.memory_space<vmem>>, vector<1x512x64xf32>
    %swap3A_881 = vector.shape_cast %swap3A_880 : vector<1x512x64xf32> to vector<512x64xf32>
    %swap3A_882 = vector.shape_cast %max3A_876 : vector<512x64xf32> to vector<1x512x64xf32>
    tpu.vector_store %arg8[%swap3A_877, %swap3A_878, %swap3A_879], %swap3A_882 {strides = array<i32>} : memref<20x512x64xf32, #tpu.memory_space<vmem>>, vector<1x512x64xf32>,
    %reduce_sum3A_883 = arith.constant dense<0.000000e+00> : vector<64xf32>
    %reduce_sum3A_884 = vector.multi_reduction <add>, %max3A_876, %reduce_sum3A_883 [0] : vector<512x64xf32> to vector<64xf32>
    %broadcast_in_dim3A_885 = vector.shape_cast %reduce_sum3A_884 : vector<64xf32> to vector<1x64xf32>
    %add3A_886 = arith.addf %add3A_836, %broadcast_in_dim3A_885 : vector<1x64xf32>
    %max3A_887 = arith.maximumf %max3A_837, %max3A_876 : vector<512x64xf32>
    %min3A_888 = arith.minimumf %min3A_838, %max3A_876 : vector<512x64xf32>
    %get3A_889 = arith.constant 18 : index
    %get3A_890 = arith.constant 0 : index
    %get3A_891 = arith.constant 0 : index
    %get3A_892 = vector.load %arg1[%get3A_889, %get3A_890, %get3A_891] : memref<20x512x64xf32, #tpu.memory_space<vmem>>, vector<1x512x64xf32>
    %get3A_893 = vector.shape_cast %get3A_892 : vector<1x512x64xf32> to vector<512x64xf32>
    %get3A_894 = arith.constant 0 : index
    %get3A_895 = arith.constant 0 : index
    %get3A_896 = vector.load %arg2[%get3A_894, %get3A_895] : memref<1x64xf32, #tpu.memory_space<vmem>>, vector<1x64xf32>
    %get3A_897 = arith.constant 0 : index
    %get3A_898 = arith.constant 0 : index
    %get3A_899 = vector.load %arg3[%get3A_897, %get3A_898] : memref<1x64xf32, #tpu.memory_space<vmem>>, vector<1x64xf32>
    %get3A_900 = arith.constant 0 : index
    %get3A_901 = arith.constant 0 : index
    %get3A_902 = vector.load %arg4[%get3A_900, %get3A_901] : memref<1x64xf32, #tpu.memory_space<vmem>>, vector<1x64xf32>
    %get3A_903 = arith.constant 0 : index
    %get3A_904 = arith.constant 0 : index
    %get3A_905 = vector.load %arg5[%get3A_903, %get3A_904] : memref<1x64xf32, #tpu.memory_space<vmem>>, vector<1x64xf32>
    %sub3A_906 = vector.broadcast %get3A_896 : vector<1x64xf32> to vector<512x64xf32>
    %sub3A_907 = arith.subf %get3A_893, %sub3A_906 : vector<512x64xf32>
    %div3A_908 = vector.broadcast %get3A_899 : vector<1x64xf32> to vector<512x64xf32>
    %div3A_909 = arith.divf %sub3A_907, %div3A_908 : vector<512x64xf32>
    %mul3A_910 = vector.broadcast %get3A_902 : vector<1x64xf32> to vector<512x64xf32>
    %mul3A_911 = arith.mulf %div3A_909, %mul3A_910 : vector<512x64xf32>
    %add3A_912 = vector.broadcast %get3A_905 : vector<1x64xf32> to vector<512x64xf32>
    %add3A_913 = arith.addf %mul3A_911, %add3A_912 : vector<512x64xf32>
    %get3A_914 = arith.constant 0 : index
    %get3A_915 = arith.constant 0 : index
    %get3A_916 = vector.load %arg6[%get3A_914, %get3A_915] : memref<64x64xf32, #tpu.memory_space<vmem>>, vector<64x64xf32>
    %dot_general3A_917 = arith.constant dense<0.000000e+00> : vector<512x64xf32>
    %dot_general3A_918 = tpu.matmul %add3A_913, %get3A_916, %dot_general3A_917 {dimension_numbers = #tpu.dot_dimension_numbers<[1], [0], [0], [1], [0, 0, 1, 1], [], []>, transpose_lhs_hint = false} : vector<512x64xf32>, vector<64x64xf32>, vector<512x64xf32> -> vector<512x64xf32>
    %get3A_919 = arith.constant 0 : index
    %get3A_920 = arith.constant 0 : index
    %get3A_921 = vector.load %arg7[%get3A_919, %get3A_920] : memref<1x64xf32, #tpu.memory_space<vmem>>, vector<1x64xf32>
    %add3A_922 = vector.broadcast %get3A_921 : vector<1x64xf32> to vector<512x64xf32>
    %add3A_923 = arith.addf %dot_general3A_918, %add3A_922 : vector<512x64xf32>
    %max3A_924 = arith.constant 0.000000e+00 : f32
    %max3A_925 = vector.broadcast %max3A_924 : f32 to vector<512x64xf32>
    %max3A_926 = arith.maximumf %add3A_923, %max3A_925 : vector<512x64xf32>
    %swap3A_927 = arith.constant 18 : index
    %swap3A_928 = arith.constant 0 : index
    %swap3A_929 = arith.constant 0 : index
    %swap3A_930 = vector.load %arg8[%swap3A_927, %swap3A_928, %swap3A_929] : memref<20x512x64xf32, #tpu.memory_space<vmem>>, vector<1x512x64xf32>
    %swap3A_931 = vector.shape_cast %swap3A_930 : vector<1x512x64xf32> to vector<512x64xf32>
    %swap3A_932 = vector.shape_cast %max3A_926 : vector<512x64xf32> to vector<1x512x64xf32>
    tpu.vector_store %arg8[%swap3A_927, %swap3A_928, %swap3A_929], %swap3A_932 {strides = array<i32>} : memref<20x512x64xf32, #tpu.memory_space<vmem>>, vector<1x512x64xf32>,
    %reduce_sum3A_933 = arith.constant dense<0.000000e+00> : vector<64xf32>
    %reduce_sum3A_934 = vector.multi_reduction <add>, %max3A_926, %reduce_sum3A_933 [0] : vector<512x64xf32> to vector<64xf32>
    %broadcast_in_dim3A_935 = vector.shape_cast %reduce_sum3A_934 : vector<64xf32> to vector<1x64xf32>
    %add3A_936 = arith.addf %add3A_886, %broadcast_in_dim3A_935 : vector<1x64xf32>
    %max3A_937 = arith.maximumf %max3A_887, %max3A_926 : vector<512x64xf32>
    %min3A_938 = arith.minimumf %min3A_888, %max3A_926 : vector<512x64xf32>
    %get3A_939 = arith.constant 19 : index
    %get3A_940 = arith.constant 0 : index
    %get3A_941 = arith.constant 0 : index
    %get3A_942 = vector.load %arg1[%get3A_939, %get3A_940, %get3A_941] : memref<20x512x64xf32, #tpu.memory_space<vmem>>, vector<1x512x64xf32>
    %get3A_943 = vector.shape_cast %get3A_942 : vector<1x512x64xf32> to vector<512x64xf32>
    %get3A_944 = arith.constant 0 : index
    %get3A_945 = arith.constant 0 : index
    %get3A_946 = vector.load %arg2[%get3A_944, %get3A_945] : memref<1x64xf32, #tpu.memory_space<vmem>>, vector<1x64xf32>
    %get3A_947 = arith.constant 0 : index
    %get3A_948 = arith.constant 0 : index
    %get3A_949 = vector.load %arg3[%get3A_947, %get3A_948] : memref<1x64xf32, #tpu.memory_space<vmem>>, vector<1x64xf32>
    %get3A_950 = arith.constant 0 : index
    %get3A_951 = arith.constant 0 : index
    %get3A_952 = vector.load %arg4[%get3A_950, %get3A_951] : memref<1x64xf32, #tpu.memory_space<vmem>>, vector<1x64xf32>
    %get3A_953 = arith.constant 0 : index
    %get3A_954 = arith.constant 0 : index
    %get3A_955 = vector.load %arg5[%get3A_953, %get3A_954] : memref<1x64xf32, #tpu.memory_space<vmem>>, vector<1x64xf32>
    %sub3A_956 = vector.broadcast %get3A_946 : vector<1x64xf32> to vector<512x64xf32>
    %sub3A_957 = arith.subf %get3A_943, %sub3A_956 : vector<512x64xf32>
    %div3A_958 = vector.broadcast %get3A_949 : vector<1x64xf32> to vector<512x64xf32>
    %div3A_959 = arith.divf %sub3A_957, %div3A_958 : vector<512x64xf32>
    %mul3A_960 = vector.broadcast %get3A_952 : vector<1x64xf32> to vector<512x64xf32>
    %mul3A_961 = arith.mulf %div3A_959, %mul3A_960 : vector<512x64xf32>
    %add3A_962 = vector.broadcast %get3A_955 : vector<1x64xf32> to vector<512x64xf32>
    %add3A_963 = arith.addf %mul3A_961, %add3A_962 : vector<512x64xf32>
    %get3A_964 = arith.constant 0 : index
    %get3A_965 = arith.constant 0 : index
    %get3A_966 = vector.load %arg6[%get3A_964, %get3A_965] : memref<64x64xf32, #tpu.memory_space<vmem>>, vector<64x64xf32>
    %dot_general3A_967 = arith.constant dense<0.000000e+00> : vector<512x64xf32>
    %dot_general3A_968 = tpu.matmul %add3A_963, %get3A_966, %dot_general3A_967 {dimension_numbers = #tpu.dot_dimension_numbers<[1], [0], [0], [1], [0, 0, 1, 1], [], []>, transpose_lhs_hint = false} : vector<512x64xf32>, vector<64x64xf32>, vector<512x64xf32> -> vector<512x64xf32>
    %get3A_969 = arith.constant 0 : index
    %get3A_970 = arith.constant 0 : index
    %get3A_971 = vector.load %arg7[%get3A_969, %get3A_970] : memref<1x64xf32, #tpu.memory_space<vmem>>, vector<1x64xf32>
    %add3A_972 = vector.broadcast %get3A_971 : vector<1x64xf32> to vector<512x64xf32>
    %add3A_973 = arith.addf %dot_general3A_968, %add3A_972 : vector<512x64xf32>
    %max3A_974 = arith.constant 0.000000e+00 : f32
    %max3A_975 = vector.broadcast %max3A_974 : f32 to vector<512x64xf32>
    %max3A_976 = arith.maximumf %add3A_973, %max3A_975 : vector<512x64xf32>
    %swap3A_977 = arith.constant 19 : index
    %swap3A_978 = arith.constant 0 : index
    %swap3A_979 = arith.constant 0 : index
    %swap3A_980 = vector.load %arg8[%swap3A_977, %swap3A_978, %swap3A_979] : memref<20x512x64xf32, #tpu.memory_space<vmem>>, vector<1x512x64xf32>
    %swap3A_981 = vector.shape_cast %swap3A_980 : vector<1x512x64xf32> to vector<512x64xf32>
    %swap3A_982 = vector.shape_cast %max3A_976 : vector<512x64xf32> to vector<1x512x64xf32>
    tpu.vector_store %arg8[%swap3A_977, %swap3A_978, %swap3A_979], %swap3A_982 {strides = array<i32>} : memref<20x512x64xf32, #tpu.memory_space<vmem>>, vector<1x512x64xf32>,
    %reduce_sum3A_983 = arith.constant dense<0.000000e+00> : vector<64xf32>
    %reduce_sum3A_984 = vector.multi_reduction <add>, %max3A_976, %reduce_sum3A_983 [0] : vector<512x64xf32> to vector<64xf32>
    %broadcast_in_dim3A_985 = vector.shape_cast %reduce_sum3A_984 : vector<64xf32> to vector<1x64xf32>
    %add3A_986 = arith.addf %add3A_936, %broadcast_in_dim3A_985 : vector<1x64xf32>
    %max3A_987 = arith.maximumf %max3A_937, %max3A_976 : vector<512x64xf32>
    %min3A_988 = arith.minimumf %min3A_938, %max3A_976 : vector<512x64xf32>
    %swap3A_989 = arith.constant 0 : index
    %swap3A_990 = arith.constant 0 : index
    %swap3A_991 = vector.load %arg9[%swap3A_989, %swap3A_990] : memref<512x64xf32, #tpu.memory_space<vmem>>, vector<512x64xf32>
    tpu.vector_store %arg9[%swap3A_989, %swap3A_990], %max3A_987 {strides = array<i32>} : memref<512x64xf32, #tpu.memory_space<vmem>>, vector<512x64xf32>,
    %swap3A_992 = arith.constant 0 : index
    %swap3A_993 = arith.constant 0 : index
    %swap3A_994 = vector.load %arg10[%swap3A_992, %swap3A_993] : memref<512x64xf32, #tpu.memory_space<vmem>>, vector<512x64xf32>
    tpu.vector_store %arg10[%swap3A_992, %swap3A_993], %min3A_988 {strides = array<i32>} : memref<512x64xf32, #tpu.memory_space<vmem>>, vector<512x64xf32>,
    %eq3A = arith.constant 0 : i32
    %eq3A_995 = arith.cmpi eq, %arg0, %eq3A : i32
    %convert_element_type3A = arith.extui %eq3A_995 : i1 to i32
    %cond3A = arith.constant 0 : i32
    %cond3A_996 = arith.cmpi ne, %convert_element_type3A, %cond3A : i32
    scf.if %cond3A_996 {
      %broadcast_in_dim3A_1004 = arith.constant 0.000000e+00 : f32
      %broadcast_in_dim3A_1005 = vector.broadcast %broadcast_in_dim3A_1004 : f32 to vector<1x64xf32>
      %swap3A_1006 = arith.constant 0 : index
      %swap3A_1007 = arith.constant 0 : index
      %swap3A_1008 = vector.load %arg11[%swap3A_1006, %swap3A_1007] : memref<1x64xf32, #tpu.memory_space<vmem>>, vector<1x64xf32>
      tpu.vector_store %arg11[%swap3A_1006, %swap3A_1007], %broadcast_in_dim3A_1005 {strides = array<i32>} : memref<1x64xf32, #tpu.memory_space<vmem>>, vector<1x64xf32>,
    } else {
    }
    %get3A_997 = arith.constant 0 : index
    %get3A_998 = arith.constant 0 : index
    %get3A_999 = vector.load %arg11[%get3A_997, %get3A_998] : memref<1x64xf32, #tpu.memory_space<vmem>>, vector<1x64xf32>
    %add3A_1000 = arith.addf %get3A_999, %add3A_986 : vector<1x64xf32>
    %swap3A_1001 = arith.constant 0 : index
    %swap3A_1002 = arith.constant 0 : index
    %swap3A_1003 = vector.load %arg11[%swap3A_1001, %swap3A_1002] : memref<1x64xf32, #tpu.memory_space<vmem>>, vector<1x64xf32>
    tpu.vector_store %arg11[%swap3A_1001, %swap3A_1002], %add3A_1000 {strides = array<i32>} : memref<1x64xf32, #tpu.memory_space<vmem>>, vector<1x64xf32>,
    return
  }
  func.func @transform_0(%arg0: i32) -> (i32, i32, i32) {
    %c0_i32 = arith.constant 0 : i32
    %c0_i32_0 = arith.constant 0 : i32
    %c0_i32_1 = arith.constant 0 : i32
    return %c0_i32, %arg0, %c0_i32_0 : i32, i32, i32
  }
  func.func @transform_1(%arg0: i32) -> (i32, i32) {
    %c0_i32 = arith.constant 0 : i32
    %c0_i32_0 = arith.constant 0 : i32
    %c0_i32_1 = arith.constant 0 : i32
    return %c0_i32, %c0_i32_0 : i32, i32
  }
  func.func @transform_2(%arg0: i32) -> (i32, i32) {
    %c0_i32 = arith.constant 0 : i32
    %c0_i32_0 = arith.constant 0 : i32
    %c0_i32_1 = arith.constant 0 : i32
    return %c0_i32, %c0_i32_0 : i32, i32
  }
  func.func @transform_3(%arg0: i32) -> (i32, i32) {
    %c0_i32 = arith.constant 0 : i32
    %c0_i32_0 = arith.constant 0 : i32
    %c0_i32_1 = arith.constant 0 : i32
    return %c0_i32, %c0_i32_0 : i32, i32
  }
  func.func @transform_4(%arg0: i32) -> (i32, i32) {
    %c0_i32 = arith.constant 0 : i32
    %c0_i32_0 = arith.constant 0 : i32
    %c0_i32_1 = arith.constant 0 : i32
    return %c0_i32, %c0_i32_0 : i32, i32
  }
  func.func @transform_5(%arg0: i32) -> (i32, i32) {
    %c0_i32 = arith.constant 0 : i32
    %c0_i32_0 = arith.constant 0 : i32
    %c0_i32_1 = arith.constant 0 : i32
    return %c0_i32, %c0_i32_0 : i32, i32
  }
  func.func @transform_6(%arg0: i32) -> (i32, i32) {
    %c0_i32 = arith.constant 0 : i32
    %c0_i32_0 = arith.constant 0 : i32
    %c0_i32_1 = arith.constant 0 : i32
    return %c0_i32, %c0_i32_0 : i32, i32
  }
  func.func @transform_7(%arg0: i32) -> (i32, i32, i32) {
    %c0_i32 = arith.constant 0 : i32
    %c0_i32_0 = arith.constant 0 : i32
    %c0_i32_1 = arith.constant 0 : i32
    return %c0_i32, %arg0, %c0_i32_0 : i32, i32, i32
  }
  func.func @transform_8(%arg0: i32) -> (i32, i32) {
    %c0_i32 = arith.constant 0 : i32
    %c0_i32_0 = arith.constant 0 : i32
    return %arg0, %c0_i32 : i32, i32
  }
  func.func @transform_9(%arg0: i32) -> (i32, i32) {
    %c0_i32 = arith.constant 0 : i32
    %c0_i32_0 = arith.constant 0 : i32
    return %arg0, %c0_i32 : i32, i32
  }
  func.func @transform_10(%arg0: i32) -> (i32, i32) {
    %c0_i32 = arith.constant 0 : i32
    %c0_i32_0 = arith.constant 0 : i32
    %c0_i32_1 = arith.constant 0 : i32
    return %c0_i32, %c0_i32_0 : i32, i32
  }
}

module attributes {stable_mosaic.version = 14 : i64} {
  func.func @_k6_body(%arg0: memref<8192x64xf32, #tpu.memory_space<vmem>>, %arg1: memref<8192x64xf32, #tpu.memory_space<vmem>>, %arg2: memref<8192x64xf32, #tpu.memory_space<vmem>>, %arg3: memref<1x64xf32, #tpu.memory_space<vmem>>, %arg4: memref<1x64xf32, #tpu.memory_space<vmem>>, %arg5: memref<1x64xf32, #tpu.memory_space<vmem>>, %arg6: memref<1x64xf32, #tpu.memory_space<vmem>>, %arg7: memref<64x16xf32, #tpu.memory_space<vmem>>, %arg8: memref<1x16xf32, #tpu.memory_space<vmem>>, %arg9: memref<16x64xf32, #tpu.memory_space<vmem>>, %arg10: memref<1x64xf32, #tpu.memory_space<vmem>>, %arg11: memref<8192x64xf32, #tpu.memory_space<vmem>>) attributes {dimension_semantics = [], scalar_prefetch = 0 : i64, scratch_operands = 0 : i64, tpu.core_type = #tpu.core_type<tc>} {
    %get3A = arith.constant 0 : index
    %get3A_0 = arith.constant 0 : index
    %get3A_1 = vector.load %arg5[%get3A, %get3A_0] : memref<1x64xf32, #tpu.memory_space<vmem>>, vector<1x64xf32>
    %ge3A = arith.constant 0.000000e+00 : f32
    %ge3A_2 = vector.broadcast %ge3A : f32 to vector<1x64xf32>
    %ge3A_3 = arith.cmpf oge, %get3A_1, %ge3A_2 : vector<1x64xf32>
    %get3A_4 = arith.constant 0 : index
    %get3A_5 = arith.constant 0 : index
    %get3A_6 = vector.load %arg0[%get3A_4, %get3A_5] : memref<8192x64xf32, #tpu.memory_space<vmem>>, vector<8192x64xf32>
    %get3A_7 = arith.constant 0 : index
    %get3A_8 = arith.constant 0 : index
    %get3A_9 = vector.load %arg1[%get3A_7, %get3A_8] : memref<8192x64xf32, #tpu.memory_space<vmem>>, vector<8192x64xf32>
    %broadcast_in_dim3A = vector.shape_cast %ge3A_3 : vector<1x64xi1> to vector<1x64xi1>
    %broadcast_in_dim3A_10 = vector.broadcast %broadcast_in_dim3A : vector<1x64xi1> to vector<8192x64xi1>
    %select_n3A = arith.select %broadcast_in_dim3A_10, %get3A_6, %get3A_9 : vector<8192x64xi1>, vector<8192x64xf32>
    %get3A_11 = arith.constant 0 : index
    %get3A_12 = arith.constant 0 : index
    %get3A_13 = vector.load %arg3[%get3A_11, %get3A_12] : memref<1x64xf32, #tpu.memory_space<vmem>>, vector<1x64xf32>
    %get3A_14 = arith.constant 0 : index
    %get3A_15 = arith.constant 0 : index
    %get3A_16 = vector.load %arg4[%get3A_14, %get3A_15] : memref<1x64xf32, #tpu.memory_space<vmem>>, vector<1x64xf32>
    %get3A_17 = arith.constant 0 : index
    %get3A_18 = arith.constant 0 : index
    %get3A_19 = vector.load %arg5[%get3A_17, %get3A_18] : memref<1x64xf32, #tpu.memory_space<vmem>>, vector<1x64xf32>
    %get3A_20 = arith.constant 0 : index
    %get3A_21 = arith.constant 0 : index
    %get3A_22 = vector.load %arg6[%get3A_20, %get3A_21] : memref<1x64xf32, #tpu.memory_space<vmem>>, vector<1x64xf32>
    %sub3A = vector.broadcast %get3A_13 : vector<1x64xf32> to vector<8192x64xf32>
    %sub3A_23 = arith.subf %select_n3A, %sub3A : vector<8192x64xf32>
    %div3A = vector.broadcast %get3A_16 : vector<1x64xf32> to vector<8192x64xf32>
    %div3A_24 = arith.divf %sub3A_23, %div3A : vector<8192x64xf32>
    %mul3A = vector.broadcast %get3A_19 : vector<1x64xf32> to vector<8192x64xf32>
    %mul3A_25 = arith.mulf %div3A_24, %mul3A : vector<8192x64xf32>
    %add3A = vector.broadcast %get3A_22 : vector<1x64xf32> to vector<8192x64xf32>
    %add3A_26 = arith.addf %mul3A_25, %add3A : vector<8192x64xf32>
    %get3A_27 = arith.constant 0 : index
    %get3A_28 = arith.constant 0 : index
    %get3A_29 = vector.load %arg2[%get3A_27, %get3A_28] : memref<8192x64xf32, #tpu.memory_space<vmem>>, vector<8192x64xf32>
    %add3A_30 = arith.addf %add3A_26, %get3A_29 : vector<8192x64xf32>
    %reshape3A = vector.shape_cast %add3A_30 : vector<8192x64xf32> to vector<8x1024x64xf32>
    %reduce_sum3A = arith.constant dense<0.000000e+00> : vector<8x64xf32>
    %reduce_sum3A_31 = vector.multi_reduction <add>, %reshape3A, %reduce_sum3A [1] : vector<8x1024x64xf32> to vector<8x64xf32>
    %div3A_32 = arith.constant 1.024000e+03 : f32
    %div3A_33 = vector.broadcast %div3A_32 : f32 to vector<8x64xf32>
    %div3A_34 = arith.divf %reduce_sum3A_31, %div3A_33 : vector<8x64xf32>
    %get3A_35 = arith.constant 0 : index
    %get3A_36 = arith.constant 0 : index
    %get3A_37 = vector.load %arg7[%get3A_35, %get3A_36] : memref<64x16xf32, #tpu.memory_space<vmem>>, vector<64x16xf32>
    %dot_general3A = arith.constant dense<0.000000e+00> : vector<8x16xf32>
    %dot_general3A_38 = tpu.matmul %div3A_34, %get3A_37, %dot_general3A {dimension_numbers = #tpu.dot_dimension_numbers<[1], [0], [0], [1], [0, 0, 1, 1], [], []>, transpose_lhs_hint = false} : vector<8x64xf32>, vector<64x16xf32>, vector<8x16xf32> -> vector<8x16xf32>
    %get3A_39 = arith.constant 0 : index
    %get3A_40 = arith.constant 0 : index
    %get3A_41 = vector.load %arg8[%get3A_39, %get3A_40] : memref<1x16xf32, #tpu.memory_space<vmem>>, vector<1x16xf32>
    %add3A_42 = vector.broadcast %get3A_41 : vector<1x16xf32> to vector<8x16xf32>
    %add3A_43 = arith.addf %dot_general3A_38, %add3A_42 : vector<8x16xf32>
    %max3A = arith.constant 0.000000e+00 : f32
    %max3A_44 = vector.broadcast %max3A : f32 to vector<8x16xf32>
    %max3A_45 = arith.maximumf %add3A_43, %max3A_44 : vector<8x16xf32>
    %get3A_46 = arith.constant 0 : index
    %get3A_47 = arith.constant 0 : index
    %get3A_48 = vector.load %arg9[%get3A_46, %get3A_47] : memref<16x64xf32, #tpu.memory_space<vmem>>, vector<16x64xf32>
    %dot_general3A_49 = arith.constant dense<0.000000e+00> : vector<8x64xf32>
    %dot_general3A_50 = tpu.matmul %max3A_45, %get3A_48, %dot_general3A_49 {dimension_numbers = #tpu.dot_dimension_numbers<[1], [0], [0], [1], [0, 0, 1, 1], [], []>, transpose_lhs_hint = false} : vector<8x16xf32>, vector<16x64xf32>, vector<8x64xf32> -> vector<8x64xf32>
    %get3A_51 = arith.constant 0 : index
    %get3A_52 = arith.constant 0 : index
    %get3A_53 = vector.load %arg10[%get3A_51, %get3A_52] : memref<1x64xf32, #tpu.memory_space<vmem>>, vector<1x64xf32>
    %add3A_54 = vector.broadcast %get3A_53 : vector<1x64xf32> to vector<8x64xf32>
    %add3A_55 = arith.addf %dot_general3A_50, %add3A_54 : vector<8x64xf32>
    %logistic3A = arith.negf %add3A_55 : vector<8x64xf32>
    %logistic3A_56 = math.exp %logistic3A : vector<8x64xf32>
    %logistic3A_57 = arith.constant 1.000000e+00 : f32
    %logistic3A_58 = vector.broadcast %logistic3A_57 : f32 to vector<8x64xf32>
    %logistic3A_59 = arith.addf %logistic3A_58, %logistic3A_56 : vector<8x64xf32>
    %logistic3A_60 = arith.divf %logistic3A_58, %logistic3A_59 : vector<8x64xf32>
    %broadcast_in_dim3A_61 = vector.shape_cast %logistic3A_60 : vector<8x64xf32> to vector<8x1x64xf32>
    %mul3A_62 = vector.broadcast %broadcast_in_dim3A_61 : vector<8x1x64xf32> to vector<8x1024x64xf32>
    %mul3A_63 = arith.mulf %reshape3A, %mul3A_62 : vector<8x1024x64xf32>
    %reshape3A_64 = vector.shape_cast %mul3A_63 : vector<8x1024x64xf32> to vector<8192x64xf32>
    %swap3A = arith.constant 0 : index
    %swap3A_65 = arith.constant 0 : index
    %swap3A_66 = vector.load %arg11[%swap3A, %swap3A_65] : memref<8192x64xf32, #tpu.memory_space<vmem>>, vector<8192x64xf32>
    tpu.vector_store %arg11[%swap3A, %swap3A_65], %reshape3A_64 {strides = array<i32>} : memref<8192x64xf32, #tpu.memory_space<vmem>>, vector<8192x64xf32>,
    return
  }
}

module attributes {stable_mosaic.version = 14 : i64} {
  func.func @_ksel_body(%arg0: i32, %arg1: i32, %arg2: memref<1x1024x64xf32, #tpu.memory_space<vmem>>, %arg3: memref<1x64x512xf32, #tpu.memory_space<vmem>>, %arg4: memref<20x512xi32, #tpu.memory_space<vmem>>) attributes {dimension_semantics = [#tpu.dimension_semantics<arbitrary>, #tpu.dimension_semantics<arbitrary>], iteration_bounds = array<i64: 8, 2>, scalar_prefetch = 0 : i64, scratch_operands = 0 : i64, tpu.core_type = #tpu.core_type<tc>, window_params = [{transform_indices = @transform_0, window_bounds = array<i64: 1, 1024, 64>}, {transform_indices = @transform_1, window_bounds = array<i64: 1, 64, 512>}, {transform_indices = @transform_2, window_bounds = array<i64: 20, 512>}]} {
    %get3A = arith.constant 0 : index
    %get3A_0 = arith.constant 0 : index
    %get3A_1 = arith.constant 0 : index
    %get3A_2 = vector.load %arg2[%get3A, %get3A_0, %get3A_1] : memref<1x1024x64xf32, #tpu.memory_space<vmem>>, vector<1x1024x64xf32>
    %get3A_3 = vector.shape_cast %get3A_2 : vector<1x1024x64xf32> to vector<1024x64xf32>
    %get3A_4 = arith.constant 0 : index
    %get3A_5 = arith.constant 0 : index
    %get3A_6 = arith.constant 0 : index
    %get3A_7 = vector.load %arg3[%get3A_4, %get3A_5, %get3A_6] : memref<1x64x512xf32, #tpu.memory_space<vmem>>, vector<1x64x512xf32>
    %get3A_8 = vector.shape_cast %get3A_7 : vector<1x64x512xf32> to vector<64x512xf32>
    %mul3A = arith.mulf %get3A_3, %get3A_3 : vector<1024x64xf32>
    %reduce_sum3A = arith.constant dense<0.000000e+00> : vector<1024xf32>
    %reduce_sum3A_9 = vector.multi_reduction <add>, %mul3A, %reduce_sum3A [1] : vector<1024x64xf32> to vector<1024xf32>
    %broadcast_in_dim3A = vector.shape_cast %reduce_sum3A_9 : vector<1024xf32> to vector<1024x1xf32>
    %mul3A_10 = arith.mulf %get3A_8, %get3A_8 : vector<64x512xf32>
    %reduce_sum3A_11 = arith.constant dense<0.000000e+00> : vector<512xf32>
    %reduce_sum3A_12 = vector.multi_reduction <add>, %mul3A_10, %reduce_sum3A_11 [0] : vector<64x512xf32> to vector<512xf32>
    %broadcast_in_dim3A_13 = vector.shape_cast %reduce_sum3A_12 : vector<512xf32> to vector<1x512xf32>
    %add3A = vector.broadcast %broadcast_in_dim3A : vector<1024x1xf32> to vector<1024x512xf32>
    %add3A_14 = vector.broadcast %broadcast_in_dim3A_13 : vector<1x512xf32> to vector<1024x512xf32>
    %add3A_15 = arith.addf %add3A, %add3A_14 : vector<1024x512xf32>
    %dot_general3A = arith.constant dense<0.000000e+00> : vector<1024x512xf32>
    %dot_general3A_16 = tpu.matmul %get3A_3, %get3A_8, %dot_general3A {dimension_numbers = #tpu.dot_dimension_numbers<[1], [0], [0], [1], [0, 0, 1, 1], [], []>, transpose_lhs_hint = false} : vector<1024x64xf32>, vector<64x512xf32>, vector<1024x512xf32> -> vector<1024x512xf32>
    %mul3A_17 = arith.constant 2.000000e+00 : f32
    %mul3A_18 = vector.broadcast %mul3A_17 : f32 to vector<1024x512xf32>
    %mul3A_19 = arith.mulf %mul3A_18, %dot_general3A_16 : vector<1024x512xf32>
    %sub3A = arith.subf %add3A_15, %mul3A_19 : vector<1024x512xf32>
    %bitcast_convert_type3A = tpu.bitcast %sub3A : vector<1024x512xf32> -> vector<1024x512xi32>
    %shift_right_arithmetic3A = arith.constant 31 : i32
    %shift_right_arithmetic3A_20 = vector.broadcast %shift_right_arithmetic3A : i32 to vector<1024x512xi32>
    %shift_right_arithmetic3A_21 = arith.shrsi %bitcast_convert_type3A, %shift_right_arithmetic3A_20 : vector<1024x512xi32>
    %and3A = arith.constant 2147483647 : i32
    %and3A_22 = vector.broadcast %and3A : i32 to vector<1024x512xi32>
    %and3A_23 = arith.andi %shift_right_arithmetic3A_21, %and3A_22 : vector<1024x512xi32>
    %xor3A = arith.xori %bitcast_convert_type3A, %and3A_23 : vector<1024x512xi32>
    %iota3A = tpu.iota {dimensions = array<i32: 0>} : vector<1024x512xi32>
    %mul3A_24 = arith.constant 1024 : i32
    %mul3A_25 = arith.muli %arg0, %mul3A_24 : i32
    %reduce_min3A = arith.constant dense<2147483647> : vector<512xi32>
    %reduce_min3A_26 = vector.multi_reduction <minsi>, %xor3A, %reduce_min3A [0] : vector<1024x512xi32> to vector<512xi32>
    %broadcast_in_dim3A_27 = vector.shape_cast %reduce_min3A_26 : vector<512xi32> to vector<1x512xi32>
    %eq3A = vector.broadcast %broadcast_in_dim3A_27 : vector<1x512xi32> to vector<1024x512xi32>
    %eq3A_28 = arith.cmpi eq, %xor3A, %eq3A : vector<1024x512xi32>
    %jit3A = arith.constant 1024 : i32
    %broadcast_in_dim3A_29 = vector.broadcast %jit3A : i32 to vector<1024x512xi32>
    %select_n3A = arith.select %eq3A_28, %iota3A, %broadcast_in_dim3A_29 : vector<1024x512xi1>, vector<1024x512xi32>
    %reduce_min3A_30 = arith.constant dense<2147483647> : vector<512xi32>
    %reduce_min3A_31 = vector.multi_reduction <minsi>, %select_n3A, %reduce_min3A_30 [0] : vector<1024x512xi32> to vector<512xi32>
    %broadcast_in_dim3A_32 = vector.shape_cast %reduce_min3A_31 : vector<512xi32> to vector<1x512xi32>
    %squeeze3A = vector.shape_cast %broadcast_in_dim3A_32 : vector<1x512xi32> to vector<512xi32>
    %add3A_33 = vector.broadcast %mul3A_25 : i32 to vector<512xi32>
    %add3A_34 = arith.addi %squeeze3A, %add3A_33 : vector<512xi32>
    %swap3A = arith.constant 0 : index
    %swap3A_35 = arith.constant 0 : index
    %swap3A_36 = vector.load %arg4[%swap3A, %swap3A_35] : memref<20x512xi32, #tpu.memory_space<vmem>>, vector<1x512xi32>
    %swap3A_37 = vector.shape_cast %swap3A_36 : vector<1x512xi32> to vector<512xi32>
    %swap3A_38 = vector.shape_cast %add3A_34 : vector<512xi32> to vector<1x512xi32>
    tpu.vector_store %arg4[%swap3A, %swap3A_35], %swap3A_38 {strides = array<i32>} : memref<20x512xi32, #tpu.memory_space<vmem>>, vector<1x512xi32>,
    %eq3A_39 = vector.broadcast %broadcast_in_dim3A_32 : vector<1x512xi32> to vector<1024x512xi32>
    %eq3A_40 = arith.cmpi eq, %iota3A, %eq3A_39 : vector<1024x512xi32>
    %jit3A_41 = arith.constant 2147483647 : i32
    %broadcast_in_dim3A_42 = vector.broadcast %jit3A_41 : i32 to vector<1024x512xi32>
    %select_n3A_43 = arith.select %eq3A_40, %broadcast_in_dim3A_42, %xor3A : vector<1024x512xi1>, vector<1024x512xi32>
    %reduce_min3A_44 = arith.constant dense<2147483647> : vector<512xi32>
    %reduce_min3A_45 = vector.multi_reduction <minsi>, %select_n3A_43, %reduce_min3A_44 [0] : vector<1024x512xi32> to vector<512xi32>
    %broadcast_in_dim3A_46 = vector.shape_cast %reduce_min3A_45 : vector<512xi32> to vector<1x512xi32>
    %eq3A_47 = vector.broadcast %broadcast_in_dim3A_46 : vector<1x512xi32> to vector<1024x512xi32>
    %eq3A_48 = arith.cmpi eq, %select_n3A_43, %eq3A_47 : vector<1024x512xi32>
    %jit3A_49 = arith.constant 1024 : i32
    %broadcast_in_dim3A_50 = vector.broadcast %jit3A_49 : i32 to vector<1024x512xi32>
    %select_n3A_51 = arith.select %eq3A_48, %iota3A, %broadcast_in_dim3A_50 : vector<1024x512xi1>, vector<1024x512xi32>
    %reduce_min3A_52 = arith.constant dense<2147483647> : vector<512xi32>
    %reduce_min3A_53 = vector.multi_reduction <minsi>, %select_n3A_51, %reduce_min3A_52 [0] : vector<1024x512xi32> to vector<512xi32>
    %broadcast_in_dim3A_54 = vector.shape_cast %reduce_min3A_53 : vector<512xi32> to vector<1x512xi32>
    %squeeze3A_55 = vector.shape_cast %broadcast_in_dim3A_54 : vector<1x512xi32> to vector<512xi32>
    %add3A_56 = vector.broadcast %mul3A_25 : i32 to vector<512xi32>
    %add3A_57 = arith.addi %squeeze3A_55, %add3A_56 : vector<512xi32>
    %swap3A_58 = arith.constant 1 : index
    %swap3A_59 = arith.constant 0 : index
    %swap3A_60 = vector.load %arg4[%swap3A_58, %swap3A_59] : memref<20x512xi32, #tpu.memory_space<vmem>>, vector<1x512xi32>
    %swap3A_61 = vector.shape_cast %swap3A_60 : vector<1x512xi32> to vector<512xi32>
    %swap3A_62 = vector.shape_cast %add3A_57 : vector<512xi32> to vector<1x512xi32>
    tpu.vector_store %arg4[%swap3A_58, %swap3A_59], %swap3A_62 {strides = array<i32>} : memref<20x512xi32, #tpu.memory_space<vmem>>, vector<1x512xi32>,
    %eq3A_63 = vector.broadcast %broadcast_in_dim3A_54 : vector<1x512xi32> to vector<1024x512xi32>
    %eq3A_64 = arith.cmpi eq, %iota3A, %eq3A_63 : vector<1024x512xi32>
    %jit3A_65 = arith.constant 2147483647 : i32
    %broadcast_in_dim3A_66 = vector.broadcast %jit3A_65 : i32 to vector<1024x512xi32>
    %select_n3A_67 = arith.select %eq3A_64, %broadcast_in_dim3A_66, %select_n3A_43 : vector<1024x512xi1>, vector<1024x512xi32>
    %reduce_min3A_68 = arith.constant dense<2147483647> : vector<512xi32>
    %reduce_min3A_69 = vector.multi_reduction <minsi>, %select_n3A_67, %reduce_min3A_68 [0] : vector<1024x512xi32> to vector<512xi32>
    %broadcast_in_dim3A_70 = vector.shape_cast %reduce_min3A_69 : vector<512xi32> to vector<1x512xi32>
    %eq3A_71 = vector.broadcast %broadcast_in_dim3A_70 : vector<1x512xi32> to vector<1024x512xi32>
    %eq3A_72 = arith.cmpi eq, %select_n3A_67, %eq3A_71 : vector<1024x512xi32>
    %jit3A_73 = arith.constant 1024 : i32
    %broadcast_in_dim3A_74 = vector.broadcast %jit3A_73 : i32 to vector<1024x512xi32>
    %select_n3A_75 = arith.select %eq3A_72, %iota3A, %broadcast_in_dim3A_74 : vector<1024x512xi1>, vector<1024x512xi32>
    %reduce_min3A_76 = arith.constant dense<2147483647> : vector<512xi32>
    %reduce_min3A_77 = vector.multi_reduction <minsi>, %select_n3A_75, %reduce_min3A_76 [0] : vector<1024x512xi32> to vector<512xi32>
    %broadcast_in_dim3A_78 = vector.shape_cast %reduce_min3A_77 : vector<512xi32> to vector<1x512xi32>
    %squeeze3A_79 = vector.shape_cast %broadcast_in_dim3A_78 : vector<1x512xi32> to vector<512xi32>
    %add3A_80 = vector.broadcast %mul3A_25 : i32 to vector<512xi32>
    %add3A_81 = arith.addi %squeeze3A_79, %add3A_80 : vector<512xi32>
    %swap3A_82 = arith.constant 2 : index
    %swap3A_83 = arith.constant 0 : index
    %swap3A_84 = vector.load %arg4[%swap3A_82, %swap3A_83] : memref<20x512xi32, #tpu.memory_space<vmem>>, vector<1x512xi32>
    %swap3A_85 = vector.shape_cast %swap3A_84 : vector<1x512xi32> to vector<512xi32>
    %swap3A_86 = vector.shape_cast %add3A_81 : vector<512xi32> to vector<1x512xi32>
    tpu.vector_store %arg4[%swap3A_82, %swap3A_83], %swap3A_86 {strides = array<i32>} : memref<20x512xi32, #tpu.memory_space<vmem>>, vector<1x512xi32>,
    %eq3A_87 = vector.broadcast %broadcast_in_dim3A_78 : vector<1x512xi32> to vector<1024x512xi32>
    %eq3A_88 = arith.cmpi eq, %iota3A, %eq3A_87 : vector<1024x512xi32>
    %jit3A_89 = arith.constant 2147483647 : i32
    %broadcast_in_dim3A_90 = vector.broadcast %jit3A_89 : i32 to vector<1024x512xi32>
    %select_n3A_91 = arith.select %eq3A_88, %broadcast_in_dim3A_90, %select_n3A_67 : vector<1024x512xi1>, vector<1024x512xi32>
    %reduce_min3A_92 = arith.constant dense<2147483647> : vector<512xi32>
    %reduce_min3A_93 = vector.multi_reduction <minsi>, %select_n3A_91, %reduce_min3A_92 [0] : vector<1024x512xi32> to vector<512xi32>
    %broadcast_in_dim3A_94 = vector.shape_cast %reduce_min3A_93 : vector<512xi32> to vector<1x512xi32>
    %eq3A_95 = vector.broadcast %broadcast_in_dim3A_94 : vector<1x512xi32> to vector<1024x512xi32>
    %eq3A_96 = arith.cmpi eq, %select_n3A_91, %eq3A_95 : vector<1024x512xi32>
    %jit3A_97 = arith.constant 1024 : i32
    %broadcast_in_dim3A_98 = vector.broadcast %jit3A_97 : i32 to vector<1024x512xi32>
    %select_n3A_99 = arith.select %eq3A_96, %iota3A, %broadcast_in_dim3A_98 : vector<1024x512xi1>, vector<1024x512xi32>
    %reduce_min3A_100 = arith.constant dense<2147483647> : vector<512xi32>
    %reduce_min3A_101 = vector.multi_reduction <minsi>, %select_n3A_99, %reduce_min3A_100 [0] : vector<1024x512xi32> to vector<512xi32>
    %broadcast_in_dim3A_102 = vector.shape_cast %reduce_min3A_101 : vector<512xi32> to vector<1x512xi32>
    %squeeze3A_103 = vector.shape_cast %broadcast_in_dim3A_102 : vector<1x512xi32> to vector<512xi32>
    %add3A_104 = vector.broadcast %mul3A_25 : i32 to vector<512xi32>
    %add3A_105 = arith.addi %squeeze3A_103, %add3A_104 : vector<512xi32>
    %swap3A_106 = arith.constant 3 : index
    %swap3A_107 = arith.constant 0 : index
    %swap3A_108 = vector.load %arg4[%swap3A_106, %swap3A_107] : memref<20x512xi32, #tpu.memory_space<vmem>>, vector<1x512xi32>
    %swap3A_109 = vector.shape_cast %swap3A_108 : vector<1x512xi32> to vector<512xi32>
    %swap3A_110 = vector.shape_cast %add3A_105 : vector<512xi32> to vector<1x512xi32>
    tpu.vector_store %arg4[%swap3A_106, %swap3A_107], %swap3A_110 {strides = array<i32>} : memref<20x512xi32, #tpu.memory_space<vmem>>, vector<1x512xi32>,
    %eq3A_111 = vector.broadcast %broadcast_in_dim3A_102 : vector<1x512xi32> to vector<1024x512xi32>
    %eq3A_112 = arith.cmpi eq, %iota3A, %eq3A_111 : vector<1024x512xi32>
    %jit3A_113 = arith.constant 2147483647 : i32
    %broadcast_in_dim3A_114 = vector.broadcast %jit3A_113 : i32 to vector<1024x512xi32>
    %select_n3A_115 = arith.select %eq3A_112, %broadcast_in_dim3A_114, %select_n3A_91 : vector<1024x512xi1>, vector<1024x512xi32>
    %reduce_min3A_116 = arith.constant dense<2147483647> : vector<512xi32>
    %reduce_min3A_117 = vector.multi_reduction <minsi>, %select_n3A_115, %reduce_min3A_116 [0] : vector<1024x512xi32> to vector<512xi32>
    %broadcast_in_dim3A_118 = vector.shape_cast %reduce_min3A_117 : vector<512xi32> to vector<1x512xi32>
    %eq3A_119 = vector.broadcast %broadcast_in_dim3A_118 : vector<1x512xi32> to vector<1024x512xi32>
    %eq3A_120 = arith.cmpi eq, %select_n3A_115, %eq3A_119 : vector<1024x512xi32>
    %jit3A_121 = arith.constant 1024 : i32
    %broadcast_in_dim3A_122 = vector.broadcast %jit3A_121 : i32 to vector<1024x512xi32>
    %select_n3A_123 = arith.select %eq3A_120, %iota3A, %broadcast_in_dim3A_122 : vector<1024x512xi1>, vector<1024x512xi32>
    %reduce_min3A_124 = arith.constant dense<2147483647> : vector<512xi32>
    %reduce_min3A_125 = vector.multi_reduction <minsi>, %select_n3A_123, %reduce_min3A_124 [0] : vector<1024x512xi32> to vector<512xi32>
    %broadcast_in_dim3A_126 = vector.shape_cast %reduce_min3A_125 : vector<512xi32> to vector<1x512xi32>
    %squeeze3A_127 = vector.shape_cast %broadcast_in_dim3A_126 : vector<1x512xi32> to vector<512xi32>
    %add3A_128 = vector.broadcast %mul3A_25 : i32 to vector<512xi32>
    %add3A_129 = arith.addi %squeeze3A_127, %add3A_128 : vector<512xi32>
    %swap3A_130 = arith.constant 4 : index
    %swap3A_131 = arith.constant 0 : index
    %swap3A_132 = vector.load %arg4[%swap3A_130, %swap3A_131] : memref<20x512xi32, #tpu.memory_space<vmem>>, vector<1x512xi32>
    %swap3A_133 = vector.shape_cast %swap3A_132 : vector<1x512xi32> to vector<512xi32>
    %swap3A_134 = vector.shape_cast %add3A_129 : vector<512xi32> to vector<1x512xi32>
    tpu.vector_store %arg4[%swap3A_130, %swap3A_131], %swap3A_134 {strides = array<i32>} : memref<20x512xi32, #tpu.memory_space<vmem>>, vector<1x512xi32>,
    %eq3A_135 = vector.broadcast %broadcast_in_dim3A_126 : vector<1x512xi32> to vector<1024x512xi32>
    %eq3A_136 = arith.cmpi eq, %iota3A, %eq3A_135 : vector<1024x512xi32>
    %jit3A_137 = arith.constant 2147483647 : i32
    %broadcast_in_dim3A_138 = vector.broadcast %jit3A_137 : i32 to vector<1024x512xi32>
    %select_n3A_139 = arith.select %eq3A_136, %broadcast_in_dim3A_138, %select_n3A_115 : vector<1024x512xi1>, vector<1024x512xi32>
    %reduce_min3A_140 = arith.constant dense<2147483647> : vector<512xi32>
    %reduce_min3A_141 = vector.multi_reduction <minsi>, %select_n3A_139, %reduce_min3A_140 [0] : vector<1024x512xi32> to vector<512xi32>
    %broadcast_in_dim3A_142 = vector.shape_cast %reduce_min3A_141 : vector<512xi32> to vector<1x512xi32>
    %eq3A_143 = vector.broadcast %broadcast_in_dim3A_142 : vector<1x512xi32> to vector<1024x512xi32>
    %eq3A_144 = arith.cmpi eq, %select_n3A_139, %eq3A_143 : vector<1024x512xi32>
    %jit3A_145 = arith.constant 1024 : i32
    %broadcast_in_dim3A_146 = vector.broadcast %jit3A_145 : i32 to vector<1024x512xi32>
    %select_n3A_147 = arith.select %eq3A_144, %iota3A, %broadcast_in_dim3A_146 : vector<1024x512xi1>, vector<1024x512xi32>
    %reduce_min3A_148 = arith.constant dense<2147483647> : vector<512xi32>
    %reduce_min3A_149 = vector.multi_reduction <minsi>, %select_n3A_147, %reduce_min3A_148 [0] : vector<1024x512xi32> to vector<512xi32>
    %broadcast_in_dim3A_150 = vector.shape_cast %reduce_min3A_149 : vector<512xi32> to vector<1x512xi32>
    %squeeze3A_151 = vector.shape_cast %broadcast_in_dim3A_150 : vector<1x512xi32> to vector<512xi32>
    %add3A_152 = vector.broadcast %mul3A_25 : i32 to vector<512xi32>
    %add3A_153 = arith.addi %squeeze3A_151, %add3A_152 : vector<512xi32>
    %swap3A_154 = arith.constant 5 : index
    %swap3A_155 = arith.constant 0 : index
    %swap3A_156 = vector.load %arg4[%swap3A_154, %swap3A_155] : memref<20x512xi32, #tpu.memory_space<vmem>>, vector<1x512xi32>
    %swap3A_157 = vector.shape_cast %swap3A_156 : vector<1x512xi32> to vector<512xi32>
    %swap3A_158 = vector.shape_cast %add3A_153 : vector<512xi32> to vector<1x512xi32>
    tpu.vector_store %arg4[%swap3A_154, %swap3A_155], %swap3A_158 {strides = array<i32>} : memref<20x512xi32, #tpu.memory_space<vmem>>, vector<1x512xi32>,
    %eq3A_159 = vector.broadcast %broadcast_in_dim3A_150 : vector<1x512xi32> to vector<1024x512xi32>
    %eq3A_160 = arith.cmpi eq, %iota3A, %eq3A_159 : vector<1024x512xi32>
    %jit3A_161 = arith.constant 2147483647 : i32
    %broadcast_in_dim3A_162 = vector.broadcast %jit3A_161 : i32 to vector<1024x512xi32>
    %select_n3A_163 = arith.select %eq3A_160, %broadcast_in_dim3A_162, %select_n3A_139 : vector<1024x512xi1>, vector<1024x512xi32>
    %reduce_min3A_164 = arith.constant dense<2147483647> : vector<512xi32>
    %reduce_min3A_165 = vector.multi_reduction <minsi>, %select_n3A_163, %reduce_min3A_164 [0] : vector<1024x512xi32> to vector<512xi32>
    %broadcast_in_dim3A_166 = vector.shape_cast %reduce_min3A_165 : vector<512xi32> to vector<1x512xi32>
    %eq3A_167 = vector.broadcast %broadcast_in_dim3A_166 : vector<1x512xi32> to vector<1024x512xi32>
    %eq3A_168 = arith.cmpi eq, %select_n3A_163, %eq3A_167 : vector<1024x512xi32>
    %jit3A_169 = arith.constant 1024 : i32
    %broadcast_in_dim3A_170 = vector.broadcast %jit3A_169 : i32 to vector<1024x512xi32>
    %select_n3A_171 = arith.select %eq3A_168, %iota3A, %broadcast_in_dim3A_170 : vector<1024x512xi1>, vector<1024x512xi32>
    %reduce_min3A_172 = arith.constant dense<2147483647> : vector<512xi32>
    %reduce_min3A_173 = vector.multi_reduction <minsi>, %select_n3A_171, %reduce_min3A_172 [0] : vector<1024x512xi32> to vector<512xi32>
    %broadcast_in_dim3A_174 = vector.shape_cast %reduce_min3A_173 : vector<512xi32> to vector<1x512xi32>
    %squeeze3A_175 = vector.shape_cast %broadcast_in_dim3A_174 : vector<1x512xi32> to vector<512xi32>
    %add3A_176 = vector.broadcast %mul3A_25 : i32 to vector<512xi32>
    %add3A_177 = arith.addi %squeeze3A_175, %add3A_176 : vector<512xi32>
    %swap3A_178 = arith.constant 6 : index
    %swap3A_179 = arith.constant 0 : index
    %swap3A_180 = vector.load %arg4[%swap3A_178, %swap3A_179] : memref<20x512xi32, #tpu.memory_space<vmem>>, vector<1x512xi32>
    %swap3A_181 = vector.shape_cast %swap3A_180 : vector<1x512xi32> to vector<512xi32>
    %swap3A_182 = vector.shape_cast %add3A_177 : vector<512xi32> to vector<1x512xi32>
    tpu.vector_store %arg4[%swap3A_178, %swap3A_179], %swap3A_182 {strides = array<i32>} : memref<20x512xi32, #tpu.memory_space<vmem>>, vector<1x512xi32>,
    %eq3A_183 = vector.broadcast %broadcast_in_dim3A_174 : vector<1x512xi32> to vector<1024x512xi32>
    %eq3A_184 = arith.cmpi eq, %iota3A, %eq3A_183 : vector<1024x512xi32>
    %jit3A_185 = arith.constant 2147483647 : i32
    %broadcast_in_dim3A_186 = vector.broadcast %jit3A_185 : i32 to vector<1024x512xi32>
    %select_n3A_187 = arith.select %eq3A_184, %broadcast_in_dim3A_186, %select_n3A_163 : vector<1024x512xi1>, vector<1024x512xi32>
    %reduce_min3A_188 = arith.constant dense<2147483647> : vector<512xi32>
    %reduce_min3A_189 = vector.multi_reduction <minsi>, %select_n3A_187, %reduce_min3A_188 [0] : vector<1024x512xi32> to vector<512xi32>
    %broadcast_in_dim3A_190 = vector.shape_cast %reduce_min3A_189 : vector<512xi32> to vector<1x512xi32>
    %eq3A_191 = vector.broadcast %broadcast_in_dim3A_190 : vector<1x512xi32> to vector<1024x512xi32>
    %eq3A_192 = arith.cmpi eq, %select_n3A_187, %eq3A_191 : vector<1024x512xi32>
    %jit3A_193 = arith.constant 1024 : i32
    %broadcast_in_dim3A_194 = vector.broadcast %jit3A_193 : i32 to vector<1024x512xi32>
    %select_n3A_195 = arith.select %eq3A_192, %iota3A, %broadcast_in_dim3A_194 : vector<1024x512xi1>, vector<1024x512xi32>
    %reduce_min3A_196 = arith.constant dense<2147483647> : vector<512xi32>
    %reduce_min3A_197 = vector.multi_reduction <minsi>, %select_n3A_195, %reduce_min3A_196 [0] : vector<1024x512xi32> to vector<512xi32>
    %broadcast_in_dim3A_198 = vector.shape_cast %reduce_min3A_197 : vector<512xi32> to vector<1x512xi32>
    %squeeze3A_199 = vector.shape_cast %broadcast_in_dim3A_198 : vector<1x512xi32> to vector<512xi32>
    %add3A_200 = vector.broadcast %mul3A_25 : i32 to vector<512xi32>
    %add3A_201 = arith.addi %squeeze3A_199, %add3A_200 : vector<512xi32>
    %swap3A_202 = arith.constant 7 : index
    %swap3A_203 = arith.constant 0 : index
    %swap3A_204 = vector.load %arg4[%swap3A_202, %swap3A_203] : memref<20x512xi32, #tpu.memory_space<vmem>>, vector<1x512xi32>
    %swap3A_205 = vector.shape_cast %swap3A_204 : vector<1x512xi32> to vector<512xi32>
    %swap3A_206 = vector.shape_cast %add3A_201 : vector<512xi32> to vector<1x512xi32>
    tpu.vector_store %arg4[%swap3A_202, %swap3A_203], %swap3A_206 {strides = array<i32>} : memref<20x512xi32, #tpu.memory_space<vmem>>, vector<1x512xi32>,
    %eq3A_207 = vector.broadcast %broadcast_in_dim3A_198 : vector<1x512xi32> to vector<1024x512xi32>
    %eq3A_208 = arith.cmpi eq, %iota3A, %eq3A_207 : vector<1024x512xi32>
    %jit3A_209 = arith.constant 2147483647 : i32
    %broadcast_in_dim3A_210 = vector.broadcast %jit3A_209 : i32 to vector<1024x512xi32>
    %select_n3A_211 = arith.select %eq3A_208, %broadcast_in_dim3A_210, %select_n3A_187 : vector<1024x512xi1>, vector<1024x512xi32>
    %reduce_min3A_212 = arith.constant dense<2147483647> : vector<512xi32>
    %reduce_min3A_213 = vector.multi_reduction <minsi>, %select_n3A_211, %reduce_min3A_212 [0] : vector<1024x512xi32> to vector<512xi32>
    %broadcast_in_dim3A_214 = vector.shape_cast %reduce_min3A_213 : vector<512xi32> to vector<1x512xi32>
    %eq3A_215 = vector.broadcast %broadcast_in_dim3A_214 : vector<1x512xi32> to vector<1024x512xi32>
    %eq3A_216 = arith.cmpi eq, %select_n3A_211, %eq3A_215 : vector<1024x512xi32>
    %jit3A_217 = arith.constant 1024 : i32
    %broadcast_in_dim3A_218 = vector.broadcast %jit3A_217 : i32 to vector<1024x512xi32>
    %select_n3A_219 = arith.select %eq3A_216, %iota3A, %broadcast_in_dim3A_218 : vector<1024x512xi1>, vector<1024x512xi32>
    %reduce_min3A_220 = arith.constant dense<2147483647> : vector<512xi32>
    %reduce_min3A_221 = vector.multi_reduction <minsi>, %select_n3A_219, %reduce_min3A_220 [0] : vector<1024x512xi32> to vector<512xi32>
    %broadcast_in_dim3A_222 = vector.shape_cast %reduce_min3A_221 : vector<512xi32> to vector<1x512xi32>
    %squeeze3A_223 = vector.shape_cast %broadcast_in_dim3A_222 : vector<1x512xi32> to vector<512xi32>
    %add3A_224 = vector.broadcast %mul3A_25 : i32 to vector<512xi32>
    %add3A_225 = arith.addi %squeeze3A_223, %add3A_224 : vector<512xi32>
    %swap3A_226 = arith.constant 8 : index
    %swap3A_227 = arith.constant 0 : index
    %swap3A_228 = vector.load %arg4[%swap3A_226, %swap3A_227] : memref<20x512xi32, #tpu.memory_space<vmem>>, vector<1x512xi32>
    %swap3A_229 = vector.shape_cast %swap3A_228 : vector<1x512xi32> to vector<512xi32>
    %swap3A_230 = vector.shape_cast %add3A_225 : vector<512xi32> to vector<1x512xi32>
    tpu.vector_store %arg4[%swap3A_226, %swap3A_227], %swap3A_230 {strides = array<i32>} : memref<20x512xi32, #tpu.memory_space<vmem>>, vector<1x512xi32>,
    %eq3A_231 = vector.broadcast %broadcast_in_dim3A_222 : vector<1x512xi32> to vector<1024x512xi32>
    %eq3A_232 = arith.cmpi eq, %iota3A, %eq3A_231 : vector<1024x512xi32>
    %jit3A_233 = arith.constant 2147483647 : i32
    %broadcast_in_dim3A_234 = vector.broadcast %jit3A_233 : i32 to vector<1024x512xi32>
    %select_n3A_235 = arith.select %eq3A_232, %broadcast_in_dim3A_234, %select_n3A_211 : vector<1024x512xi1>, vector<1024x512xi32>
    %reduce_min3A_236 = arith.constant dense<2147483647> : vector<512xi32>
    %reduce_min3A_237 = vector.multi_reduction <minsi>, %select_n3A_235, %reduce_min3A_236 [0] : vector<1024x512xi32> to vector<512xi32>
    %broadcast_in_dim3A_238 = vector.shape_cast %reduce_min3A_237 : vector<512xi32> to vector<1x512xi32>
    %eq3A_239 = vector.broadcast %broadcast_in_dim3A_238 : vector<1x512xi32> to vector<1024x512xi32>
    %eq3A_240 = arith.cmpi eq, %select_n3A_235, %eq3A_239 : vector<1024x512xi32>
    %jit3A_241 = arith.constant 1024 : i32
    %broadcast_in_dim3A_242 = vector.broadcast %jit3A_241 : i32 to vector<1024x512xi32>
    %select_n3A_243 = arith.select %eq3A_240, %iota3A, %broadcast_in_dim3A_242 : vector<1024x512xi1>, vector<1024x512xi32>
    %reduce_min3A_244 = arith.constant dense<2147483647> : vector<512xi32>
    %reduce_min3A_245 = vector.multi_reduction <minsi>, %select_n3A_243, %reduce_min3A_244 [0] : vector<1024x512xi32> to vector<512xi32>
    %broadcast_in_dim3A_246 = vector.shape_cast %reduce_min3A_245 : vector<512xi32> to vector<1x512xi32>
    %squeeze3A_247 = vector.shape_cast %broadcast_in_dim3A_246 : vector<1x512xi32> to vector<512xi32>
    %add3A_248 = vector.broadcast %mul3A_25 : i32 to vector<512xi32>
    %add3A_249 = arith.addi %squeeze3A_247, %add3A_248 : vector<512xi32>
    %swap3A_250 = arith.constant 9 : index
    %swap3A_251 = arith.constant 0 : index
    %swap3A_252 = vector.load %arg4[%swap3A_250, %swap3A_251] : memref<20x512xi32, #tpu.memory_space<vmem>>, vector<1x512xi32>
    %swap3A_253 = vector.shape_cast %swap3A_252 : vector<1x512xi32> to vector<512xi32>
    %swap3A_254 = vector.shape_cast %add3A_249 : vector<512xi32> to vector<1x512xi32>
    tpu.vector_store %arg4[%swap3A_250, %swap3A_251], %swap3A_254 {strides = array<i32>} : memref<20x512xi32, #tpu.memory_space<vmem>>, vector<1x512xi32>,
    %eq3A_255 = vector.broadcast %broadcast_in_dim3A_246 : vector<1x512xi32> to vector<1024x512xi32>
    %eq3A_256 = arith.cmpi eq, %iota3A, %eq3A_255 : vector<1024x512xi32>
    %jit3A_257 = arith.constant 2147483647 : i32
    %broadcast_in_dim3A_258 = vector.broadcast %jit3A_257 : i32 to vector<1024x512xi32>
    %select_n3A_259 = arith.select %eq3A_256, %broadcast_in_dim3A_258, %select_n3A_235 : vector<1024x512xi1>, vector<1024x512xi32>
    %reduce_min3A_260 = arith.constant dense<2147483647> : vector<512xi32>
    %reduce_min3A_261 = vector.multi_reduction <minsi>, %select_n3A_259, %reduce_min3A_260 [0] : vector<1024x512xi32> to vector<512xi32>
    %broadcast_in_dim3A_262 = vector.shape_cast %reduce_min3A_261 : vector<512xi32> to vector<1x512xi32>
    %eq3A_263 = vector.broadcast %broadcast_in_dim3A_262 : vector<1x512xi32> to vector<1024x512xi32>
    %eq3A_264 = arith.cmpi eq, %select_n3A_259, %eq3A_263 : vector<1024x512xi32>
    %jit3A_265 = arith.constant 1024 : i32
    %broadcast_in_dim3A_266 = vector.broadcast %jit3A_265 : i32 to vector<1024x512xi32>
    %select_n3A_267 = arith.select %eq3A_264, %iota3A, %broadcast_in_dim3A_266 : vector<1024x512xi1>, vector<1024x512xi32>
    %reduce_min3A_268 = arith.constant dense<2147483647> : vector<512xi32>
    %reduce_min3A_269 = vector.multi_reduction <minsi>, %select_n3A_267, %reduce_min3A_268 [0] : vector<1024x512xi32> to vector<512xi32>
    %broadcast_in_dim3A_270 = vector.shape_cast %reduce_min3A_269 : vector<512xi32> to vector<1x512xi32>
    %squeeze3A_271 = vector.shape_cast %broadcast_in_dim3A_270 : vector<1x512xi32> to vector<512xi32>
    %add3A_272 = vector.broadcast %mul3A_25 : i32 to vector<512xi32>
    %add3A_273 = arith.addi %squeeze3A_271, %add3A_272 : vector<512xi32>
    %swap3A_274 = arith.constant 10 : index
    %swap3A_275 = arith.constant 0 : index
    %swap3A_276 = vector.load %arg4[%swap3A_274, %swap3A_275] : memref<20x512xi32, #tpu.memory_space<vmem>>, vector<1x512xi32>
    %swap3A_277 = vector.shape_cast %swap3A_276 : vector<1x512xi32> to vector<512xi32>
    %swap3A_278 = vector.shape_cast %add3A_273 : vector<512xi32> to vector<1x512xi32>
    tpu.vector_store %arg4[%swap3A_274, %swap3A_275], %swap3A_278 {strides = array<i32>} : memref<20x512xi32, #tpu.memory_space<vmem>>, vector<1x512xi32>,
    %eq3A_279 = vector.broadcast %broadcast_in_dim3A_270 : vector<1x512xi32> to vector<1024x512xi32>
    %eq3A_280 = arith.cmpi eq, %iota3A, %eq3A_279 : vector<1024x512xi32>
    %jit3A_281 = arith.constant 2147483647 : i32
    %broadcast_in_dim3A_282 = vector.broadcast %jit3A_281 : i32 to vector<1024x512xi32>
    %select_n3A_283 = arith.select %eq3A_280, %broadcast_in_dim3A_282, %select_n3A_259 : vector<1024x512xi1>, vector<1024x512xi32>
    %reduce_min3A_284 = arith.constant dense<2147483647> : vector<512xi32>
    %reduce_min3A_285 = vector.multi_reduction <minsi>, %select_n3A_283, %reduce_min3A_284 [0] : vector<1024x512xi32> to vector<512xi32>
    %broadcast_in_dim3A_286 = vector.shape_cast %reduce_min3A_285 : vector<512xi32> to vector<1x512xi32>
    %eq3A_287 = vector.broadcast %broadcast_in_dim3A_286 : vector<1x512xi32> to vector<1024x512xi32>
    %eq3A_288 = arith.cmpi eq, %select_n3A_283, %eq3A_287 : vector<1024x512xi32>
    %jit3A_289 = arith.constant 1024 : i32
    %broadcast_in_dim3A_290 = vector.broadcast %jit3A_289 : i32 to vector<1024x512xi32>
    %select_n3A_291 = arith.select %eq3A_288, %iota3A, %broadcast_in_dim3A_290 : vector<1024x512xi1>, vector<1024x512xi32>
    %reduce_min3A_292 = arith.constant dense<2147483647> : vector<512xi32>
    %reduce_min3A_293 = vector.multi_reduction <minsi>, %select_n3A_291, %reduce_min3A_292 [0] : vector<1024x512xi32> to vector<512xi32>
    %broadcast_in_dim3A_294 = vector.shape_cast %reduce_min3A_293 : vector<512xi32> to vector<1x512xi32>
    %squeeze3A_295 = vector.shape_cast %broadcast_in_dim3A_294 : vector<1x512xi32> to vector<512xi32>
    %add3A_296 = vector.broadcast %mul3A_25 : i32 to vector<512xi32>
    %add3A_297 = arith.addi %squeeze3A_295, %add3A_296 : vector<512xi32>
    %swap3A_298 = arith.constant 11 : index
    %swap3A_299 = arith.constant 0 : index
    %swap3A_300 = vector.load %arg4[%swap3A_298, %swap3A_299] : memref<20x512xi32, #tpu.memory_space<vmem>>, vector<1x512xi32>
    %swap3A_301 = vector.shape_cast %swap3A_300 : vector<1x512xi32> to vector<512xi32>
    %swap3A_302 = vector.shape_cast %add3A_297 : vector<512xi32> to vector<1x512xi32>
    tpu.vector_store %arg4[%swap3A_298, %swap3A_299], %swap3A_302 {strides = array<i32>} : memref<20x512xi32, #tpu.memory_space<vmem>>, vector<1x512xi32>,
    %eq3A_303 = vector.broadcast %broadcast_in_dim3A_294 : vector<1x512xi32> to vector<1024x512xi32>
    %eq3A_304 = arith.cmpi eq, %iota3A, %eq3A_303 : vector<1024x512xi32>
    %jit3A_305 = arith.constant 2147483647 : i32
    %broadcast_in_dim3A_306 = vector.broadcast %jit3A_305 : i32 to vector<1024x512xi32>
    %select_n3A_307 = arith.select %eq3A_304, %broadcast_in_dim3A_306, %select_n3A_283 : vector<1024x512xi1>, vector<1024x512xi32>
    %reduce_min3A_308 = arith.constant dense<2147483647> : vector<512xi32>
    %reduce_min3A_309 = vector.multi_reduction <minsi>, %select_n3A_307, %reduce_min3A_308 [0] : vector<1024x512xi32> to vector<512xi32>
    %broadcast_in_dim3A_310 = vector.shape_cast %reduce_min3A_309 : vector<512xi32> to vector<1x512xi32>
    %eq3A_311 = vector.broadcast %broadcast_in_dim3A_310 : vector<1x512xi32> to vector<1024x512xi32>
    %eq3A_312 = arith.cmpi eq, %select_n3A_307, %eq3A_311 : vector<1024x512xi32>
    %jit3A_313 = arith.constant 1024 : i32
    %broadcast_in_dim3A_314 = vector.broadcast %jit3A_313 : i32 to vector<1024x512xi32>
    %select_n3A_315 = arith.select %eq3A_312, %iota3A, %broadcast_in_dim3A_314 : vector<1024x512xi1>, vector<1024x512xi32>
    %reduce_min3A_316 = arith.constant dense<2147483647> : vector<512xi32>
    %reduce_min3A_317 = vector.multi_reduction <minsi>, %select_n3A_315, %reduce_min3A_316 [0] : vector<1024x512xi32> to vector<512xi32>
    %broadcast_in_dim3A_318 = vector.shape_cast %reduce_min3A_317 : vector<512xi32> to vector<1x512xi32>
    %squeeze3A_319 = vector.shape_cast %broadcast_in_dim3A_318 : vector<1x512xi32> to vector<512xi32>
    %add3A_320 = vector.broadcast %mul3A_25 : i32 to vector<512xi32>
    %add3A_321 = arith.addi %squeeze3A_319, %add3A_320 : vector<512xi32>
    %swap3A_322 = arith.constant 12 : index
    %swap3A_323 = arith.constant 0 : index
    %swap3A_324 = vector.load %arg4[%swap3A_322, %swap3A_323] : memref<20x512xi32, #tpu.memory_space<vmem>>, vector<1x512xi32>
    %swap3A_325 = vector.shape_cast %swap3A_324 : vector<1x512xi32> to vector<512xi32>
    %swap3A_326 = vector.shape_cast %add3A_321 : vector<512xi32> to vector<1x512xi32>
    tpu.vector_store %arg4[%swap3A_322, %swap3A_323], %swap3A_326 {strides = array<i32>} : memref<20x512xi32, #tpu.memory_space<vmem>>, vector<1x512xi32>,
    %eq3A_327 = vector.broadcast %broadcast_in_dim3A_318 : vector<1x512xi32> to vector<1024x512xi32>
    %eq3A_328 = arith.cmpi eq, %iota3A, %eq3A_327 : vector<1024x512xi32>
    %jit3A_329 = arith.constant 2147483647 : i32
    %broadcast_in_dim3A_330 = vector.broadcast %jit3A_329 : i32 to vector<1024x512xi32>
    %select_n3A_331 = arith.select %eq3A_328, %broadcast_in_dim3A_330, %select_n3A_307 : vector<1024x512xi1>, vector<1024x512xi32>
    %reduce_min3A_332 = arith.constant dense<2147483647> : vector<512xi32>
    %reduce_min3A_333 = vector.multi_reduction <minsi>, %select_n3A_331, %reduce_min3A_332 [0] : vector<1024x512xi32> to vector<512xi32>
    %broadcast_in_dim3A_334 = vector.shape_cast %reduce_min3A_333 : vector<512xi32> to vector<1x512xi32>
    %eq3A_335 = vector.broadcast %broadcast_in_dim3A_334 : vector<1x512xi32> to vector<1024x512xi32>
    %eq3A_336 = arith.cmpi eq, %select_n3A_331, %eq3A_335 : vector<1024x512xi32>
    %jit3A_337 = arith.constant 1024 : i32
    %broadcast_in_dim3A_338 = vector.broadcast %jit3A_337 : i32 to vector<1024x512xi32>
    %select_n3A_339 = arith.select %eq3A_336, %iota3A, %broadcast_in_dim3A_338 : vector<1024x512xi1>, vector<1024x512xi32>
    %reduce_min3A_340 = arith.constant dense<2147483647> : vector<512xi32>
    %reduce_min3A_341 = vector.multi_reduction <minsi>, %select_n3A_339, %reduce_min3A_340 [0] : vector<1024x512xi32> to vector<512xi32>
    %broadcast_in_dim3A_342 = vector.shape_cast %reduce_min3A_341 : vector<512xi32> to vector<1x512xi32>
    %squeeze3A_343 = vector.shape_cast %broadcast_in_dim3A_342 : vector<1x512xi32> to vector<512xi32>
    %add3A_344 = vector.broadcast %mul3A_25 : i32 to vector<512xi32>
    %add3A_345 = arith.addi %squeeze3A_343, %add3A_344 : vector<512xi32>
    %swap3A_346 = arith.constant 13 : index
    %swap3A_347 = arith.constant 0 : index
    %swap3A_348 = vector.load %arg4[%swap3A_346, %swap3A_347] : memref<20x512xi32, #tpu.memory_space<vmem>>, vector<1x512xi32>
    %swap3A_349 = vector.shape_cast %swap3A_348 : vector<1x512xi32> to vector<512xi32>
    %swap3A_350 = vector.shape_cast %add3A_345 : vector<512xi32> to vector<1x512xi32>
    tpu.vector_store %arg4[%swap3A_346, %swap3A_347], %swap3A_350 {strides = array<i32>} : memref<20x512xi32, #tpu.memory_space<vmem>>, vector<1x512xi32>,
    %eq3A_351 = vector.broadcast %broadcast_in_dim3A_342 : vector<1x512xi32> to vector<1024x512xi32>
    %eq3A_352 = arith.cmpi eq, %iota3A, %eq3A_351 : vector<1024x512xi32>
    %jit3A_353 = arith.constant 2147483647 : i32
    %broadcast_in_dim3A_354 = vector.broadcast %jit3A_353 : i32 to vector<1024x512xi32>
    %select_n3A_355 = arith.select %eq3A_352, %broadcast_in_dim3A_354, %select_n3A_331 : vector<1024x512xi1>, vector<1024x512xi32>
    %reduce_min3A_356 = arith.constant dense<2147483647> : vector<512xi32>
    %reduce_min3A_357 = vector.multi_reduction <minsi>, %select_n3A_355, %reduce_min3A_356 [0] : vector<1024x512xi32> to vector<512xi32>
    %broadcast_in_dim3A_358 = vector.shape_cast %reduce_min3A_357 : vector<512xi32> to vector<1x512xi32>
    %eq3A_359 = vector.broadcast %broadcast_in_dim3A_358 : vector<1x512xi32> to vector<1024x512xi32>
    %eq3A_360 = arith.cmpi eq, %select_n3A_355, %eq3A_359 : vector<1024x512xi32>
    %jit3A_361 = arith.constant 1024 : i32
    %broadcast_in_dim3A_362 = vector.broadcast %jit3A_361 : i32 to vector<1024x512xi32>
    %select_n3A_363 = arith.select %eq3A_360, %iota3A, %broadcast_in_dim3A_362 : vector<1024x512xi1>, vector<1024x512xi32>
    %reduce_min3A_364 = arith.constant dense<2147483647> : vector<512xi32>
    %reduce_min3A_365 = vector.multi_reduction <minsi>, %select_n3A_363, %reduce_min3A_364 [0] : vector<1024x512xi32> to vector<512xi32>
    %broadcast_in_dim3A_366 = vector.shape_cast %reduce_min3A_365 : vector<512xi32> to vector<1x512xi32>
    %squeeze3A_367 = vector.shape_cast %broadcast_in_dim3A_366 : vector<1x512xi32> to vector<512xi32>
    %add3A_368 = vector.broadcast %mul3A_25 : i32 to vector<512xi32>
    %add3A_369 = arith.addi %squeeze3A_367, %add3A_368 : vector<512xi32>
    %swap3A_370 = arith.constant 14 : index
    %swap3A_371 = arith.constant 0 : index
    %swap3A_372 = vector.load %arg4[%swap3A_370, %swap3A_371] : memref<20x512xi32, #tpu.memory_space<vmem>>, vector<1x512xi32>
    %swap3A_373 = vector.shape_cast %swap3A_372 : vector<1x512xi32> to vector<512xi32>
    %swap3A_374 = vector.shape_cast %add3A_369 : vector<512xi32> to vector<1x512xi32>
    tpu.vector_store %arg4[%swap3A_370, %swap3A_371], %swap3A_374 {strides = array<i32>} : memref<20x512xi32, #tpu.memory_space<vmem>>, vector<1x512xi32>,
    %eq3A_375 = vector.broadcast %broadcast_in_dim3A_366 : vector<1x512xi32> to vector<1024x512xi32>
    %eq3A_376 = arith.cmpi eq, %iota3A, %eq3A_375 : vector<1024x512xi32>
    %jit3A_377 = arith.constant 2147483647 : i32
    %broadcast_in_dim3A_378 = vector.broadcast %jit3A_377 : i32 to vector<1024x512xi32>
    %select_n3A_379 = arith.select %eq3A_376, %broadcast_in_dim3A_378, %select_n3A_355 : vector<1024x512xi1>, vector<1024x512xi32>
    %reduce_min3A_380 = arith.constant dense<2147483647> : vector<512xi32>
    %reduce_min3A_381 = vector.multi_reduction <minsi>, %select_n3A_379, %reduce_min3A_380 [0] : vector<1024x512xi32> to vector<512xi32>
    %broadcast_in_dim3A_382 = vector.shape_cast %reduce_min3A_381 : vector<512xi32> to vector<1x512xi32>
    %eq3A_383 = vector.broadcast %broadcast_in_dim3A_382 : vector<1x512xi32> to vector<1024x512xi32>
    %eq3A_384 = arith.cmpi eq, %select_n3A_379, %eq3A_383 : vector<1024x512xi32>
    %jit3A_385 = arith.constant 1024 : i32
    %broadcast_in_dim3A_386 = vector.broadcast %jit3A_385 : i32 to vector<1024x512xi32>
    %select_n3A_387 = arith.select %eq3A_384, %iota3A, %broadcast_in_dim3A_386 : vector<1024x512xi1>, vector<1024x512xi32>
    %reduce_min3A_388 = arith.constant dense<2147483647> : vector<512xi32>
    %reduce_min3A_389 = vector.multi_reduction <minsi>, %select_n3A_387, %reduce_min3A_388 [0] : vector<1024x512xi32> to vector<512xi32>
    %broadcast_in_dim3A_390 = vector.shape_cast %reduce_min3A_389 : vector<512xi32> to vector<1x512xi32>
    %squeeze3A_391 = vector.shape_cast %broadcast_in_dim3A_390 : vector<1x512xi32> to vector<512xi32>
    %add3A_392 = vector.broadcast %mul3A_25 : i32 to vector<512xi32>
    %add3A_393 = arith.addi %squeeze3A_391, %add3A_392 : vector<512xi32>
    %swap3A_394 = arith.constant 15 : index
    %swap3A_395 = arith.constant 0 : index
    %swap3A_396 = vector.load %arg4[%swap3A_394, %swap3A_395] : memref<20x512xi32, #tpu.memory_space<vmem>>, vector<1x512xi32>
    %swap3A_397 = vector.shape_cast %swap3A_396 : vector<1x512xi32> to vector<512xi32>
    %swap3A_398 = vector.shape_cast %add3A_393 : vector<512xi32> to vector<1x512xi32>
    tpu.vector_store %arg4[%swap3A_394, %swap3A_395], %swap3A_398 {strides = array<i32>} : memref<20x512xi32, #tpu.memory_space<vmem>>, vector<1x512xi32>,
    %eq3A_399 = vector.broadcast %broadcast_in_dim3A_390 : vector<1x512xi32> to vector<1024x512xi32>
    %eq3A_400 = arith.cmpi eq, %iota3A, %eq3A_399 : vector<1024x512xi32>
    %jit3A_401 = arith.constant 2147483647 : i32
    %broadcast_in_dim3A_402 = vector.broadcast %jit3A_401 : i32 to vector<1024x512xi32>
    %select_n3A_403 = arith.select %eq3A_400, %broadcast_in_dim3A_402, %select_n3A_379 : vector<1024x512xi1>, vector<1024x512xi32>
    %reduce_min3A_404 = arith.constant dense<2147483647> : vector<512xi32>
    %reduce_min3A_405 = vector.multi_reduction <minsi>, %select_n3A_403, %reduce_min3A_404 [0] : vector<1024x512xi32> to vector<512xi32>
    %broadcast_in_dim3A_406 = vector.shape_cast %reduce_min3A_405 : vector<512xi32> to vector<1x512xi32>
    %eq3A_407 = vector.broadcast %broadcast_in_dim3A_406 : vector<1x512xi32> to vector<1024x512xi32>
    %eq3A_408 = arith.cmpi eq, %select_n3A_403, %eq3A_407 : vector<1024x512xi32>
    %jit3A_409 = arith.constant 1024 : i32
    %broadcast_in_dim3A_410 = vector.broadcast %jit3A_409 : i32 to vector<1024x512xi32>
    %select_n3A_411 = arith.select %eq3A_408, %iota3A, %broadcast_in_dim3A_410 : vector<1024x512xi1>, vector<1024x512xi32>
    %reduce_min3A_412 = arith.constant dense<2147483647> : vector<512xi32>
    %reduce_min3A_413 = vector.multi_reduction <minsi>, %select_n3A_411, %reduce_min3A_412 [0] : vector<1024x512xi32> to vector<512xi32>
    %broadcast_in_dim3A_414 = vector.shape_cast %reduce_min3A_413 : vector<512xi32> to vector<1x512xi32>
    %squeeze3A_415 = vector.shape_cast %broadcast_in_dim3A_414 : vector<1x512xi32> to vector<512xi32>
    %add3A_416 = vector.broadcast %mul3A_25 : i32 to vector<512xi32>
    %add3A_417 = arith.addi %squeeze3A_415, %add3A_416 : vector<512xi32>
    %swap3A_418 = arith.constant 16 : index
    %swap3A_419 = arith.constant 0 : index
    %swap3A_420 = vector.load %arg4[%swap3A_418, %swap3A_419] : memref<20x512xi32, #tpu.memory_space<vmem>>, vector<1x512xi32>
    %swap3A_421 = vector.shape_cast %swap3A_420 : vector<1x512xi32> to vector<512xi32>
    %swap3A_422 = vector.shape_cast %add3A_417 : vector<512xi32> to vector<1x512xi32>
    tpu.vector_store %arg4[%swap3A_418, %swap3A_419], %swap3A_422 {strides = array<i32>} : memref<20x512xi32, #tpu.memory_space<vmem>>, vector<1x512xi32>,
    %eq3A_423 = vector.broadcast %broadcast_in_dim3A_414 : vector<1x512xi32> to vector<1024x512xi32>
    %eq3A_424 = arith.cmpi eq, %iota3A, %eq3A_423 : vector<1024x512xi32>
    %jit3A_425 = arith.constant 2147483647 : i32
    %broadcast_in_dim3A_426 = vector.broadcast %jit3A_425 : i32 to vector<1024x512xi32>
    %select_n3A_427 = arith.select %eq3A_424, %broadcast_in_dim3A_426, %select_n3A_403 : vector<1024x512xi1>, vector<1024x512xi32>
    %reduce_min3A_428 = arith.constant dense<2147483647> : vector<512xi32>
    %reduce_min3A_429 = vector.multi_reduction <minsi>, %select_n3A_427, %reduce_min3A_428 [0] : vector<1024x512xi32> to vector<512xi32>
    %broadcast_in_dim3A_430 = vector.shape_cast %reduce_min3A_429 : vector<512xi32> to vector<1x512xi32>
    %eq3A_431 = vector.broadcast %broadcast_in_dim3A_430 : vector<1x512xi32> to vector<1024x512xi32>
    %eq3A_432 = arith.cmpi eq, %select_n3A_427, %eq3A_431 : vector<1024x512xi32>
    %jit3A_433 = arith.constant 1024 : i32
    %broadcast_in_dim3A_434 = vector.broadcast %jit3A_433 : i32 to vector<1024x512xi32>
    %select_n3A_435 = arith.select %eq3A_432, %iota3A, %broadcast_in_dim3A_434 : vector<1024x512xi1>, vector<1024x512xi32>
    %reduce_min3A_436 = arith.constant dense<2147483647> : vector<512xi32>
    %reduce_min3A_437 = vector.multi_reduction <minsi>, %select_n3A_435, %reduce_min3A_436 [0] : vector<1024x512xi32> to vector<512xi32>
    %broadcast_in_dim3A_438 = vector.shape_cast %reduce_min3A_437 : vector<512xi32> to vector<1x512xi32>
    %squeeze3A_439 = vector.shape_cast %broadcast_in_dim3A_438 : vector<1x512xi32> to vector<512xi32>
    %add3A_440 = vector.broadcast %mul3A_25 : i32 to vector<512xi32>
    %add3A_441 = arith.addi %squeeze3A_439, %add3A_440 : vector<512xi32>
    %swap3A_442 = arith.constant 17 : index
    %swap3A_443 = arith.constant 0 : index
    %swap3A_444 = vector.load %arg4[%swap3A_442, %swap3A_443] : memref<20x512xi32, #tpu.memory_space<vmem>>, vector<1x512xi32>
    %swap3A_445 = vector.shape_cast %swap3A_444 : vector<1x512xi32> to vector<512xi32>
    %swap3A_446 = vector.shape_cast %add3A_441 : vector<512xi32> to vector<1x512xi32>
    tpu.vector_store %arg4[%swap3A_442, %swap3A_443], %swap3A_446 {strides = array<i32>} : memref<20x512xi32, #tpu.memory_space<vmem>>, vector<1x512xi32>,
    %eq3A_447 = vector.broadcast %broadcast_in_dim3A_438 : vector<1x512xi32> to vector<1024x512xi32>
    %eq3A_448 = arith.cmpi eq, %iota3A, %eq3A_447 : vector<1024x512xi32>
    %jit3A_449 = arith.constant 2147483647 : i32
    %broadcast_in_dim3A_450 = vector.broadcast %jit3A_449 : i32 to vector<1024x512xi32>
    %select_n3A_451 = arith.select %eq3A_448, %broadcast_in_dim3A_450, %select_n3A_427 : vector<1024x512xi1>, vector<1024x512xi32>
    %reduce_min3A_452 = arith.constant dense<2147483647> : vector<512xi32>
    %reduce_min3A_453 = vector.multi_reduction <minsi>, %select_n3A_451, %reduce_min3A_452 [0] : vector<1024x512xi32> to vector<512xi32>
    %broadcast_in_dim3A_454 = vector.shape_cast %reduce_min3A_453 : vector<512xi32> to vector<1x512xi32>
    %eq3A_455 = vector.broadcast %broadcast_in_dim3A_454 : vector<1x512xi32> to vector<1024x512xi32>
    %eq3A_456 = arith.cmpi eq, %select_n3A_451, %eq3A_455 : vector<1024x512xi32>
    %jit3A_457 = arith.constant 1024 : i32
    %broadcast_in_dim3A_458 = vector.broadcast %jit3A_457 : i32 to vector<1024x512xi32>
    %select_n3A_459 = arith.select %eq3A_456, %iota3A, %broadcast_in_dim3A_458 : vector<1024x512xi1>, vector<1024x512xi32>
    %reduce_min3A_460 = arith.constant dense<2147483647> : vector<512xi32>
    %reduce_min3A_461 = vector.multi_reduction <minsi>, %select_n3A_459, %reduce_min3A_460 [0] : vector<1024x512xi32> to vector<512xi32>
    %broadcast_in_dim3A_462 = vector.shape_cast %reduce_min3A_461 : vector<512xi32> to vector<1x512xi32>
    %squeeze3A_463 = vector.shape_cast %broadcast_in_dim3A_462 : vector<1x512xi32> to vector<512xi32>
    %add3A_464 = vector.broadcast %mul3A_25 : i32 to vector<512xi32>
    %add3A_465 = arith.addi %squeeze3A_463, %add3A_464 : vector<512xi32>
    %swap3A_466 = arith.constant 18 : index
    %swap3A_467 = arith.constant 0 : index
    %swap3A_468 = vector.load %arg4[%swap3A_466, %swap3A_467] : memref<20x512xi32, #tpu.memory_space<vmem>>, vector<1x512xi32>
    %swap3A_469 = vector.shape_cast %swap3A_468 : vector<1x512xi32> to vector<512xi32>
    %swap3A_470 = vector.shape_cast %add3A_465 : vector<512xi32> to vector<1x512xi32>
    tpu.vector_store %arg4[%swap3A_466, %swap3A_467], %swap3A_470 {strides = array<i32>} : memref<20x512xi32, #tpu.memory_space<vmem>>, vector<1x512xi32>,
    %eq3A_471 = vector.broadcast %broadcast_in_dim3A_462 : vector<1x512xi32> to vector<1024x512xi32>
    %eq3A_472 = arith.cmpi eq, %iota3A, %eq3A_471 : vector<1024x512xi32>
    %jit3A_473 = arith.constant 2147483647 : i32
    %broadcast_in_dim3A_474 = vector.broadcast %jit3A_473 : i32 to vector<1024x512xi32>
    %select_n3A_475 = arith.select %eq3A_472, %broadcast_in_dim3A_474, %select_n3A_451 : vector<1024x512xi1>, vector<1024x512xi32>
    %reduce_min3A_476 = arith.constant dense<2147483647> : vector<512xi32>
    %reduce_min3A_477 = vector.multi_reduction <minsi>, %select_n3A_475, %reduce_min3A_476 [0] : vector<1024x512xi32> to vector<512xi32>
    %broadcast_in_dim3A_478 = vector.shape_cast %reduce_min3A_477 : vector<512xi32> to vector<1x512xi32>
    %eq3A_479 = vector.broadcast %broadcast_in_dim3A_478 : vector<1x512xi32> to vector<1024x512xi32>
    %eq3A_480 = arith.cmpi eq, %select_n3A_475, %eq3A_479 : vector<1024x512xi32>
    %jit3A_481 = arith.constant 1024 : i32
    %broadcast_in_dim3A_482 = vector.broadcast %jit3A_481 : i32 to vector<1024x512xi32>
    %select_n3A_483 = arith.select %eq3A_480, %iota3A, %broadcast_in_dim3A_482 : vector<1024x512xi1>, vector<1024x512xi32>
    %reduce_min3A_484 = arith.constant dense<2147483647> : vector<512xi32>
    %reduce_min3A_485 = vector.multi_reduction <minsi>, %select_n3A_483, %reduce_min3A_484 [0] : vector<1024x512xi32> to vector<512xi32>
    %broadcast_in_dim3A_486 = vector.shape_cast %reduce_min3A_485 : vector<512xi32> to vector<1x512xi32>
    %squeeze3A_487 = vector.shape_cast %broadcast_in_dim3A_486 : vector<1x512xi32> to vector<512xi32>
    %add3A_488 = vector.broadcast %mul3A_25 : i32 to vector<512xi32>
    %add3A_489 = arith.addi %squeeze3A_487, %add3A_488 : vector<512xi32>
    %swap3A_490 = arith.constant 19 : index
    %swap3A_491 = arith.constant 0 : index
    %swap3A_492 = vector.load %arg4[%swap3A_490, %swap3A_491] : memref<20x512xi32, #tpu.memory_space<vmem>>, vector<1x512xi32>
    %swap3A_493 = vector.shape_cast %swap3A_492 : vector<1x512xi32> to vector<512xi32>
    %swap3A_494 = vector.shape_cast %add3A_489 : vector<512xi32> to vector<1x512xi32>
    tpu.vector_store %arg4[%swap3A_490, %swap3A_491], %swap3A_494 {strides = array<i32>} : memref<20x512xi32, #tpu.memory_space<vmem>>, vector<1x512xi32>,
    return
  }
  func.func @transform_0(%arg0: i32, %arg1: i32) -> (i32, i32, i32) {
    %c0_i32 = arith.constant 0 : i32
    %c0_i32_0 = arith.constant 0 : i32
    %c0_i32_1 = arith.constant 0 : i32
    return %arg0, %c0_i32, %c0_i32_0 : i32, i32, i32
  }
  func.func @transform_1(%arg0: i32, %arg1: i32) -> (i32, i32, i32) {
    %c0_i32 = arith.constant 0 : i32
    %c0_i32_0 = arith.constant 0 : i32
    return %arg0, %c0_i32, %arg1 : i32, i32, i32
  }
  func.func @transform_2(%arg0: i32, %arg1: i32) -> (i32, i32) {
    %mul3A = arith.constant 2 : i32
    %mul3A_0 = arith.muli %arg0, %mul3A : i32
    %add3A = arith.addi %mul3A_0, %arg1 : i32
    %c0_i32 = arith.constant 0 : i32
    %c0_i32_1 = arith.constant 0 : i32
    return %c0_i32, %add3A : i32, i32
  }
}

module attributes {stable_mosaic.version = 14 : i64} {
  func.func @_k9_body(%arg0: i32, %arg1: memref<20x512x128xf32, #tpu.memory_space<vmem>>, %arg2: memref<512x128xf32, #tpu.memory_space<vmem>>, %arg3: memref<128x256xf32, #tpu.memory_space<vmem>>, %arg4: memref<1x256xf32, #tpu.memory_space<vmem>>, %arg5: memref<512x256xf32, #tpu.memory_space<vmem>>, %arg6: memref<512x256xf32, #tpu.memory_space<vmem>>, %arg7: memref<2x256xf32, #tpu.memory_space<vmem>>) attributes {dimension_semantics = [#tpu.dimension_semantics<arbitrary>], iteration_bounds = array<i64: 16>, scalar_prefetch = 0 : i64, scratch_operands = 0 : i64, tpu.core_type = #tpu.core_type<tc>, window_params = [{transform_indices = @transform_0, window_bounds = array<i64: 20, 512, 128>}, {transform_indices = @transform_1, window_bounds = array<i64: 512, 128>}, {pipeline_mode = #tpu.pipeline_mode<synchronous>, transform_indices = @transform_2, window_bounds = array<i64: 128, 256>}, {pipeline_mode = #tpu.pipeline_mode<synchronous>, transform_indices = @transform_3, window_bounds = array<i64: 1, 256>}, {transform_indices = @transform_4, window_bounds = array<i64: 512, 256>}, {transform_indices = @transform_5, window_bounds = array<i64: 512, 256>}, {pipeline_mode = #tpu.pipeline_mode<synchronous>, transform_indices = @transform_6, window_bounds = array<i64: 2, 256>}]} {
    %get3A = arith.constant 0 : index
    %get3A_0 = arith.constant 0 : index
    %get3A_1 = vector.load %arg2[%get3A, %get3A_0] : memref<512x128xf32, #tpu.memory_space<vmem>>, vector<512x64xf32>
    %broadcast_in_dim3A = arith.constant 0.000000e+00 : f32
    %broadcast_in_dim3A_2 = vector.broadcast %broadcast_in_dim3A : f32 to vector<1x256xf32>
    %broadcast_in_dim3A_3 = arith.constant 0.000000e+00 : f32
    %broadcast_in_dim3A_4 = vector.broadcast %broadcast_in_dim3A_3 : f32 to vector<1x256xf32>
    %get3A_5 = arith.constant 0 : index
    %get3A_6 = arith.constant 0 : index
    %get3A_7 = arith.constant 0 : index
    %get3A_8 = vector.load %arg1[%get3A_5, %get3A_6, %get3A_7] : memref<20x512x128xf32, #tpu.memory_space<vmem>>, vector<1x512x128xf32>
    %get3A_9 = vector.shape_cast %get3A_8 : vector<1x512x128xf32> to vector<512x128xf32>
    %slice3A = vector.extract_strided_slice %get3A_9 {offsets = [0, 0], sizes = [512, 64], strides = [1, 1]} : vector<512x128xf32> to vector<512x64xf32>
    %sub3A = arith.subf %slice3A, %get3A_1 : vector<512x64xf32>
    %concatenate3A = tpu.concatenate %get3A_1, %sub3A in 1 : vector<512x64xf32>, vector<512x64xf32> -> vector<512x128xf32>
    %get3A_10 = arith.constant 0 : index
    %get3A_11 = arith.constant 0 : index
    %get3A_12 = vector.load %arg3[%get3A_10, %get3A_11] : memref<128x256xf32, #tpu.memory_space<vmem>>, vector<128x256xf32>
    %dot_general3A = arith.constant dense<0.000000e+00> : vector<512x256xf32>
    %dot_general3A_13 = tpu.matmul %concatenate3A, %get3A_12, %dot_general3A {dimension_numbers = #tpu.dot_dimension_numbers<[1], [0], [0], [1], [0, 0, 1, 1], [], []>, transpose_lhs_hint = false} : vector<512x128xf32>, vector<128x256xf32>, vector<512x256xf32> -> vector<512x256xf32>
    %get3A_14 = arith.constant 0 : index
    %get3A_15 = arith.constant 0 : index
    %get3A_16 = vector.load %arg4[%get3A_14, %get3A_15] : memref<1x256xf32, #tpu.memory_space<vmem>>, vector<1x256xf32>
    %add3A = vector.broadcast %get3A_16 : vector<1x256xf32> to vector<512x256xf32>
    %add3A_17 = arith.addf %dot_general3A_13, %add3A : vector<512x256xf32>
    %max3A = arith.constant 0.000000e+00 : f32
    %max3A_18 = vector.broadcast %max3A : f32 to vector<512x256xf32>
    %max3A_19 = arith.maximumf %add3A_17, %max3A_18 : vector<512x256xf32>
    %reduce_sum3A = arith.constant dense<0.000000e+00> : vector<256xf32>
    %reduce_sum3A_20 = vector.multi_reduction <add>, %max3A_19, %reduce_sum3A [0] : vector<512x256xf32> to vector<256xf32>
    %broadcast_in_dim3A_21 = vector.shape_cast %reduce_sum3A_20 : vector<256xf32> to vector<1x256xf32>
    %add3A_22 = arith.addf %broadcast_in_dim3A_2, %broadcast_in_dim3A_21 : vector<1x256xf32>
    %mul3A = arith.mulf %max3A_19, %max3A_19 : vector<512x256xf32>
    %reduce_sum3A_23 = arith.constant dense<0.000000e+00> : vector<256xf32>
    %reduce_sum3A_24 = vector.multi_reduction <add>, %mul3A, %reduce_sum3A_23 [0] : vector<512x256xf32> to vector<256xf32>
    %broadcast_in_dim3A_25 = vector.shape_cast %reduce_sum3A_24 : vector<256xf32> to vector<1x256xf32>
    %add3A_26 = arith.addf %broadcast_in_dim3A_4, %broadcast_in_dim3A_25 : vector<1x256xf32>
    %get3A_27 = arith.constant 1 : index
    %get3A_28 = arith.constant 0 : index
    %get3A_29 = arith.constant 0 : index
    %get3A_30 = vector.load %arg1[%get3A_27, %get3A_28, %get3A_29] : memref<20x512x128xf32, #tpu.memory_space<vmem>>, vector<1x512x128xf32>
    %get3A_31 = vector.shape_cast %get3A_30 : vector<1x512x128xf32> to vector<512x128xf32>
    %slice3A_32 = vector.extract_strided_slice %get3A_31 {offsets = [0, 0], sizes = [512, 64], strides = [1, 1]} : vector<512x128xf32> to vector<512x64xf32>
    %sub3A_33 = arith.subf %slice3A_32, %get3A_1 : vector<512x64xf32>
    %concatenate3A_34 = tpu.concatenate %get3A_1, %sub3A_33 in 1 : vector<512x64xf32>, vector<512x64xf32> -> vector<512x128xf32>
    %get3A_35 = arith.constant 0 : index
    %get3A_36 = arith.constant 0 : index
    %get3A_37 = vector.load %arg3[%get3A_35, %get3A_36] : memref<128x256xf32, #tpu.memory_space<vmem>>, vector<128x256xf32>
    %dot_general3A_38 = arith.constant dense<0.000000e+00> : vector<512x256xf32>
    %dot_general3A_39 = tpu.matmul %concatenate3A_34, %get3A_37, %dot_general3A_38 {dimension_numbers = #tpu.dot_dimension_numbers<[1], [0], [0], [1], [0, 0, 1, 1], [], []>, transpose_lhs_hint = false} : vector<512x128xf32>, vector<128x256xf32>, vector<512x256xf32> -> vector<512x256xf32>
    %get3A_40 = arith.constant 0 : index
    %get3A_41 = arith.constant 0 : index
    %get3A_42 = vector.load %arg4[%get3A_40, %get3A_41] : memref<1x256xf32, #tpu.memory_space<vmem>>, vector<1x256xf32>
    %add3A_43 = vector.broadcast %get3A_42 : vector<1x256xf32> to vector<512x256xf32>
    %add3A_44 = arith.addf %dot_general3A_39, %add3A_43 : vector<512x256xf32>
    %max3A_45 = arith.constant 0.000000e+00 : f32
    %max3A_46 = vector.broadcast %max3A_45 : f32 to vector<512x256xf32>
    %max3A_47 = arith.maximumf %add3A_44, %max3A_46 : vector<512x256xf32>
    %reduce_sum3A_48 = arith.constant dense<0.000000e+00> : vector<256xf32>
    %reduce_sum3A_49 = vector.multi_reduction <add>, %max3A_47, %reduce_sum3A_48 [0] : vector<512x256xf32> to vector<256xf32>
    %broadcast_in_dim3A_50 = vector.shape_cast %reduce_sum3A_49 : vector<256xf32> to vector<1x256xf32>
    %add3A_51 = arith.addf %add3A_22, %broadcast_in_dim3A_50 : vector<1x256xf32>
    %mul3A_52 = arith.mulf %max3A_47, %max3A_47 : vector<512x256xf32>
    %reduce_sum3A_53 = arith.constant dense<0.000000e+00> : vector<256xf32>
    %reduce_sum3A_54 = vector.multi_reduction <add>, %mul3A_52, %reduce_sum3A_53 [0] : vector<512x256xf32> to vector<256xf32>
    %broadcast_in_dim3A_55 = vector.shape_cast %reduce_sum3A_54 : vector<256xf32> to vector<1x256xf32>
    %add3A_56 = arith.addf %add3A_26, %broadcast_in_dim3A_55 : vector<1x256xf32>
    %max3A_57 = arith.maximumf %max3A_19, %max3A_47 : vector<512x256xf32>
    %min3A = arith.minimumf %max3A_19, %max3A_47 : vector<512x256xf32>
    %get3A_58 = arith.constant 2 : index
    %get3A_59 = arith.constant 0 : index
    %get3A_60 = arith.constant 0 : index
    %get3A_61 = vector.load %arg1[%get3A_58, %get3A_59, %get3A_60] : memref<20x512x128xf32, #tpu.memory_space<vmem>>, vector<1x512x128xf32>
    %get3A_62 = vector.shape_cast %get3A_61 : vector<1x512x128xf32> to vector<512x128xf32>
    %slice3A_63 = vector.extract_strided_slice %get3A_62 {offsets = [0, 0], sizes = [512, 64], strides = [1, 1]} : vector<512x128xf32> to vector<512x64xf32>
    %sub3A_64 = arith.subf %slice3A_63, %get3A_1 : vector<512x64xf32>
    %concatenate3A_65 = tpu.concatenate %get3A_1, %sub3A_64 in 1 : vector<512x64xf32>, vector<512x64xf32> -> vector<512x128xf32>
    %get3A_66 = arith.constant 0 : index
    %get3A_67 = arith.constant 0 : index
    %get3A_68 = vector.load %arg3[%get3A_66, %get3A_67] : memref<128x256xf32, #tpu.memory_space<vmem>>, vector<128x256xf32>
    %dot_general3A_69 = arith.constant dense<0.000000e+00> : vector<512x256xf32>
    %dot_general3A_70 = tpu.matmul %concatenate3A_65, %get3A_68, %dot_general3A_69 {dimension_numbers = #tpu.dot_dimension_numbers<[1], [0], [0], [1], [0, 0, 1, 1], [], []>, transpose_lhs_hint = false} : vector<512x128xf32>, vector<128x256xf32>, vector<512x256xf32> -> vector<512x256xf32>
    %get3A_71 = arith.constant 0 : index
    %get3A_72 = arith.constant 0 : index
    %get3A_73 = vector.load %arg4[%get3A_71, %get3A_72] : memref<1x256xf32, #tpu.memory_space<vmem>>, vector<1x256xf32>
    %add3A_74 = vector.broadcast %get3A_73 : vector<1x256xf32> to vector<512x256xf32>
    %add3A_75 = arith.addf %dot_general3A_70, %add3A_74 : vector<512x256xf32>
    %max3A_76 = arith.constant 0.000000e+00 : f32
    %max3A_77 = vector.broadcast %max3A_76 : f32 to vector<512x256xf32>
    %max3A_78 = arith.maximumf %add3A_75, %max3A_77 : vector<512x256xf32>
    %reduce_sum3A_79 = arith.constant dense<0.000000e+00> : vector<256xf32>
    %reduce_sum3A_80 = vector.multi_reduction <add>, %max3A_78, %reduce_sum3A_79 [0] : vector<512x256xf32> to vector<256xf32>
    %broadcast_in_dim3A_81 = vector.shape_cast %reduce_sum3A_80 : vector<256xf32> to vector<1x256xf32>
    %add3A_82 = arith.addf %add3A_51, %broadcast_in_dim3A_81 : vector<1x256xf32>
    %mul3A_83 = arith.mulf %max3A_78, %max3A_78 : vector<512x256xf32>
    %reduce_sum3A_84 = arith.constant dense<0.000000e+00> : vector<256xf32>
    %reduce_sum3A_85 = vector.multi_reduction <add>, %mul3A_83, %reduce_sum3A_84 [0] : vector<512x256xf32> to vector<256xf32>
    %broadcast_in_dim3A_86 = vector.shape_cast %reduce_sum3A_85 : vector<256xf32> to vector<1x256xf32>
    %add3A_87 = arith.addf %add3A_56, %broadcast_in_dim3A_86 : vector<1x256xf32>
    %max3A_88 = arith.maximumf %max3A_57, %max3A_78 : vector<512x256xf32>
    %min3A_89 = arith.minimumf %min3A, %max3A_78 : vector<512x256xf32>
    %get3A_90 = arith.constant 3 : index
    %get3A_91 = arith.constant 0 : index
    %get3A_92 = arith.constant 0 : index
    %get3A_93 = vector.load %arg1[%get3A_90, %get3A_91, %get3A_92] : memref<20x512x128xf32, #tpu.memory_space<vmem>>, vector<1x512x128xf32>
    %get3A_94 = vector.shape_cast %get3A_93 : vector<1x512x128xf32> to vector<512x128xf32>
    %slice3A_95 = vector.extract_strided_slice %get3A_94 {offsets = [0, 0], sizes = [512, 64], strides = [1, 1]} : vector<512x128xf32> to vector<512x64xf32>
    %sub3A_96 = arith.subf %slice3A_95, %get3A_1 : vector<512x64xf32>
    %concatenate3A_97 = tpu.concatenate %get3A_1, %sub3A_96 in 1 : vector<512x64xf32>, vector<512x64xf32> -> vector<512x128xf32>
    %get3A_98 = arith.constant 0 : index
    %get3A_99 = arith.constant 0 : index
    %get3A_100 = vector.load %arg3[%get3A_98, %get3A_99] : memref<128x256xf32, #tpu.memory_space<vmem>>, vector<128x256xf32>
    %dot_general3A_101 = arith.constant dense<0.000000e+00> : vector<512x256xf32>
    %dot_general3A_102 = tpu.matmul %concatenate3A_97, %get3A_100, %dot_general3A_101 {dimension_numbers = #tpu.dot_dimension_numbers<[1], [0], [0], [1], [0, 0, 1, 1], [], []>, transpose_lhs_hint = false} : vector<512x128xf32>, vector<128x256xf32>, vector<512x256xf32> -> vector<512x256xf32>
    %get3A_103 = arith.constant 0 : index
    %get3A_104 = arith.constant 0 : index
    %get3A_105 = vector.load %arg4[%get3A_103, %get3A_104] : memref<1x256xf32, #tpu.memory_space<vmem>>, vector<1x256xf32>
    %add3A_106 = vector.broadcast %get3A_105 : vector<1x256xf32> to vector<512x256xf32>
    %add3A_107 = arith.addf %dot_general3A_102, %add3A_106 : vector<512x256xf32>
    %max3A_108 = arith.constant 0.000000e+00 : f32
    %max3A_109 = vector.broadcast %max3A_108 : f32 to vector<512x256xf32>
    %max3A_110 = arith.maximumf %add3A_107, %max3A_109 : vector<512x256xf32>
    %reduce_sum3A_111 = arith.constant dense<0.000000e+00> : vector<256xf32>
    %reduce_sum3A_112 = vector.multi_reduction <add>, %max3A_110, %reduce_sum3A_111 [0] : vector<512x256xf32> to vector<256xf32>
    %broadcast_in_dim3A_113 = vector.shape_cast %reduce_sum3A_112 : vector<256xf32> to vector<1x256xf32>
    %add3A_114 = arith.addf %add3A_82, %broadcast_in_dim3A_113 : vector<1x256xf32>
    %mul3A_115 = arith.mulf %max3A_110, %max3A_110 : vector<512x256xf32>
    %reduce_sum3A_116 = arith.constant dense<0.000000e+00> : vector<256xf32>
    %reduce_sum3A_117 = vector.multi_reduction <add>, %mul3A_115, %reduce_sum3A_116 [0] : vector<512x256xf32> to vector<256xf32>
    %broadcast_in_dim3A_118 = vector.shape_cast %reduce_sum3A_117 : vector<256xf32> to vector<1x256xf32>
    %add3A_119 = arith.addf %add3A_87, %broadcast_in_dim3A_118 : vector<1x256xf32>
    %max3A_120 = arith.maximumf %max3A_88, %max3A_110 : vector<512x256xf32>
    %min3A_121 = arith.minimumf %min3A_89, %max3A_110 : vector<512x256xf32>
    %get3A_122 = arith.constant 4 : index
    %get3A_123 = arith.constant 0 : index
    %get3A_124 = arith.constant 0 : index
    %get3A_125 = vector.load %arg1[%get3A_122, %get3A_123, %get3A_124] : memref<20x512x128xf32, #tpu.memory_space<vmem>>, vector<1x512x128xf32>
    %get3A_126 = vector.shape_cast %get3A_125 : vector<1x512x128xf32> to vector<512x128xf32>
    %slice3A_127 = vector.extract_strided_slice %get3A_126 {offsets = [0, 0], sizes = [512, 64], strides = [1, 1]} : vector<512x128xf32> to vector<512x64xf32>
    %sub3A_128 = arith.subf %slice3A_127, %get3A_1 : vector<512x64xf32>
    %concatenate3A_129 = tpu.concatenate %get3A_1, %sub3A_128 in 1 : vector<512x64xf32>, vector<512x64xf32> -> vector<512x128xf32>
    %get3A_130 = arith.constant 0 : index
    %get3A_131 = arith.constant 0 : index
    %get3A_132 = vector.load %arg3[%get3A_130, %get3A_131] : memref<128x256xf32, #tpu.memory_space<vmem>>, vector<128x256xf32>
    %dot_general3A_133 = arith.constant dense<0.000000e+00> : vector<512x256xf32>
    %dot_general3A_134 = tpu.matmul %concatenate3A_129, %get3A_132, %dot_general3A_133 {dimension_numbers = #tpu.dot_dimension_numbers<[1], [0], [0], [1], [0, 0, 1, 1], [], []>, transpose_lhs_hint = false} : vector<512x128xf32>, vector<128x256xf32>, vector<512x256xf32> -> vector<512x256xf32>
    %get3A_135 = arith.constant 0 : index
    %get3A_136 = arith.constant 0 : index
    %get3A_137 = vector.load %arg4[%get3A_135, %get3A_136] : memref<1x256xf32, #tpu.memory_space<vmem>>, vector<1x256xf32>
    %add3A_138 = vector.broadcast %get3A_137 : vector<1x256xf32> to vector<512x256xf32>
    %add3A_139 = arith.addf %dot_general3A_134, %add3A_138 : vector<512x256xf32>
    %max3A_140 = arith.constant 0.000000e+00 : f32
    %max3A_141 = vector.broadcast %max3A_140 : f32 to vector<512x256xf32>
    %max3A_142 = arith.maximumf %add3A_139, %max3A_141 : vector<512x256xf32>
    %reduce_sum3A_143 = arith.constant dense<0.000000e+00> : vector<256xf32>
    %reduce_sum3A_144 = vector.multi_reduction <add>, %max3A_142, %reduce_sum3A_143 [0] : vector<512x256xf32> to vector<256xf32>
    %broadcast_in_dim3A_145 = vector.shape_cast %reduce_sum3A_144 : vector<256xf32> to vector<1x256xf32>
    %add3A_146 = arith.addf %add3A_114, %broadcast_in_dim3A_145 : vector<1x256xf32>
    %mul3A_147 = arith.mulf %max3A_142, %max3A_142 : vector<512x256xf32>
    %reduce_sum3A_148 = arith.constant dense<0.000000e+00> : vector<256xf32>
    %reduce_sum3A_149 = vector.multi_reduction <add>, %mul3A_147, %reduce_sum3A_148 [0] : vector<512x256xf32> to vector<256xf32>
    %broadcast_in_dim3A_150 = vector.shape_cast %reduce_sum3A_149 : vector<256xf32> to vector<1x256xf32>
    %add3A_151 = arith.addf %add3A_119, %broadcast_in_dim3A_150 : vector<1x256xf32>
    %max3A_152 = arith.maximumf %max3A_120, %max3A_142 : vector<512x256xf32>
    %min3A_153 = arith.minimumf %min3A_121, %max3A_142 : vector<512x256xf32>
    %get3A_154 = arith.constant 5 : index
    %get3A_155 = arith.constant 0 : index
    %get3A_156 = arith.constant 0 : index
    %get3A_157 = vector.load %arg1[%get3A_154, %get3A_155, %get3A_156] : memref<20x512x128xf32, #tpu.memory_space<vmem>>, vector<1x512x128xf32>
    %get3A_158 = vector.shape_cast %get3A_157 : vector<1x512x128xf32> to vector<512x128xf32>
    %slice3A_159 = vector.extract_strided_slice %get3A_158 {offsets = [0, 0], sizes = [512, 64], strides = [1, 1]} : vector<512x128xf32> to vector<512x64xf32>
    %sub3A_160 = arith.subf %slice3A_159, %get3A_1 : vector<512x64xf32>
    %concatenate3A_161 = tpu.concatenate %get3A_1, %sub3A_160 in 1 : vector<512x64xf32>, vector<512x64xf32> -> vector<512x128xf32>
    %get3A_162 = arith.constant 0 : index
    %get3A_163 = arith.constant 0 : index
    %get3A_164 = vector.load %arg3[%get3A_162, %get3A_163] : memref<128x256xf32, #tpu.memory_space<vmem>>, vector<128x256xf32>
    %dot_general3A_165 = arith.constant dense<0.000000e+00> : vector<512x256xf32>
    %dot_general3A_166 = tpu.matmul %concatenate3A_161, %get3A_164, %dot_general3A_165 {dimension_numbers = #tpu.dot_dimension_numbers<[1], [0], [0], [1], [0, 0, 1, 1], [], []>, transpose_lhs_hint = false} : vector<512x128xf32>, vector<128x256xf32>, vector<512x256xf32> -> vector<512x256xf32>
    %get3A_167 = arith.constant 0 : index
    %get3A_168 = arith.constant 0 : index
    %get3A_169 = vector.load %arg4[%get3A_167, %get3A_168] : memref<1x256xf32, #tpu.memory_space<vmem>>, vector<1x256xf32>
    %add3A_170 = vector.broadcast %get3A_169 : vector<1x256xf32> to vector<512x256xf32>
    %add3A_171 = arith.addf %dot_general3A_166, %add3A_170 : vector<512x256xf32>
    %max3A_172 = arith.constant 0.000000e+00 : f32
    %max3A_173 = vector.broadcast %max3A_172 : f32 to vector<512x256xf32>
    %max3A_174 = arith.maximumf %add3A_171, %max3A_173 : vector<512x256xf32>
    %reduce_sum3A_175 = arith.constant dense<0.000000e+00> : vector<256xf32>
    %reduce_sum3A_176 = vector.multi_reduction <add>, %max3A_174, %reduce_sum3A_175 [0] : vector<512x256xf32> to vector<256xf32>
    %broadcast_in_dim3A_177 = vector.shape_cast %reduce_sum3A_176 : vector<256xf32> to vector<1x256xf32>
    %add3A_178 = arith.addf %add3A_146, %broadcast_in_dim3A_177 : vector<1x256xf32>
    %mul3A_179 = arith.mulf %max3A_174, %max3A_174 : vector<512x256xf32>
    %reduce_sum3A_180 = arith.constant dense<0.000000e+00> : vector<256xf32>
    %reduce_sum3A_181 = vector.multi_reduction <add>, %mul3A_179, %reduce_sum3A_180 [0] : vector<512x256xf32> to vector<256xf32>
    %broadcast_in_dim3A_182 = vector.shape_cast %reduce_sum3A_181 : vector<256xf32> to vector<1x256xf32>
    %add3A_183 = arith.addf %add3A_151, %broadcast_in_dim3A_182 : vector<1x256xf32>
    %max3A_184 = arith.maximumf %max3A_152, %max3A_174 : vector<512x256xf32>
    %min3A_185 = arith.minimumf %min3A_153, %max3A_174 : vector<512x256xf32>
    %get3A_186 = arith.constant 6 : index
    %get3A_187 = arith.constant 0 : index
    %get3A_188 = arith.constant 0 : index
    %get3A_189 = vector.load %arg1[%get3A_186, %get3A_187, %get3A_188] : memref<20x512x128xf32, #tpu.memory_space<vmem>>, vector<1x512x128xf32>
    %get3A_190 = vector.shape_cast %get3A_189 : vector<1x512x128xf32> to vector<512x128xf32>
    %slice3A_191 = vector.extract_strided_slice %get3A_190 {offsets = [0, 0], sizes = [512, 64], strides = [1, 1]} : vector<512x128xf32> to vector<512x64xf32>
    %sub3A_192 = arith.subf %slice3A_191, %get3A_1 : vector<512x64xf32>
    %concatenate3A_193 = tpu.concatenate %get3A_1, %sub3A_192 in 1 : vector<512x64xf32>, vector<512x64xf32> -> vector<512x128xf32>
    %get3A_194 = arith.constant 0 : index
    %get3A_195 = arith.constant 0 : index
    %get3A_196 = vector.load %arg3[%get3A_194, %get3A_195] : memref<128x256xf32, #tpu.memory_space<vmem>>, vector<128x256xf32>
    %dot_general3A_197 = arith.constant dense<0.000000e+00> : vector<512x256xf32>
    %dot_general3A_198 = tpu.matmul %concatenate3A_193, %get3A_196, %dot_general3A_197 {dimension_numbers = #tpu.dot_dimension_numbers<[1], [0], [0], [1], [0, 0, 1, 1], [], []>, transpose_lhs_hint = false} : vector<512x128xf32>, vector<128x256xf32>, vector<512x256xf32> -> vector<512x256xf32>
    %get3A_199 = arith.constant 0 : index
    %get3A_200 = arith.constant 0 : index
    %get3A_201 = vector.load %arg4[%get3A_199, %get3A_200] : memref<1x256xf32, #tpu.memory_space<vmem>>, vector<1x256xf32>
    %add3A_202 = vector.broadcast %get3A_201 : vector<1x256xf32> to vector<512x256xf32>
    %add3A_203 = arith.addf %dot_general3A_198, %add3A_202 : vector<512x256xf32>
    %max3A_204 = arith.constant 0.000000e+00 : f32
    %max3A_205 = vector.broadcast %max3A_204 : f32 to vector<512x256xf32>
    %max3A_206 = arith.maximumf %add3A_203, %max3A_205 : vector<512x256xf32>
    %reduce_sum3A_207 = arith.constant dense<0.000000e+00> : vector<256xf32>
    %reduce_sum3A_208 = vector.multi_reduction <add>, %max3A_206, %reduce_sum3A_207 [0] : vector<512x256xf32> to vector<256xf32>
    %broadcast_in_dim3A_209 = vector.shape_cast %reduce_sum3A_208 : vector<256xf32> to vector<1x256xf32>
    %add3A_210 = arith.addf %add3A_178, %broadcast_in_dim3A_209 : vector<1x256xf32>
    %mul3A_211 = arith.mulf %max3A_206, %max3A_206 : vector<512x256xf32>
    %reduce_sum3A_212 = arith.constant dense<0.000000e+00> : vector<256xf32>
    %reduce_sum3A_213 = vector.multi_reduction <add>, %mul3A_211, %reduce_sum3A_212 [0] : vector<512x256xf32> to vector<256xf32>
    %broadcast_in_dim3A_214 = vector.shape_cast %reduce_sum3A_213 : vector<256xf32> to vector<1x256xf32>
    %add3A_215 = arith.addf %add3A_183, %broadcast_in_dim3A_214 : vector<1x256xf32>
    %max3A_216 = arith.maximumf %max3A_184, %max3A_206 : vector<512x256xf32>
    %min3A_217 = arith.minimumf %min3A_185, %max3A_206 : vector<512x256xf32>
    %get3A_218 = arith.constant 7 : index
    %get3A_219 = arith.constant 0 : index
    %get3A_220 = arith.constant 0 : index
    %get3A_221 = vector.load %arg1[%get3A_218, %get3A_219, %get3A_220] : memref<20x512x128xf32, #tpu.memory_space<vmem>>, vector<1x512x128xf32>
    %get3A_222 = vector.shape_cast %get3A_221 : vector<1x512x128xf32> to vector<512x128xf32>
    %slice3A_223 = vector.extract_strided_slice %get3A_222 {offsets = [0, 0], sizes = [512, 64], strides = [1, 1]} : vector<512x128xf32> to vector<512x64xf32>
    %sub3A_224 = arith.subf %slice3A_223, %get3A_1 : vector<512x64xf32>
    %concatenate3A_225 = tpu.concatenate %get3A_1, %sub3A_224 in 1 : vector<512x64xf32>, vector<512x64xf32> -> vector<512x128xf32>
    %get3A_226 = arith.constant 0 : index
    %get3A_227 = arith.constant 0 : index
    %get3A_228 = vector.load %arg3[%get3A_226, %get3A_227] : memref<128x256xf32, #tpu.memory_space<vmem>>, vector<128x256xf32>
    %dot_general3A_229 = arith.constant dense<0.000000e+00> : vector<512x256xf32>
    %dot_general3A_230 = tpu.matmul %concatenate3A_225, %get3A_228, %dot_general3A_229 {dimension_numbers = #tpu.dot_dimension_numbers<[1], [0], [0], [1], [0, 0, 1, 1], [], []>, transpose_lhs_hint = false} : vector<512x128xf32>, vector<128x256xf32>, vector<512x256xf32> -> vector<512x256xf32>
    %get3A_231 = arith.constant 0 : index
    %get3A_232 = arith.constant 0 : index
    %get3A_233 = vector.load %arg4[%get3A_231, %get3A_232] : memref<1x256xf32, #tpu.memory_space<vmem>>, vector<1x256xf32>
    %add3A_234 = vector.broadcast %get3A_233 : vector<1x256xf32> to vector<512x256xf32>
    %add3A_235 = arith.addf %dot_general3A_230, %add3A_234 : vector<512x256xf32>
    %max3A_236 = arith.constant 0.000000e+00 : f32
    %max3A_237 = vector.broadcast %max3A_236 : f32 to vector<512x256xf32>
    %max3A_238 = arith.maximumf %add3A_235, %max3A_237 : vector<512x256xf32>
    %reduce_sum3A_239 = arith.constant dense<0.000000e+00> : vector<256xf32>
    %reduce_sum3A_240 = vector.multi_reduction <add>, %max3A_238, %reduce_sum3A_239 [0] : vector<512x256xf32> to vector<256xf32>
    %broadcast_in_dim3A_241 = vector.shape_cast %reduce_sum3A_240 : vector<256xf32> to vector<1x256xf32>
    %add3A_242 = arith.addf %add3A_210, %broadcast_in_dim3A_241 : vector<1x256xf32>
    %mul3A_243 = arith.mulf %max3A_238, %max3A_238 : vector<512x256xf32>
    %reduce_sum3A_244 = arith.constant dense<0.000000e+00> : vector<256xf32>
    %reduce_sum3A_245 = vector.multi_reduction <add>, %mul3A_243, %reduce_sum3A_244 [0] : vector<512x256xf32> to vector<256xf32>
    %broadcast_in_dim3A_246 = vector.shape_cast %reduce_sum3A_245 : vector<256xf32> to vector<1x256xf32>
    %add3A_247 = arith.addf %add3A_215, %broadcast_in_dim3A_246 : vector<1x256xf32>
    %max3A_248 = arith.maximumf %max3A_216, %max3A_238 : vector<512x256xf32>
    %min3A_249 = arith.minimumf %min3A_217, %max3A_238 : vector<512x256xf32>
    %get3A_250 = arith.constant 8 : index
    %get3A_251 = arith.constant 0 : index
    %get3A_252 = arith.constant 0 : index
    %get3A_253 = vector.load %arg1[%get3A_250, %get3A_251, %get3A_252] : memref<20x512x128xf32, #tpu.memory_space<vmem>>, vector<1x512x128xf32>
    %get3A_254 = vector.shape_cast %get3A_253 : vector<1x512x128xf32> to vector<512x128xf32>
    %slice3A_255 = vector.extract_strided_slice %get3A_254 {offsets = [0, 0], sizes = [512, 64], strides = [1, 1]} : vector<512x128xf32> to vector<512x64xf32>
    %sub3A_256 = arith.subf %slice3A_255, %get3A_1 : vector<512x64xf32>
    %concatenate3A_257 = tpu.concatenate %get3A_1, %sub3A_256 in 1 : vector<512x64xf32>, vector<512x64xf32> -> vector<512x128xf32>
    %get3A_258 = arith.constant 0 : index
    %get3A_259 = arith.constant 0 : index
    %get3A_260 = vector.load %arg3[%get3A_258, %get3A_259] : memref<128x256xf32, #tpu.memory_space<vmem>>, vector<128x256xf32>
    %dot_general3A_261 = arith.constant dense<0.000000e+00> : vector<512x256xf32>
    %dot_general3A_262 = tpu.matmul %concatenate3A_257, %get3A_260, %dot_general3A_261 {dimension_numbers = #tpu.dot_dimension_numbers<[1], [0], [0], [1], [0, 0, 1, 1], [], []>, transpose_lhs_hint = false} : vector<512x128xf32>, vector<128x256xf32>, vector<512x256xf32> -> vector<512x256xf32>
    %get3A_263 = arith.constant 0 : index
    %get3A_264 = arith.constant 0 : index
    %get3A_265 = vector.load %arg4[%get3A_263, %get3A_264] : memref<1x256xf32, #tpu.memory_space<vmem>>, vector<1x256xf32>
    %add3A_266 = vector.broadcast %get3A_265 : vector<1x256xf32> to vector<512x256xf32>
    %add3A_267 = arith.addf %dot_general3A_262, %add3A_266 : vector<512x256xf32>
    %max3A_268 = arith.constant 0.000000e+00 : f32
    %max3A_269 = vector.broadcast %max3A_268 : f32 to vector<512x256xf32>
    %max3A_270 = arith.maximumf %add3A_267, %max3A_269 : vector<512x256xf32>
    %reduce_sum3A_271 = arith.constant dense<0.000000e+00> : vector<256xf32>
    %reduce_sum3A_272 = vector.multi_reduction <add>, %max3A_270, %reduce_sum3A_271 [0] : vector<512x256xf32> to vector<256xf32>
    %broadcast_in_dim3A_273 = vector.shape_cast %reduce_sum3A_272 : vector<256xf32> to vector<1x256xf32>
    %add3A_274 = arith.addf %add3A_242, %broadcast_in_dim3A_273 : vector<1x256xf32>
    %mul3A_275 = arith.mulf %max3A_270, %max3A_270 : vector<512x256xf32>
    %reduce_sum3A_276 = arith.constant dense<0.000000e+00> : vector<256xf32>
    %reduce_sum3A_277 = vector.multi_reduction <add>, %mul3A_275, %reduce_sum3A_276 [0] : vector<512x256xf32> to vector<256xf32>
    %broadcast_in_dim3A_278 = vector.shape_cast %reduce_sum3A_277 : vector<256xf32> to vector<1x256xf32>
    %add3A_279 = arith.addf %add3A_247, %broadcast_in_dim3A_278 : vector<1x256xf32>
    %max3A_280 = arith.maximumf %max3A_248, %max3A_270 : vector<512x256xf32>
    %min3A_281 = arith.minimumf %min3A_249, %max3A_270 : vector<512x256xf32>
    %get3A_282 = arith.constant 9 : index
    %get3A_283 = arith.constant 0 : index
    %get3A_284 = arith.constant 0 : index
    %get3A_285 = vector.load %arg1[%get3A_282, %get3A_283, %get3A_284] : memref<20x512x128xf32, #tpu.memory_space<vmem>>, vector<1x512x128xf32>
    %get3A_286 = vector.shape_cast %get3A_285 : vector<1x512x128xf32> to vector<512x128xf32>
    %slice3A_287 = vector.extract_strided_slice %get3A_286 {offsets = [0, 0], sizes = [512, 64], strides = [1, 1]} : vector<512x128xf32> to vector<512x64xf32>
    %sub3A_288 = arith.subf %slice3A_287, %get3A_1 : vector<512x64xf32>
    %concatenate3A_289 = tpu.concatenate %get3A_1, %sub3A_288 in 1 : vector<512x64xf32>, vector<512x64xf32> -> vector<512x128xf32>
    %get3A_290 = arith.constant 0 : index
    %get3A_291 = arith.constant 0 : index
    %get3A_292 = vector.load %arg3[%get3A_290, %get3A_291] : memref<128x256xf32, #tpu.memory_space<vmem>>, vector<128x256xf32>
    %dot_general3A_293 = arith.constant dense<0.000000e+00> : vector<512x256xf32>
    %dot_general3A_294 = tpu.matmul %concatenate3A_289, %get3A_292, %dot_general3A_293 {dimension_numbers = #tpu.dot_dimension_numbers<[1], [0], [0], [1], [0, 0, 1, 1], [], []>, transpose_lhs_hint = false} : vector<512x128xf32>, vector<128x256xf32>, vector<512x256xf32> -> vector<512x256xf32>
    %get3A_295 = arith.constant 0 : index
    %get3A_296 = arith.constant 0 : index
    %get3A_297 = vector.load %arg4[%get3A_295, %get3A_296] : memref<1x256xf32, #tpu.memory_space<vmem>>, vector<1x256xf32>
    %add3A_298 = vector.broadcast %get3A_297 : vector<1x256xf32> to vector<512x256xf32>
    %add3A_299 = arith.addf %dot_general3A_294, %add3A_298 : vector<512x256xf32>
    %max3A_300 = arith.constant 0.000000e+00 : f32
    %max3A_301 = vector.broadcast %max3A_300 : f32 to vector<512x256xf32>
    %max3A_302 = arith.maximumf %add3A_299, %max3A_301 : vector<512x256xf32>
    %reduce_sum3A_303 = arith.constant dense<0.000000e+00> : vector<256xf32>
    %reduce_sum3A_304 = vector.multi_reduction <add>, %max3A_302, %reduce_sum3A_303 [0] : vector<512x256xf32> to vector<256xf32>
    %broadcast_in_dim3A_305 = vector.shape_cast %reduce_sum3A_304 : vector<256xf32> to vector<1x256xf32>
    %add3A_306 = arith.addf %add3A_274, %broadcast_in_dim3A_305 : vector<1x256xf32>
    %mul3A_307 = arith.mulf %max3A_302, %max3A_302 : vector<512x256xf32>
    %reduce_sum3A_308 = arith.constant dense<0.000000e+00> : vector<256xf32>
    %reduce_sum3A_309 = vector.multi_reduction <add>, %mul3A_307, %reduce_sum3A_308 [0] : vector<512x256xf32> to vector<256xf32>
    %broadcast_in_dim3A_310 = vector.shape_cast %reduce_sum3A_309 : vector<256xf32> to vector<1x256xf32>
    %add3A_311 = arith.addf %add3A_279, %broadcast_in_dim3A_310 : vector<1x256xf32>
    %max3A_312 = arith.maximumf %max3A_280, %max3A_302 : vector<512x256xf32>
    %min3A_313 = arith.minimumf %min3A_281, %max3A_302 : vector<512x256xf32>
    %get3A_314 = arith.constant 10 : index
    %get3A_315 = arith.constant 0 : index
    %get3A_316 = arith.constant 0 : index
    %get3A_317 = vector.load %arg1[%get3A_314, %get3A_315, %get3A_316] : memref<20x512x128xf32, #tpu.memory_space<vmem>>, vector<1x512x128xf32>
    %get3A_318 = vector.shape_cast %get3A_317 : vector<1x512x128xf32> to vector<512x128xf32>
    %slice3A_319 = vector.extract_strided_slice %get3A_318 {offsets = [0, 0], sizes = [512, 64], strides = [1, 1]} : vector<512x128xf32> to vector<512x64xf32>
    %sub3A_320 = arith.subf %slice3A_319, %get3A_1 : vector<512x64xf32>
    %concatenate3A_321 = tpu.concatenate %get3A_1, %sub3A_320 in 1 : vector<512x64xf32>, vector<512x64xf32> -> vector<512x128xf32>
    %get3A_322 = arith.constant 0 : index
    %get3A_323 = arith.constant 0 : index
    %get3A_324 = vector.load %arg3[%get3A_322, %get3A_323] : memref<128x256xf32, #tpu.memory_space<vmem>>, vector<128x256xf32>
    %dot_general3A_325 = arith.constant dense<0.000000e+00> : vector<512x256xf32>
    %dot_general3A_326 = tpu.matmul %concatenate3A_321, %get3A_324, %dot_general3A_325 {dimension_numbers = #tpu.dot_dimension_numbers<[1], [0], [0], [1], [0, 0, 1, 1], [], []>, transpose_lhs_hint = false} : vector<512x128xf32>, vector<128x256xf32>, vector<512x256xf32> -> vector<512x256xf32>
    %get3A_327 = arith.constant 0 : index
    %get3A_328 = arith.constant 0 : index
    %get3A_329 = vector.load %arg4[%get3A_327, %get3A_328] : memref<1x256xf32, #tpu.memory_space<vmem>>, vector<1x256xf32>
    %add3A_330 = vector.broadcast %get3A_329 : vector<1x256xf32> to vector<512x256xf32>
    %add3A_331 = arith.addf %dot_general3A_326, %add3A_330 : vector<512x256xf32>
    %max3A_332 = arith.constant 0.000000e+00 : f32
    %max3A_333 = vector.broadcast %max3A_332 : f32 to vector<512x256xf32>
    %max3A_334 = arith.maximumf %add3A_331, %max3A_333 : vector<512x256xf32>
    %reduce_sum3A_335 = arith.constant dense<0.000000e+00> : vector<256xf32>
    %reduce_sum3A_336 = vector.multi_reduction <add>, %max3A_334, %reduce_sum3A_335 [0] : vector<512x256xf32> to vector<256xf32>
    %broadcast_in_dim3A_337 = vector.shape_cast %reduce_sum3A_336 : vector<256xf32> to vector<1x256xf32>
    %add3A_338 = arith.addf %add3A_306, %broadcast_in_dim3A_337 : vector<1x256xf32>
    %mul3A_339 = arith.mulf %max3A_334, %max3A_334 : vector<512x256xf32>
    %reduce_sum3A_340 = arith.constant dense<0.000000e+00> : vector<256xf32>
    %reduce_sum3A_341 = vector.multi_reduction <add>, %mul3A_339, %reduce_sum3A_340 [0] : vector<512x256xf32> to vector<256xf32>
    %broadcast_in_dim3A_342 = vector.shape_cast %reduce_sum3A_341 : vector<256xf32> to vector<1x256xf32>
    %add3A_343 = arith.addf %add3A_311, %broadcast_in_dim3A_342 : vector<1x256xf32>
    %max3A_344 = arith.maximumf %max3A_312, %max3A_334 : vector<512x256xf32>
    %min3A_345 = arith.minimumf %min3A_313, %max3A_334 : vector<512x256xf32>
    %get3A_346 = arith.constant 11 : index
    %get3A_347 = arith.constant 0 : index
    %get3A_348 = arith.constant 0 : index
    %get3A_349 = vector.load %arg1[%get3A_346, %get3A_347, %get3A_348] : memref<20x512x128xf32, #tpu.memory_space<vmem>>, vector<1x512x128xf32>
    %get3A_350 = vector.shape_cast %get3A_349 : vector<1x512x128xf32> to vector<512x128xf32>
    %slice3A_351 = vector.extract_strided_slice %get3A_350 {offsets = [0, 0], sizes = [512, 64], strides = [1, 1]} : vector<512x128xf32> to vector<512x64xf32>
    %sub3A_352 = arith.subf %slice3A_351, %get3A_1 : vector<512x64xf32>
    %concatenate3A_353 = tpu.concatenate %get3A_1, %sub3A_352 in 1 : vector<512x64xf32>, vector<512x64xf32> -> vector<512x128xf32>
    %get3A_354 = arith.constant 0 : index
    %get3A_355 = arith.constant 0 : index
    %get3A_356 = vector.load %arg3[%get3A_354, %get3A_355] : memref<128x256xf32, #tpu.memory_space<vmem>>, vector<128x256xf32>
    %dot_general3A_357 = arith.constant dense<0.000000e+00> : vector<512x256xf32>
    %dot_general3A_358 = tpu.matmul %concatenate3A_353, %get3A_356, %dot_general3A_357 {dimension_numbers = #tpu.dot_dimension_numbers<[1], [0], [0], [1], [0, 0, 1, 1], [], []>, transpose_lhs_hint = false} : vector<512x128xf32>, vector<128x256xf32>, vector<512x256xf32> -> vector<512x256xf32>
    %get3A_359 = arith.constant 0 : index
    %get3A_360 = arith.constant 0 : index
    %get3A_361 = vector.load %arg4[%get3A_359, %get3A_360] : memref<1x256xf32, #tpu.memory_space<vmem>>, vector<1x256xf32>
    %add3A_362 = vector.broadcast %get3A_361 : vector<1x256xf32> to vector<512x256xf32>
    %add3A_363 = arith.addf %dot_general3A_358, %add3A_362 : vector<512x256xf32>
    %max3A_364 = arith.constant 0.000000e+00 : f32
    %max3A_365 = vector.broadcast %max3A_364 : f32 to vector<512x256xf32>
    %max3A_366 = arith.maximumf %add3A_363, %max3A_365 : vector<512x256xf32>
    %reduce_sum3A_367 = arith.constant dense<0.000000e+00> : vector<256xf32>
    %reduce_sum3A_368 = vector.multi_reduction <add>, %max3A_366, %reduce_sum3A_367 [0] : vector<512x256xf32> to vector<256xf32>
    %broadcast_in_dim3A_369 = vector.shape_cast %reduce_sum3A_368 : vector<256xf32> to vector<1x256xf32>
    %add3A_370 = arith.addf %add3A_338, %broadcast_in_dim3A_369 : vector<1x256xf32>
    %mul3A_371 = arith.mulf %max3A_366, %max3A_366 : vector<512x256xf32>
    %reduce_sum3A_372 = arith.constant dense<0.000000e+00> : vector<256xf32>
    %reduce_sum3A_373 = vector.multi_reduction <add>, %mul3A_371, %reduce_sum3A_372 [0] : vector<512x256xf32> to vector<256xf32>
    %broadcast_in_dim3A_374 = vector.shape_cast %reduce_sum3A_373 : vector<256xf32> to vector<1x256xf32>
    %add3A_375 = arith.addf %add3A_343, %broadcast_in_dim3A_374 : vector<1x256xf32>
    %max3A_376 = arith.maximumf %max3A_344, %max3A_366 : vector<512x256xf32>
    %min3A_377 = arith.minimumf %min3A_345, %max3A_366 : vector<512x256xf32>
    %get3A_378 = arith.constant 12 : index
    %get3A_379 = arith.constant 0 : index
    %get3A_380 = arith.constant 0 : index
    %get3A_381 = vector.load %arg1[%get3A_378, %get3A_379, %get3A_380] : memref<20x512x128xf32, #tpu.memory_space<vmem>>, vector<1x512x128xf32>
    %get3A_382 = vector.shape_cast %get3A_381 : vector<1x512x128xf32> to vector<512x128xf32>
    %slice3A_383 = vector.extract_strided_slice %get3A_382 {offsets = [0, 0], sizes = [512, 64], strides = [1, 1]} : vector<512x128xf32> to vector<512x64xf32>
    %sub3A_384 = arith.subf %slice3A_383, %get3A_1 : vector<512x64xf32>
    %concatenate3A_385 = tpu.concatenate %get3A_1, %sub3A_384 in 1 : vector<512x64xf32>, vector<512x64xf32> -> vector<512x128xf32>
    %get3A_386 = arith.constant 0 : index
    %get3A_387 = arith.constant 0 : index
    %get3A_388 = vector.load %arg3[%get3A_386, %get3A_387] : memref<128x256xf32, #tpu.memory_space<vmem>>, vector<128x256xf32>
    %dot_general3A_389 = arith.constant dense<0.000000e+00> : vector<512x256xf32>
    %dot_general3A_390 = tpu.matmul %concatenate3A_385, %get3A_388, %dot_general3A_389 {dimension_numbers = #tpu.dot_dimension_numbers<[1], [0], [0], [1], [0, 0, 1, 1], [], []>, transpose_lhs_hint = false} : vector<512x128xf32>, vector<128x256xf32>, vector<512x256xf32> -> vector<512x256xf32>
    %get3A_391 = arith.constant 0 : index
    %get3A_392 = arith.constant 0 : index
    %get3A_393 = vector.load %arg4[%get3A_391, %get3A_392] : memref<1x256xf32, #tpu.memory_space<vmem>>, vector<1x256xf32>
    %add3A_394 = vector.broadcast %get3A_393 : vector<1x256xf32> to vector<512x256xf32>
    %add3A_395 = arith.addf %dot_general3A_390, %add3A_394 : vector<512x256xf32>
    %max3A_396 = arith.constant 0.000000e+00 : f32
    %max3A_397 = vector.broadcast %max3A_396 : f32 to vector<512x256xf32>
    %max3A_398 = arith.maximumf %add3A_395, %max3A_397 : vector<512x256xf32>
    %reduce_sum3A_399 = arith.constant dense<0.000000e+00> : vector<256xf32>
    %reduce_sum3A_400 = vector.multi_reduction <add>, %max3A_398, %reduce_sum3A_399 [0] : vector<512x256xf32> to vector<256xf32>
    %broadcast_in_dim3A_401 = vector.shape_cast %reduce_sum3A_400 : vector<256xf32> to vector<1x256xf32>
    %add3A_402 = arith.addf %add3A_370, %broadcast_in_dim3A_401 : vector<1x256xf32>
    %mul3A_403 = arith.mulf %max3A_398, %max3A_398 : vector<512x256xf32>
    %reduce_sum3A_404 = arith.constant dense<0.000000e+00> : vector<256xf32>
    %reduce_sum3A_405 = vector.multi_reduction <add>, %mul3A_403, %reduce_sum3A_404 [0] : vector<512x256xf32> to vector<256xf32>
    %broadcast_in_dim3A_406 = vector.shape_cast %reduce_sum3A_405 : vector<256xf32> to vector<1x256xf32>
    %add3A_407 = arith.addf %add3A_375, %broadcast_in_dim3A_406 : vector<1x256xf32>
    %max3A_408 = arith.maximumf %max3A_376, %max3A_398 : vector<512x256xf32>
    %min3A_409 = arith.minimumf %min3A_377, %max3A_398 : vector<512x256xf32>
    %get3A_410 = arith.constant 13 : index
    %get3A_411 = arith.constant 0 : index
    %get3A_412 = arith.constant 0 : index
    %get3A_413 = vector.load %arg1[%get3A_410, %get3A_411, %get3A_412] : memref<20x512x128xf32, #tpu.memory_space<vmem>>, vector<1x512x128xf32>
    %get3A_414 = vector.shape_cast %get3A_413 : vector<1x512x128xf32> to vector<512x128xf32>
    %slice3A_415 = vector.extract_strided_slice %get3A_414 {offsets = [0, 0], sizes = [512, 64], strides = [1, 1]} : vector<512x128xf32> to vector<512x64xf32>
    %sub3A_416 = arith.subf %slice3A_415, %get3A_1 : vector<512x64xf32>
    %concatenate3A_417 = tpu.concatenate %get3A_1, %sub3A_416 in 1 : vector<512x64xf32>, vector<512x64xf32> -> vector<512x128xf32>
    %get3A_418 = arith.constant 0 : index
    %get3A_419 = arith.constant 0 : index
    %get3A_420 = vector.load %arg3[%get3A_418, %get3A_419] : memref<128x256xf32, #tpu.memory_space<vmem>>, vector<128x256xf32>
    %dot_general3A_421 = arith.constant dense<0.000000e+00> : vector<512x256xf32>
    %dot_general3A_422 = tpu.matmul %concatenate3A_417, %get3A_420, %dot_general3A_421 {dimension_numbers = #tpu.dot_dimension_numbers<[1], [0], [0], [1], [0, 0, 1, 1], [], []>, transpose_lhs_hint = false} : vector<512x128xf32>, vector<128x256xf32>, vector<512x256xf32> -> vector<512x256xf32>
    %get3A_423 = arith.constant 0 : index
    %get3A_424 = arith.constant 0 : index
    %get3A_425 = vector.load %arg4[%get3A_423, %get3A_424] : memref<1x256xf32, #tpu.memory_space<vmem>>, vector<1x256xf32>
    %add3A_426 = vector.broadcast %get3A_425 : vector<1x256xf32> to vector<512x256xf32>
    %add3A_427 = arith.addf %dot_general3A_422, %add3A_426 : vector<512x256xf32>
    %max3A_428 = arith.constant 0.000000e+00 : f32
    %max3A_429 = vector.broadcast %max3A_428 : f32 to vector<512x256xf32>
    %max3A_430 = arith.maximumf %add3A_427, %max3A_429 : vector<512x256xf32>
    %reduce_sum3A_431 = arith.constant dense<0.000000e+00> : vector<256xf32>
    %reduce_sum3A_432 = vector.multi_reduction <add>, %max3A_430, %reduce_sum3A_431 [0] : vector<512x256xf32> to vector<256xf32>
    %broadcast_in_dim3A_433 = vector.shape_cast %reduce_sum3A_432 : vector<256xf32> to vector<1x256xf32>
    %add3A_434 = arith.addf %add3A_402, %broadcast_in_dim3A_433 : vector<1x256xf32>
    %mul3A_435 = arith.mulf %max3A_430, %max3A_430 : vector<512x256xf32>
    %reduce_sum3A_436 = arith.constant dense<0.000000e+00> : vector<256xf32>
    %reduce_sum3A_437 = vector.multi_reduction <add>, %mul3A_435, %reduce_sum3A_436 [0] : vector<512x256xf32> to vector<256xf32>
    %broadcast_in_dim3A_438 = vector.shape_cast %reduce_sum3A_437 : vector<256xf32> to vector<1x256xf32>
    %add3A_439 = arith.addf %add3A_407, %broadcast_in_dim3A_438 : vector<1x256xf32>
    %max3A_440 = arith.maximumf %max3A_408, %max3A_430 : vector<512x256xf32>
    %min3A_441 = arith.minimumf %min3A_409, %max3A_430 : vector<512x256xf32>
    %get3A_442 = arith.constant 14 : index
    %get3A_443 = arith.constant 0 : index
    %get3A_444 = arith.constant 0 : index
    %get3A_445 = vector.load %arg1[%get3A_442, %get3A_443, %get3A_444] : memref<20x512x128xf32, #tpu.memory_space<vmem>>, vector<1x512x128xf32>
    %get3A_446 = vector.shape_cast %get3A_445 : vector<1x512x128xf32> to vector<512x128xf32>
    %slice3A_447 = vector.extract_strided_slice %get3A_446 {offsets = [0, 0], sizes = [512, 64], strides = [1, 1]} : vector<512x128xf32> to vector<512x64xf32>
    %sub3A_448 = arith.subf %slice3A_447, %get3A_1 : vector<512x64xf32>
    %concatenate3A_449 = tpu.concatenate %get3A_1, %sub3A_448 in 1 : vector<512x64xf32>, vector<512x64xf32> -> vector<512x128xf32>
    %get3A_450 = arith.constant 0 : index
    %get3A_451 = arith.constant 0 : index
    %get3A_452 = vector.load %arg3[%get3A_450, %get3A_451] : memref<128x256xf32, #tpu.memory_space<vmem>>, vector<128x256xf32>
    %dot_general3A_453 = arith.constant dense<0.000000e+00> : vector<512x256xf32>
    %dot_general3A_454 = tpu.matmul %concatenate3A_449, %get3A_452, %dot_general3A_453 {dimension_numbers = #tpu.dot_dimension_numbers<[1], [0], [0], [1], [0, 0, 1, 1], [], []>, transpose_lhs_hint = false} : vector<512x128xf32>, vector<128x256xf32>, vector<512x256xf32> -> vector<512x256xf32>
    %get3A_455 = arith.constant 0 : index
    %get3A_456 = arith.constant 0 : index
    %get3A_457 = vector.load %arg4[%get3A_455, %get3A_456] : memref<1x256xf32, #tpu.memory_space<vmem>>, vector<1x256xf32>
    %add3A_458 = vector.broadcast %get3A_457 : vector<1x256xf32> to vector<512x256xf32>
    %add3A_459 = arith.addf %dot_general3A_454, %add3A_458 : vector<512x256xf32>
    %max3A_460 = arith.constant 0.000000e+00 : f32
    %max3A_461 = vector.broadcast %max3A_460 : f32 to vector<512x256xf32>
    %max3A_462 = arith.maximumf %add3A_459, %max3A_461 : vector<512x256xf32>
    %reduce_sum3A_463 = arith.constant dense<0.000000e+00> : vector<256xf32>
    %reduce_sum3A_464 = vector.multi_reduction <add>, %max3A_462, %reduce_sum3A_463 [0] : vector<512x256xf32> to vector<256xf32>
    %broadcast_in_dim3A_465 = vector.shape_cast %reduce_sum3A_464 : vector<256xf32> to vector<1x256xf32>
    %add3A_466 = arith.addf %add3A_434, %broadcast_in_dim3A_465 : vector<1x256xf32>
    %mul3A_467 = arith.mulf %max3A_462, %max3A_462 : vector<512x256xf32>
    %reduce_sum3A_468 = arith.constant dense<0.000000e+00> : vector<256xf32>
    %reduce_sum3A_469 = vector.multi_reduction <add>, %mul3A_467, %reduce_sum3A_468 [0] : vector<512x256xf32> to vector<256xf32>
    %broadcast_in_dim3A_470 = vector.shape_cast %reduce_sum3A_469 : vector<256xf32> to vector<1x256xf32>
    %add3A_471 = arith.addf %add3A_439, %broadcast_in_dim3A_470 : vector<1x256xf32>
    %max3A_472 = arith.maximumf %max3A_440, %max3A_462 : vector<512x256xf32>
    %min3A_473 = arith.minimumf %min3A_441, %max3A_462 : vector<512x256xf32>
    %get3A_474 = arith.constant 15 : index
    %get3A_475 = arith.constant 0 : index
    %get3A_476 = arith.constant 0 : index
    %get3A_477 = vector.load %arg1[%get3A_474, %get3A_475, %get3A_476] : memref<20x512x128xf32, #tpu.memory_space<vmem>>, vector<1x512x128xf32>
    %get3A_478 = vector.shape_cast %get3A_477 : vector<1x512x128xf32> to vector<512x128xf32>
    %slice3A_479 = vector.extract_strided_slice %get3A_478 {offsets = [0, 0], sizes = [512, 64], strides = [1, 1]} : vector<512x128xf32> to vector<512x64xf32>
    %sub3A_480 = arith.subf %slice3A_479, %get3A_1 : vector<512x64xf32>
    %concatenate3A_481 = tpu.concatenate %get3A_1, %sub3A_480 in 1 : vector<512x64xf32>, vector<512x64xf32> -> vector<512x128xf32>
    %get3A_482 = arith.constant 0 : index
    %get3A_483 = arith.constant 0 : index
    %get3A_484 = vector.load %arg3[%get3A_482, %get3A_483] : memref<128x256xf32, #tpu.memory_space<vmem>>, vector<128x256xf32>
    %dot_general3A_485 = arith.constant dense<0.000000e+00> : vector<512x256xf32>
    %dot_general3A_486 = tpu.matmul %concatenate3A_481, %get3A_484, %dot_general3A_485 {dimension_numbers = #tpu.dot_dimension_numbers<[1], [0], [0], [1], [0, 0, 1, 1], [], []>, transpose_lhs_hint = false} : vector<512x128xf32>, vector<128x256xf32>, vector<512x256xf32> -> vector<512x256xf32>
    %get3A_487 = arith.constant 0 : index
    %get3A_488 = arith.constant 0 : index
    %get3A_489 = vector.load %arg4[%get3A_487, %get3A_488] : memref<1x256xf32, #tpu.memory_space<vmem>>, vector<1x256xf32>
    %add3A_490 = vector.broadcast %get3A_489 : vector<1x256xf32> to vector<512x256xf32>
    %add3A_491 = arith.addf %dot_general3A_486, %add3A_490 : vector<512x256xf32>
    %max3A_492 = arith.constant 0.000000e+00 : f32
    %max3A_493 = vector.broadcast %max3A_492 : f32 to vector<512x256xf32>
    %max3A_494 = arith.maximumf %add3A_491, %max3A_493 : vector<512x256xf32>
    %reduce_sum3A_495 = arith.constant dense<0.000000e+00> : vector<256xf32>
    %reduce_sum3A_496 = vector.multi_reduction <add>, %max3A_494, %reduce_sum3A_495 [0] : vector<512x256xf32> to vector<256xf32>
    %broadcast_in_dim3A_497 = vector.shape_cast %reduce_sum3A_496 : vector<256xf32> to vector<1x256xf32>
    %add3A_498 = arith.addf %add3A_466, %broadcast_in_dim3A_497 : vector<1x256xf32>
    %mul3A_499 = arith.mulf %max3A_494, %max3A_494 : vector<512x256xf32>
    %reduce_sum3A_500 = arith.constant dense<0.000000e+00> : vector<256xf32>
    %reduce_sum3A_501 = vector.multi_reduction <add>, %mul3A_499, %reduce_sum3A_500 [0] : vector<512x256xf32> to vector<256xf32>
    %broadcast_in_dim3A_502 = vector.shape_cast %reduce_sum3A_501 : vector<256xf32> to vector<1x256xf32>
    %add3A_503 = arith.addf %add3A_471, %broadcast_in_dim3A_502 : vector<1x256xf32>
    %max3A_504 = arith.maximumf %max3A_472, %max3A_494 : vector<512x256xf32>
    %min3A_505 = arith.minimumf %min3A_473, %max3A_494 : vector<512x256xf32>
    %get3A_506 = arith.constant 16 : index
    %get3A_507 = arith.constant 0 : index
    %get3A_508 = arith.constant 0 : index
    %get3A_509 = vector.load %arg1[%get3A_506, %get3A_507, %get3A_508] : memref<20x512x128xf32, #tpu.memory_space<vmem>>, vector<1x512x128xf32>
    %get3A_510 = vector.shape_cast %get3A_509 : vector<1x512x128xf32> to vector<512x128xf32>
    %slice3A_511 = vector.extract_strided_slice %get3A_510 {offsets = [0, 0], sizes = [512, 64], strides = [1, 1]} : vector<512x128xf32> to vector<512x64xf32>
    %sub3A_512 = arith.subf %slice3A_511, %get3A_1 : vector<512x64xf32>
    %concatenate3A_513 = tpu.concatenate %get3A_1, %sub3A_512 in 1 : vector<512x64xf32>, vector<512x64xf32> -> vector<512x128xf32>
    %get3A_514 = arith.constant 0 : index
    %get3A_515 = arith.constant 0 : index
    %get3A_516 = vector.load %arg3[%get3A_514, %get3A_515] : memref<128x256xf32, #tpu.memory_space<vmem>>, vector<128x256xf32>
    %dot_general3A_517 = arith.constant dense<0.000000e+00> : vector<512x256xf32>
    %dot_general3A_518 = tpu.matmul %concatenate3A_513, %get3A_516, %dot_general3A_517 {dimension_numbers = #tpu.dot_dimension_numbers<[1], [0], [0], [1], [0, 0, 1, 1], [], []>, transpose_lhs_hint = false} : vector<512x128xf32>, vector<128x256xf32>, vector<512x256xf32> -> vector<512x256xf32>
    %get3A_519 = arith.constant 0 : index
    %get3A_520 = arith.constant 0 : index
    %get3A_521 = vector.load %arg4[%get3A_519, %get3A_520] : memref<1x256xf32, #tpu.memory_space<vmem>>, vector<1x256xf32>
    %add3A_522 = vector.broadcast %get3A_521 : vector<1x256xf32> to vector<512x256xf32>
    %add3A_523 = arith.addf %dot_general3A_518, %add3A_522 : vector<512x256xf32>
    %max3A_524 = arith.constant 0.000000e+00 : f32
    %max3A_525 = vector.broadcast %max3A_524 : f32 to vector<512x256xf32>
    %max3A_526 = arith.maximumf %add3A_523, %max3A_525 : vector<512x256xf32>
    %reduce_sum3A_527 = arith.constant dense<0.000000e+00> : vector<256xf32>
    %reduce_sum3A_528 = vector.multi_reduction <add>, %max3A_526, %reduce_sum3A_527 [0] : vector<512x256xf32> to vector<256xf32>
    %broadcast_in_dim3A_529 = vector.shape_cast %reduce_sum3A_528 : vector<256xf32> to vector<1x256xf32>
    %add3A_530 = arith.addf %add3A_498, %broadcast_in_dim3A_529 : vector<1x256xf32>
    %mul3A_531 = arith.mulf %max3A_526, %max3A_526 : vector<512x256xf32>
    %reduce_sum3A_532 = arith.constant dense<0.000000e+00> : vector<256xf32>
    %reduce_sum3A_533 = vector.multi_reduction <add>, %mul3A_531, %reduce_sum3A_532 [0] : vector<512x256xf32> to vector<256xf32>
    %broadcast_in_dim3A_534 = vector.shape_cast %reduce_sum3A_533 : vector<256xf32> to vector<1x256xf32>
    %add3A_535 = arith.addf %add3A_503, %broadcast_in_dim3A_534 : vector<1x256xf32>
    %max3A_536 = arith.maximumf %max3A_504, %max3A_526 : vector<512x256xf32>
    %min3A_537 = arith.minimumf %min3A_505, %max3A_526 : vector<512x256xf32>
    %get3A_538 = arith.constant 17 : index
    %get3A_539 = arith.constant 0 : index
    %get3A_540 = arith.constant 0 : index
    %get3A_541 = vector.load %arg1[%get3A_538, %get3A_539, %get3A_540] : memref<20x512x128xf32, #tpu.memory_space<vmem>>, vector<1x512x128xf32>
    %get3A_542 = vector.shape_cast %get3A_541 : vector<1x512x128xf32> to vector<512x128xf32>
    %slice3A_543 = vector.extract_strided_slice %get3A_542 {offsets = [0, 0], sizes = [512, 64], strides = [1, 1]} : vector<512x128xf32> to vector<512x64xf32>
    %sub3A_544 = arith.subf %slice3A_543, %get3A_1 : vector<512x64xf32>
    %concatenate3A_545 = tpu.concatenate %get3A_1, %sub3A_544 in 1 : vector<512x64xf32>, vector<512x64xf32> -> vector<512x128xf32>
    %get3A_546 = arith.constant 0 : index
    %get3A_547 = arith.constant 0 : index
    %get3A_548 = vector.load %arg3[%get3A_546, %get3A_547] : memref<128x256xf32, #tpu.memory_space<vmem>>, vector<128x256xf32>
    %dot_general3A_549 = arith.constant dense<0.000000e+00> : vector<512x256xf32>
    %dot_general3A_550 = tpu.matmul %concatenate3A_545, %get3A_548, %dot_general3A_549 {dimension_numbers = #tpu.dot_dimension_numbers<[1], [0], [0], [1], [0, 0, 1, 1], [], []>, transpose_lhs_hint = false} : vector<512x128xf32>, vector<128x256xf32>, vector<512x256xf32> -> vector<512x256xf32>
    %get3A_551 = arith.constant 0 : index
    %get3A_552 = arith.constant 0 : index
    %get3A_553 = vector.load %arg4[%get3A_551, %get3A_552] : memref<1x256xf32, #tpu.memory_space<vmem>>, vector<1x256xf32>
    %add3A_554 = vector.broadcast %get3A_553 : vector<1x256xf32> to vector<512x256xf32>
    %add3A_555 = arith.addf %dot_general3A_550, %add3A_554 : vector<512x256xf32>
    %max3A_556 = arith.constant 0.000000e+00 : f32
    %max3A_557 = vector.broadcast %max3A_556 : f32 to vector<512x256xf32>
    %max3A_558 = arith.maximumf %add3A_555, %max3A_557 : vector<512x256xf32>
    %reduce_sum3A_559 = arith.constant dense<0.000000e+00> : vector<256xf32>
    %reduce_sum3A_560 = vector.multi_reduction <add>, %max3A_558, %reduce_sum3A_559 [0] : vector<512x256xf32> to vector<256xf32>
    %broadcast_in_dim3A_561 = vector.shape_cast %reduce_sum3A_560 : vector<256xf32> to vector<1x256xf32>
    %add3A_562 = arith.addf %add3A_530, %broadcast_in_dim3A_561 : vector<1x256xf32>
    %mul3A_563 = arith.mulf %max3A_558, %max3A_558 : vector<512x256xf32>
    %reduce_sum3A_564 = arith.constant dense<0.000000e+00> : vector<256xf32>
    %reduce_sum3A_565 = vector.multi_reduction <add>, %mul3A_563, %reduce_sum3A_564 [0] : vector<512x256xf32> to vector<256xf32>
    %broadcast_in_dim3A_566 = vector.shape_cast %reduce_sum3A_565 : vector<256xf32> to vector<1x256xf32>
    %add3A_567 = arith.addf %add3A_535, %broadcast_in_dim3A_566 : vector<1x256xf32>
    %max3A_568 = arith.maximumf %max3A_536, %max3A_558 : vector<512x256xf32>
    %min3A_569 = arith.minimumf %min3A_537, %max3A_558 : vector<512x256xf32>
    %get3A_570 = arith.constant 18 : index
    %get3A_571 = arith.constant 0 : index
    %get3A_572 = arith.constant 0 : index
    %get3A_573 = vector.load %arg1[%get3A_570, %get3A_571, %get3A_572] : memref<20x512x128xf32, #tpu.memory_space<vmem>>, vector<1x512x128xf32>
    %get3A_574 = vector.shape_cast %get3A_573 : vector<1x512x128xf32> to vector<512x128xf32>
    %slice3A_575 = vector.extract_strided_slice %get3A_574 {offsets = [0, 0], sizes = [512, 64], strides = [1, 1]} : vector<512x128xf32> to vector<512x64xf32>
    %sub3A_576 = arith.subf %slice3A_575, %get3A_1 : vector<512x64xf32>
    %concatenate3A_577 = tpu.concatenate %get3A_1, %sub3A_576 in 1 : vector<512x64xf32>, vector<512x64xf32> -> vector<512x128xf32>
    %get3A_578 = arith.constant 0 : index
    %get3A_579 = arith.constant 0 : index
    %get3A_580 = vector.load %arg3[%get3A_578, %get3A_579] : memref<128x256xf32, #tpu.memory_space<vmem>>, vector<128x256xf32>
    %dot_general3A_581 = arith.constant dense<0.000000e+00> : vector<512x256xf32>
    %dot_general3A_582 = tpu.matmul %concatenate3A_577, %get3A_580, %dot_general3A_581 {dimension_numbers = #tpu.dot_dimension_numbers<[1], [0], [0], [1], [0, 0, 1, 1], [], []>, transpose_lhs_hint = false} : vector<512x128xf32>, vector<128x256xf32>, vector<512x256xf32> -> vector<512x256xf32>
    %get3A_583 = arith.constant 0 : index
    %get3A_584 = arith.constant 0 : index
    %get3A_585 = vector.load %arg4[%get3A_583, %get3A_584] : memref<1x256xf32, #tpu.memory_space<vmem>>, vector<1x256xf32>
    %add3A_586 = vector.broadcast %get3A_585 : vector<1x256xf32> to vector<512x256xf32>
    %add3A_587 = arith.addf %dot_general3A_582, %add3A_586 : vector<512x256xf32>
    %max3A_588 = arith.constant 0.000000e+00 : f32
    %max3A_589 = vector.broadcast %max3A_588 : f32 to vector<512x256xf32>
    %max3A_590 = arith.maximumf %add3A_587, %max3A_589 : vector<512x256xf32>
    %reduce_sum3A_591 = arith.constant dense<0.000000e+00> : vector<256xf32>
    %reduce_sum3A_592 = vector.multi_reduction <add>, %max3A_590, %reduce_sum3A_591 [0] : vector<512x256xf32> to vector<256xf32>
    %broadcast_in_dim3A_593 = vector.shape_cast %reduce_sum3A_592 : vector<256xf32> to vector<1x256xf32>
    %add3A_594 = arith.addf %add3A_562, %broadcast_in_dim3A_593 : vector<1x256xf32>
    %mul3A_595 = arith.mulf %max3A_590, %max3A_590 : vector<512x256xf32>
    %reduce_sum3A_596 = arith.constant dense<0.000000e+00> : vector<256xf32>
    %reduce_sum3A_597 = vector.multi_reduction <add>, %mul3A_595, %reduce_sum3A_596 [0] : vector<512x256xf32> to vector<256xf32>
    %broadcast_in_dim3A_598 = vector.shape_cast %reduce_sum3A_597 : vector<256xf32> to vector<1x256xf32>
    %add3A_599 = arith.addf %add3A_567, %broadcast_in_dim3A_598 : vector<1x256xf32>
    %max3A_600 = arith.maximumf %max3A_568, %max3A_590 : vector<512x256xf32>
    %min3A_601 = arith.minimumf %min3A_569, %max3A_590 : vector<512x256xf32>
    %get3A_602 = arith.constant 19 : index
    %get3A_603 = arith.constant 0 : index
    %get3A_604 = arith.constant 0 : index
    %get3A_605 = vector.load %arg1[%get3A_602, %get3A_603, %get3A_604] : memref<20x512x128xf32, #tpu.memory_space<vmem>>, vector<1x512x128xf32>
    %get3A_606 = vector.shape_cast %get3A_605 : vector<1x512x128xf32> to vector<512x128xf32>
    %slice3A_607 = vector.extract_strided_slice %get3A_606 {offsets = [0, 0], sizes = [512, 64], strides = [1, 1]} : vector<512x128xf32> to vector<512x64xf32>
    %sub3A_608 = arith.subf %slice3A_607, %get3A_1 : vector<512x64xf32>
    %concatenate3A_609 = tpu.concatenate %get3A_1, %sub3A_608 in 1 : vector<512x64xf32>, vector<512x64xf32> -> vector<512x128xf32>
    %get3A_610 = arith.constant 0 : index
    %get3A_611 = arith.constant 0 : index
    %get3A_612 = vector.load %arg3[%get3A_610, %get3A_611] : memref<128x256xf32, #tpu.memory_space<vmem>>, vector<128x256xf32>
    %dot_general3A_613 = arith.constant dense<0.000000e+00> : vector<512x256xf32>
    %dot_general3A_614 = tpu.matmul %concatenate3A_609, %get3A_612, %dot_general3A_613 {dimension_numbers = #tpu.dot_dimension_numbers<[1], [0], [0], [1], [0, 0, 1, 1], [], []>, transpose_lhs_hint = false} : vector<512x128xf32>, vector<128x256xf32>, vector<512x256xf32> -> vector<512x256xf32>
    %get3A_615 = arith.constant 0 : index
    %get3A_616 = arith.constant 0 : index
    %get3A_617 = vector.load %arg4[%get3A_615, %get3A_616] : memref<1x256xf32, #tpu.memory_space<vmem>>, vector<1x256xf32>
    %add3A_618 = vector.broadcast %get3A_617 : vector<1x256xf32> to vector<512x256xf32>
    %add3A_619 = arith.addf %dot_general3A_614, %add3A_618 : vector<512x256xf32>
    %max3A_620 = arith.constant 0.000000e+00 : f32
    %max3A_621 = vector.broadcast %max3A_620 : f32 to vector<512x256xf32>
    %max3A_622 = arith.maximumf %add3A_619, %max3A_621 : vector<512x256xf32>
    %reduce_sum3A_623 = arith.constant dense<0.000000e+00> : vector<256xf32>
    %reduce_sum3A_624 = vector.multi_reduction <add>, %max3A_622, %reduce_sum3A_623 [0] : vector<512x256xf32> to vector<256xf32>
    %broadcast_in_dim3A_625 = vector.shape_cast %reduce_sum3A_624 : vector<256xf32> to vector<1x256xf32>
    %add3A_626 = arith.addf %add3A_594, %broadcast_in_dim3A_625 : vector<1x256xf32>
    %mul3A_627 = arith.mulf %max3A_622, %max3A_622 : vector<512x256xf32>
    %reduce_sum3A_628 = arith.constant dense<0.000000e+00> : vector<256xf32>
    %reduce_sum3A_629 = vector.multi_reduction <add>, %mul3A_627, %reduce_sum3A_628 [0] : vector<512x256xf32> to vector<256xf32>
    %broadcast_in_dim3A_630 = vector.shape_cast %reduce_sum3A_629 : vector<256xf32> to vector<1x256xf32>
    %add3A_631 = arith.addf %add3A_599, %broadcast_in_dim3A_630 : vector<1x256xf32>
    %max3A_632 = arith.maximumf %max3A_600, %max3A_622 : vector<512x256xf32>
    %min3A_633 = arith.minimumf %min3A_601, %max3A_622 : vector<512x256xf32>
    %swap3A = arith.constant 0 : index
    %swap3A_634 = arith.constant 0 : index
    %swap3A_635 = vector.load %arg5[%swap3A, %swap3A_634] : memref<512x256xf32, #tpu.memory_space<vmem>>, vector<512x256xf32>
    tpu.vector_store %arg5[%swap3A, %swap3A_634], %max3A_632 {strides = array<i32>} : memref<512x256xf32, #tpu.memory_space<vmem>>, vector<512x256xf32>,
    %swap3A_636 = arith.constant 0 : index
    %swap3A_637 = arith.constant 0 : index
    %swap3A_638 = vector.load %arg6[%swap3A_636, %swap3A_637] : memref<512x256xf32, #tpu.memory_space<vmem>>, vector<512x256xf32>
    tpu.vector_store %arg6[%swap3A_636, %swap3A_637], %min3A_633 {strides = array<i32>} : memref<512x256xf32, #tpu.memory_space<vmem>>, vector<512x256xf32>,
    %eq3A = arith.constant 0 : i32
    %eq3A_639 = arith.cmpi eq, %arg0, %eq3A : i32
    %convert_element_type3A = arith.extui %eq3A_639 : i1 to i32
    %cond3A = arith.constant 0 : i32
    %cond3A_640 = arith.cmpi ne, %convert_element_type3A, %cond3A : i32
    scf.if %cond3A_640 {
      %broadcast_in_dim3A_649 = arith.constant 0.000000e+00 : f32
      %broadcast_in_dim3A_650 = vector.broadcast %broadcast_in_dim3A_649 : f32 to vector<2x256xf32>
      %swap3A_651 = arith.constant 0 : index
      %swap3A_652 = arith.constant 0 : index
      %swap3A_653 = vector.load %arg7[%swap3A_651, %swap3A_652] : memref<2x256xf32, #tpu.memory_space<vmem>>, vector<2x256xf32>
      tpu.vector_store %arg7[%swap3A_651, %swap3A_652], %broadcast_in_dim3A_650 {strides = array<i32>} : memref<2x256xf32, #tpu.memory_space<vmem>>, vector<2x256xf32>,
    } else {
    }
    %get3A_641 = arith.constant 0 : index
    %get3A_642 = arith.constant 0 : index
    %get3A_643 = vector.load %arg7[%get3A_641, %get3A_642] : memref<2x256xf32, #tpu.memory_space<vmem>>, vector<2x256xf32>
    %concatenate3A_644 = tpu.concatenate %add3A_626, %add3A_631 in 0 : vector<1x256xf32>, vector<1x256xf32> -> vector<2x256xf32>
    %add3A_645 = arith.addf %get3A_643, %concatenate3A_644 : vector<2x256xf32>
    %swap3A_646 = arith.constant 0 : index
    %swap3A_647 = arith.constant 0 : index
    %swap3A_648 = vector.load %arg7[%swap3A_646, %swap3A_647] : memref<2x256xf32, #tpu.memory_space<vmem>>, vector<2x256xf32>
    tpu.vector_store %arg7[%swap3A_646, %swap3A_647], %add3A_645 {strides = array<i32>} : memref<2x256xf32, #tpu.memory_space<vmem>>, vector<2x256xf32>,
    return
  }
  func.func @transform_0(%arg0: i32) -> (i32, i32, i32) {
    %c0_i32 = arith.constant 0 : i32
    %c0_i32_0 = arith.constant 0 : i32
    %c0_i32_1 = arith.constant 0 : i32
    return %c0_i32, %arg0, %c0_i32_0 : i32, i32, i32
  }
  func.func @transform_1(%arg0: i32) -> (i32, i32) {
    %c0_i32 = arith.constant 0 : i32
    %c0_i32_0 = arith.constant 0 : i32
    return %arg0, %c0_i32 : i32, i32
  }
  func.func @transform_2(%arg0: i32) -> (i32, i32) {
    %c0_i32 = arith.constant 0 : i32
    %c0_i32_0 = arith.constant 0 : i32
    %c0_i32_1 = arith.constant 0 : i32
    return %c0_i32, %c0_i32_0 : i32, i32
  }
  func.func @transform_3(%arg0: i32) -> (i32, i32) {
    %c0_i32 = arith.constant 0 : i32
    %c0_i32_0 = arith.constant 0 : i32
    %c0_i32_1 = arith.constant 0 : i32
    return %c0_i32, %c0_i32_0 : i32, i32
  }
  func.func @transform_4(%arg0: i32) -> (i32, i32) {
    %c0_i32 = arith.constant 0 : i32
    %c0_i32_0 = arith.constant 0 : i32
    return %arg0, %c0_i32 : i32, i32
  }
  func.func @transform_5(%arg0: i32) -> (i32, i32) {
    %c0_i32 = arith.constant 0 : i32
    %c0_i32_0 = arith.constant 0 : i32
    return %arg0, %c0_i32 : i32, i32
  }
  func.func @transform_6(%arg0: i32) -> (i32, i32) {
    %c0_i32 = arith.constant 0 : i32
    %c0_i32_0 = arith.constant 0 : i32
    %c0_i32_1 = arith.constant 0 : i32
    return %c0_i32, %c0_i32_0 : i32, i32
  }
}

module attributes {stable_mosaic.version = 14 : i64} {
  func.func @_k10_body(%arg0: memref<8192x256xf32, #tpu.memory_space<vmem>>, %arg1: memref<8192x256xf32, #tpu.memory_space<vmem>>, %arg2: memref<8192x256xf32, #tpu.memory_space<vmem>>, %arg3: memref<1x256xf32, #tpu.memory_space<vmem>>, %arg4: memref<1x256xf32, #tpu.memory_space<vmem>>, %arg5: memref<1x256xf32, #tpu.memory_space<vmem>>, %arg6: memref<1x256xf32, #tpu.memory_space<vmem>>, %arg7: memref<256x64xf32, #tpu.memory_space<vmem>>, %arg8: memref<1x64xf32, #tpu.memory_space<vmem>>, %arg9: memref<64x256xf32, #tpu.memory_space<vmem>>, %arg10: memref<1x256xf32, #tpu.memory_space<vmem>>, %arg11: memref<8x256xf32, #tpu.memory_space<vmem>>) attributes {dimension_semantics = [], scalar_prefetch = 0 : i64, scratch_operands = 0 : i64, tpu.core_type = #tpu.core_type<tc>} {
    %get3A = arith.constant 0 : index
    %get3A_0 = arith.constant 0 : index
    %get3A_1 = vector.load %arg5[%get3A, %get3A_0] : memref<1x256xf32, #tpu.memory_space<vmem>>, vector<1x256xf32>
    %ge3A = arith.constant 0.000000e+00 : f32
    %ge3A_2 = vector.broadcast %ge3A : f32 to vector<1x256xf32>
    %ge3A_3 = arith.cmpf oge, %get3A_1, %ge3A_2 : vector<1x256xf32>
    %get3A_4 = arith.constant 0 : index
    %get3A_5 = arith.constant 0 : index
    %get3A_6 = vector.load %arg0[%get3A_4, %get3A_5] : memref<8192x256xf32, #tpu.memory_space<vmem>>, vector<8192x256xf32>
    %get3A_7 = arith.constant 0 : index
    %get3A_8 = arith.constant 0 : index
    %get3A_9 = vector.load %arg1[%get3A_7, %get3A_8] : memref<8192x256xf32, #tpu.memory_space<vmem>>, vector<8192x256xf32>
    %broadcast_in_dim3A = vector.shape_cast %ge3A_3 : vector<1x256xi1> to vector<1x256xi1>
    %broadcast_in_dim3A_10 = vector.broadcast %broadcast_in_dim3A : vector<1x256xi1> to vector<8192x256xi1>
    %select_n3A = arith.select %broadcast_in_dim3A_10, %get3A_6, %get3A_9 : vector<8192x256xi1>, vector<8192x256xf32>
    %get3A_11 = arith.constant 0 : index
    %get3A_12 = arith.constant 0 : index
    %get3A_13 = vector.load %arg3[%get3A_11, %get3A_12] : memref<1x256xf32, #tpu.memory_space<vmem>>, vector<1x256xf32>
    %get3A_14 = arith.constant 0 : index
    %get3A_15 = arith.constant 0 : index
    %get3A_16 = vector.load %arg4[%get3A_14, %get3A_15] : memref<1x256xf32, #tpu.memory_space<vmem>>, vector<1x256xf32>
    %get3A_17 = arith.constant 0 : index
    %get3A_18 = arith.constant 0 : index
    %get3A_19 = vector.load %arg5[%get3A_17, %get3A_18] : memref<1x256xf32, #tpu.memory_space<vmem>>, vector<1x256xf32>
    %get3A_20 = arith.constant 0 : index
    %get3A_21 = arith.constant 0 : index
    %get3A_22 = vector.load %arg6[%get3A_20, %get3A_21] : memref<1x256xf32, #tpu.memory_space<vmem>>, vector<1x256xf32>
    %sub3A = vector.broadcast %get3A_13 : vector<1x256xf32> to vector<8192x256xf32>
    %sub3A_23 = arith.subf %select_n3A, %sub3A : vector<8192x256xf32>
    %div3A = vector.broadcast %get3A_16 : vector<1x256xf32> to vector<8192x256xf32>
    %div3A_24 = arith.divf %sub3A_23, %div3A : vector<8192x256xf32>
    %mul3A = vector.broadcast %get3A_19 : vector<1x256xf32> to vector<8192x256xf32>
    %mul3A_25 = arith.mulf %div3A_24, %mul3A : vector<8192x256xf32>
    %add3A = vector.broadcast %get3A_22 : vector<1x256xf32> to vector<8192x256xf32>
    %add3A_26 = arith.addf %mul3A_25, %add3A : vector<8192x256xf32>
    %get3A_27 = arith.constant 0 : index
    %get3A_28 = arith.constant 0 : index
    %get3A_29 = vector.load %arg2[%get3A_27, %get3A_28] : memref<8192x256xf32, #tpu.memory_space<vmem>>, vector<8192x256xf32>
    %add3A_30 = arith.addf %add3A_26, %get3A_29 : vector<8192x256xf32>
    %reshape3A = vector.shape_cast %add3A_30 : vector<8192x256xf32> to vector<8x1024x256xf32>
    %reduce_sum3A = arith.constant dense<0.000000e+00> : vector<8x256xf32>
    %reduce_sum3A_31 = vector.multi_reduction <add>, %reshape3A, %reduce_sum3A [1] : vector<8x1024x256xf32> to vector<8x256xf32>
    %div3A_32 = arith.constant 1.024000e+03 : f32
    %div3A_33 = vector.broadcast %div3A_32 : f32 to vector<8x256xf32>
    %div3A_34 = arith.divf %reduce_sum3A_31, %div3A_33 : vector<8x256xf32>
    %get3A_35 = arith.constant 0 : index
    %get3A_36 = arith.constant 0 : index
    %get3A_37 = vector.load %arg7[%get3A_35, %get3A_36] : memref<256x64xf32, #tpu.memory_space<vmem>>, vector<256x64xf32>
    %dot_general3A = arith.constant dense<0.000000e+00> : vector<8x64xf32>
    %dot_general3A_38 = tpu.matmul %div3A_34, %get3A_37, %dot_general3A {dimension_numbers = #tpu.dot_dimension_numbers<[1], [0], [0], [1], [0, 0, 1, 1], [], []>, transpose_lhs_hint = false} : vector<8x256xf32>, vector<256x64xf32>, vector<8x64xf32> -> vector<8x64xf32>
    %get3A_39 = arith.constant 0 : index
    %get3A_40 = arith.constant 0 : index
    %get3A_41 = vector.load %arg8[%get3A_39, %get3A_40] : memref<1x64xf32, #tpu.memory_space<vmem>>, vector<1x64xf32>
    %add3A_42 = vector.broadcast %get3A_41 : vector<1x64xf32> to vector<8x64xf32>
    %add3A_43 = arith.addf %dot_general3A_38, %add3A_42 : vector<8x64xf32>
    %max3A = arith.constant 0.000000e+00 : f32
    %max3A_44 = vector.broadcast %max3A : f32 to vector<8x64xf32>
    %max3A_45 = arith.maximumf %add3A_43, %max3A_44 : vector<8x64xf32>
    %get3A_46 = arith.constant 0 : index
    %get3A_47 = arith.constant 0 : index
    %get3A_48 = vector.load %arg9[%get3A_46, %get3A_47] : memref<64x256xf32, #tpu.memory_space<vmem>>, vector<64x256xf32>
    %dot_general3A_49 = arith.constant dense<0.000000e+00> : vector<8x256xf32>
    %dot_general3A_50 = tpu.matmul %max3A_45, %get3A_48, %dot_general3A_49 {dimension_numbers = #tpu.dot_dimension_numbers<[1], [0], [0], [1], [0, 0, 1, 1], [], []>, transpose_lhs_hint = false} : vector<8x64xf32>, vector<64x256xf32>, vector<8x256xf32> -> vector<8x256xf32>
    %get3A_51 = arith.constant 0 : index
    %get3A_52 = arith.constant 0 : index
    %get3A_53 = vector.load %arg10[%get3A_51, %get3A_52] : memref<1x256xf32, #tpu.memory_space<vmem>>, vector<1x256xf32>
    %add3A_54 = vector.broadcast %get3A_53 : vector<1x256xf32> to vector<8x256xf32>
    %add3A_55 = arith.addf %dot_general3A_50, %add3A_54 : vector<8x256xf32>
    %logistic3A = arith.negf %add3A_55 : vector<8x256xf32>
    %logistic3A_56 = math.exp %logistic3A : vector<8x256xf32>
    %logistic3A_57 = arith.constant 1.000000e+00 : f32
    %logistic3A_58 = vector.broadcast %logistic3A_57 : f32 to vector<8x256xf32>
    %logistic3A_59 = arith.addf %logistic3A_58, %logistic3A_56 : vector<8x256xf32>
    %logistic3A_60 = arith.divf %logistic3A_58, %logistic3A_59 : vector<8x256xf32>
    %broadcast_in_dim3A_61 = vector.shape_cast %logistic3A_60 : vector<8x256xf32> to vector<8x1x256xf32>
    %mul3A_62 = vector.broadcast %broadcast_in_dim3A_61 : vector<8x1x256xf32> to vector<8x1024x256xf32>
    %mul3A_63 = arith.mulf %reshape3A, %mul3A_62 : vector<8x1024x256xf32>
    %reduce_max3A = arith.constant dense<0xFF800000> : vector<8x256xf32>
    %reduce_max3A_64 = vector.multi_reduction <maximumf>, %mul3A_63, %reduce_max3A [1] : vector<8x1024x256xf32> to vector<8x256xf32>
    %swap3A = arith.constant 0 : index
    %swap3A_65 = arith.constant 0 : index
    %swap3A_66 = vector.load %arg11[%swap3A, %swap3A_65] : memref<8x256xf32, #tpu.memory_space<vmem>>, vector<8x256xf32>
    tpu.vector_store %arg11[%swap3A, %swap3A_65], %reduce_max3A_64 {strides = array<i32>} : memref<8x256xf32, #tpu.memory_space<vmem>>, vector<8x256xf32>,
    return
  }
}

module attributes {stable_mosaic.version = 14 : i64} {
  func.func @_k11_body(%arg0: memref<8x256xf32, #tpu.memory_space<vmem>>, %arg1: memref<8x256xf32, #tpu.memory_space<vmem>>, %arg2: memref<256x64xf32, #tpu.memory_space<vmem>>, %arg3: memref<1x64xf32, #tpu.memory_space<vmem>>, %arg4: memref<1x64xf32, #tpu.memory_space<vmem>>, %arg5: memref<1x64xf32, #tpu.memory_space<vmem>>, %arg6: memref<64x5xf32, #tpu.memory_space<vmem>>, %arg7: memref<1x5xf32, #tpu.memory_space<vmem>>, %arg8: memref<8x5xf32, #tpu.memory_space<vmem>>) attributes {dimension_semantics = [], scalar_prefetch = 0 : i64, scratch_operands = 0 : i64, tpu.core_type = #tpu.core_type<tc>} {
    %get3A = arith.constant 0 : index
    %get3A_0 = arith.constant 0 : index
    %get3A_1 = vector.load %arg1[%get3A, %get3A_0] : memref<8x256xf32, #tpu.memory_space<vmem>>, vector<8x256xf32>
    %get3A_2 = arith.constant 0 : index
    %get3A_3 = arith.constant 0 : index
    %get3A_4 = vector.load %arg0[%get3A_2, %get3A_3] : memref<8x256xf32, #tpu.memory_space<vmem>>, vector<8x256xf32>
    %sub3A = arith.subf %get3A_1, %get3A_4 : vector<8x256xf32>
    %get3A_5 = arith.constant 0 : index
    %get3A_6 = arith.constant 0 : index
    %get3A_7 = vector.load %arg2[%get3A_5, %get3A_6] : memref<256x64xf32, #tpu.memory_space<vmem>>, vector<256x64xf32>
    %dot_general3A = arith.constant dense<0.000000e+00> : vector<8x64xf32>
    %dot_general3A_8 = tpu.matmul %sub3A, %get3A_7, %dot_general3A {dimension_numbers = #tpu.dot_dimension_numbers<[1], [0], [0], [1], [0, 0, 1, 1], [], []>, transpose_lhs_hint = false} : vector<8x256xf32>, vector<256x64xf32>, vector<8x64xf32> -> vector<8x64xf32>
    %get3A_9 = arith.constant 0 : index
    %get3A_10 = arith.constant 0 : index
    %get3A_11 = vector.load %arg3[%get3A_9, %get3A_10] : memref<1x64xf32, #tpu.memory_space<vmem>>, vector<1x64xf32>
    %add3A = vector.broadcast %get3A_11 : vector<1x64xf32> to vector<8x64xf32>
    %add3A_12 = arith.addf %dot_general3A_8, %add3A : vector<8x64xf32>
    %max3A = arith.constant 0.000000e+00 : f32
    %max3A_13 = vector.broadcast %max3A : f32 to vector<8x64xf32>
    %max3A_14 = arith.maximumf %add3A_12, %max3A_13 : vector<8x64xf32>
    %reduce_sum3A = arith.constant dense<0.000000e+00> : vector<64xf32>
    %reduce_sum3A_15 = vector.multi_reduction <add>, %max3A_14, %reduce_sum3A [0] : vector<8x64xf32> to vector<64xf32>
    %broadcast_in_dim3A = vector.shape_cast %reduce_sum3A_15 : vector<64xf32> to vector<1x64xf32>
    %div3A = arith.constant 8.000000e+00 : f32
    %div3A_16 = vector.broadcast %div3A : f32 to vector<1x64xf32>
    %div3A_17 = arith.divf %broadcast_in_dim3A, %div3A_16 : vector<1x64xf32>
    %sub3A_18 = vector.broadcast %div3A_17 : vector<1x64xf32> to vector<8x64xf32>
    %sub3A_19 = arith.subf %max3A_14, %sub3A_18 : vector<8x64xf32>
    %mul3A = arith.mulf %sub3A_19, %sub3A_19 : vector<8x64xf32>
    %reduce_sum3A_20 = arith.constant dense<0.000000e+00> : vector<64xf32>
    %reduce_sum3A_21 = vector.multi_reduction <add>, %mul3A, %reduce_sum3A_20 [0] : vector<8x64xf32> to vector<64xf32>
    %broadcast_in_dim3A_22 = vector.shape_cast %reduce_sum3A_21 : vector<64xf32> to vector<1x64xf32>
    %div3A_23 = arith.constant 8.000000e+00 : f32
    %div3A_24 = vector.broadcast %div3A_23 : f32 to vector<1x64xf32>
    %div3A_25 = arith.divf %broadcast_in_dim3A_22, %div3A_24 : vector<1x64xf32>
    %add3A_26 = arith.constant 9.99999974E-6 : f32
    %add3A_27 = vector.broadcast %add3A_26 : f32 to vector<1x64xf32>
    %add3A_28 = arith.addf %div3A_25, %add3A_27 : vector<1x64xf32>
    %sqrt3A = math.sqrt %add3A_28 : vector<1x64xf32>
    %div3A_29 = vector.broadcast %sqrt3A : vector<1x64xf32> to vector<8x64xf32>
    %div3A_30 = arith.divf %sub3A_19, %div3A_29 : vector<8x64xf32>
    %get3A_31 = arith.constant 0 : index
    %get3A_32 = arith.constant 0 : index
    %get3A_33 = vector.load %arg4[%get3A_31, %get3A_32] : memref<1x64xf32, #tpu.memory_space<vmem>>, vector<1x64xf32>
    %mul3A_34 = vector.broadcast %get3A_33 : vector<1x64xf32> to vector<8x64xf32>
    %mul3A_35 = arith.mulf %div3A_30, %mul3A_34 : vector<8x64xf32>
    %get3A_36 = arith.constant 0 : index
    %get3A_37 = arith.constant 0 : index
    %get3A_38 = vector.load %arg5[%get3A_36, %get3A_37] : memref<1x64xf32, #tpu.memory_space<vmem>>, vector<1x64xf32>
    %add3A_39 = vector.broadcast %get3A_38 : vector<1x64xf32> to vector<8x64xf32>
    %add3A_40 = arith.addf %mul3A_35, %add3A_39 : vector<8x64xf32>
    %get3A_41 = arith.constant 0 : index
    %get3A_42 = arith.constant 0 : index
    %get3A_43 = vector.load %arg6[%get3A_41, %get3A_42] : memref<64x5xf32, #tpu.memory_space<vmem>>, vector<64x5xf32>
    %dot_general3A_44 = arith.constant dense<0.000000e+00> : vector<8x5xf32>
    %dot_general3A_45 = tpu.matmul %add3A_40, %get3A_43, %dot_general3A_44 {dimension_numbers = #tpu.dot_dimension_numbers<[1], [0], [0], [1], [0, 0, 1, 1], [], []>, transpose_lhs_hint = false} : vector<8x64xf32>, vector<64x5xf32>, vector<8x5xf32> -> vector<8x5xf32>
    %get3A_46 = arith.constant 0 : index
    %get3A_47 = arith.constant 0 : index
    %get3A_48 = vector.load %arg7[%get3A_46, %get3A_47] : memref<1x5xf32, #tpu.memory_space<vmem>>, vector<1x5xf32>
    %add3A_49 = vector.broadcast %get3A_48 : vector<1x5xf32> to vector<8x5xf32>
    %add3A_50 = arith.addf %dot_general3A_45, %add3A_49 : vector<8x5xf32>
    %reduce_max3A = arith.constant dense<0xFF800000> : vector<8xf32>
    %reduce_max3A_51 = vector.multi_reduction <maximumf>, %add3A_50, %reduce_max3A [1] : vector<8x5xf32> to vector<8xf32>
    %broadcast_in_dim3A_52 = vector.shape_cast %reduce_max3A_51 : vector<8xf32> to vector<8x1xf32>
    %sub3A_53 = vector.broadcast %broadcast_in_dim3A_52 : vector<8x1xf32> to vector<8x5xf32>
    %sub3A_54 = arith.subf %add3A_50, %sub3A_53 : vector<8x5xf32>
    %exp3A = math.exp %sub3A_54 : vector<8x5xf32>
    %reduce_sum3A_55 = arith.constant dense<0.000000e+00> : vector<8xf32>
    %reduce_sum3A_56 = vector.multi_reduction <add>, %exp3A, %reduce_sum3A_55 [1] : vector<8x5xf32> to vector<8xf32>
    %broadcast_in_dim3A_57 = vector.shape_cast %reduce_sum3A_56 : vector<8xf32> to vector<8x1xf32>
    %log3A = math.log %broadcast_in_dim3A_57 : vector<8x1xf32>
    %sub3A_58 = vector.broadcast %log3A : vector<8x1xf32> to vector<8x5xf32>
    %sub3A_59 = arith.subf %sub3A_54, %sub3A_58 : vector<8x5xf32>
    %swap3A = arith.constant 0 : index
    %swap3A_60 = arith.constant 0 : index
    %swap3A_61 = vector.load %arg8[%swap3A, %swap3A_60] : memref<8x5xf32, #tpu.memory_space<vmem>>, vector<8x5xf32>
    tpu.vector_store %arg8[%swap3A, %swap3A_60], %sub3A_59 {strides = array<i32>} : memref<8x5xf32, #tpu.memory_space<vmem>>, vector<8x5xf32>,
    return
  }
}

</mosaic_0001>

<sc_bundles>
// kernel: kernel.31.cloned.1.call-start
scs
__scs_entry_jumppad:
0x0: {  	(pc) =	sbr.rel $0x88, $3  }
0x1: {  	(tag) =	ssettag $0x0;
	lr =	simm.s32 $0x1  }
0x2: {  	[smem:$0x3F71] =	sst lr;
	_ =	strace $0xD0000000  }
0x3: {  	_ = 	snop  }
0x4: {  	_ = 	snop  }
0x5: {  	_ = 	snop  }
0x6: {  	_ = 	snop  }
0x7: {  	_ = 	snop  }
__scs_overlays_trampoline_lowered:
0x8: {  	[smem:$0x3F80] =	sst s0  }
0x9: {  	[smem:$0x3F81] =	sst s1  }
0xa: {  	[smem:$0x3F82] =	sst s2  }
0xb: {  	[smem:$0x3F83] =	sst s3  }
0xc: {  	[smem:$0x3F84] =	sst s4  }
0xd: {  	[smem:$0x3F85] =	sst s5  }
0xe: {  	[smem:$0x3F86] =	sst s6  }
0xf: {  	[smem:$0x3F87] =	sst s7  }
0x10: {  	[smem:$0x3F88] =	sst s8  }
0x11: {  	[smem:$0x3F89] =	sst s9;
	s0 =	simm.s32 @!p0 $0x0  }
0x12: {  	s1 =	sld [smem:$0x3F6F];
	s0 =	simm.s32 @p0 $0x1  }
0x13: {  	[smem:$0x3F8A] =	sst s0;
	s0 =	simm.s32 @!p1 $0x0  }
0x14: {  	s2 =	sld [smem:$0x3F6E];
	s0 =	simm.s32 @p1 $0x1  }
0x15: {  	[smem:$0x3F8B] =	sst s0;
	s0 =	simm.s32 @!p2 $0x0  }
0x16: {  	s3 =	sld [smem:$0x3FDB];
	s0 =	simm.s32 @p2 $0x1  }
0x17: {  	s4 =	simm.s32 $0x1BF5;
	[smem:$0x3F8D] =	sst s0  }
0x18: {  	s0 =	sld [smem:$0x3F70];
	_ =	swait.ge [sflag:s4], $0x0  }
0x19: {  	s7 =	sld [smem:$0x3F71]  }
0x1a: {  	s8 =	sadd.s32 $0xFFFFE003, lr  }
0x1b: {  	s9 =	sadd.s32 $0xFFFFFEF7, lr;
	s5 =	simm.s32 $0xFFFFFFFF;
	p2 =	slt.u32 s8, $0xFFFFF086  }
0x1c: {  	p1 =	slt.u32 s9, $0xF7A;
	s5 =	simm.s32 @!p2 $0x0  }
0x1d: {  	s5 =	simm.s32 @p1 $0x1;
	p0 =	seq.s32 s7, s2  }
0x1e: {  	s7 =	smul.u32 @!p0 $0xF7A, s2;
	p2 =	seq.s32 @!p0 s5, $0x0  }
0x1f: {  	s9 =	smul.u32 $0xF7A, s1;
	s8 =	simm.s32 @!p0 $0x1BF5;
	p2 =	por !p2, p0  }
0x20: {  	[sflag:s8] =	ssyncset.s32 @!p0 $0xFFFFF086;
	s6 =	sadd.s32 @!p0 s3, s7;
	s7 =	simm.s32 @!p0 $0x108  }
0x21: {  	s3 =	sadd.s32 s3, s9;
	s6 =	sadd.s32 @!p0 $0x88, s6;
	s7 =	simm.s32 @p2 $0x1082  }
0x22: {  	[simem:s7], [sflag:s8] =	dma.local @!p0 [hbm:s6], $0xF7A  }
0x23: {  	s9 =	sor.u32 $0xD0000000, s2;
	s6 =	simm.s32 $0x108;
	_ =	swait.ge @!p0 [sflag:s8], $0x0  }
0x24: {  	s3 =	sadd.s32 $0x88, s3;
	s6 =	simm.s32 @!p1 $0x1082;
	[sflag:s4] =	ssyncset.s32 $0xFFFFF086  }
0x25: {  	[simem:s6], [sflag:s4] =	dma.local [hbm:s3], $0xF7A  }
0x26: {  	[smem:$0x3F71] =	sst s1;
	(tag) =	ssettag s2;
	_ =	strace s9  }
0x27: {  	s1 =	sld [smem:$0x3F81]  }
0x28: {  	s2 =	sld [smem:$0x3F82]  }
0x29: {  	s4 =	sld [smem:$0x3F84]  }
0x2a: {  	p0 =	seq.s32 s5, $0x0;
	s5 =	sld [smem:$0x3F85]  }
0x2b: {  	s6 =	sld [smem:$0x3F86]  }
0x2c: {  	s7 =	sld [smem:$0x3F87]  }
0x2d: {  	s3 =	simm.s32 $0x108;
	s8 =	sld [smem:$0x3F88]  }
0x2e: {  	s3 =	simm.s32 @!p0 $0x1082;
	s9 =	sld [smem:$0x3F89]  }
0x2f: {  	lr =	sadd.s32 s0, s3;
	s0 =	sld [smem:$0x3F80]  }
0x30: {  	s3 =	sld [smem:$0x3F83]  }
0x31: {  	[smem:$0x3F8C] =	sst s10  }
0x32: {  	s10 =	sld [smem:$0x3F8A];
	_ =	sdelay $0x3  }
0x33: {  	p0 =	seq.s32 s10, $0x1;
	s10 =	sld [smem:$0x3F8C];
	_ =	sdelay $0x3  }
0x34: {  	[smem:$0x3F8C] =	sst s10  }
0x35: {  	s10 =	sld [smem:$0x3F8B];
	_ =	sdelay $0x3  }
0x36: {  	p1 =	seq.s32 s10, $0x1;
	s10 =	sld [smem:$0x3F8C];
	_ =	sdelay $0x3  }
0x37: {  	[smem:$0x3F8C] =	sst s10  }
0x38: {  	s10 =	sld [smem:$0x3F8D]  }
0x39: {  	_ = 	snop;
	(pc) =	sbr.ind lr, $3  }
0x3a: {  	_ = 	snop  }
0x3b: {  	_ = 	snop  }
0x3c: {  	p2 =	seq.s32 s10, $0x1;
	s10 =	sld [smem:$0x3F8C]  }
0x3d: {  	_ =	shalt  }
0x3e: {  	_ =	shalt  }
0x3f: {  	_ =	shalt  }
0x40: {  	_ =	shalt  }
0x41: {  	_ =	shalt  }
0x42: {  	_ =	shalt  }
0x43: {  	_ =	shalt  }
0x44: {  	_ =	shalt  }
0x45: {  	_ =	shalt  }
0x46: {  	_ =	shalt  }
0x47: {  	_ =	shalt  }
0x48: {  	_ =	shalt  }
0x49: {  	_ =	shalt  }
0x4a: {  	_ =	shalt  }
0x4b: {  	_ =	shalt  }
0x4c: {  	_ =	shalt  }
0x4d: {  	_ =	shalt  }
0x4e: {  	_ =	shalt  }
0x4f: {  	_ =	shalt  }
0x50: {  	_ =	shalt  }
0x51: {  	_ =	shalt  }
0x52: {  	_ =	shalt  }
0x53: {  	_ =	shalt  }
0x54: {  	_ =	shalt  }
0x55: {  	_ =	shalt  }
0x56: {  	_ =	shalt  }
0x57: {  	_ =	shalt  }
0x58: {  	_ =	shalt  }
0x59: {  	_ =	shalt  }
0x5a: {  	_ =	shalt  }
0x5b: {  	_ =	shalt  }
0x5c: {  	_ =	shalt  }
0x5d: {  	_ =	shalt  }
0x5e: {  	_ =	shalt  }
0x5f: {  	_ =	shalt  }
0x60: {  	_ =	shalt  }
0x61: {  	_ =	shalt  }
0x62: {  	_ =	shalt  }
0x63: {  	_ =	shalt  }
0x64: {  	_ =	shalt  }
0x65: {  	_ =	shalt  }
0x66: {  	_ =	shalt  }
0x67: {  	_ =	shalt  }
0x68: {  	_ =	shalt  }
0x69: {  	_ =	shalt  }
0x6a: {  	_ =	shalt  }
0x6b: {  	_ =	shalt  }
0x6c: {  	_ =	shalt  }
0x6d: {  	_ =	shalt  }
0x6e: {  	_ =	shalt  }
0x6f: {  	_ =	shalt  }
0x70: {  	_ =	shalt  }
0x71: {  	_ =	shalt  }
0x72: {  	_ =	shalt  }
0x73: {  	_ =	shalt  }
0x74: {  	_ =	shalt  }
0x75: {  	_ =	shalt  }
0x76: {  	_ =	shalt  }
0x77: {  	_ =	shalt  }
0x78: {  	_ =	shalt  }
0x79: {  	_ =	shalt  }
0x7a: {  	_ =	shalt  }
0x7b: {  	_ =	shalt  }
0x7c: {  	_ =	shalt  }
0x7d: {  	_ =	shalt  }
0x7e: {  	_ =	shalt  }
0x7f: {  	_ =	shalt  }
0x80: {  	_ =	shalt  }
0x81: {  	_ =	shalt  }
0x82: {  	_ =	shalt  }
0x83: {  	_ =	shalt  }
0x84: {  	_ =	shalt  }
0x85: {  	_ =	shalt  }
0x86: {  	_ =	shalt  }
0x87: {  	_ =	shalt  }
.Lfunc_end0:
.L_simem_size_0:
called_computation_lowered:
.L_overlay_start_0:
0x88: {  	s2 =	sld [smem:$0x3FD9]  }
0x89: {  	s3 =	sld [smem:$0x3FFE];
	_ =	sdelay $0x1  }
0x8a: {  	s1 =	srdreg.scid  }
0x8b: {  	s0 =	sand.u32 $0x1, s1  }
0x8c: {  	s17 =	sshll.u32 s0, $0xA;
	s2 =	sadd.s32 s3, s2  }
0x8d: {  	s2 =	sadd.s32 s2, s17  }
0x8e: {  	[smem:$0x3F98] =	sst s2  }
0x8f: {  	_ = 	snop  }
0x90: {  	(tm) =	ssettm $0x1  }
0x91: {  	s18 =	sld [smem:$0x3FFB];
	_ =	sdelay $0x3  }
0x92: {  	_ =	strace s18  }
0x93: {  	s2 =	sld [smem:$0x3FFC];
	_ =	sdelay $0x3  }
0x94: {  	_ =	strace s2  }
0x95: {  	s2 =	sld [smem:$0x3FFD];
	_ =	sdelay $0x3  }
0x96: {  	_ =	strace s2  }
0x97: {  	_ =	strace $0x8FFFFFFF  }
0x98: {  	s19 =	sld [smem:$0x3FDB];
	_ =	sdelay $0x1  }
0x99: {  	s20 =	simm.s32 $_scs_section_size  }
0x9a: {  	s4 =	simm.s32 $_size__tile_overlayer_lowered;
	s5 =	simm.s32 $_tile_overlayer_lowered  }
0x9b: {  	s6 =	simm.s32 $0x1BFF;
	s21 =	sshll.u32 s5, $0x1;
	s3 =	sadd.s32 s20, s19  }
0x9c: {  	s22 =	simm.s32 $0x0;
	s4 =	sshll.u32 s4, $0x1;
	s5 =	sadd.s32 s21, s3  }
0x9d: {  	[timem:s22], [sflag:s6] =	dma.local [hbm:s5], s4  }
0x9e: {  	_ =	swait.ge [sflag:s6], s4  }
0x9f: {  	s4 =	ssub.s32 $0x0, s4;
	[sflag:s6] =	ssyncset.done $0x0  }
0xa0: {  	[sflag:s6] =	ssyncadd.s32 s4;
	_ =	sdelay $0x1  }
0xa1: {  	s23 =	simm.s32 $0x1B8B  }
0xa2: {  	_ =	swait.ge [sflag:s23], $0x1  }
0xa3: {  	[sflag:s23] =	ssyncset.done $0x0  }
0xa4: {  	[sflag:s23] =	ssyncadd.s32 $0xFFFFFFFF  }
0xa5: {  	s4 =	sld [smem:$0x0]  }
0xa6: {  	s5 =	sand.u32 $0xFFFFFFFE, s1  }
0xa7: {  	p0 =	sne.s32 s1, s5  }
0xa8: {  	s5 =	sshll.u32 @p0 s5, $0xE  }
0xa9: {  	s5 =	sadd.s32 @p0 $0x11B8D, s5;
	s6 =	sshll.u32 @p0 s4, $0x11  }
0xaa: {  	s5 =	sor.u32 @p0 s6, s5  }
0xab: {  	[sflag:s5] =	ssyncadd.remote.s32 @p0 $0x1;
	_ =	sdelay $0x1  }
0xac: {  	s5 =	simm.s32 @p0 $0x1B8D  }
0xad: {  	_ =	swait.eq @p0 [sflag:s5], $0x1  }
0xae: {  	[sflag:s5] =	ssyncadd.s32 @p0 $0xFFFFFFFF  }
0xaf: {  	s6 =	sshll.u32 @!p0 s1, $0xE  }
0xb0: {  	s6 =	sor.u32 @!p0 $0x4000, s6;
	s5 =	simm.s32 @!p0 $0x1B8D  }
0xb1: {  	s4 =	sshll.u32 @!p0 s4, $0x11;
	s6 =	sadd.s32 @!p0 $0x11B8D, s6;
	_ =	swait.eq @!p0 [sflag:s5], $0x1  }
0xb2: {  	s4 =	sor.u32 @!p0 s4, s6;
	[sflag:s5] =	ssyncadd.s32 @!p0 $0xFFFFFFFF  }
0xb3: {  	s25 =	simm.s32 $0x1B8E;
	s24 =	sld [smem:$0x3FFE];
	[sflag:s4] =	ssyncadd.remote.s32 @!p0 $0x1  }
0xb4: {  	s26 =	simm.s32 $execute0_lowered;
	[smem:$0x3FD2] =	sst s25  }
0xb5: {  	s5 =	sshll.u32 s26, $0x1;
	_ =	strace $0x80000049;
	[dreg:$0x1] =	wrdreg $0xFFFFFFFF  }
0xb6: {  	s28 =	simm.s32 $_size_execute0_lowered;
	s3 =	sadd.s32 s3, s5;
	[dreg:$0x0] =	wrdreg $0x0  }
0xb7: {  	s5 =	sshll.u32 s28, $0x1;
	[dreg:$0x2] =	wrdreg s3  }
0xb8: {  	[dreg:$0x3] =	wrdreg s5  }
0xb9: {  	[dreg:$0x4] =	wrdreg $0xC0  }
0xba: {  	_ =	task [dreg:s22], $0x5FFFF  }
0xbb: {  	[dreg:$0x1] =	wrdreg $0xFFFFFFFF  }
0xbc: {  	[dreg:$0x0] =	wrdreg $0x60  }
0xbd: {  	[dreg:$0x2] =	wrdreg s24  }
0xbe: {  	[dreg:$0x3] =	wrdreg $0x9  }
0xbf: {  	_ =	task.clear_ibuf [dreg:s22], $0x4FFFF;
	_ =	strace $0x90000049  }
0xc0: {  	s29 =	simm.s32 $0x9;
	_ =	strace $0x8000004B  }
0xc1: {  	_ =	swait.ge [sflag:s29], $0x1  }
0xc2: {  	[sflag:s29] =	ssyncadd.s32 $0xFFFFFFFF  }
0xc3: {  	_ =	strace $0x9000004B  }
0xc4: {  	_ =	sfence  }
0xc5: {  	s30 =	sld [smem:$0x0];
	_ =	sdelay $0x2  }
0xc6: {  	s31 =	sshll.u32 s1, $0xD;
	s1 =	sshrl.u32 s1, $0x2  }
0xc7: {  	s4 =	sand.u32 $0x4000, s31;
	s1 =	sadd.s32 s1, s30  }
0xc8: {  	s0 =	sor.u32 s4, s0;
	s1 =	sshll.u32 s1, $0x11  }
0xc9: {  	s0 =	sor.u32 s1, s0  }
0xca: {  	s0 =	sadd.s32 $0x8F2B, s0  }
0xcb: {  	[sflag:s0] =	ssyncadd.remote.s32 $0x1  }
0xcc: {  	_ =	sfence.sel $0xFFFF  }
0xcd: {  	[dreg:$0x0] =	wrdreg $0xFFFFFFFF;
	(pc) =	sbr.abs _section_cstart, $3  }
0xce: {  	[dreg:$0x1] =	wrdreg $0xFFFFFFFF  }
0xcf: {  	_ =	task.clear_ibuf [dreg:s22], $0x2FFFF;
	_ =	strace $0x9FFFFFFF  }
0xd0: {  	(tm) =	ssettm $0x7FFFFFFF  }
0xd1: {  	_ =	shalt  }
tec
execute0_lowered:
.L_overlay_start_1:
0x0: {  	(tag) =	ssettag $0x1  }
0x1: {  	s1 =	srdreg.scid;
	s0 =	stileid.u32  }
0x2: {  	s25 =	sand.u32 $0x1, s1;
	s31 =	sshll.u32 s0, $0x1  }
0x3: {  	s6 =	sor.u32 s25, s31  }
0x4: {  	s9 =	rddreg [dreg:$0x0];
	s3 =	smul.u32 $0x280, s6  }
0x5: {  	s2 =	simm.s32 $0x0;
	s1 =	rddreg [dreg:$0x1]  }
0x6: {  	[smem:$0x7FF] =	sst s2;
	s3 =	sadd.s32 s3, s9  }
0x7: {  	_ =	strace $0x8000004A;
	s4 =	sadd.s32 $0x313800, s3;
	s3 =	simm.s32 $0x2  }
0x8: {  	[tilespmem:s2], [sflag:$0x2] =	stream.linear.gather [hbm4b:s4+s2], $0x1400, $0x38;
	[tilespmem:$0x11400] =	vst v63  }
0x9: {  	s7 =	simm.s32 $0x1400;
	_ =	swait.ge [sflag:s3], $0x1400  }
0xa: {  	s8 =	simm.s32 $0x1;
	s5 =	sadd.s32 $0x2F3800, s9;
	[sflag:s3] =	ssyncset.done $0x0  }
0xb: {  	s10 =	smul.u32 $0x14000, s6;
	s6 =	simm.s32 $0x200;
	[sflag:s3] =	ssyncadd.s32 $0xFFFFEC00  }
0xc: {  	[tilespmem:s7], [sflag:$0x1] =	stream.indirect.gather [hbm4b:s5+s6], $0x80, s2, s6, $0xb8;
	[tilespmem:$0x11400] =	vst v63  }
0xd: {  	_ =	swait.ge [sflag:s8], $0x10000  }
0xe: {  	s26 =	sadd.s32 s10, s9;
	[sflag:s8] =	ssyncset.done $0x0  }
0xf: {  	s9 =	sadd.s32 $0x318800, s26;
	[sflag:s8] =	ssyncadd.s32 $0xFFFF0000  }
0x10: {  	[hbm4b:s9+s2] =	stream.linear.scatter [tilespmem:s7], [sflag:$0x2], $0x10000, $0x38;
	[tilespmem:$0x11400] =	vst v63  }
0x11: {  	_ =	swait.ge [sflag:s3], $0x10000  }
0x12: {  	[sflag:s3] =	ssyncset.done $0x0  }
0x13: {  	[sflag:s3] =	ssyncadd.s32 $0xFFFF0000  }
0x14: {  	[tilespmem:s7], [sflag:$0x1] =	stream.indirect.gather [hbm4b:s5+s6], $0x80, s6, s6, $0xb8;
	[tilespmem:$0x11400] =	vst v63  }
0x15: {  	_ =	swait.ge [sflag:s8], $0x10000  }
0x16: {  	[sflag:s8] =	ssyncset.done $0x0  }
0x17: {  	s10 =	sadd.s32 $0x31A800, s26;
	[sflag:s8] =	ssyncadd.s32 $0xFFFF0000  }
0x18: {  	[hbm4b:s10+s2] =	stream.linear.scatter [tilespmem:s7], [sflag:$0x2], $0x10000, $0x38;
	[tilespmem:$0x11400] =	vst v63  }
0x19: {  	_ =	swait.ge [sflag:s3], $0x10000  }
0x1a: {  	[sflag:s3] =	ssyncset.done $0x0  }
0x1b: {  	s11 =	simm.s32 $0x400;
	[sflag:s3] =	ssyncadd.s32 $0xFFFF0000  }
0x1c: {  	[tilespmem:s7], [sflag:$0x1] =	stream.indirect.gather [hbm4b:s5+s6], $0x80, s11, s6, $0xb8;
	[tilespmem:$0x11400] =	vst v63  }
0x1d: {  	_ =	swait.ge [sflag:s8], $0x10000  }
0x1e: {  	[sflag:s8] =	ssyncset.done $0x0  }
0x1f: {  	s12 =	sadd.s32 $0x31C800, s26;
	[sflag:s8] =	ssyncadd.s32 $0xFFFF0000  }
0x20: {  	[hbm4b:s12+s2] =	stream.linear.scatter [tilespmem:s7], [sflag:$0x2], $0x10000, $0x38;
	[tilespmem:$0x11400] =	vst v63  }
0x21: {  	_ =	swait.ge [sflag:s3], $0x10000  }
0x22: {  	[sflag:s3] =	ssyncset.done $0x0  }
0x23: {  	s13 =	simm.s32 $0x600;
	[sflag:s3] =	ssyncadd.s32 $0xFFFF0000  }
0x24: {  	[tilespmem:s7], [sflag:$0x1] =	stream.indirect.gather [hbm4b:s5+s6], $0x80, s13, s6, $0xb8;
	[tilespmem:$0x11400] =	vst v63  }
0x25: {  	_ =	swait.ge [sflag:s8], $0x10000  }
0x26: {  	[sflag:s8] =	ssyncset.done $0x0  }
0x27: {  	s14 =	sadd.s32 $0x31E800, s26;
	[sflag:s8] =	ssyncadd.s32 $0xFFFF0000  }
0x28: {  	[hbm4b:s14+s2] =	stream.linear.scatter [tilespmem:s7], [sflag:$0x2], $0x10000, $0x38;
	[tilespmem:$0x11400] =	vst v63  }
0x29: {  	_ =	swait.ge [sflag:s3], $0x10000  }
0x2a: {  	[sflag:s3] =	ssyncset.done $0x0  }
0x2b: {  	s15 =	simm.s32 $0x800;
	[sflag:s3] =	ssyncadd.s32 $0xFFFF0000  }
0x2c: {  	[tilespmem:s7], [sflag:$0x1] =	stream.indirect.gather [hbm4b:s5+s6], $0x80, s15, s6, $0xb8;
	[tilespmem:$0x11400] =	vst v63  }
0x2d: {  	_ =	swait.ge [sflag:s8], $0x10000  }
0x2e: {  	[sflag:s8] =	ssyncset.done $0x0  }
0x2f: {  	s16 =	sadd.s32 $0x320800, s26;
	[sflag:s8] =	ssyncadd.s32 $0xFFFF0000  }
0x30: {  	[hbm4b:s16+s2] =	stream.linear.scatter [tilespmem:s7], [sflag:$0x2], $0x10000, $0x38;
	[tilespmem:$0x11400] =	vst v63  }
0x31: {  	_ =	swait.ge [sflag:s3], $0x10000  }
0x32: {  	[sflag:s3] =	ssyncset.done $0x0  }
0x33: {  	s17 =	simm.s32 $0xA00;
	[sflag:s3] =	ssyncadd.s32 $0xFFFF0000  }
0x34: {  	[tilespmem:s7], [sflag:$0x1] =	stream.indirect.gather [hbm4b:s5+s6], $0x80, s17, s6, $0xb8;
	[tilespmem:$0x11400] =	vst v63  }
0x35: {  	_ =	swait.ge [sflag:s8], $0x10000  }
0x36: {  	[sflag:s8] =	ssyncset.done $0x0  }
0x37: {  	s18 =	sadd.s32 $0x322800, s26;
	[sflag:s8] =	ssyncadd.s32 $0xFFFF0000  }
0x38: {  	[hbm4b:s18+s2] =	stream.linear.scatter [tilespmem:s7], [sflag:$0x2], $0x10000, $0x38;
	[tilespmem:$0x11400] =	vst v63  }
0x39: {  	_ =	swait.ge [sflag:s3], $0x10000  }
0x3a: {  	[sflag:s3] =	ssyncset.done $0x0  }
0x3b: {  	s19 =	simm.s32 $0xC00;
	[sflag:s3] =	ssyncadd.s32 $0xFFFF0000  }
0x3c: {  	[tilespmem:s7], [sflag:$0x1] =	stream.indirect.gather [hbm4b:s5+s6], $0x80, s19, s6, $0xb8;
	[tilespmem:$0x11400] =	vst v63  }
0x3d: {  	_ =	swait.ge [sflag:s8], $0x10000  }
0x3e: {  	[sflag:s8] =	ssyncset.done $0x0  }
0x3f: {  	s20 =	sadd.s32 $0x324800, s26;
	[sflag:s8] =	ssyncadd.s32 $0xFFFF0000  }
0x40: {  	[hbm4b:s20+s2] =	stream.linear.scatter [tilespmem:s7], [sflag:$0x2], $0x10000, $0x38;
	[tilespmem:$0x11400] =	vst v63  }
0x41: {  	_ =	swait.ge [sflag:s3], $0x10000  }
0x42: {  	[sflag:s3] =	ssyncset.done $0x0  }
0x43: {  	s21 =	simm.s32 $0xE00;
	[sflag:s3] =	ssyncadd.s32 $0xFFFF0000  }
0x44: {  	[tilespmem:s7], [sflag:$0x1] =	stream.indirect.gather [hbm4b:s5+s6], $0x80, s21, s6, $0xb8;
	[tilespmem:$0x11400] =	vst v63  }
0x45: {  	_ =	swait.ge [sflag:s8], $0x10000  }
0x46: {  	[sflag:s8] =	ssyncset.done $0x0  }
0x47: {  	s22 =	sadd.s32 $0x326800, s26;
	[sflag:s8] =	ssyncadd.s32 $0xFFFF0000  }
0x48: {  	[hbm4b:s22+s2] =	stream.linear.scatter [tilespmem:s7], [sflag:$0x2], $0x10000, $0x38;
	[tilespmem:$0x11400] =	vst v63  }
0x49: {  	_ =	swait.ge [sflag:s3], $0x10000  }
0x4a: {  	[sflag:s3] =	ssyncset.done $0x0  }
0x4b: {  	s23 =	simm.s32 $0x1000;
	[sflag:s3] =	ssyncadd.s32 $0xFFFF0000  }
0x4c: {  	[tilespmem:s7], [sflag:$0x1] =	stream.indirect.gather [hbm4b:s5+s6], $0x80, s23, s6, $0xb8;
	[tilespmem:$0x11400] =	vst v63  }
0x4d: {  	_ =	swait.ge [sflag:s8], $0x10000  }
0x4e: {  	[sflag:s8] =	ssyncset.done $0x0  }
0x4f: {  	s28 =	ssub.s32 $0x2, s25;
	s24 =	sadd.s32 $0x328800, s26;
	[sflag:s8] =	ssyncadd.s32 $0xFFFF0000  }
0x50: {  	[hbm4b:s24+s2] =	stream.linear.scatter [tilespmem:s7], [sflag:$0x2], $0x10000, $0x38;
	[tilespmem:$0x11400] =	vst v63  }
0x51: {  	s29 =	sshrl.u32 s28, $0x1;
	_ =	swait.ge [sflag:s3], $0x10000  }
0x52: {  	s28 =	ssub.s32 s28, s29;
	[sflag:s3] =	ssyncset.done $0x0  }
0x53: {  	s25 =	simm.s32 $0x1200;
	s28 =	smax.u32 s28, $0x1;
	[sflag:s3] =	ssyncadd.s32 $0xFFFF0000  }
0x54: {  	[tilespmem:s7], [sflag:$0x1] =	stream.indirect.gather [hbm4b:s5+s6], $0x80, s25, s6, $0xb8;
	[tilespmem:$0x11400] =	vst v63  }
0x55: {  	p0 =	sne.s32 s28, $0x1;
	_ =	swait.ge [sflag:s8], $0x10000  }
.Ltmp0:
0x56: {  	[sflag:s8] =	ssyncset.done $0x0;
	(pc) =	sbr.rel @!p0 .LBB2_2-.Ltmp0, $4  }
0x57: {  	s26 =	sadd.s32 $0x32A800, s26;
	[sflag:s8] =	ssyncadd.s32 $0xFFFF0000  }
0x58: {  	[hbm4b:s26+s2] =	stream.linear.scatter [tilespmem:s7], [sflag:$0x2], $0x10000, $0x38;
	[tilespmem:$0x11400] =	vst v63  }
0x59: {  	_ =	swait.ge [sflag:s3], $0x10000  }
0x5a: {  	s28 =	sadd.s32 $0xFFFFFFFF, s28;
	[sflag:s3] =	ssyncset.done $0x0  }
.LBB2_1:
0x5b: {  	p0 =	sne.s32 s28, $0x1;
	s28 =	sadd.s32 $0xFFFFFFFF, s28;
	[sflag:s3] =	ssyncadd.s32 $0xFFFF0000  }
0x5c: {  	[tilespmem:s2], [sflag:$0x2] =	stream.linear.gather [hbm4b:s4+s2], $0x1400, $0x38;
	[tilespmem:$0x11400] =	vst v63  }
0x5d: {  	_ =	swait.ge [sflag:s3], $0x1400  }
0x5e: {  	[sflag:s3] =	ssyncset.done $0x0  }
0x5f: {  	[sflag:s3] =	ssyncadd.s32 $0xFFFFEC00  }
0x60: {  	[tilespmem:s7], [sflag:$0x1] =	stream.indirect.gather [hbm4b:s5+s6], $0x80, s2, s6, $0xb8;
	[tilespmem:$0x11400] =	vst v63  }
0x61: {  	_ =	swait.ge [sflag:s8], $0x10000  }
0x62: {  	[sflag:s8] =	ssyncset.done $0x0  }
0x63: {  	[sflag:s8] =	ssyncadd.s32 $0xFFFF0000  }
0x64: {  	[hbm4b:s9+s2] =	stream.linear.scatter [tilespmem:s7], [sflag:$0x2], $0x10000, $0x38;
	[tilespmem:$0x11400] =	vst v63  }
0x65: {  	_ =	swait.ge [sflag:s3], $0x10000  }
0x66: {  	[sflag:s3] =	ssyncset.done $0x0  }
0x67: {  	[sflag:s3] =	ssyncadd.s32 $0xFFFF0000  }
0x68: {  	[tilespmem:s7], [sflag:$0x1] =	stream.indirect.gather [hbm4b:s5+s6], $0x80, s6, s6, $0xb8;
	[tilespmem:$0x11400] =	vst v63  }
0x69: {  	_ =	swait.ge [sflag:s8], $0x10000  }
0x6a: {  	[sflag:s8] =	ssyncset.done $0x0  }
0x6b: {  	[sflag:s8] =	ssyncadd.s32 $0xFFFF0000  }
0x6c: {  	[hbm4b:s10+s2] =	stream.linear.scatter [tilespmem:s7], [sflag:$0x2], $0x10000, $0x38;
	[tilespmem:$0x11400] =	vst v63  }
0x6d: {  	_ =	swait.ge [sflag:s3], $0x10000  }
0x6e: {  	[sflag:s3] =	ssyncset.done $0x0  }
0x6f: {  	[sflag:s3] =	ssyncadd.s32 $0xFFFF0000  }
0x70: {  	[tilespmem:s7], [sflag:$0x1] =	stream.indirect.gather [hbm4b:s5+s6], $0x80, s11, s6, $0xb8;
	[tilespmem:$0x11400] =	vst v63  }
0x71: {  	_ =	swait.ge [sflag:s8], $0x10000  }
0x72: {  	[sflag:s8] =	ssyncset.done $0x0  }
0x73: {  	[sflag:s8] =	ssyncadd.s32 $0xFFFF0000  }
0x74: {  	[hbm4b:s12+s2] =	stream.linear.scatter [tilespmem:s7], [sflag:$0x2], $0x10000, $0x38;
	[tilespmem:$0x11400] =	vst v63  }
0x75: {  	_ =	swait.ge [sflag:s3], $0x10000  }
0x76: {  	[sflag:s3] =	ssyncset.done $0x0  }
0x77: {  	[sflag:s3] =	ssyncadd.s32 $0xFFFF0000  }
0x78: {  	[tilespmem:s7], [sflag:$0x1] =	stream.indirect.gather [hbm4b:s5+s6], $0x80, s13, s6, $0xb8;
	[tilespmem:$0x11400] =	vst v63  }
0x79: {  	_ =	swait.ge [sflag:s8], $0x10000  }
0x7a: {  	[sflag:s8] =	ssyncset.done $0x0  }
0x7b: {  	[sflag:s8] =	ssyncadd.s32 $0xFFFF0000  }
0x7c: {  	[hbm4b:s14+s2] =	stream.linear.scatter [tilespmem:s7], [sflag:$0x2], $0x10000, $0x38;
	[tilespmem:$0x11400] =	vst v63  }
0x7d: {  	_ =	swait.ge [sflag:s3], $0x10000  }
0x7e: {  	[sflag:s3] =	ssyncset.done $0x0  }
0x7f: {  	[sflag:s3] =	ssyncadd.s32 $0xFFFF0000  }
0x80: {  	[tilespmem:s7], [sflag:$0x1] =	stream.indirect.gather [hbm4b:s5+s6], $0x80, s15, s6, $0xb8;
	[tilespmem:$0x11400] =	vst v63  }
0x81: {  	_ =	swait.ge [sflag:s8], $0x10000  }
0x82: {  	[sflag:s8] =	ssyncset.done $0x0  }
0x83: {  	[sflag:s8] =	ssyncadd.s32 $0xFFFF0000  }
0x84: {  	[hbm4b:s16+s2] =	stream.linear.scatter [tilespmem:s7], [sflag:$0x2], $0x10000, $0x38;
	[tilespmem:$0x11400] =	vst v63  }
0x85: {  	_ =	swait.ge [sflag:s3], $0x10000  }
0x86: {  	[sflag:s3] =	ssyncset.done $0x0  }
0x87: {  	[sflag:s3] =	ssyncadd.s32 $0xFFFF0000  }
0x88: {  	[tilespmem:s7], [sflag:$0x1] =	stream.indirect.gather [hbm4b:s5+s6], $0x80, s17, s6, $0xb8;
	[tilespmem:$0x11400] =	vst v63  }
0x89: {  	_ =	swait.ge [sflag:s8], $0x10000  }
0x8a: {  	[sflag:s8] =	ssyncset.done $0x0  }
0x8b: {  	[sflag:s8] =	ssyncadd.s32 $0xFFFF0000  }
0x8c: {  	[hbm4b:s18+s2] =	stream.linear.scatter [tilespmem:s7], [sflag:$0x2], $0x10000, $0x38;
	[tilespmem:$0x11400] =	vst v63  }
0x8d: {  	_ =	swait.ge [sflag:s3], $0x10000  }
0x8e: {  	[sflag:s3] =	ssyncset.done $0x0  }
0x8f: {  	[sflag:s3] =	ssyncadd.s32 $0xFFFF0000  }
0x90: {  	[tilespmem:s7], [sflag:$0x1] =	stream.indirect.gather [hbm4b:s5+s6], $0x80, s19, s6, $0xb8;
	[tilespmem:$0x11400] =	vst v63  }
0x91: {  	_ =	swait.ge [sflag:s8], $0x10000  }
0x92: {  	[sflag:s8] =	ssyncset.done $0x0  }
0x93: {  	[sflag:s8] =	ssyncadd.s32 $0xFFFF0000  }
0x94: {  	[hbm4b:s20+s2] =	stream.linear.scatter [tilespmem:s7], [sflag:$0x2], $0x10000, $0x38;
	[tilespmem:$0x11400] =	vst v63  }
0x95: {  	_ =	swait.ge [sflag:s3], $0x10000  }
0x96: {  	[sflag:s3] =	ssyncset.done $0x0  }
0x97: {  	[sflag:s3] =	ssyncadd.s32 $0xFFFF0000  }
0x98: {  	[tilespmem:s7], [sflag:$0x1] =	stream.indirect.gather [hbm4b:s5+s6], $0x80, s21, s6, $0xb8;
	[tilespmem:$0x11400] =	vst v63  }
0x99: {  	_ =	swait.ge [sflag:s8], $0x10000  }
0x9a: {  	[sflag:s8] =	ssyncset.done $0x0  }
0x9b: {  	[sflag:s8] =	ssyncadd.s32 $0xFFFF0000  }
0x9c: {  	[hbm4b:s22+s2] =	stream.linear.scatter [tilespmem:s7], [sflag:$0x2], $0x10000, $0x38;
	[tilespmem:$0x11400] =	vst v63  }
0x9d: {  	_ =	swait.ge [sflag:s3], $0x10000  }
0x9e: {  	[sflag:s3] =	ssyncset.done $0x0  }
0x9f: {  	[sflag:s3] =	ssyncadd.s32 $0xFFFF0000  }
0xa0: {  	[tilespmem:s7], [sflag:$0x1] =	stream.indirect.gather [hbm4b:s5+s6], $0x80, s23, s6, $0xb8;
	[tilespmem:$0x11400] =	vst v63  }
0xa1: {  	_ =	swait.ge [sflag:s8], $0x10000  }
0xa2: {  	[sflag:s8] =	ssyncset.done $0x0  }
0xa3: {  	[sflag:s8] =	ssyncadd.s32 $0xFFFF0000  }
0xa4: {  	[hbm4b:s24+s2] =	stream.linear.scatter [tilespmem:s7], [sflag:$0x2], $0x10000, $0x38;
	[tilespmem:$0x11400] =	vst v63  }
0xa5: {  	_ =	swait.ge [sflag:s3], $0x10000  }
0xa6: {  	[sflag:s3] =	ssyncset.done $0x0  }
0xa7: {  	[sflag:s3] =	ssyncadd.s32 $0xFFFF0000  }
0xa8: {  	[tilespmem:s7], [sflag:$0x1] =	stream.indirect.gather [hbm4b:s5+s6], $0x80, s25, s6, $0xb8;
	[tilespmem:$0x11400] =	vst v63  }
0xa9: {  	_ =	swait.ge [sflag:s8], $0x10000  }
.Ltmp1:
0xaa: {  	[sflag:s8] =	ssyncset.done $0x0;
	(pc) =	sbr.rel @p0 .LBB2_1-.Ltmp1, $4  }
0xab: {  	[sflag:s8] =	ssyncadd.s32 $0xFFFF0000  }
0xac: {  	[hbm4b:s26+s2] =	stream.linear.scatter [tilespmem:s7], [sflag:$0x2], $0x10000, $0x38;
	[tilespmem:$0x11400] =	vst v63  }
0xad: {  	_ =	swait.ge [sflag:s3], $0x10000  }
0xae: {  	[sflag:s3] =	ssyncset.done $0x0  }
.LBB2_2:
0xaf: {  	[sflag:s3] =	ssyncadd.s32 $0xFFFF0000  }
0xb0: {  	_ =	sfence.sel $0x180000  }
0xb1: {  	[bflag:$0x0] =	sbarrier.arrive $0xFFFF  }
0xb2: {  	p0 =	sne.s32 s0, $0x0;
	_ =	strace $0x9000004A  }
0xb3: {  	s0 =	sadd.s32 @!p0 $0x100000, s1;
	[bflag:$0x2] =	sbarrier.arrive $0xFFFF  }
0xb4: {  	[sflag:s0] =	ssyncadd.tile.s32 @!p0 $0x1;
	_ =	shalt  }
.Lfunc_end2:
_tile_overlayer_lowered:
.L_overlay_start_2:
0xb5: {  	(tag) =	ssettag $0x2  }
0xb6: {  	s0 =	rddreg [dreg:$0x0];
	s2 =	stileid.u32  }
0xb7: {  	s1 =	rddreg [dreg:$0x1];
	p0 =	sne.s32 s2, $0x0  }
0xb8: {  	s3 =	rddreg [dreg:$0x2];
	[bflag:$0x3] =	sbarrier.arrive $0xFFFF;
	s2 =	simm.s32 @!p0 $0x1C02  }
0xb9: {  	[timem:s3], [sflag:s2] =	dma.local @!p0 [hbm:s0], s1  }
0xba: {  	s0 =	simm.s32 @!p0 $0x2  }
0xbb: {  	_ =	swait.ge @!p0 [sflag:s0], s1  }
0xbc: {  	s1 =	ssub.s32 @!p0 $0x0, s1;
	[sflag:s0] =	ssyncset.done @!p0 $0x0  }
0xbd: {  	[sflag:s0] =	ssyncadd.s32 @!p0 s1  }
0xbe: {  	[bflag:$0x3] =	sbarrier.arrive $0xFFFF  }
0xbf: {  	_ =	shalt  }

// kernel: kernel.34.cloned.1.call-start
scs
__scs_entry_jumppad:
0x0: {  	(pc) =	sbr.rel $0x88, $3  }
0x1: {  	(tag) =	ssettag $0x0;
	lr =	simm.s32 $0x1  }
0x2: {  	[smem:$0x3F71] =	sst lr;
	_ =	strace $0xD0000000  }
0x3: {  	_ = 	snop  }
0x4: {  	_ = 	snop  }
0x5: {  	_ = 	snop  }
0x6: {  	_ = 	snop  }
0x7: {  	_ = 	snop  }
__scs_overlays_trampoline_lowered:
0x8: {  	[smem:$0x3F80] =	sst s0  }
0x9: {  	[smem:$0x3F81] =	sst s1  }
0xa: {  	[smem:$0x3F82] =	sst s2  }
0xb: {  	[smem:$0x3F83] =	sst s3  }
0xc: {  	[smem:$0x3F84] =	sst s4  }
0xd: {  	[smem:$0x3F85] =	sst s5  }
0xe: {  	[smem:$0x3F86] =	sst s6  }
0xf: {  	[smem:$0x3F87] =	sst s7  }
0x10: {  	[smem:$0x3F88] =	sst s8  }
0x11: {  	[smem:$0x3F89] =	sst s9;
	s0 =	simm.s32 @!p0 $0x0  }
0x12: {  	s1 =	sld [smem:$0x3F6F];
	s0 =	simm.s32 @p0 $0x1  }
0x13: {  	[smem:$0x3F8A] =	sst s0;
	s0 =	simm.s32 @!p1 $0x0  }
0x14: {  	s2 =	sld [smem:$0x3F6E];
	s0 =	simm.s32 @p1 $0x1  }
0x15: {  	[smem:$0x3F8B] =	sst s0;
	s0 =	simm.s32 @!p2 $0x0  }
0x16: {  	s3 =	sld [smem:$0x3FDB];
	s0 =	simm.s32 @p2 $0x1  }
0x17: {  	s4 =	simm.s32 $0x1BF5;
	[smem:$0x3F8D] =	sst s0  }
0x18: {  	s0 =	sld [smem:$0x3F70];
	_ =	swait.ge [sflag:s4], $0x0  }
0x19: {  	s7 =	sld [smem:$0x3F71]  }
0x1a: {  	s8 =	sadd.s32 $0xFFFFE003, lr  }
0x1b: {  	s9 =	sadd.s32 $0xFFFFFEF7, lr;
	s5 =	simm.s32 $0xFFFFFFFF;
	p2 =	slt.u32 s8, $0xFFFFF086  }
0x1c: {  	p1 =	slt.u32 s9, $0xF7A;
	s5 =	simm.s32 @!p2 $0x0  }
0x1d: {  	s5 =	simm.s32 @p1 $0x1;
	p0 =	seq.s32 s7, s2  }
0x1e: {  	s7 =	smul.u32 @!p0 $0xF7A, s2;
	p2 =	seq.s32 @!p0 s5, $0x0  }
0x1f: {  	s9 =	smul.u32 $0xF7A, s1;
	s8 =	simm.s32 @!p0 $0x1BF5;
	p2 =	por !p2, p0  }
0x20: {  	[sflag:s8] =	ssyncset.s32 @!p0 $0xFFFFF086;
	s6 =	sadd.s32 @!p0 s3, s7;
	s7 =	simm.s32 @!p0 $0x108  }
0x21: {  	s3 =	sadd.s32 s3, s9;
	s6 =	sadd.s32 @!p0 $0x88, s6;
	s7 =	simm.s32 @p2 $0x1082  }
0x22: {  	[simem:s7], [sflag:s8] =	dma.local @!p0 [hbm:s6], $0xF7A  }
0x23: {  	s9 =	sor.u32 $0xD0000000, s2;
	s6 =	simm.s32 $0x108;
	_ =	swait.ge @!p0 [sflag:s8], $0x0  }
0x24: {  	s3 =	sadd.s32 $0x88, s3;
	s6 =	simm.s32 @!p1 $0x1082;
	[sflag:s4] =	ssyncset.s32 $0xFFFFF086  }
0x25: {  	[simem:s6], [sflag:s4] =	dma.local [hbm:s3], $0xF7A  }
0x26: {  	[smem:$0x3F71] =	sst s1;
	(tag) =	ssettag s2;
	_ =	strace s9  }
0x27: {  	s1 =	sld [smem:$0x3F81]  }
0x28: {  	s2 =	sld [smem:$0x3F82]  }
0x29: {  	s4 =	sld [smem:$0x3F84]  }
0x2a: {  	p0 =	seq.s32 s5, $0x0;
	s5 =	sld [smem:$0x3F85]  }
0x2b: {  	s6 =	sld [smem:$0x3F86]  }
0x2c: {  	s7 =	sld [smem:$0x3F87]  }
0x2d: {  	s3 =	simm.s32 $0x108;
	s8 =	sld [smem:$0x3F88]  }
0x2e: {  	s3 =	simm.s32 @!p0 $0x1082;
	s9 =	sld [smem:$0x3F89]  }
0x2f: {  	lr =	sadd.s32 s0, s3;
	s0 =	sld [smem:$0x3F80]  }
0x30: {  	s3 =	sld [smem:$0x3F83]  }
0x31: {  	[smem:$0x3F8C] =	sst s10  }
0x32: {  	s10 =	sld [smem:$0x3F8A];
	_ =	sdelay $0x3  }
0x33: {  	p0 =	seq.s32 s10, $0x1;
	s10 =	sld [smem:$0x3F8C];
	_ =	sdelay $0x3  }
0x34: {  	[smem:$0x3F8C] =	sst s10  }
0x35: {  	s10 =	sld [smem:$0x3F8B];
	_ =	sdelay $0x3  }
0x36: {  	p1 =	seq.s32 s10, $0x1;
	s10 =	sld [smem:$0x3F8C];
	_ =	sdelay $0x3  }
0x37: {  	[smem:$0x3F8C] =	sst s10  }
0x38: {  	s10 =	sld [smem:$0x3F8D]  }
0x39: {  	_ = 	snop;
	(pc) =	sbr.ind lr, $3  }
0x3a: {  	_ = 	snop  }
0x3b: {  	_ = 	snop  }
0x3c: {  	p2 =	seq.s32 s10, $0x1;
	s10 =	sld [smem:$0x3F8C]  }
0x3d: {  	_ =	shalt  }
0x3e: {  	_ =	shalt  }
0x3f: {  	_ =	shalt  }
0x40: {  	_ =	shalt  }
0x41: {  	_ =	shalt  }
0x42: {  	_ =	shalt  }
0x43: {  	_ =	shalt  }
0x44: {  	_ =	shalt  }
0x45: {  	_ =	shalt  }
0x46: {  	_ =	shalt  }
0x47: {  	_ =	shalt  }
0x48: {  	_ =	shalt  }
0x49: {  	_ =	shalt  }
0x4a: {  	_ =	shalt  }
0x4b: {  	_ =	shalt  }
0x4c: {  	_ =	shalt  }
0x4d: {  	_ =	shalt  }
0x4e: {  	_ =	shalt  }
0x4f: {  	_ =	shalt  }
0x50: {  	_ =	shalt  }
0x51: {  	_ =	shalt  }
0x52: {  	_ =	shalt  }
0x53: {  	_ =	shalt  }
0x54: {  	_ =	shalt  }
0x55: {  	_ =	shalt  }
0x56: {  	_ =	shalt  }
0x57: {  	_ =	shalt  }
0x58: {  	_ =	shalt  }
0x59: {  	_ =	shalt  }
0x5a: {  	_ =	shalt  }
0x5b: {  	_ =	shalt  }
0x5c: {  	_ =	shalt  }
0x5d: {  	_ =	shalt  }
0x5e: {  	_ =	shalt  }
0x5f: {  	_ =	shalt  }
0x60: {  	_ =	shalt  }
0x61: {  	_ =	shalt  }
0x62: {  	_ =	shalt  }
0x63: {  	_ =	shalt  }
0x64: {  	_ =	shalt  }
0x65: {  	_ =	shalt  }
0x66: {  	_ =	shalt  }
0x67: {  	_ =	shalt  }
0x68: {  	_ =	shalt  }
0x69: {  	_ =	shalt  }
0x6a: {  	_ =	shalt  }
0x6b: {  	_ =	shalt  }
0x6c: {  	_ =	shalt  }
0x6d: {  	_ =	shalt  }
0x6e: {  	_ =	shalt  }
0x6f: {  	_ =	shalt  }
0x70: {  	_ =	shalt  }
0x71: {  	_ =	shalt  }
0x72: {  	_ =	shalt  }
0x73: {  	_ =	shalt  }
0x74: {  	_ =	shalt  }
0x75: {  	_ =	shalt  }
0x76: {  	_ =	shalt  }
0x77: {  	_ =	shalt  }
0x78: {  	_ =	shalt  }
0x79: {  	_ =	shalt  }
0x7a: {  	_ =	shalt  }
0x7b: {  	_ =	shalt  }
0x7c: {  	_ =	shalt  }
0x7d: {  	_ =	shalt  }
0x7e: {  	_ =	shalt  }
0x7f: {  	_ =	shalt  }
0x80: {  	_ =	shalt  }
0x81: {  	_ =	shalt  }
0x82: {  	_ =	shalt  }
0x83: {  	_ =	shalt  }
0x84: {  	_ =	shalt  }
0x85: {  	_ =	shalt  }
0x86: {  	_ =	shalt  }
0x87: {  	_ =	shalt  }
.Lfunc_end0:
.L_simem_size_0:
called_computation.1_lowered:
.L_overlay_start_0:
0x88: {  	s2 =	sld [smem:$0x3FD9]  }
0x89: {  	s3 =	sld [smem:$0x3FFE];
	_ =	sdelay $0x1  }
0x8a: {  	s1 =	srdreg.scid  }
0x8b: {  	s0 =	sand.u32 $0x1, s1  }
0x8c: {  	s17 =	sshll.u32 s0, $0xA;
	s2 =	sadd.s32 s3, s2  }
0x8d: {  	s2 =	sadd.s32 s2, s17  }
0x8e: {  	[smem:$0x3F98] =	sst s2  }
0x8f: {  	_ = 	snop  }
0x90: {  	(tm) =	ssettm $0x1  }
0x91: {  	s18 =	sld [smem:$0x3FFB];
	_ =	sdelay $0x3  }
0x92: {  	_ =	strace s18  }
0x93: {  	s2 =	sld [smem:$0x3FFC];
	_ =	sdelay $0x3  }
0x94: {  	_ =	strace s2  }
0x95: {  	s2 =	sld [smem:$0x3FFD];
	_ =	sdelay $0x3  }
0x96: {  	_ =	strace s2  }
0x97: {  	_ =	strace $0x8FFFFFFF  }
0x98: {  	s19 =	sld [smem:$0x3FDB];
	_ =	sdelay $0x1  }
0x99: {  	s20 =	simm.s32 $_scs_section_size  }
0x9a: {  	s4 =	simm.s32 $_size__tile_overlayer_lowered;
	s5 =	simm.s32 $_tile_overlayer_lowered  }
0x9b: {  	s6 =	simm.s32 $0x1BFF;
	s21 =	sshll.u32 s5, $0x1;
	s3 =	sadd.s32 s20, s19  }
0x9c: {  	s22 =	simm.s32 $0x0;
	s4 =	sshll.u32 s4, $0x1;
	s5 =	sadd.s32 s21, s3  }
0x9d: {  	[timem:s22], [sflag:s6] =	dma.local [hbm:s5], s4  }
0x9e: {  	_ =	swait.ge [sflag:s6], s4  }
0x9f: {  	s4 =	ssub.s32 $0x0, s4;
	[sflag:s6] =	ssyncset.done $0x0  }
0xa0: {  	[sflag:s6] =	ssyncadd.s32 s4;
	_ =	sdelay $0x1  }
0xa1: {  	s23 =	simm.s32 $0x1B8B  }
0xa2: {  	_ =	swait.ge [sflag:s23], $0x1  }
0xa3: {  	[sflag:s23] =	ssyncset.done $0x0  }
0xa4: {  	[sflag:s23] =	ssyncadd.s32 $0xFFFFFFFF  }
0xa5: {  	s4 =	sld [smem:$0x0]  }
0xa6: {  	s5 =	sand.u32 $0xFFFFFFFE, s1  }
0xa7: {  	p0 =	sne.s32 s1, s5  }
0xa8: {  	s5 =	sshll.u32 @p0 s5, $0xE  }
0xa9: {  	s5 =	sadd.s32 @p0 $0x11B8D, s5;
	s6 =	sshll.u32 @p0 s4, $0x11  }
0xaa: {  	s5 =	sor.u32 @p0 s6, s5  }
0xab: {  	[sflag:s5] =	ssyncadd.remote.s32 @p0 $0x1;
	_ =	sdelay $0x1  }
0xac: {  	s5 =	simm.s32 @p0 $0x1B8D  }
0xad: {  	_ =	swait.eq @p0 [sflag:s5], $0x1  }
0xae: {  	[sflag:s5] =	ssyncadd.s32 @p0 $0xFFFFFFFF  }
0xaf: {  	s6 =	sshll.u32 @!p0 s1, $0xE  }
0xb0: {  	s6 =	sor.u32 @!p0 $0x4000, s6;
	s5 =	simm.s32 @!p0 $0x1B8D  }
0xb1: {  	s4 =	sshll.u32 @!p0 s4, $0x11;
	s6 =	sadd.s32 @!p0 $0x11B8D, s6;
	_ =	swait.eq @!p0 [sflag:s5], $0x1  }
0xb2: {  	s4 =	sor.u32 @!p0 s4, s6;
	[sflag:s5] =	ssyncadd.s32 @!p0 $0xFFFFFFFF  }
0xb3: {  	s25 =	simm.s32 $0x1B8E;
	s24 =	sld [smem:$0x3FFE];
	[sflag:s4] =	ssyncadd.remote.s32 @!p0 $0x1  }
0xb4: {  	s26 =	simm.s32 $execute0_lowered;
	[smem:$0x3FD2] =	sst s25  }
0xb5: {  	s5 =	sshll.u32 s26, $0x1;
	_ =	strace $0x8000004F;
	[dreg:$0x1] =	wrdreg $0xFFFFFFFF  }
0xb6: {  	s28 =	simm.s32 $_size_execute0_lowered;
	s3 =	sadd.s32 s3, s5;
	[dreg:$0x0] =	wrdreg $0x0  }
0xb7: {  	s5 =	sshll.u32 s28, $0x1;
	[dreg:$0x2] =	wrdreg s3  }
0xb8: {  	[dreg:$0x3] =	wrdreg s5  }
0xb9: {  	[dreg:$0x4] =	wrdreg $0xC0  }
0xba: {  	_ =	task [dreg:s22], $0x5FFFF  }
0xbb: {  	[dreg:$0x1] =	wrdreg $0xFFFFFFFF  }
0xbc: {  	[dreg:$0x0] =	wrdreg $0x60  }
0xbd: {  	[dreg:$0x2] =	wrdreg s24  }
0xbe: {  	[dreg:$0x3] =	wrdreg $0x9  }
0xbf: {  	_ =	task.clear_ibuf [dreg:s22], $0x4FFFF;
	_ =	strace $0x9000004F  }
0xc0: {  	s29 =	simm.s32 $0x9;
	_ =	strace $0x80000051  }
0xc1: {  	_ =	swait.ge [sflag:s29], $0x1  }
0xc2: {  	[sflag:s29] =	ssyncadd.s32 $0xFFFFFFFF  }
0xc3: {  	_ =	strace $0x90000051  }
0xc4: {  	_ =	sfence  }
0xc5: {  	s30 =	sld [smem:$0x0];
	_ =	sdelay $0x2  }
0xc6: {  	s31 =	sshll.u32 s1, $0xD;
	s1 =	sshrl.u32 s1, $0x2  }
0xc7: {  	s4 =	sand.u32 $0x4000, s31;
	s1 =	sadd.s32 s1, s30  }
0xc8: {  	s0 =	sor.u32 s4, s0;
	s1 =	sshll.u32 s1, $0x11  }
0xc9: {  	s0 =	sor.u32 s1, s0  }
0xca: {  	s0 =	sadd.s32 $0x8F2B, s0  }
0xcb: {  	[sflag:s0] =	ssyncadd.remote.s32 $0x1  }
0xcc: {  	_ =	sfence.sel $0xFFFF  }
0xcd: {  	[dreg:$0x0] =	wrdreg $0xFFFFFFFF;
	(pc) =	sbr.abs _section_cstart, $3  }
0xce: {  	[dreg:$0x1] =	wrdreg $0xFFFFFFFF  }
0xcf: {  	_ =	task.clear_ibuf [dreg:s22], $0x2FFFF;
	_ =	strace $0x9FFFFFFF  }
0xd0: {  	(tm) =	ssettm $0x7FFFFFFF  }
0xd1: {  	_ =	shalt  }
tec
execute0_lowered:
.L_overlay_start_1:
0x0: {  	(tag) =	ssettag $0x1  }
0x1: {  	s1 =	srdreg.scid;
	s0 =	stileid.u32  }
0x2: {  	s25 =	sand.u32 $0x1, s1;
	s31 =	sshll.u32 s0, $0x1  }
0x3: {  	s6 =	sor.u32 s25, s31  }
0x4: {  	s9 =	rddreg [dreg:$0x0];
	s3 =	smul.u32 $0x280, s6  }
0x5: {  	s2 =	simm.s32 $0x0;
	s1 =	rddreg [dreg:$0x1]  }
0x6: {  	[smem:$0x7FF] =	sst s2;
	s3 =	sadd.s32 s3, s9  }
0x7: {  	_ =	strace $0x80000050;
	s4 =	sadd.s32 $0x313800, s3;
	s3 =	simm.s32 $0x2  }
0x8: {  	[tilespmem:s2], [sflag:$0x2] =	stream.linear.gather [hbm4b:s4+s2], $0x1400, $0x38;
	[tilespmem:$0x11400] =	vst v63  }
0x9: {  	s7 =	simm.s32 $0x1400;
	_ =	swait.ge [sflag:s3], $0x1400  }
0xa: {  	s8 =	simm.s32 $0x1;
	s5 =	sadd.s32 $0x2F3800, s9;
	[sflag:s3] =	ssyncset.done $0x0  }
0xb: {  	s10 =	smul.u32 $0x14000, s6;
	s6 =	simm.s32 $0x200;
	[sflag:s3] =	ssyncadd.s32 $0xFFFFEC00  }
0xc: {  	[tilespmem:s7], [sflag:$0x1] =	stream.indirect.gather [hbm4b:s5+s6], $0x80, s2, s6, $0xb8;
	[tilespmem:$0x11400] =	vst v63  }
0xd: {  	_ =	swait.ge [sflag:s8], $0x10000  }
0xe: {  	s26 =	sadd.s32 s10, s9;
	[sflag:s8] =	ssyncset.done $0x0  }
0xf: {  	s9 =	sadd.s32 $0x318800, s26;
	[sflag:s8] =	ssyncadd.s32 $0xFFFF0000  }
0x10: {  	[hbm4b:s9+s2] =	stream.linear.scatter [tilespmem:s7], [sflag:$0x2], $0x10000, $0x38;
	[tilespmem:$0x11400] =	vst v63  }
0x11: {  	_ =	swait.ge [sflag:s3], $0x10000  }
0x12: {  	[sflag:s3] =	ssyncset.done $0x0  }
0x13: {  	[sflag:s3] =	ssyncadd.s32 $0xFFFF0000  }
0x14: {  	[tilespmem:s7], [sflag:$0x1] =	stream.indirect.gather [hbm4b:s5+s6], $0x80, s6, s6, $0xb8;
	[tilespmem:$0x11400] =	vst v63  }
0x15: {  	_ =	swait.ge [sflag:s8], $0x10000  }
0x16: {  	[sflag:s8] =	ssyncset.done $0x0  }
0x17: {  	s10 =	sadd.s32 $0x31A800, s26;
	[sflag:s8] =	ssyncadd.s32 $0xFFFF0000  }
0x18: {  	[hbm4b:s10+s2] =	stream.linear.scatter [tilespmem:s7], [sflag:$0x2], $0x10000, $0x38;
	[tilespmem:$0x11400] =	vst v63  }
0x19: {  	_ =	swait.ge [sflag:s3], $0x10000  }
0x1a: {  	[sflag:s3] =	ssyncset.done $0x0  }
0x1b: {  	s11 =	simm.s32 $0x400;
	[sflag:s3] =	ssyncadd.s32 $0xFFFF0000  }
0x1c: {  	[tilespmem:s7], [sflag:$0x1] =	stream.indirect.gather [hbm4b:s5+s6], $0x80, s11, s6, $0xb8;
	[tilespmem:$0x11400] =	vst v63  }
0x1d: {  	_ =	swait.ge [sflag:s8], $0x10000  }
0x1e: {  	[sflag:s8] =	ssyncset.done $0x0  }
0x1f: {  	s12 =	sadd.s32 $0x31C800, s26;
	[sflag:s8] =	ssyncadd.s32 $0xFFFF0000  }
0x20: {  	[hbm4b:s12+s2] =	stream.linear.scatter [tilespmem:s7], [sflag:$0x2], $0x10000, $0x38;
	[tilespmem:$0x11400] =	vst v63  }
0x21: {  	_ =	swait.ge [sflag:s3], $0x10000  }
0x22: {  	[sflag:s3] =	ssyncset.done $0x0  }
0x23: {  	s13 =	simm.s32 $0x600;
	[sflag:s3] =	ssyncadd.s32 $0xFFFF0000  }
0x24: {  	[tilespmem:s7], [sflag:$0x1] =	stream.indirect.gather [hbm4b:s5+s6], $0x80, s13, s6, $0xb8;
	[tilespmem:$0x11400] =	vst v63  }
0x25: {  	_ =	swait.ge [sflag:s8], $0x10000  }
0x26: {  	[sflag:s8] =	ssyncset.done $0x0  }
0x27: {  	s14 =	sadd.s32 $0x31E800, s26;
	[sflag:s8] =	ssyncadd.s32 $0xFFFF0000  }
0x28: {  	[hbm4b:s14+s2] =	stream.linear.scatter [tilespmem:s7], [sflag:$0x2], $0x10000, $0x38;
	[tilespmem:$0x11400] =	vst v63  }
0x29: {  	_ =	swait.ge [sflag:s3], $0x10000  }
0x2a: {  	[sflag:s3] =	ssyncset.done $0x0  }
0x2b: {  	s15 =	simm.s32 $0x800;
	[sflag:s3] =	ssyncadd.s32 $0xFFFF0000  }
0x2c: {  	[tilespmem:s7], [sflag:$0x1] =	stream.indirect.gather [hbm4b:s5+s6], $0x80, s15, s6, $0xb8;
	[tilespmem:$0x11400] =	vst v63  }
0x2d: {  	_ =	swait.ge [sflag:s8], $0x10000  }
0x2e: {  	[sflag:s8] =	ssyncset.done $0x0  }
0x2f: {  	s16 =	sadd.s32 $0x320800, s26;
	[sflag:s8] =	ssyncadd.s32 $0xFFFF0000  }
0x30: {  	[hbm4b:s16+s2] =	stream.linear.scatter [tilespmem:s7], [sflag:$0x2], $0x10000, $0x38;
	[tilespmem:$0x11400] =	vst v63  }
0x31: {  	_ =	swait.ge [sflag:s3], $0x10000  }
0x32: {  	[sflag:s3] =	ssyncset.done $0x0  }
0x33: {  	s17 =	simm.s32 $0xA00;
	[sflag:s3] =	ssyncadd.s32 $0xFFFF0000  }
0x34: {  	[tilespmem:s7], [sflag:$0x1] =	stream.indirect.gather [hbm4b:s5+s6], $0x80, s17, s6, $0xb8;
	[tilespmem:$0x11400] =	vst v63  }
0x35: {  	_ =	swait.ge [sflag:s8], $0x10000  }
0x36: {  	[sflag:s8] =	ssyncset.done $0x0  }
0x37: {  	s18 =	sadd.s32 $0x322800, s26;
	[sflag:s8] =	ssyncadd.s32 $0xFFFF0000  }
0x38: {  	[hbm4b:s18+s2] =	stream.linear.scatter [tilespmem:s7], [sflag:$0x2], $0x10000, $0x38;
	[tilespmem:$0x11400] =	vst v63  }
0x39: {  	_ =	swait.ge [sflag:s3], $0x10000  }
0x3a: {  	[sflag:s3] =	ssyncset.done $0x0  }
0x3b: {  	s19 =	simm.s32 $0xC00;
	[sflag:s3] =	ssyncadd.s32 $0xFFFF0000  }
0x3c: {  	[tilespmem:s7], [sflag:$0x1] =	stream.indirect.gather [hbm4b:s5+s6], $0x80, s19, s6, $0xb8;
	[tilespmem:$0x11400] =	vst v63  }
0x3d: {  	_ =	swait.ge [sflag:s8], $0x10000  }
0x3e: {  	[sflag:s8] =	ssyncset.done $0x0  }
0x3f: {  	s20 =	sadd.s32 $0x324800, s26;
	[sflag:s8] =	ssyncadd.s32 $0xFFFF0000  }
0x40: {  	[hbm4b:s20+s2] =	stream.linear.scatter [tilespmem:s7], [sflag:$0x2], $0x10000, $0x38;
	[tilespmem:$0x11400] =	vst v63  }
0x41: {  	_ =	swait.ge [sflag:s3], $0x10000  }
0x42: {  	[sflag:s3] =	ssyncset.done $0x0  }
0x43: {  	s21 =	simm.s32 $0xE00;
	[sflag:s3] =	ssyncadd.s32 $0xFFFF0000  }
0x44: {  	[tilespmem:s7], [sflag:$0x1] =	stream.indirect.gather [hbm4b:s5+s6], $0x80, s21, s6, $0xb8;
	[tilespmem:$0x11400] =	vst v63  }
0x45: {  	_ =	swait.ge [sflag:s8], $0x10000  }
0x46: {  	[sflag:s8] =	ssyncset.done $0x0  }
0x47: {  	s22 =	sadd.s32 $0x326800, s26;
	[sflag:s8] =	ssyncadd.s32 $0xFFFF0000  }
0x48: {  	[hbm4b:s22+s2] =	stream.linear.scatter [tilespmem:s7], [sflag:$0x2], $0x10000, $0x38;
	[tilespmem:$0x11400] =	vst v63  }
0x49: {  	_ =	swait.ge [sflag:s3], $0x10000  }
0x4a: {  	[sflag:s3] =	ssyncset.done $0x0  }
0x4b: {  	s23 =	simm.s32 $0x1000;
	[sflag:s3] =	ssyncadd.s32 $0xFFFF0000  }
0x4c: {  	[tilespmem:s7], [sflag:$0x1] =	stream.indirect.gather [hbm4b:s5+s6], $0x80, s23, s6, $0xb8;
	[tilespmem:$0x11400] =	vst v63  }
0x4d: {  	_ =	swait.ge [sflag:s8], $0x10000  }
0x4e: {  	[sflag:s8] =	ssyncset.done $0x0  }
0x4f: {  	s28 =	ssub.s32 $0x2, s25;
	s24 =	sadd.s32 $0x328800, s26;
	[sflag:s8] =	ssyncadd.s32 $0xFFFF0000  }
0x50: {  	[hbm4b:s24+s2] =	stream.linear.scatter [tilespmem:s7], [sflag:$0x2], $0x10000, $0x38;
	[tilespmem:$0x11400] =	vst v63  }
0x51: {  	s29 =	sshrl.u32 s28, $0x1;
	_ =	swait.ge [sflag:s3], $0x10000  }
0x52: {  	s28 =	ssub.s32 s28, s29;
	[sflag:s3] =	ssyncset.done $0x0  }
0x53: {  	s25 =	simm.s32 $0x1200;
	s28 =	smax.u32 s28, $0x1;
	[sflag:s3] =	ssyncadd.s32 $0xFFFF0000  }
0x54: {  	[tilespmem:s7], [sflag:$0x1] =	stream.indirect.gather [hbm4b:s5+s6], $0x80, s25, s6, $0xb8;
	[tilespmem:$0x11400] =	vst v63  }
0x55: {  	p0 =	sne.s32 s28, $0x1;
	_ =	swait.ge [sflag:s8], $0x10000  }
.Ltmp0:
0x56: {  	[sflag:s8] =	ssyncset.done $0x0;
	(pc) =	sbr.rel @!p0 .LBB2_2-.Ltmp0, $4  }
0x57: {  	s26 =	sadd.s32 $0x32A800, s26;
	[sflag:s8] =	ssyncadd.s32 $0xFFFF0000  }
0x58: {  	[hbm4b:s26+s2] =	stream.linear.scatter [tilespmem:s7], [sflag:$0x2], $0x10000, $0x38;
	[tilespmem:$0x11400] =	vst v63  }
0x59: {  	_ =	swait.ge [sflag:s3], $0x10000  }
0x5a: {  	s28 =	sadd.s32 $0xFFFFFFFF, s28;
	[sflag:s3] =	ssyncset.done $0x0  }
.LBB2_1:
0x5b: {  	p0 =	sne.s32 s28, $0x1;
	s28 =	sadd.s32 $0xFFFFFFFF, s28;
	[sflag:s3] =	ssyncadd.s32 $0xFFFF0000  }
0x5c: {  	[tilespmem:s2], [sflag:$0x2] =	stream.linear.gather [hbm4b:s4+s2], $0x1400, $0x38;
	[tilespmem:$0x11400] =	vst v63  }
0x5d: {  	_ =	swait.ge [sflag:s3], $0x1400  }
0x5e: {  	[sflag:s3] =	ssyncset.done $0x0  }
0x5f: {  	[sflag:s3] =	ssyncadd.s32 $0xFFFFEC00  }
0x60: {  	[tilespmem:s7], [sflag:$0x1] =	stream.indirect.gather [hbm4b:s5+s6], $0x80, s2, s6, $0xb8;
	[tilespmem:$0x11400] =	vst v63  }
0x61: {  	_ =	swait.ge [sflag:s8], $0x10000  }
0x62: {  	[sflag:s8] =	ssyncset.done $0x0  }
0x63: {  	[sflag:s8] =	ssyncadd.s32 $0xFFFF0000  }
0x64: {  	[hbm4b:s9+s2] =	stream.linear.scatter [tilespmem:s7], [sflag:$0x2], $0x10000, $0x38;
	[tilespmem:$0x11400] =	vst v63  }
0x65: {  	_ =	swait.ge [sflag:s3], $0x10000  }
0x66: {  	[sflag:s3] =	ssyncset.done $0x0  }
0x67: {  	[sflag:s3] =	ssyncadd.s32 $0xFFFF0000  }
0x68: {  	[tilespmem:s7], [sflag:$0x1] =	stream.indirect.gather [hbm4b:s5+s6], $0x80, s6, s6, $0xb8;
	[tilespmem:$0x11400] =	vst v63  }
0x69: {  	_ =	swait.ge [sflag:s8], $0x10000  }
0x6a: {  	[sflag:s8] =	ssyncset.done $0x0  }
0x6b: {  	[sflag:s8] =	ssyncadd.s32 $0xFFFF0000  }
0x6c: {  	[hbm4b:s10+s2] =	stream.linear.scatter [tilespmem:s7], [sflag:$0x2], $0x10000, $0x38;
	[tilespmem:$0x11400] =	vst v63  }
0x6d: {  	_ =	swait.ge [sflag:s3], $0x10000  }
0x6e: {  	[sflag:s3] =	ssyncset.done $0x0  }
0x6f: {  	[sflag:s3] =	ssyncadd.s32 $0xFFFF0000  }
0x70: {  	[tilespmem:s7], [sflag:$0x1] =	stream.indirect.gather [hbm4b:s5+s6], $0x80, s11, s6, $0xb8;
	[tilespmem:$0x11400] =	vst v63  }
0x71: {  	_ =	swait.ge [sflag:s8], $0x10000  }
0x72: {  	[sflag:s8] =	ssyncset.done $0x0  }
0x73: {  	[sflag:s8] =	ssyncadd.s32 $0xFFFF0000  }
0x74: {  	[hbm4b:s12+s2] =	stream.linear.scatter [tilespmem:s7], [sflag:$0x2], $0x10000, $0x38;
	[tilespmem:$0x11400] =	vst v63  }
0x75: {  	_ =	swait.ge [sflag:s3], $0x10000  }
0x76: {  	[sflag:s3] =	ssyncset.done $0x0  }
0x77: {  	[sflag:s3] =	ssyncadd.s32 $0xFFFF0000  }
0x78: {  	[tilespmem:s7], [sflag:$0x1] =	stream.indirect.gather [hbm4b:s5+s6], $0x80, s13, s6, $0xb8;
	[tilespmem:$0x11400] =	vst v63  }
0x79: {  	_ =	swait.ge [sflag:s8], $0x10000  }
0x7a: {  	[sflag:s8] =	ssyncset.done $0x0  }
0x7b: {  	[sflag:s8] =	ssyncadd.s32 $0xFFFF0000  }
0x7c: {  	[hbm4b:s14+s2] =	stream.linear.scatter [tilespmem:s7], [sflag:$0x2], $0x10000, $0x38;
	[tilespmem:$0x11400] =	vst v63  }
0x7d: {  	_ =	swait.ge [sflag:s3], $0x10000  }
0x7e: {  	[sflag:s3] =	ssyncset.done $0x0  }
0x7f: {  	[sflag:s3] =	ssyncadd.s32 $0xFFFF0000  }
0x80: {  	[tilespmem:s7], [sflag:$0x1] =	stream.indirect.gather [hbm4b:s5+s6], $0x80, s15, s6, $0xb8;
	[tilespmem:$0x11400] =	vst v63  }
0x81: {  	_ =	swait.ge [sflag:s8], $0x10000  }
0x82: {  	[sflag:s8] =	ssyncset.done $0x0  }
0x83: {  	[sflag:s8] =	ssyncadd.s32 $0xFFFF0000  }
0x84: {  	[hbm4b:s16+s2] =	stream.linear.scatter [tilespmem:s7], [sflag:$0x2], $0x10000, $0x38;
	[tilespmem:$0x11400] =	vst v63  }
0x85: {  	_ =	swait.ge [sflag:s3], $0x10000  }
0x86: {  	[sflag:s3] =	ssyncset.done $0x0  }
0x87: {  	[sflag:s3] =	ssyncadd.s32 $0xFFFF0000  }
0x88: {  	[tilespmem:s7], [sflag:$0x1] =	stream.indirect.gather [hbm4b:s5+s6], $0x80, s17, s6, $0xb8;
	[tilespmem:$0x11400] =	vst v63  }
0x89: {  	_ =	swait.ge [sflag:s8], $0x10000  }
0x8a: {  	[sflag:s8] =	ssyncset.done $0x0  }
0x8b: {  	[sflag:s8] =	ssyncadd.s32 $0xFFFF0000  }
0x8c: {  	[hbm4b:s18+s2] =	stream.linear.scatter [tilespmem:s7], [sflag:$0x2], $0x10000, $0x38;
	[tilespmem:$0x11400] =	vst v63  }
0x8d: {  	_ =	swait.ge [sflag:s3], $0x10000  }
0x8e: {  	[sflag:s3] =	ssyncset.done $0x0  }
0x8f: {  	[sflag:s3] =	ssyncadd.s32 $0xFFFF0000  }
0x90: {  	[tilespmem:s7], [sflag:$0x1] =	stream.indirect.gather [hbm4b:s5+s6], $0x80, s19, s6, $0xb8;
	[tilespmem:$0x11400] =	vst v63  }
0x91: {  	_ =	swait.ge [sflag:s8], $0x10000  }
0x92: {  	[sflag:s8] =	ssyncset.done $0x0  }
0x93: {  	[sflag:s8] =	ssyncadd.s32 $0xFFFF0000  }
0x94: {  	[hbm4b:s20+s2] =	stream.linear.scatter [tilespmem:s7], [sflag:$0x2], $0x10000, $0x38;
	[tilespmem:$0x11400] =	vst v63  }
0x95: {  	_ =	swait.ge [sflag:s3], $0x10000  }
0x96: {  	[sflag:s3] =	ssyncset.done $0x0  }
0x97: {  	[sflag:s3] =	ssyncadd.s32 $0xFFFF0000  }
0x98: {  	[tilespmem:s7], [sflag:$0x1] =	stream.indirect.gather [hbm4b:s5+s6], $0x80, s21, s6, $0xb8;
	[tilespmem:$0x11400] =	vst v63  }
0x99: {  	_ =	swait.ge [sflag:s8], $0x10000  }
0x9a: {  	[sflag:s8] =	ssyncset.done $0x0  }
0x9b: {  	[sflag:s8] =	ssyncadd.s32 $0xFFFF0000  }
0x9c: {  	[hbm4b:s22+s2] =	stream.linear.scatter [tilespmem:s7], [sflag:$0x2], $0x10000, $0x38;
	[tilespmem:$0x11400] =	vst v63  }
0x9d: {  	_ =	swait.ge [sflag:s3], $0x10000  }
0x9e: {  	[sflag:s3] =	ssyncset.done $0x0  }
0x9f: {  	[sflag:s3] =	ssyncadd.s32 $0xFFFF0000  }
0xa0: {  	[tilespmem:s7], [sflag:$0x1] =	stream.indirect.gather [hbm4b:s5+s6], $0x80, s23, s6, $0xb8;
	[tilespmem:$0x11400] =	vst v63  }
0xa1: {  	_ =	swait.ge [sflag:s8], $0x10000  }
0xa2: {  	[sflag:s8] =	ssyncset.done $0x0  }
0xa3: {  	[sflag:s8] =	ssyncadd.s32 $0xFFFF0000  }
0xa4: {  	[hbm4b:s24+s2] =	stream.linear.scatter [tilespmem:s7], [sflag:$0x2], $0x10000, $0x38;
	[tilespmem:$0x11400] =	vst v63  }
0xa5: {  	_ =	swait.ge [sflag:s3], $0x10000  }
0xa6: {  	[sflag:s3] =	ssyncset.done $0x0  }
0xa7: {  	[sflag:s3] =	ssyncadd.s32 $0xFFFF0000  }
0xa8: {  	[tilespmem:s7], [sflag:$0x1] =	stream.indirect.gather [hbm4b:s5+s6], $0x80, s25, s6, $0xb8;
	[tilespmem:$0x11400] =	vst v63  }
0xa9: {  	_ =	swait.ge [sflag:s8], $0x10000  }
.Ltmp1:
0xaa: {  	[sflag:s8] =	ssyncset.done $0x0;
	(pc) =	sbr.rel @p0 .LBB2_1-.Ltmp1, $4  }
0xab: {  	[sflag:s8] =	ssyncadd.s32 $0xFFFF0000  }
0xac: {  	[hbm4b:s26+s2] =	stream.linear.scatter [tilespmem:s7], [sflag:$0x2], $0x10000, $0x38;
	[tilespmem:$0x11400] =	vst v63  }
0xad: {  	_ =	swait.ge [sflag:s3], $0x10000  }
0xae: {  	[sflag:s3] =	ssyncset.done $0x0  }
.LBB2_2:
0xaf: {  	[sflag:s3] =	ssyncadd.s32 $0xFFFF0000  }
0xb0: {  	_ =	sfence.sel $0x180000  }
0xb1: {  	[bflag:$0x0] =	sbarrier.arrive $0xFFFF  }
0xb2: {  	p0 =	sne.s32 s0, $0x0;
	_ =	strace $0x90000050  }
0xb3: {  	s0 =	sadd.s32 @!p0 $0x100000, s1;
	[bflag:$0x2] =	sbarrier.arrive $0xFFFF  }
0xb4: {  	[sflag:s0] =	ssyncadd.tile.s32 @!p0 $0x1;
	_ =	shalt  }
.Lfunc_end2:
_tile_overlayer_lowered:
.L_overlay_start_2:
0xb5: {  	(tag) =	ssettag $0x2  }
0xb6: {  	s0 =	rddreg [dreg:$0x0];
	s2 =	stileid.u32  }
0xb7: {  	s1 =	rddreg [dreg:$0x1];
	p0 =	sne.s32 s2, $0x0  }
0xb8: {  	s3 =	rddreg [dreg:$0x2];
	[bflag:$0x3] =	sbarrier.arrive $0xFFFF;
	s2 =	simm.s32 @!p0 $0x1C02  }
0xb9: {  	[timem:s3], [sflag:s2] =	dma.local @!p0 [hbm:s0], s1  }
0xba: {  	s0 =	simm.s32 @!p0 $0x2  }
0xbb: {  	_ =	swait.ge @!p0 [sflag:s0], s1  }
0xbc: {  	s1 =	ssub.s32 @!p0 $0x0, s1;
	[sflag:s0] =	ssyncset.done @!p0 $0x0  }
0xbd: {  	[sflag:s0] =	ssyncadd.s32 @!p0 s1  }
0xbe: {  	[bflag:$0x3] =	sbarrier.arrive $0xFFFF  }
0xbf: {  	_ =	shalt  }

// kernel: kernel.37.cloned.1.call-start
scs
__scs_entry_jumppad:
0x0: {  	(pc) =	sbr.rel $0x88, $3  }
0x1: {  	(tag) =	ssettag $0x0;
	lr =	simm.s32 $0x1  }
0x2: {  	[smem:$0x3F71] =	sst lr;
	_ =	strace $0xD0000000  }
0x3: {  	_ = 	snop  }
0x4: {  	_ = 	snop  }
0x5: {  	_ = 	snop  }
0x6: {  	_ = 	snop  }
0x7: {  	_ = 	snop  }
__scs_overlays_trampoline_lowered:
0x8: {  	[smem:$0x3F80] =	sst s0  }
0x9: {  	[smem:$0x3F81] =	sst s1  }
0xa: {  	[smem:$0x3F82] =	sst s2  }
0xb: {  	[smem:$0x3F83] =	sst s3  }
0xc: {  	[smem:$0x3F84] =	sst s4  }
0xd: {  	[smem:$0x3F85] =	sst s5  }
0xe: {  	[smem:$0x3F86] =	sst s6  }
0xf: {  	[smem:$0x3F87] =	sst s7  }
0x10: {  	[smem:$0x3F88] =	sst s8  }
0x11: {  	[smem:$0x3F89] =	sst s9;
	s0 =	simm.s32 @!p0 $0x0  }
0x12: {  	s1 =	sld [smem:$0x3F6F];
	s0 =	simm.s32 @p0 $0x1  }
0x13: {  	[smem:$0x3F8A] =	sst s0;
	s0 =	simm.s32 @!p1 $0x0  }
0x14: {  	s2 =	sld [smem:$0x3F6E];
	s0 =	simm.s32 @p1 $0x1  }
0x15: {  	[smem:$0x3F8B] =	sst s0;
	s0 =	simm.s32 @!p2 $0x0  }
0x16: {  	s3 =	sld [smem:$0x3FDB];
	s0 =	simm.s32 @p2 $0x1  }
0x17: {  	s4 =	simm.s32 $0x1BF5;
	[smem:$0x3F8D] =	sst s0  }
0x18: {  	s0 =	sld [smem:$0x3F70];
	_ =	swait.ge [sflag:s4], $0x0  }
0x19: {  	s7 =	sld [smem:$0x3F71]  }
0x1a: {  	s8 =	sadd.s32 $0xFFFFE003, lr  }
0x1b: {  	s9 =	sadd.s32 $0xFFFFFEF7, lr;
	s5 =	simm.s32 $0xFFFFFFFF;
	p2 =	slt.u32 s8, $0xFFFFF086  }
0x1c: {  	p1 =	slt.u32 s9, $0xF7A;
	s5 =	simm.s32 @!p2 $0x0  }
0x1d: {  	s5 =	simm.s32 @p1 $0x1;
	p0 =	seq.s32 s7, s2  }
0x1e: {  	s7 =	smul.u32 @!p0 $0xF7A, s2;
	p2 =	seq.s32 @!p0 s5, $0x0  }
0x1f: {  	s9 =	smul.u32 $0xF7A, s1;
	s8 =	simm.s32 @!p0 $0x1BF5;
	p2 =	por !p2, p0  }
0x20: {  	[sflag:s8] =	ssyncset.s32 @!p0 $0xFFFFF086;
	s6 =	sadd.s32 @!p0 s3, s7;
	s7 =	simm.s32 @!p0 $0x108  }
0x21: {  	s3 =	sadd.s32 s3, s9;
	s6 =	sadd.s32 @!p0 $0x88, s6;
	s7 =	simm.s32 @p2 $0x1082  }
0x22: {  	[simem:s7], [sflag:s8] =	dma.local @!p0 [hbm:s6], $0xF7A  }
0x23: {  	s9 =	sor.u32 $0xD0000000, s2;
	s6 =	simm.s32 $0x108;
	_ =	swait.ge @!p0 [sflag:s8], $0x0  }
0x24: {  	s3 =	sadd.s32 $0x88, s3;
	s6 =	simm.s32 @!p1 $0x1082;
	[sflag:s4] =	ssyncset.s32 $0xFFFFF086  }
0x25: {  	[simem:s6], [sflag:s4] =	dma.local [hbm:s3], $0xF7A  }
0x26: {  	[smem:$0x3F71] =	sst s1;
	(tag) =	ssettag s2;
	_ =	strace s9  }
0x27: {  	s1 =	sld [smem:$0x3F81]  }
0x28: {  	s2 =	sld [smem:$0x3F82]  }
0x29: {  	s4 =	sld [smem:$0x3F84]  }
0x2a: {  	p0 =	seq.s32 s5, $0x0;
	s5 =	sld [smem:$0x3F85]  }
0x2b: {  	s6 =	sld [smem:$0x3F86]  }
0x2c: {  	s7 =	sld [smem:$0x3F87]  }
0x2d: {  	s3 =	simm.s32 $0x108;
	s8 =	sld [smem:$0x3F88]  }
0x2e: {  	s3 =	simm.s32 @!p0 $0x1082;
	s9 =	sld [smem:$0x3F89]  }
0x2f: {  	lr =	sadd.s32 s0, s3;
	s0 =	sld [smem:$0x3F80]  }
0x30: {  	s3 =	sld [smem:$0x3F83]  }
0x31: {  	[smem:$0x3F8C] =	sst s10  }
0x32: {  	s10 =	sld [smem:$0x3F8A];
	_ =	sdelay $0x3  }
0x33: {  	p0 =	seq.s32 s10, $0x1;
	s10 =	sld [smem:$0x3F8C];
	_ =	sdelay $0x3  }
0x34: {  	[smem:$0x3F8C] =	sst s10  }
0x35: {  	s10 =	sld [smem:$0x3F8B];
	_ =	sdelay $0x3  }
0x36: {  	p1 =	seq.s32 s10, $0x1;
	s10 =	sld [smem:$0x3F8C];
	_ =	sdelay $0x3  }
0x37: {  	[smem:$0x3F8C] =	sst s10  }
0x38: {  	s10 =	sld [smem:$0x3F8D]  }
0x39: {  	_ = 	snop;
	(pc) =	sbr.ind lr, $3  }
0x3a: {  	_ = 	snop  }
0x3b: {  	_ = 	snop  }
0x3c: {  	p2 =	seq.s32 s10, $0x1;
	s10 =	sld [smem:$0x3F8C]  }
0x3d: {  	_ =	shalt  }
0x3e: {  	_ =	shalt  }
0x3f: {  	_ =	shalt  }
0x40: {  	_ =	shalt  }
0x41: {  	_ =	shalt  }
0x42: {  	_ =	shalt  }
0x43: {  	_ =	shalt  }
0x44: {  	_ =	shalt  }
0x45: {  	_ =	shalt  }
0x46: {  	_ =	shalt  }
0x47: {  	_ =	shalt  }
0x48: {  	_ =	shalt  }
0x49: {  	_ =	shalt  }
0x4a: {  	_ =	shalt  }
0x4b: {  	_ =	shalt  }
0x4c: {  	_ =	shalt  }
0x4d: {  	_ =	shalt  }
0x4e: {  	_ =	shalt  }
0x4f: {  	_ =	shalt  }
0x50: {  	_ =	shalt  }
0x51: {  	_ =	shalt  }
0x52: {  	_ =	shalt  }
0x53: {  	_ =	shalt  }
0x54: {  	_ =	shalt  }
0x55: {  	_ =	shalt  }
0x56: {  	_ =	shalt  }
0x57: {  	_ =	shalt  }
0x58: {  	_ =	shalt  }
0x59: {  	_ =	shalt  }
0x5a: {  	_ =	shalt  }
0x5b: {  	_ =	shalt  }
0x5c: {  	_ =	shalt  }
0x5d: {  	_ =	shalt  }
0x5e: {  	_ =	shalt  }
0x5f: {  	_ =	shalt  }
0x60: {  	_ =	shalt  }
0x61: {  	_ =	shalt  }
0x62: {  	_ =	shalt  }
0x63: {  	_ =	shalt  }
0x64: {  	_ =	shalt  }
0x65: {  	_ =	shalt  }
0x66: {  	_ =	shalt  }
0x67: {  	_ =	shalt  }
0x68: {  	_ =	shalt  }
0x69: {  	_ =	shalt  }
0x6a: {  	_ =	shalt  }
0x6b: {  	_ =	shalt  }
0x6c: {  	_ =	shalt  }
0x6d: {  	_ =	shalt  }
0x6e: {  	_ =	shalt  }
0x6f: {  	_ =	shalt  }
0x70: {  	_ =	shalt  }
0x71: {  	_ =	shalt  }
0x72: {  	_ =	shalt  }
0x73: {  	_ =	shalt  }
0x74: {  	_ =	shalt  }
0x75: {  	_ =	shalt  }
0x76: {  	_ =	shalt  }
0x77: {  	_ =	shalt  }
0x78: {  	_ =	shalt  }
0x79: {  	_ =	shalt  }
0x7a: {  	_ =	shalt  }
0x7b: {  	_ =	shalt  }
0x7c: {  	_ =	shalt  }
0x7d: {  	_ =	shalt  }
0x7e: {  	_ =	shalt  }
0x7f: {  	_ =	shalt  }
0x80: {  	_ =	shalt  }
0x81: {  	_ =	shalt  }
0x82: {  	_ =	shalt  }
0x83: {  	_ =	shalt  }
0x84: {  	_ =	shalt  }
0x85: {  	_ =	shalt  }
0x86: {  	_ =	shalt  }
0x87: {  	_ =	shalt  }
.Lfunc_end0:
.L_simem_size_0:
called_computation.2_lowered:
.L_overlay_start_0:
0x88: {  	s2 =	sld [smem:$0x3FD9]  }
0x89: {  	s3 =	sld [smem:$0x3FFE];
	_ =	sdelay $0x1  }
0x8a: {  	s1 =	srdreg.scid  }
0x8b: {  	s0 =	sand.u32 $0x1, s1  }
0x8c: {  	s16 =	sshll.u32 s0, $0xA;
	s2 =	sadd.s32 s3, s2  }
0x8d: {  	s2 =	sadd.s32 s2, s16  }
0x8e: {  	[smem:$0x3F98] =	sst s2  }
0x8f: {  	_ = 	snop  }
0x90: {  	(tm) =	ssettm $0x1  }
0x91: {  	s17 =	sld [smem:$0x3FFB];
	_ =	sdelay $0x3  }
0x92: {  	_ =	strace s17  }
0x93: {  	s2 =	sld [smem:$0x3FFC];
	_ =	sdelay $0x3  }
0x94: {  	_ =	strace s2  }
0x95: {  	s2 =	sld [smem:$0x3FFD];
	_ =	sdelay $0x3  }
0x96: {  	_ =	strace s2  }
0x97: {  	_ =	strace $0x8FFFFFFF  }
0x98: {  	s18 =	sld [smem:$0x3FDB];
	_ =	sdelay $0x1  }
0x99: {  	s19 =	simm.s32 $_scs_section_size  }
0x9a: {  	s4 =	simm.s32 $_size__tile_overlayer_lowered;
	s5 =	simm.s32 $_tile_overlayer_lowered  }
0x9b: {  	s22 =	simm.s32 $0x1BFF;
	s21 =	sshll.u32 s5, $0x1;
	s2 =	sadd.s32 s19, s18  }
0x9c: {  	s6 =	simm.s32 $0x0;
	s20 =	sshll.u32 s4, $0x1;
	s4 =	sadd.s32 s21, s2  }
0x9d: {  	[timem:s6], [sflag:s22] =	dma.local [hbm:s4], s20  }
0x9e: {  	_ =	swait.ge [sflag:s22], s20  }
0x9f: {  	s3 =	ssub.s32 $0x0, s20;
	[sflag:s22] =	ssyncset.done $0x0  }
0xa0: {  	[sflag:s22] =	ssyncadd.s32 s3;
	_ =	sdelay $0x1  }
0xa1: {  	s23 =	simm.s32 $0x1B8B  }
0xa2: {  	_ =	swait.ge [sflag:s23], $0x1  }
0xa3: {  	[sflag:s23] =	ssyncset.done $0x0  }
0xa4: {  	s25 =	simm.s32 $0x1B8E;
	s24 =	sld [smem:$0x3FFE];
	[sflag:s23] =	ssyncadd.s32 $0xFFFFFFFF  }
0xa5: {  	s26 =	simm.s32 $execute0_lowered;
	[smem:$0x3FD2] =	sst s25  }
0xa6: {  	s4 =	sshll.u32 s26, $0x1;
	_ =	strace $0x80000046;
	[dreg:$0x1] =	wrdreg $0xFFFFFFFF  }
0xa7: {  	s28 =	simm.s32 $_size_execute0_lowered;
	s2 =	sadd.s32 s2, s4;
	[dreg:$0x0] =	wrdreg $0x0  }
0xa8: {  	s4 =	sshll.u32 s28, $0x1;
	[dreg:$0x2] =	wrdreg s2  }
0xa9: {  	[dreg:$0x3] =	wrdreg s4  }
0xaa: {  	[dreg:$0x4] =	wrdreg $0xC0  }
0xab: {  	_ =	task [dreg:s6], $0x5FFFF  }
0xac: {  	[dreg:$0x1] =	wrdreg $0xFFFFFFFF  }
0xad: {  	[dreg:$0x0] =	wrdreg $0x60  }
0xae: {  	[dreg:$0x2] =	wrdreg s24  }
0xaf: {  	[dreg:$0x3] =	wrdreg $0xA  }
0xb0: {  	_ =	task.clear_ibuf [dreg:s6], $0x4FFFF;
	_ =	strace $0x90000046  }
0xb1: {  	s29 =	simm.s32 $0xA;
	_ =	strace $0x80000048  }
0xb2: {  	_ =	swait.ge [sflag:s29], $0x1  }
0xb3: {  	[sflag:s29] =	ssyncadd.s32 $0xFFFFFFFF  }
0xb4: {  	_ =	strace $0x90000048  }
0xb5: {  	_ =	sfence  }
0xb6: {  	s30 =	sld [smem:$0x0];
	_ =	sdelay $0x2  }
0xb7: {  	s31 =	sshll.u32 s1, $0xD;
	s1 =	sshrl.u32 s1, $0x2  }
0xb8: {  	s3 =	sand.u32 $0x4000, s31;
	s1 =	sadd.s32 s1, s30  }
0xb9: {  	s0 =	sor.u32 s3, s0;
	s1 =	sshll.u32 s1, $0x11  }
0xba: {  	s0 =	sor.u32 s1, s0  }
0xbb: {  	s0 =	sadd.s32 $0x8F2B, s0  }
0xbc: {  	[sflag:s0] =	ssyncadd.remote.s32 $0x1  }
0xbd: {  	_ =	sfence.sel $0xFFFF  }
0xbe: {  	[dreg:$0x0] =	wrdreg $0xFFFFFFFF;
	(pc) =	sbr.abs _section_cstart, $3  }
0xbf: {  	[dreg:$0x1] =	wrdreg $0xFFFFFFFF  }
0xc0: {  	_ =	task.clear_ibuf [dreg:s6], $0x2FFFF;
	_ =	strace $0x9FFFFFFF  }
0xc1: {  	(tm) =	ssettm $0x7FFFFFFF  }
tec
execute0_lowered:
.L_overlay_start_1:
0x0: {  	(tag) =	ssettag $0x1  }
0x1: {  	s1 =	srdreg.scid;
	s0 =	stileid.u32  }
0x2: {  	s25 =	sand.u32 $0x1, s1;
	s31 =	sshll.u32 s0, $0x1  }
0x3: {  	s6 =	sor.u32 s25, s31  }
0x4: {  	s9 =	rddreg [dreg:$0x0];
	s3 =	smul.u32 $0x280, s6  }
0x5: {  	s2 =	simm.s32 $0x0;
	s1 =	rddreg [dreg:$0x1]  }
0x6: {  	[smem:$0x7FF] =	sst s2;
	s3 =	sadd.s32 s3, s9  }
0x7: {  	_ =	strace $0x80000047;
	s4 =	sadd.s32 $0x4E800, s3;
	s3 =	simm.s32 $0x2  }
0x8: {  	[tilespmem:s2], [sflag:$0x2] =	stream.linear.gather [hbm4b:s4+s2], $0x1400, $0x38;
	[tilespmem:$0x11400] =	vst v63  }
0x9: {  	s7 =	simm.s32 $0x1400;
	_ =	swait.ge [sflag:s3], $0x1400  }
0xa: {  	s8 =	simm.s32 $0x1;
	s5 =	sadd.s32 $0x2E800, s9;
	[sflag:s3] =	ssyncset.done $0x0  }
0xb: {  	s10 =	smul.u32 $0x14000, s6;
	s6 =	simm.s32 $0x200;
	[sflag:s3] =	ssyncadd.s32 $0xFFFFEC00  }
0xc: {  	[tilespmem:s7], [sflag:$0x1] =	stream.indirect.gather [hbm4b:s5+s6], $0x80, s2, s6, $0xb8;
	[tilespmem:$0x11400] =	vst v63  }
0xd: {  	_ =	swait.ge [sflag:s8], $0x10000  }
0xe: {  	s26 =	sadd.s32 s10, s9;
	[sflag:s8] =	ssyncset.done $0x0  }
0xf: {  	s9 =	sadd.s32 $0x53800, s26;
	[sflag:s8] =	ssyncadd.s32 $0xFFFF0000  }
0x10: {  	[hbm4b:s9+s2] =	stream.linear.scatter [tilespmem:s7], [sflag:$0x2], $0x10000, $0x38;
	[tilespmem:$0x11400] =	vst v63  }
0x11: {  	_ =	swait.ge [sflag:s3], $0x10000  }
0x12: {  	[sflag:s3] =	ssyncset.done $0x0  }
0x13: {  	[sflag:s3] =	ssyncadd.s32 $0xFFFF0000  }
0x14: {  	[tilespmem:s7], [sflag:$0x1] =	stream.indirect.gather [hbm4b:s5+s6], $0x80, s6, s6, $0xb8;
	[tilespmem:$0x11400] =	vst v63  }
0x15: {  	_ =	swait.ge [sflag:s8], $0x10000  }
0x16: {  	[sflag:s8] =	ssyncset.done $0x0  }
0x17: {  	s10 =	sadd.s32 $0x55800, s26;
	[sflag:s8] =	ssyncadd.s32 $0xFFFF0000  }
0x18: {  	[hbm4b:s10+s2] =	stream.linear.scatter [tilespmem:s7], [sflag:$0x2], $0x10000, $0x38;
	[tilespmem:$0x11400] =	vst v63  }
0x19: {  	_ =	swait.ge [sflag:s3], $0x10000  }
0x1a: {  	[sflag:s3] =	ssyncset.done $0x0  }
0x1b: {  	s11 =	simm.s32 $0x400;
	[sflag:s3] =	ssyncadd.s32 $0xFFFF0000  }
0x1c: {  	[tilespmem:s7], [sflag:$0x1] =	stream.indirect.gather [hbm4b:s5+s6], $0x80, s11, s6, $0xb8;
	[tilespmem:$0x11400] =	vst v63  }
0x1d: {  	_ =	swait.ge [sflag:s8], $0x10000  }
0x1e: {  	[sflag:s8] =	ssyncset.done $0x0  }
0x1f: {  	s12 =	sadd.s32 $0x57800, s26;
	[sflag:s8] =	ssyncadd.s32 $0xFFFF0000  }
0x20: {  	[hbm4b:s12+s2] =	stream.linear.scatter [tilespmem:s7], [sflag:$0x2], $0x10000, $0x38;
	[tilespmem:$0x11400] =	vst v63  }
0x21: {  	_ =	swait.ge [sflag:s3], $0x10000  }
0x22: {  	[sflag:s3] =	ssyncset.done $0x0  }
0x23: {  	s13 =	simm.s32 $0x600;
	[sflag:s3] =	ssyncadd.s32 $0xFFFF0000  }
0x24: {  	[tilespmem:s7], [sflag:$0x1] =	stream.indirect.gather [hbm4b:s5+s6], $0x80, s13, s6, $0xb8;
	[tilespmem:$0x11400] =	vst v63  }
0x25: {  	_ =	swait.ge [sflag:s8], $0x10000  }
0x26: {  	[sflag:s8] =	ssyncset.done $0x0  }
0x27: {  	s14 =	sadd.s32 $0x59800, s26;
	[sflag:s8] =	ssyncadd.s32 $0xFFFF0000  }
0x28: {  	[hbm4b:s14+s2] =	stream.linear.scatter [tilespmem:s7], [sflag:$0x2], $0x10000, $0x38;
	[tilespmem:$0x11400] =	vst v63  }
0x29: {  	_ =	swait.ge [sflag:s3], $0x10000  }
0x2a: {  	[sflag:s3] =	ssyncset.done $0x0  }
0x2b: {  	s15 =	simm.s32 $0x800;
	[sflag:s3] =	ssyncadd.s32 $0xFFFF0000  }
0x2c: {  	[tilespmem:s7], [sflag:$0x1] =	stream.indirect.gather [hbm4b:s5+s6], $0x80, s15, s6, $0xb8;
	[tilespmem:$0x11400] =	vst v63  }
0x2d: {  	_ =	swait.ge [sflag:s8], $0x10000  }
0x2e: {  	[sflag:s8] =	ssyncset.done $0x0  }
0x2f: {  	s16 =	sadd.s32 $0x5B800, s26;
	[sflag:s8] =	ssyncadd.s32 $0xFFFF0000  }
0x30: {  	[hbm4b:s16+s2] =	stream.linear.scatter [tilespmem:s7], [sflag:$0x2], $0x10000, $0x38;
	[tilespmem:$0x11400] =	vst v63  }
0x31: {  	_ =	swait.ge [sflag:s3], $0x10000  }
0x32: {  	[sflag:s3] =	ssyncset.done $0x0  }
0x33: {  	s17 =	simm.s32 $0xA00;
	[sflag:s3] =	ssyncadd.s32 $0xFFFF0000  }
0x34: {  	[tilespmem:s7], [sflag:$0x1] =	stream.indirect.gather [hbm4b:s5+s6], $0x80, s17, s6, $0xb8;
	[tilespmem:$0x11400] =	vst v63  }
0x35: {  	_ =	swait.ge [sflag:s8], $0x10000  }
0x36: {  	[sflag:s8] =	ssyncset.done $0x0  }
0x37: {  	s18 =	sadd.s32 $0x5D800, s26;
	[sflag:s8] =	ssyncadd.s32 $0xFFFF0000  }
0x38: {  	[hbm4b:s18+s2] =	stream.linear.scatter [tilespmem:s7], [sflag:$0x2], $0x10000, $0x38;
	[tilespmem:$0x11400] =	vst v63  }
0x39: {  	_ =	swait.ge [sflag:s3], $0x10000  }
0x3a: {  	[sflag:s3] =	ssyncset.done $0x0  }
0x3b: {  	s19 =	simm.s32 $0xC00;
	[sflag:s3] =	ssyncadd.s32 $0xFFFF0000  }
0x3c: {  	[tilespmem:s7], [sflag:$0x1] =	stream.indirect.gather [hbm4b:s5+s6], $0x80, s19, s6, $0xb8;
	[tilespmem:$0x11400] =	vst v63  }
0x3d: {  	_ =	swait.ge [sflag:s8], $0x10000  }
0x3e: {  	[sflag:s8] =	ssyncset.done $0x0  }
0x3f: {  	s20 =	sadd.s32 $0x5F800, s26;
	[sflag:s8] =	ssyncadd.s32 $0xFFFF0000  }
0x40: {  	[hbm4b:s20+s2] =	stream.linear.scatter [tilespmem:s7], [sflag:$0x2], $0x10000, $0x38;
	[tilespmem:$0x11400] =	vst v63  }
0x41: {  	_ =	swait.ge [sflag:s3], $0x10000  }
0x42: {  	[sflag:s3] =	ssyncset.done $0x0  }
0x43: {  	s21 =	simm.s32 $0xE00;
	[sflag:s3] =	ssyncadd.s32 $0xFFFF0000  }
0x44: {  	[tilespmem:s7], [sflag:$0x1] =	stream.indirect.gather [hbm4b:s5+s6], $0x80, s21, s6, $0xb8;
	[tilespmem:$0x11400] =	vst v63  }
0x45: {  	_ =	swait.ge [sflag:s8], $0x10000  }
0x46: {  	[sflag:s8] =	ssyncset.done $0x0  }
0x47: {  	s22 =	sadd.s32 $0x61800, s26;
	[sflag:s8] =	ssyncadd.s32 $0xFFFF0000  }
0x48: {  	[hbm4b:s22+s2] =	stream.linear.scatter [tilespmem:s7], [sflag:$0x2], $0x10000, $0x38;
	[tilespmem:$0x11400] =	vst v63  }
0x49: {  	_ =	swait.ge [sflag:s3], $0x10000  }
0x4a: {  	[sflag:s3] =	ssyncset.done $0x0  }
0x4b: {  	s23 =	simm.s32 $0x1000;
	[sflag:s3] =	ssyncadd.s32 $0xFFFF0000  }
0x4c: {  	[tilespmem:s7], [sflag:$0x1] =	stream.indirect.gather [hbm4b:s5+s6], $0x80, s23, s6, $0xb8;
	[tilespmem:$0x11400] =	vst v63  }
0x4d: {  	_ =	swait.ge [sflag:s8], $0x10000  }
0x4e: {  	[sflag:s8] =	ssyncset.done $0x0  }
0x4f: {  	s28 =	ssub.s32 $0x2, s25;
	s24 =	sadd.s32 $0x63800, s26;
	[sflag:s8] =	ssyncadd.s32 $0xFFFF0000  }
0x50: {  	[hbm4b:s24+s2] =	stream.linear.scatter [tilespmem:s7], [sflag:$0x2], $0x10000, $0x38;
	[tilespmem:$0x11400] =	vst v63  }
0x51: {  	s29 =	sshrl.u32 s28, $0x1;
	_ =	swait.ge [sflag:s3], $0x10000  }
0x52: {  	s28 =	ssub.s32 s28, s29;
	[sflag:s3] =	ssyncset.done $0x0  }
0x53: {  	s25 =	simm.s32 $0x1200;
	s28 =	smax.u32 s28, $0x1;
	[sflag:s3] =	ssyncadd.s32 $0xFFFF0000  }
0x54: {  	[tilespmem:s7], [sflag:$0x1] =	stream.indirect.gather [hbm4b:s5+s6], $0x80, s25, s6, $0xb8;
	[tilespmem:$0x11400] =	vst v63  }
0x55: {  	p0 =	sne.s32 s28, $0x1;
	_ =	swait.ge [sflag:s8], $0x10000  }
.Ltmp0:
0x56: {  	[sflag:s8] =	ssyncset.done $0x0;
	(pc) =	sbr.rel @!p0 .LBB2_2-.Ltmp0, $4  }
0x57: {  	s26 =	sadd.s32 $0x65800, s26;
	[sflag:s8] =	ssyncadd.s32 $0xFFFF0000  }
0x58: {  	[hbm4b:s26+s2] =	stream.linear.scatter [tilespmem:s7], [sflag:$0x2], $0x10000, $0x38;
	[tilespmem:$0x11400] =	vst v63  }
0x59: {  	_ =	swait.ge [sflag:s3], $0x10000  }
0x5a: {  	s28 =	sadd.s32 $0xFFFFFFFF, s28;
	[sflag:s3] =	ssyncset.done $0x0  }
.LBB2_1:
0x5b: {  	p0 =	sne.s32 s28, $0x1;
	s28 =	sadd.s32 $0xFFFFFFFF, s28;
	[sflag:s3] =	ssyncadd.s32 $0xFFFF0000  }
0x5c: {  	[tilespmem:s2], [sflag:$0x2] =	stream.linear.gather [hbm4b:s4+s2], $0x1400, $0x38;
	[tilespmem:$0x11400] =	vst v63  }
0x5d: {  	_ =	swait.ge [sflag:s3], $0x1400  }
0x5e: {  	[sflag:s3] =	ssyncset.done $0x0  }
0x5f: {  	[sflag:s3] =	ssyncadd.s32 $0xFFFFEC00  }
0x60: {  	[tilespmem:s7], [sflag:$0x1] =	stream.indirect.gather [hbm4b:s5+s6], $0x80, s2, s6, $0xb8;
	[tilespmem:$0x11400] =	vst v63  }
0x61: {  	_ =	swait.ge [sflag:s8], $0x10000  }
0x62: {  	[sflag:s8] =	ssyncset.done $0x0  }
0x63: {  	[sflag:s8] =	ssyncadd.s32 $0xFFFF0000  }
0x64: {  	[hbm4b:s9+s2] =	stream.linear.scatter [tilespmem:s7], [sflag:$0x2], $0x10000, $0x38;
	[tilespmem:$0x11400] =	vst v63  }
0x65: {  	_ =	swait.ge [sflag:s3], $0x10000  }
0x66: {  	[sflag:s3] =	ssyncset.done $0x0  }
0x67: {  	[sflag:s3] =	ssyncadd.s32 $0xFFFF0000  }
0x68: {  	[tilespmem:s7], [sflag:$0x1] =	stream.indirect.gather [hbm4b:s5+s6], $0x80, s6, s6, $0xb8;
	[tilespmem:$0x11400] =	vst v63  }
0x69: {  	_ =	swait.ge [sflag:s8], $0x10000  }
0x6a: {  	[sflag:s8] =	ssyncset.done $0x0  }
0x6b: {  	[sflag:s8] =	ssyncadd.s32 $0xFFFF0000  }
0x6c: {  	[hbm4b:s10+s2] =	stream.linear.scatter [tilespmem:s7], [sflag:$0x2], $0x10000, $0x38;
	[tilespmem:$0x11400] =	vst v63  }
0x6d: {  	_ =	swait.ge [sflag:s3], $0x10000  }
0x6e: {  	[sflag:s3] =	ssyncset.done $0x0  }
0x6f: {  	[sflag:s3] =	ssyncadd.s32 $0xFFFF0000  }
0x70: {  	[tilespmem:s7], [sflag:$0x1] =	stream.indirect.gather [hbm4b:s5+s6], $0x80, s11, s6, $0xb8;
	[tilespmem:$0x11400] =	vst v63  }
0x71: {  	_ =	swait.ge [sflag:s8], $0x10000  }
0x72: {  	[sflag:s8] =	ssyncset.done $0x0  }
0x73: {  	[sflag:s8] =	ssyncadd.s32 $0xFFFF0000  }
0x74: {  	[hbm4b:s12+s2] =	stream.linear.scatter [tilespmem:s7], [sflag:$0x2], $0x10000, $0x38;
	[tilespmem:$0x11400] =	vst v63  }
0x75: {  	_ =	swait.ge [sflag:s3], $0x10000  }
0x76: {  	[sflag:s3] =	ssyncset.done $0x0  }
0x77: {  	[sflag:s3] =	ssyncadd.s32 $0xFFFF0000  }
0x78: {  	[tilespmem:s7], [sflag:$0x1] =	stream.indirect.gather [hbm4b:s5+s6], $0x80, s13, s6, $0xb8;
	[tilespmem:$0x11400] =	vst v63  }
0x79: {  	_ =	swait.ge [sflag:s8], $0x10000  }
0x7a: {  	[sflag:s8] =	ssyncset.done $0x0  }
0x7b: {  	[sflag:s8] =	ssyncadd.s32 $0xFFFF0000  }
0x7c: {  	[hbm4b:s14+s2] =	stream.linear.scatter [tilespmem:s7], [sflag:$0x2], $0x10000, $0x38;
	[tilespmem:$0x11400] =	vst v63  }
0x7d: {  	_ =	swait.ge [sflag:s3], $0x10000  }
0x7e: {  	[sflag:s3] =	ssyncset.done $0x0  }
0x7f: {  	[sflag:s3] =	ssyncadd.s32 $0xFFFF0000  }
0x80: {  	[tilespmem:s7], [sflag:$0x1] =	stream.indirect.gather [hbm4b:s5+s6], $0x80, s15, s6, $0xb8;
	[tilespmem:$0x11400] =	vst v63  }
0x81: {  	_ =	swait.ge [sflag:s8], $0x10000  }
0x82: {  	[sflag:s8] =	ssyncset.done $0x0  }
0x83: {  	[sflag:s8] =	ssyncadd.s32 $0xFFFF0000  }
0x84: {  	[hbm4b:s16+s2] =	stream.linear.scatter [tilespmem:s7], [sflag:$0x2], $0x10000, $0x38;
	[tilespmem:$0x11400] =	vst v63  }
0x85: {  	_ =	swait.ge [sflag:s3], $0x10000  }
0x86: {  	[sflag:s3] =	ssyncset.done $0x0  }
0x87: {  	[sflag:s3] =	ssyncadd.s32 $0xFFFF0000  }
0x88: {  	[tilespmem:s7], [sflag:$0x1] =	stream.indirect.gather [hbm4b:s5+s6], $0x80, s17, s6, $0xb8;
	[tilespmem:$0x11400] =	vst v63  }
0x89: {  	_ =	swait.ge [sflag:s8], $0x10000  }
0x8a: {  	[sflag:s8] =	ssyncset.done $0x0  }
0x8b: {  	[sflag:s8] =	ssyncadd.s32 $0xFFFF0000  }
0x8c: {  	[hbm4b:s18+s2] =	stream.linear.scatter [tilespmem:s7], [sflag:$0x2], $0x10000, $0x38;
	[tilespmem:$0x11400] =	vst v63  }
0x8d: {  	_ =	swait.ge [sflag:s3], $0x10000  }
0x8e: {  	[sflag:s3] =	ssyncset.done $0x0  }
0x8f: {  	[sflag:s3] =	ssyncadd.s32 $0xFFFF0000  }
0x90: {  	[tilespmem:s7], [sflag:$0x1] =	stream.indirect.gather [hbm4b:s5+s6], $0x80, s19, s6, $0xb8;
	[tilespmem:$0x11400] =	vst v63  }
0x91: {  	_ =	swait.ge [sflag:s8], $0x10000  }
0x92: {  	[sflag:s8] =	ssyncset.done $0x0  }
0x93: {  	[sflag:s8] =	ssyncadd.s32 $0xFFFF0000  }
0x94: {  	[hbm4b:s20+s2] =	stream.linear.scatter [tilespmem:s7], [sflag:$0x2], $0x10000, $0x38;
	[tilespmem:$0x11400] =	vst v63  }
0x95: {  	_ =	swait.ge [sflag:s3], $0x10000  }
0x96: {  	[sflag:s3] =	ssyncset.done $0x0  }
0x97: {  	[sflag:s3] =	ssyncadd.s32 $0xFFFF0000  }
0x98: {  	[tilespmem:s7], [sflag:$0x1] =	stream.indirect.gather [hbm4b:s5+s6], $0x80, s21, s6, $0xb8;
	[tilespmem:$0x11400] =	vst v63  }
0x99: {  	_ =	swait.ge [sflag:s8], $0x10000  }
0x9a: {  	[sflag:s8] =	ssyncset.done $0x0  }
0x9b: {  	[sflag:s8] =	ssyncadd.s32 $0xFFFF0000  }
0x9c: {  	[hbm4b:s22+s2] =	stream.linear.scatter [tilespmem:s7], [sflag:$0x2], $0x10000, $0x38;
	[tilespmem:$0x11400] =	vst v63  }
0x9d: {  	_ =	swait.ge [sflag:s3], $0x10000  }
0x9e: {  	[sflag:s3] =	ssyncset.done $0x0  }
0x9f: {  	[sflag:s3] =	ssyncadd.s32 $0xFFFF0000  }
0xa0: {  	[tilespmem:s7], [sflag:$0x1] =	stream.indirect.gather [hbm4b:s5+s6], $0x80, s23, s6, $0xb8;
	[tilespmem:$0x11400] =	vst v63  }
0xa1: {  	_ =	swait.ge [sflag:s8], $0x10000  }
0xa2: {  	[sflag:s8] =	ssyncset.done $0x0  }
0xa3: {  	[sflag:s8] =	ssyncadd.s32 $0xFFFF0000  }
0xa4: {  	[hbm4b:s24+s2] =	stream.linear.scatter [tilespmem:s7], [sflag:$0x2], $0x10000, $0x38;
	[tilespmem:$0x11400] =	vst v63  }
0xa5: {  	_ =	swait.ge [sflag:s3], $0x10000  }
0xa6: {  	[sflag:s3] =	ssyncset.done $0x0  }
0xa7: {  	[sflag:s3] =	ssyncadd.s32 $0xFFFF0000  }
0xa8: {  	[tilespmem:s7], [sflag:$0x1] =	stream.indirect.gather [hbm4b:s5+s6], $0x80, s25, s6, $0xb8;
	[tilespmem:$0x11400] =	vst v63  }
0xa9: {  	_ =	swait.ge [sflag:s8], $0x10000  }
.Ltmp1:
0xaa: {  	[sflag:s8] =	ssyncset.done $0x0;
	(pc) =	sbr.rel @p0 .LBB2_1-.Ltmp1, $4  }
0xab: {  	[sflag:s8] =	ssyncadd.s32 $0xFFFF0000  }
0xac: {  	[hbm4b:s26+s2] =	stream.linear.scatter [tilespmem:s7], [sflag:$0x2], $0x10000, $0x38;
	[tilespmem:$0x11400] =	vst v63  }
0xad: {  	_ =	swait.ge [sflag:s3], $0x10000  }
0xae: {  	[sflag:s3] =	ssyncset.done $0x0  }
.LBB2_2:
0xaf: {  	[sflag:s3] =	ssyncadd.s32 $0xFFFF0000  }
0xb0: {  	_ =	sfence.sel $0x180000  }
0xb1: {  	[bflag:$0x0] =	sbarrier.arrive $0xFFFF  }
0xb2: {  	p0 =	sne.s32 s0, $0x0;
	_ =	strace $0x90000047  }
0xb3: {  	s0 =	sadd.s32 @!p0 $0x100000, s1;
	[bflag:$0x2] =	sbarrier.arrive $0xFFFF  }
0xb4: {  	[sflag:s0] =	ssyncadd.tile.s32 @!p0 $0x1;
	_ =	shalt  }
.Lfunc_end2:
_tile_overlayer_lowered:
.L_overlay_start_2:
0xb5: {  	(tag) =	ssettag $0x2  }
0xb6: {  	s0 =	rddreg [dreg:$0x0];
	s2 =	stileid.u32  }
0xb7: {  	s1 =	rddreg [dreg:$0x1];
	p0 =	sne.s32 s2, $0x0  }
0xb8: {  	s3 =	rddreg [dreg:$0x2];
	[bflag:$0x3] =	sbarrier.arrive $0xFFFF;
	s2 =	simm.s32 @!p0 $0x1C02  }
0xb9: {  	[timem:s3], [sflag:s2] =	dma.local @!p0 [hbm:s0], s1  }
0xba: {  	s0 =	simm.s32 @!p0 $0x2  }
0xbb: {  	_ =	swait.ge @!p0 [sflag:s0], s1  }
0xbc: {  	s1 =	ssub.s32 @!p0 $0x0, s1;
	[sflag:s0] =	ssyncset.done @!p0 $0x0  }
0xbd: {  	[sflag:s0] =	ssyncadd.s32 @!p0 s1  }
0xbe: {  	[bflag:$0x3] =	sbarrier.arrive $0xFFFF  }
0xbf: {  	_ =	shalt  }

// kernel: kernel.40.cloned.1.call-start
scs
__scs_entry_jumppad:
0x0: {  	(pc) =	sbr.rel $0x88, $3  }
0x1: {  	(tag) =	ssettag $0x0;
	lr =	simm.s32 $0x1  }
0x2: {  	[smem:$0x3F71] =	sst lr;
	_ =	strace $0xD0000000  }
0x3: {  	_ = 	snop  }
0x4: {  	_ = 	snop  }
0x5: {  	_ = 	snop  }
0x6: {  	_ = 	snop  }
0x7: {  	_ = 	snop  }
__scs_overlays_trampoline_lowered:
0x8: {  	[smem:$0x3F80] =	sst s0  }
0x9: {  	[smem:$0x3F81] =	sst s1  }
0xa: {  	[smem:$0x3F82] =	sst s2  }
0xb: {  	[smem:$0x3F83] =	sst s3  }
0xc: {  	[smem:$0x3F84] =	sst s4  }
0xd: {  	[smem:$0x3F85] =	sst s5  }
0xe: {  	[smem:$0x3F86] =	sst s6  }
0xf: {  	[smem:$0x3F87] =	sst s7  }
0x10: {  	[smem:$0x3F88] =	sst s8  }
0x11: {  	[smem:$0x3F89] =	sst s9;
	s0 =	simm.s32 @!p0 $0x0  }
0x12: {  	s1 =	sld [smem:$0x3F6F];
	s0 =	simm.s32 @p0 $0x1  }
0x13: {  	[smem:$0x3F8A] =	sst s0;
	s0 =	simm.s32 @!p1 $0x0  }
0x14: {  	s2 =	sld [smem:$0x3F6E];
	s0 =	simm.s32 @p1 $0x1  }
0x15: {  	[smem:$0x3F8B] =	sst s0;
	s0 =	simm.s32 @!p2 $0x0  }
0x16: {  	s3 =	sld [smem:$0x3FDB];
	s0 =	simm.s32 @p2 $0x1  }
0x17: {  	s4 =	simm.s32 $0x1BF5;
	[smem:$0x3F8D] =	sst s0  }
0x18: {  	s0 =	sld [smem:$0x3F70];
	_ =	swait.ge [sflag:s4], $0x0  }
0x19: {  	s7 =	sld [smem:$0x3F71]  }
0x1a: {  	s8 =	sadd.s32 $0xFFFFE003, lr  }
0x1b: {  	s9 =	sadd.s32 $0xFFFFFEF7, lr;
	s5 =	simm.s32 $0xFFFFFFFF;
	p2 =	slt.u32 s8, $0xFFFFF086  }
0x1c: {  	p1 =	slt.u32 s9, $0xF7A;
	s5 =	simm.s32 @!p2 $0x0  }
0x1d: {  	s5 =	simm.s32 @p1 $0x1;
	p0 =	seq.s32 s7, s2  }
0x1e: {  	s7 =	smul.u32 @!p0 $0xF7A, s2;
	p2 =	seq.s32 @!p0 s5, $0x0  }
0x1f: {  	s9 =	smul.u32 $0xF7A, s1;
	s8 =	simm.s32 @!p0 $0x1BF5;
	p2 =	por !p2, p0  }
0x20: {  	[sflag:s8] =	ssyncset.s32 @!p0 $0xFFFFF086;
	s6 =	sadd.s32 @!p0 s3, s7;
	s7 =	simm.s32 @!p0 $0x108  }
0x21: {  	s3 =	sadd.s32 s3, s9;
	s6 =	sadd.s32 @!p0 $0x88, s6;
	s7 =	simm.s32 @p2 $0x1082  }
0x22: {  	[simem:s7], [sflag:s8] =	dma.local @!p0 [hbm:s6], $0xF7A  }
0x23: {  	s9 =	sor.u32 $0xD0000000, s2;
	s6 =	simm.s32 $0x108;
	_ =	swait.ge @!p0 [sflag:s8], $0x0  }
0x24: {  	s3 =	sadd.s32 $0x88, s3;
	s6 =	simm.s32 @!p1 $0x1082;
	[sflag:s4] =	ssyncset.s32 $0xFFFFF086  }
0x25: {  	[simem:s6], [sflag:s4] =	dma.local [hbm:s3], $0xF7A  }
0x26: {  	[smem:$0x3F71] =	sst s1;
	(tag) =	ssettag s2;
	_ =	strace s9  }
0x27: {  	s1 =	sld [smem:$0x3F81]  }
0x28: {  	s2 =	sld [smem:$0x3F82]  }
0x29: {  	s4 =	sld [smem:$0x3F84]  }
0x2a: {  	p0 =	seq.s32 s5, $0x0;
	s5 =	sld [smem:$0x3F85]  }
0x2b: {  	s6 =	sld [smem:$0x3F86]  }
0x2c: {  	s7 =	sld [smem:$0x3F87]  }
0x2d: {  	s3 =	simm.s32 $0x108;
	s8 =	sld [smem:$0x3F88]  }
0x2e: {  	s3 =	simm.s32 @!p0 $0x1082;
	s9 =	sld [smem:$0x3F89]  }
0x2f: {  	lr =	sadd.s32 s0, s3;
	s0 =	sld [smem:$0x3F80]  }
0x30: {  	s3 =	sld [smem:$0x3F83]  }
0x31: {  	[smem:$0x3F8C] =	sst s10  }
0x32: {  	s10 =	sld [smem:$0x3F8A];
	_ =	sdelay $0x3  }
0x33: {  	p0 =	seq.s32 s10, $0x1;
	s10 =	sld [smem:$0x3F8C];
	_ =	sdelay $0x3  }
0x34: {  	[smem:$0x3F8C] =	sst s10  }
0x35: {  	s10 =	sld [smem:$0x3F8B];
	_ =	sdelay $0x3  }
0x36: {  	p1 =	seq.s32 s10, $0x1;
	s10 =	sld [smem:$0x3F8C];
	_ =	sdelay $0x3  }
0x37: {  	[smem:$0x3F8C] =	sst s10  }
0x38: {  	s10 =	sld [smem:$0x3F8D]  }
0x39: {  	_ = 	snop;
	(pc) =	sbr.ind lr, $3  }
0x3a: {  	_ = 	snop  }
0x3b: {  	_ = 	snop  }
0x3c: {  	p2 =	seq.s32 s10, $0x1;
	s10 =	sld [smem:$0x3F8C]  }
0x3d: {  	_ =	shalt  }
0x3e: {  	_ =	shalt  }
0x3f: {  	_ =	shalt  }
0x40: {  	_ =	shalt  }
0x41: {  	_ =	shalt  }
0x42: {  	_ =	shalt  }
0x43: {  	_ =	shalt  }
0x44: {  	_ =	shalt  }
0x45: {  	_ =	shalt  }
0x46: {  	_ =	shalt  }
0x47: {  	_ =	shalt  }
0x48: {  	_ =	shalt  }
0x49: {  	_ =	shalt  }
0x4a: {  	_ =	shalt  }
0x4b: {  	_ =	shalt  }
0x4c: {  	_ =	shalt  }
0x4d: {  	_ =	shalt  }
0x4e: {  	_ =	shalt  }
0x4f: {  	_ =	shalt  }
0x50: {  	_ =	shalt  }
0x51: {  	_ =	shalt  }
0x52: {  	_ =	shalt  }
0x53: {  	_ =	shalt  }
0x54: {  	_ =	shalt  }
0x55: {  	_ =	shalt  }
0x56: {  	_ =	shalt  }
0x57: {  	_ =	shalt  }
0x58: {  	_ =	shalt  }
0x59: {  	_ =	shalt  }
0x5a: {  	_ =	shalt  }
0x5b: {  	_ =	shalt  }
0x5c: {  	_ =	shalt  }
0x5d: {  	_ =	shalt  }
0x5e: {  	_ =	shalt  }
0x5f: {  	_ =	shalt  }
0x60: {  	_ =	shalt  }
0x61: {  	_ =	shalt  }
0x62: {  	_ =	shalt  }
0x63: {  	_ =	shalt  }
0x64: {  	_ =	shalt  }
0x65: {  	_ =	shalt  }
0x66: {  	_ =	shalt  }
0x67: {  	_ =	shalt  }
0x68: {  	_ =	shalt  }
0x69: {  	_ =	shalt  }
0x6a: {  	_ =	shalt  }
0x6b: {  	_ =	shalt  }
0x6c: {  	_ =	shalt  }
0x6d: {  	_ =	shalt  }
0x6e: {  	_ =	shalt  }
0x6f: {  	_ =	shalt  }
0x70: {  	_ =	shalt  }
0x71: {  	_ =	shalt  }
0x72: {  	_ =	shalt  }
0x73: {  	_ =	shalt  }
0x74: {  	_ =	shalt  }
0x75: {  	_ =	shalt  }
0x76: {  	_ =	shalt  }
0x77: {  	_ =	shalt  }
0x78: {  	_ =	shalt  }
0x79: {  	_ =	shalt  }
0x7a: {  	_ =	shalt  }
0x7b: {  	_ =	shalt  }
0x7c: {  	_ =	shalt  }
0x7d: {  	_ =	shalt  }
0x7e: {  	_ =	shalt  }
0x7f: {  	_ =	shalt  }
0x80: {  	_ =	shalt  }
0x81: {  	_ =	shalt  }
0x82: {  	_ =	shalt  }
0x83: {  	_ =	shalt  }
0x84: {  	_ =	shalt  }
0x85: {  	_ =	shalt  }
0x86: {  	_ =	shalt  }
0x87: {  	_ =	shalt  }
.Lfunc_end0:
.L_simem_size_0:
called_computation.3_lowered:
.L_overlay_start_0:
0x88: {  	s2 =	sld [smem:$0x3FD9]  }
0x89: {  	s3 =	sld [smem:$0x3FFE];
	_ =	sdelay $0x1  }
0x8a: {  	s1 =	srdreg.scid  }
0x8b: {  	s0 =	sand.u32 $0x1, s1  }
0x8c: {  	s17 =	sshll.u32 s0, $0xA;
	s2 =	sadd.s32 s3, s2  }
0x8d: {  	s2 =	sadd.s32 s2, s17  }
0x8e: {  	[smem:$0x3F98] =	sst s2  }
0x8f: {  	_ = 	snop  }
0x90: {  	(tm) =	ssettm $0x1  }
0x91: {  	s18 =	sld [smem:$0x3FFB];
	_ =	sdelay $0x3  }
0x92: {  	_ =	strace s18  }
0x93: {  	s2 =	sld [smem:$0x3FFC];
	_ =	sdelay $0x3  }
0x94: {  	_ =	strace s2  }
0x95: {  	s2 =	sld [smem:$0x3FFD];
	_ =	sdelay $0x3  }
0x96: {  	_ =	strace s2  }
0x97: {  	_ =	strace $0x8FFFFFFF  }
0x98: {  	s19 =	sld [smem:$0x3FDB];
	_ =	sdelay $0x1  }
0x99: {  	s20 =	simm.s32 $_scs_section_size  }
0x9a: {  	s4 =	simm.s32 $_size__tile_overlayer_lowered;
	s5 =	simm.s32 $_tile_overlayer_lowered  }
0x9b: {  	s6 =	simm.s32 $0x1BFF;
	s21 =	sshll.u32 s5, $0x1;
	s3 =	sadd.s32 s20, s19  }
0x9c: {  	s22 =	simm.s32 $0x0;
	s4 =	sshll.u32 s4, $0x1;
	s5 =	sadd.s32 s21, s3  }
0x9d: {  	[timem:s22], [sflag:s6] =	dma.local [hbm:s5], s4  }
0x9e: {  	_ =	swait.ge [sflag:s6], s4  }
0x9f: {  	s4 =	ssub.s32 $0x0, s4;
	[sflag:s6] =	ssyncset.done $0x0  }
0xa0: {  	[sflag:s6] =	ssyncadd.s32 s4;
	_ =	sdelay $0x1  }
0xa1: {  	s23 =	simm.s32 $0x1B8B  }
0xa2: {  	_ =	swait.ge [sflag:s23], $0x1  }
0xa3: {  	[sflag:s23] =	ssyncset.done $0x0  }
0xa4: {  	[sflag:s23] =	ssyncadd.s32 $0xFFFFFFFF  }
0xa5: {  	s4 =	sld [smem:$0x0]  }
0xa6: {  	s5 =	sand.u32 $0xFFFFFFFE, s1  }
0xa7: {  	p0 =	sne.s32 s1, s5  }
0xa8: {  	s5 =	sshll.u32 @p0 s5, $0xE  }
0xa9: {  	s5 =	sadd.s32 @p0 $0x11B8D, s5;
	s6 =	sshll.u32 @p0 s4, $0x11  }
0xaa: {  	s5 =	sor.u32 @p0 s6, s5  }
0xab: {  	[sflag:s5] =	ssyncadd.remote.s32 @p0 $0x1;
	_ =	sdelay $0x1  }
0xac: {  	s5 =	simm.s32 @p0 $0x1B8D  }
0xad: {  	_ =	swait.eq @p0 [sflag:s5], $0x1  }
0xae: {  	[sflag:s5] =	ssyncadd.s32 @p0 $0xFFFFFFFF  }
0xaf: {  	s6 =	sshll.u32 @!p0 s1, $0xE  }
0xb0: {  	s6 =	sor.u32 @!p0 $0x4000, s6;
	s5 =	simm.s32 @!p0 $0x1B8D  }
0xb1: {  	s4 =	sshll.u32 @!p0 s4, $0x11;
	s6 =	sadd.s32 @!p0 $0x11B8D, s6;
	_ =	swait.eq @!p0 [sflag:s5], $0x1  }
0xb2: {  	s4 =	sor.u32 @!p0 s4, s6;
	[sflag:s5] =	ssyncadd.s32 @!p0 $0xFFFFFFFF  }
0xb3: {  	s25 =	simm.s32 $0x1B8E;
	s24 =	sld [smem:$0x3FFE];
	[sflag:s4] =	ssyncadd.remote.s32 @!p0 $0x1  }
0xb4: {  	s26 =	simm.s32 $execute0_lowered;
	[smem:$0x3FD2] =	sst s25  }
0xb5: {  	s5 =	sshll.u32 s26, $0x1;
	_ =	strace $0x8000004C;
	[dreg:$0x1] =	wrdreg $0xFFFFFFFF  }
0xb6: {  	s28 =	simm.s32 $_size_execute0_lowered;
	s3 =	sadd.s32 s3, s5;
	[dreg:$0x0] =	wrdreg $0x0  }
0xb7: {  	s5 =	sshll.u32 s28, $0x1;
	[dreg:$0x2] =	wrdreg s3  }
0xb8: {  	[dreg:$0x3] =	wrdreg s5  }
0xb9: {  	[dreg:$0x4] =	wrdreg $0xC0  }
0xba: {  	_ =	task [dreg:s22], $0x5FFFF  }
0xbb: {  	[dreg:$0x1] =	wrdreg $0xFFFFFFFF  }
0xbc: {  	[dreg:$0x0] =	wrdreg $0x60  }
0xbd: {  	[dreg:$0x2] =	wrdreg s24  }
0xbe: {  	[dreg:$0x3] =	wrdreg $0xA  }
0xbf: {  	_ =	task.clear_ibuf [dreg:s22], $0x4FFFF;
	_ =	strace $0x9000004C  }
0xc0: {  	s29 =	simm.s32 $0xA;
	_ =	strace $0x8000004E  }
0xc1: {  	_ =	swait.ge [sflag:s29], $0x1  }
0xc2: {  	[sflag:s29] =	ssyncadd.s32 $0xFFFFFFFF  }
0xc3: {  	_ =	strace $0x9000004E  }
0xc4: {  	_ =	sfence  }
0xc5: {  	s30 =	sld [smem:$0x0];
	_ =	sdelay $0x2  }
0xc6: {  	s31 =	sshll.u32 s1, $0xD;
	s1 =	sshrl.u32 s1, $0x2  }
0xc7: {  	s4 =	sand.u32 $0x4000, s31;
	s1 =	sadd.s32 s1, s30  }
0xc8: {  	s0 =	sor.u32 s4, s0;
	s1 =	sshll.u32 s1, $0x11  }
0xc9: {  	s0 =	sor.u32 s1, s0  }
0xca: {  	s0 =	sadd.s32 $0x8F2B, s0  }
0xcb: {  	[sflag:s0] =	ssyncadd.remote.s32 $0x1  }
0xcc: {  	_ =	sfence.sel $0xFFFF  }
0xcd: {  	[dreg:$0x0] =	wrdreg $0xFFFFFFFF;
	(pc) =	sbr.abs _section_cstart, $3  }
0xce: {  	[dreg:$0x1] =	wrdreg $0xFFFFFFFF  }
0xcf: {  	_ =	task.clear_ibuf [dreg:s22], $0x2FFFF;
	_ =	strace $0x9FFFFFFF  }
0xd0: {  	(tm) =	ssettm $0x7FFFFFFF  }
0xd1: {  	_ =	shalt  }
tec
execute0_lowered:
.L_overlay_start_1:
0x0: {  	(tag) =	ssettag $0x1  }
0x1: {  	s1 =	srdreg.scid;
	s0 =	stileid.u32  }
0x2: {  	s25 =	sand.u32 $0x1, s1;
	s31 =	sshll.u32 s0, $0x1  }
0x3: {  	s6 =	sor.u32 s25, s31  }
0x4: {  	s9 =	rddreg [dreg:$0x0];
	s3 =	smul.u32 $0x280, s6  }
0x5: {  	s2 =	simm.s32 $0x0;
	s1 =	rddreg [dreg:$0x1]  }
0x6: {  	[smem:$0x7FF] =	sst s2;
	s3 =	sadd.s32 s3, s9  }
0x7: {  	_ =	strace $0x8000004D;
	s4 =	sadd.s32 $0x2E800, s3;
	s3 =	simm.s32 $0x2  }
0x8: {  	[tilespmem:s2], [sflag:$0x2] =	stream.linear.gather [hbm4b:s4+s2], $0x1400, $0x38;
	[tilespmem:$0x11400] =	vst v63  }
0x9: {  	s7 =	simm.s32 $0x1400;
	_ =	swait.ge [sflag:s3], $0x1400  }
0xa: {  	s8 =	simm.s32 $0x1;
	s5 =	sadd.s32 $0xE800, s9;
	[sflag:s3] =	ssyncset.done $0x0  }
0xb: {  	s10 =	smul.u32 $0x14000, s6;
	s6 =	simm.s32 $0x200;
	[sflag:s3] =	ssyncadd.s32 $0xFFFFEC00  }
0xc: {  	[tilespmem:s7], [sflag:$0x1] =	stream.indirect.gather [hbm4b:s5+s6], $0x80, s2, s6, $0xb8;
	[tilespmem:$0x11400] =	vst v63  }
0xd: {  	_ =	swait.ge [sflag:s8], $0x10000  }
0xe: {  	s26 =	sadd.s32 s10, s9;
	[sflag:s8] =	ssyncset.done $0x0  }
0xf: {  	s9 =	sadd.s32 $0x33800, s26;
	[sflag:s8] =	ssyncadd.s32 $0xFFFF0000  }
0x10: {  	[hbm4b:s9+s2] =	stream.linear.scatter [tilespmem:s7], [sflag:$0x2], $0x10000, $0x38;
	[tilespmem:$0x11400] =	vst v63  }
0x11: {  	_ =	swait.ge [sflag:s3], $0x10000  }
0x12: {  	[sflag:s3] =	ssyncset.done $0x0  }
0x13: {  	[sflag:s3] =	ssyncadd.s32 $0xFFFF0000  }
0x14: {  	[tilespmem:s7], [sflag:$0x1] =	stream.indirect.gather [hbm4b:s5+s6], $0x80, s6, s6, $0xb8;
	[tilespmem:$0x11400] =	vst v63  }
0x15: {  	_ =	swait.ge [sflag:s8], $0x10000  }
0x16: {  	[sflag:s8] =	ssyncset.done $0x0  }
0x17: {  	s10 =	sadd.s32 $0x35800, s26;
	[sflag:s8] =	ssyncadd.s32 $0xFFFF0000  }
0x18: {  	[hbm4b:s10+s2] =	stream.linear.scatter [tilespmem:s7], [sflag:$0x2], $0x10000, $0x38;
	[tilespmem:$0x11400] =	vst v63  }
0x19: {  	_ =	swait.ge [sflag:s3], $0x10000  }
0x1a: {  	[sflag:s3] =	ssyncset.done $0x0  }
0x1b: {  	s11 =	simm.s32 $0x400;
	[sflag:s3] =	ssyncadd.s32 $0xFFFF0000  }
0x1c: {  	[tilespmem:s7], [sflag:$0x1] =	stream.indirect.gather [hbm4b:s5+s6], $0x80, s11, s6, $0xb8;
	[tilespmem:$0x11400] =	vst v63  }
0x1d: {  	_ =	swait.ge [sflag:s8], $0x10000  }
0x1e: {  	[sflag:s8] =	ssyncset.done $0x0  }
0x1f: {  	s12 =	sadd.s32 $0x37800, s26;
	[sflag:s8] =	ssyncadd.s32 $0xFFFF0000  }
0x20: {  	[hbm4b:s12+s2] =	stream.linear.scatter [tilespmem:s7], [sflag:$0x2], $0x10000, $0x38;
	[tilespmem:$0x11400] =	vst v63  }
0x21: {  	_ =	swait.ge [sflag:s3], $0x10000  }
0x22: {  	[sflag:s3] =	ssyncset.done $0x0  }
0x23: {  	s13 =	simm.s32 $0x600;
	[sflag:s3] =	ssyncadd.s32 $0xFFFF0000  }
0x24: {  	[tilespmem:s7], [sflag:$0x1] =	stream.indirect.gather [hbm4b:s5+s6], $0x80, s13, s6, $0xb8;
	[tilespmem:$0x11400] =	vst v63  }
0x25: {  	_ =	swait.ge [sflag:s8], $0x10000  }
0x26: {  	[sflag:s8] =	ssyncset.done $0x0  }
0x27: {  	s14 =	sadd.s32 $0x39800, s26;
	[sflag:s8] =	ssyncadd.s32 $0xFFFF0000  }
0x28: {  	[hbm4b:s14+s2] =	stream.linear.scatter [tilespmem:s7], [sflag:$0x2], $0x10000, $0x38;
	[tilespmem:$0x11400] =	vst v63  }
0x29: {  	_ =	swait.ge [sflag:s3], $0x10000  }
0x2a: {  	[sflag:s3] =	ssyncset.done $0x0  }
0x2b: {  	s15 =	simm.s32 $0x800;
	[sflag:s3] =	ssyncadd.s32 $0xFFFF0000  }
0x2c: {  	[tilespmem:s7], [sflag:$0x1] =	stream.indirect.gather [hbm4b:s5+s6], $0x80, s15, s6, $0xb8;
	[tilespmem:$0x11400] =	vst v63  }
0x2d: {  	_ =	swait.ge [sflag:s8], $0x10000  }
0x2e: {  	[sflag:s8] =	ssyncset.done $0x0  }
0x2f: {  	s16 =	sadd.s32 $0x3B800, s26;
	[sflag:s8] =	ssyncadd.s32 $0xFFFF0000  }
0x30: {  	[hbm4b:s16+s2] =	stream.linear.scatter [tilespmem:s7], [sflag:$0x2], $0x10000, $0x38;
	[tilespmem:$0x11400] =	vst v63  }
0x31: {  	_ =	swait.ge [sflag:s3], $0x10000  }
0x32: {  	[sflag:s3] =	ssyncset.done $0x0  }
0x33: {  	s17 =	simm.s32 $0xA00;
	[sflag:s3] =	ssyncadd.s32 $0xFFFF0000  }
0x34: {  	[tilespmem:s7], [sflag:$0x1] =	stream.indirect.gather [hbm4b:s5+s6], $0x80, s17, s6, $0xb8;
	[tilespmem:$0x11400] =	vst v63  }
0x35: {  	_ =	swait.ge [sflag:s8], $0x10000  }
0x36: {  	[sflag:s8] =	ssyncset.done $0x0  }
0x37: {  	s18 =	sadd.s32 $0x3D800, s26;
	[sflag:s8] =	ssyncadd.s32 $0xFFFF0000  }
0x38: {  	[hbm4b:s18+s2] =	stream.linear.scatter [tilespmem:s7], [sflag:$0x2], $0x10000, $0x38;
	[tilespmem:$0x11400] =	vst v63  }
0x39: {  	_ =	swait.ge [sflag:s3], $0x10000  }
0x3a: {  	[sflag:s3] =	ssyncset.done $0x0  }
0x3b: {  	s19 =	simm.s32 $0xC00;
	[sflag:s3] =	ssyncadd.s32 $0xFFFF0000  }
0x3c: {  	[tilespmem:s7], [sflag:$0x1] =	stream.indirect.gather [hbm4b:s5+s6], $0x80, s19, s6, $0xb8;
	[tilespmem:$0x11400] =	vst v63  }
0x3d: {  	_ =	swait.ge [sflag:s8], $0x10000  }
0x3e: {  	[sflag:s8] =	ssyncset.done $0x0  }
0x3f: {  	s20 =	sadd.s32 $0x3F800, s26;
	[sflag:s8] =	ssyncadd.s32 $0xFFFF0000  }
0x40: {  	[hbm4b:s20+s2] =	stream.linear.scatter [tilespmem:s7], [sflag:$0x2], $0x10000, $0x38;
	[tilespmem:$0x11400] =	vst v63  }
0x41: {  	_ =	swait.ge [sflag:s3], $0x10000  }
0x42: {  	[sflag:s3] =	ssyncset.done $0x0  }
0x43: {  	s21 =	simm.s32 $0xE00;
	[sflag:s3] =	ssyncadd.s32 $0xFFFF0000  }
0x44: {  	[tilespmem:s7], [sflag:$0x1] =	stream.indirect.gather [hbm4b:s5+s6], $0x80, s21, s6, $0xb8;
	[tilespmem:$0x11400] =	vst v63  }
0x45: {  	_ =	swait.ge [sflag:s8], $0x10000  }
0x46: {  	[sflag:s8] =	ssyncset.done $0x0  }
0x47: {  	s22 =	sadd.s32 $0x41800, s26;
	[sflag:s8] =	ssyncadd.s32 $0xFFFF0000  }
0x48: {  	[hbm4b:s22+s2] =	stream.linear.scatter [tilespmem:s7], [sflag:$0x2], $0x10000, $0x38;
	[tilespmem:$0x11400] =	vst v63  }
0x49: {  	_ =	swait.ge [sflag:s3], $0x10000  }
0x4a: {  	[sflag:s3] =	ssyncset.done $0x0  }
0x4b: {  	s23 =	simm.s32 $0x1000;
	[sflag:s3] =	ssyncadd.s32 $0xFFFF0000  }
0x4c: {  	[tilespmem:s7], [sflag:$0x1] =	stream.indirect.gather [hbm4b:s5+s6], $0x80, s23, s6, $0xb8;
	[tilespmem:$0x11400] =	vst v63  }
0x4d: {  	_ =	swait.ge [sflag:s8], $0x10000  }
0x4e: {  	[sflag:s8] =	ssyncset.done $0x0  }
0x4f: {  	s28 =	ssub.s32 $0x2, s25;
	s24 =	sadd.s32 $0x43800, s26;
	[sflag:s8] =	ssyncadd.s32 $0xFFFF0000  }
0x50: {  	[hbm4b:s24+s2] =	stream.linear.scatter [tilespmem:s7], [sflag:$0x2], $0x10000, $0x38;
	[tilespmem:$0x11400] =	vst v63  }
0x51: {  	s29 =	sshrl.u32 s28, $0x1;
	_ =	swait.ge [sflag:s3], $0x10000  }
0x52: {  	s28 =	ssub.s32 s28, s29;
	[sflag:s3] =	ssyncset.done $0x0  }
0x53: {  	s25 =	simm.s32 $0x1200;
	s28 =	smax.u32 s28, $0x1;
	[sflag:s3] =	ssyncadd.s32 $0xFFFF0000  }
0x54: {  	[tilespmem:s7], [sflag:$0x1] =	stream.indirect.gather [hbm4b:s5+s6], $0x80, s25, s6, $0xb8;
	[tilespmem:$0x11400] =	vst v63  }
0x55: {  	p0 =	sne.s32 s28, $0x1;
	_ =	swait.ge [sflag:s8], $0x10000  }
.Ltmp0:
0x56: {  	[sflag:s8] =	ssyncset.done $0x0;
	(pc) =	sbr.rel @!p0 .LBB2_2-.Ltmp0, $4  }
0x57: {  	s26 =	sadd.s32 $0x45800, s26;
	[sflag:s8] =	ssyncadd.s32 $0xFFFF0000  }
0x58: {  	[hbm4b:s26+s2] =	stream.linear.scatter [tilespmem:s7], [sflag:$0x2], $0x10000, $0x38;
	[tilespmem:$0x11400] =	vst v63  }
0x59: {  	_ =	swait.ge [sflag:s3], $0x10000  }
0x5a: {  	s28 =	sadd.s32 $0xFFFFFFFF, s28;
	[sflag:s3] =	ssyncset.done $0x0  }
.LBB2_1:
0x5b: {  	p0 =	sne.s32 s28, $0x1;
	s28 =	sadd.s32 $0xFFFFFFFF, s28;
	[sflag:s3] =	ssyncadd.s32 $0xFFFF0000  }
0x5c: {  	[tilespmem:s2], [sflag:$0x2] =	stream.linear.gather [hbm4b:s4+s2], $0x1400, $0x38;
	[tilespmem:$0x11400] =	vst v63  }
0x5d: {  	_ =	swait.ge [sflag:s3], $0x1400  }
0x5e: {  	[sflag:s3] =	ssyncset.done $0x0  }
0x5f: {  	[sflag:s3] =	ssyncadd.s32 $0xFFFFEC00  }
0x60: {  	[tilespmem:s7], [sflag:$0x1] =	stream.indirect.gather [hbm4b:s5+s6], $0x80, s2, s6, $0xb8;
	[tilespmem:$0x11400] =	vst v63  }
0x61: {  	_ =	swait.ge [sflag:s8], $0x10000  }
0x62: {  	[sflag:s8] =	ssyncset.done $0x0  }
0x63: {  	[sflag:s8] =	ssyncadd.s32 $0xFFFF0000  }
0x64: {  	[hbm4b:s9+s2] =	stream.linear.scatter [tilespmem:s7], [sflag:$0x2], $0x10000, $0x38;
	[tilespmem:$0x11400] =	vst v63  }
0x65: {  	_ =	swait.ge [sflag:s3], $0x10000  }
0x66: {  	[sflag:s3] =	ssyncset.done $0x0  }
0x67: {  	[sflag:s3] =	ssyncadd.s32 $0xFFFF0000  }
0x68: {  	[tilespmem:s7], [sflag:$0x1] =	stream.indirect.gather [hbm4b:s5+s6], $0x80, s6, s6, $0xb8;
	[tilespmem:$0x11400] =	vst v63  }
0x69: {  	_ =	swait.ge [sflag:s8], $0x10000  }
0x6a: {  	[sflag:s8] =	ssyncset.done $0x0  }
0x6b: {  	[sflag:s8] =	ssyncadd.s32 $0xFFFF0000  }
0x6c: {  	[hbm4b:s10+s2] =	stream.linear.scatter [tilespmem:s7], [sflag:$0x2], $0x10000, $0x38;
	[tilespmem:$0x11400] =	vst v63  }
0x6d: {  	_ =	swait.ge [sflag:s3], $0x10000  }
0x6e: {  	[sflag:s3] =	ssyncset.done $0x0  }
0x6f: {  	[sflag:s3] =	ssyncadd.s32 $0xFFFF0000  }
0x70: {  	[tilespmem:s7], [sflag:$0x1] =	stream.indirect.gather [hbm4b:s5+s6], $0x80, s11, s6, $0xb8;
	[tilespmem:$0x11400] =	vst v63  }
0x71: {  	_ =	swait.ge [sflag:s8], $0x10000  }
0x72: {  	[sflag:s8] =	ssyncset.done $0x0  }
0x73: {  	[sflag:s8] =	ssyncadd.s32 $0xFFFF0000  }
0x74: {  	[hbm4b:s12+s2] =	stream.linear.scatter [tilespmem:s7], [sflag:$0x2], $0x10000, $0x38;
	[tilespmem:$0x11400] =	vst v63  }
0x75: {  	_ =	swait.ge [sflag:s3], $0x10000  }
0x76: {  	[sflag:s3] =	ssyncset.done $0x0  }
0x77: {  	[sflag:s3] =	ssyncadd.s32 $0xFFFF0000  }
0x78: {  	[tilespmem:s7], [sflag:$0x1] =	stream.indirect.gather [hbm4b:s5+s6], $0x80, s13, s6, $0xb8;
	[tilespmem:$0x11400] =	vst v63  }
0x79: {  	_ =	swait.ge [sflag:s8], $0x10000  }
0x7a: {  	[sflag:s8] =	ssyncset.done $0x0  }
0x7b: {  	[sflag:s8] =	ssyncadd.s32 $0xFFFF0000  }
0x7c: {  	[hbm4b:s14+s2] =	stream.linear.scatter [tilespmem:s7], [sflag:$0x2], $0x10000, $0x38;
	[tilespmem:$0x11400] =	vst v63  }
0x7d: {  	_ =	swait.ge [sflag:s3], $0x10000  }
0x7e: {  	[sflag:s3] =	ssyncset.done $0x0  }
0x7f: {  	[sflag:s3] =	ssyncadd.s32 $0xFFFF0000  }
0x80: {  	[tilespmem:s7], [sflag:$0x1] =	stream.indirect.gather [hbm4b:s5+s6], $0x80, s15, s6, $0xb8;
	[tilespmem:$0x11400] =	vst v63  }
0x81: {  	_ =	swait.ge [sflag:s8], $0x10000  }
0x82: {  	[sflag:s8] =	ssyncset.done $0x0  }
0x83: {  	[sflag:s8] =	ssyncadd.s32 $0xFFFF0000  }
0x84: {  	[hbm4b:s16+s2] =	stream.linear.scatter [tilespmem:s7], [sflag:$0x2], $0x10000, $0x38;
	[tilespmem:$0x11400] =	vst v63  }
0x85: {  	_ =	swait.ge [sflag:s3], $0x10000  }
0x86: {  	[sflag:s3] =	ssyncset.done $0x0  }
0x87: {  	[sflag:s3] =	ssyncadd.s32 $0xFFFF0000  }
0x88: {  	[tilespmem:s7], [sflag:$0x1] =	stream.indirect.gather [hbm4b:s5+s6], $0x80, s17, s6, $0xb8;
	[tilespmem:$0x11400] =	vst v63  }
0x89: {  	_ =	swait.ge [sflag:s8], $0x10000  }
0x8a: {  	[sflag:s8] =	ssyncset.done $0x0  }
0x8b: {  	[sflag:s8] =	ssyncadd.s32 $0xFFFF0000  }
0x8c: {  	[hbm4b:s18+s2] =	stream.linear.scatter [tilespmem:s7], [sflag:$0x2], $0x10000, $0x38;
	[tilespmem:$0x11400] =	vst v63  }
0x8d: {  	_ =	swait.ge [sflag:s3], $0x10000  }
0x8e: {  	[sflag:s3] =	ssyncset.done $0x0  }
0x8f: {  	[sflag:s3] =	ssyncadd.s32 $0xFFFF0000  }
0x90: {  	[tilespmem:s7], [sflag:$0x1] =	stream.indirect.gather [hbm4b:s5+s6], $0x80, s19, s6, $0xb8;
	[tilespmem:$0x11400] =	vst v63  }
0x91: {  	_ =	swait.ge [sflag:s8], $0x10000  }
0x92: {  	[sflag:s8] =	ssyncset.done $0x0  }
0x93: {  	[sflag:s8] =	ssyncadd.s32 $0xFFFF0000  }
0x94: {  	[hbm4b:s20+s2] =	stream.linear.scatter [tilespmem:s7], [sflag:$0x2], $0x10000, $0x38;
	[tilespmem:$0x11400] =	vst v63  }
0x95: {  	_ =	swait.ge [sflag:s3], $0x10000  }
0x96: {  	[sflag:s3] =	ssyncset.done $0x0  }
0x97: {  	[sflag:s3] =	ssyncadd.s32 $0xFFFF0000  }
0x98: {  	[tilespmem:s7], [sflag:$0x1] =	stream.indirect.gather [hbm4b:s5+s6], $0x80, s21, s6, $0xb8;
	[tilespmem:$0x11400] =	vst v63  }
0x99: {  	_ =	swait.ge [sflag:s8], $0x10000  }
0x9a: {  	[sflag:s8] =	ssyncset.done $0x0  }
0x9b: {  	[sflag:s8] =	ssyncadd.s32 $0xFFFF0000  }
0x9c: {  	[hbm4b:s22+s2] =	stream.linear.scatter [tilespmem:s7], [sflag:$0x2], $0x10000, $0x38;
	[tilespmem:$0x11400] =	vst v63  }
0x9d: {  	_ =	swait.ge [sflag:s3], $0x10000  }
0x9e: {  	[sflag:s3] =	ssyncset.done $0x0  }
0x9f: {  	[sflag:s3] =	ssyncadd.s32 $0xFFFF0000  }
0xa0: {  	[tilespmem:s7], [sflag:$0x1] =	stream.indirect.gather [hbm4b:s5+s6], $0x80, s23, s6, $0xb8;
	[tilespmem:$0x11400] =	vst v63  }
0xa1: {  	_ =	swait.ge [sflag:s8], $0x10000  }
0xa2: {  	[sflag:s8] =	ssyncset.done $0x0  }
0xa3: {  	[sflag:s8] =	ssyncadd.s32 $0xFFFF0000  }
0xa4: {  	[hbm4b:s24+s2] =	stream.linear.scatter [tilespmem:s7], [sflag:$0x2], $0x10000, $0x38;
	[tilespmem:$0x11400] =	vst v63  }
0xa5: {  	_ =	swait.ge [sflag:s3], $0x10000  }
0xa6: {  	[sflag:s3] =	ssyncset.done $0x0  }
0xa7: {  	[sflag:s3] =	ssyncadd.s32 $0xFFFF0000  }
0xa8: {  	[tilespmem:s7], [sflag:$0x1] =	stream.indirect.gather [hbm4b:s5+s6], $0x80, s25, s6, $0xb8;
	[tilespmem:$0x11400] =	vst v63  }
0xa9: {  	_ =	swait.ge [sflag:s8], $0x10000  }
.Ltmp1:
0xaa: {  	[sflag:s8] =	ssyncset.done $0x0;
	(pc) =	sbr.rel @p0 .LBB2_1-.Ltmp1, $4  }
0xab: {  	[sflag:s8] =	ssyncadd.s32 $0xFFFF0000  }
0xac: {  	[hbm4b:s26+s2] =	stream.linear.scatter [tilespmem:s7], [sflag:$0x2], $0x10000, $0x38;
	[tilespmem:$0x11400] =	vst v63  }
0xad: {  	_ =	swait.ge [sflag:s3], $0x10000  }
0xae: {  	[sflag:s3] =	ssyncset.done $0x0  }
.LBB2_2:
0xaf: {  	[sflag:s3] =	ssyncadd.s32 $0xFFFF0000  }
0xb0: {  	_ =	sfence.sel $0x180000  }
0xb1: {  	[bflag:$0x0] =	sbarrier.arrive $0xFFFF  }
0xb2: {  	p0 =	sne.s32 s0, $0x0;
	_ =	strace $0x9000004D  }
0xb3: {  	s0 =	sadd.s32 @!p0 $0x100000, s1;
	[bflag:$0x2] =	sbarrier.arrive $0xFFFF  }
0xb4: {  	[sflag:s0] =	ssyncadd.tile.s32 @!p0 $0x1;
	_ =	shalt  }
.Lfunc_end2:
_tile_overlayer_lowered:
.L_overlay_start_2:
0xb5: {  	(tag) =	ssettag $0x2  }
0xb6: {  	s0 =	rddreg [dreg:$0x0];
	s2 =	stileid.u32  }
0xb7: {  	s1 =	rddreg [dreg:$0x1];
	p0 =	sne.s32 s2, $0x0  }
0xb8: {  	s3 =	rddreg [dreg:$0x2];
	[bflag:$0x3] =	sbarrier.arrive $0xFFFF;
	s2 =	simm.s32 @!p0 $0x1C02  }
0xb9: {  	[timem:s3], [sflag:s2] =	dma.local @!p0 [hbm:s0], s1  }
0xba: {  	s0 =	simm.s32 @!p0 $0x2  }
0xbb: {  	_ =	swait.ge @!p0 [sflag:s0], s1  }
0xbc: {  	s1 =	ssub.s32 @!p0 $0x0, s1;
	[sflag:s0] =	ssyncset.done @!p0 $0x0  }
0xbd: {  	[sflag:s0] =	ssyncadd.s32 @!p0 s1  }
0xbe: {  	[bflag:$0x3] =	sbarrier.arrive $0xFFFF  }
0xbf: {  	_ =	shalt  }

</sc_bundles>
